<compile_context>
chip_gen: v7x
topology: tpu7x:2x2x1
jax: 0.10.2.dev20260603
libtpu: 0.0.44.dev20260713+nightly
codegen_flags: <defaults>
</compile_context>

<pallas_src>
import functools

import jax
import jax.numpy as jnp
from jax import lax
from jax.experimental import pallas as pl
from jax.experimental.pallas import tpu as pltpu
from jax.experimental.pallas import tpu_sc as plsc

EMB = 64
G = 50
G_PAD = 56
L = 200
NUM_CORES = 2


def _sc_body(gm_hbm, user_hbm, gout_hbm, gidx_v, urows_v, gsum_v, sem):
    wid = lax.axis_index("s") * NUM_CORES + lax.axis_index("c")

    @pl.when(wid == 0)
    def _group():
        pltpu.sync_copy(gm_hbm, gidx_v)
        pltpu.async_copy(user_hbm.at[gidx_v], urows_v, sem).wait()
        accs = [jnp.zeros((16,), jnp.float32) for _ in range(4)]
        for j in range(G):
            for k in range(4):
                accs[k] = accs[k] + urows_v[j, pl.ds(k * 16, 16)]
        for k in range(4):
            gsum_v[pl.ds(k * 16, 16)] = accs[k]
        pltpu.sync_copy(gsum_v, gout_hbm)


def _tc_body(hist_smem, item_hbm, out_vmem, sem):
    copies = []
    for j in range(L):
        i = hist_smem[j]
        c = pltpu.make_async_copy(item_hbm.at[pl.ds(i, 1)],
                                  out_vmem.at[pl.ds(j, 1)], sem)
        c.start()
        copies.append(c)
    for c in copies:
        c.wait()


@jax.jit
def _run(gm_pad, history, user_table, item_table):
    mesh = plsc.VectorSubcoreMesh(core_axis_name="c", subcore_axis_name="s")
    sc_k = functools.partial(
        pl.kernel,
        out_type=jax.ShapeDtypeStruct((EMB,), jnp.float32),
        mesh=mesh,
        compiler_params=pltpu.CompilerParams(use_tc_tiling_on_sc=False),
        scratch_types=[
            pltpu.VMEM((G_PAD,), jnp.int32),
            pltpu.VMEM((G_PAD, EMB), jnp.float32),
            pltpu.VMEM((EMB,), jnp.float32),
            pltpu.SemaphoreType.DMA,
        ],
    )(_sc_body)
    gout = sc_k(gm_pad, user_table)

    iout = pl.pallas_call(
        _tc_body,
        grid_spec=pltpu.PrefetchScalarGridSpec(
            num_scalar_prefetch=1,
            grid=(1,),
            in_specs=[pl.BlockSpec(memory_space=pl.ANY)],
            out_specs=pl.BlockSpec(memory_space=pltpu.VMEM),
            scratch_shapes=[pltpu.SemaphoreType.DMA],
        ),
        out_shape=jax.ShapeDtypeStruct((L, EMB), jnp.float32),
    )(history, item_table)
    return gout, iout


def kernel(group_members, history, user_table, item_table, W1, b1, W2, b2):
    gm_pad = jnp.concatenate(
        [group_members, jnp.zeros((G_PAD - G,), group_members.dtype)])
    gout, iout = _run(gm_pad, history, user_table, item_table)
    return jnp.concatenate([gout, iout.reshape(-1)])

# --- scband reference (transcript-rebuilt; emitter-appended) ---
"""Pipeline reference for scband-embedding-10428180594816 (READ-ONLY COPY).

The authoritative reference and input builder live on the scoring server;
editing this copy changes nothing except your own understanding.
"""

import jax, jax.numpy as jnp
import numpy as np

EMB = 64
USER_NUM = 100000
ITEM_NUM = 1000000
G = 50
L = 200


def setup_inputs(seed: int = 0) -> dict:
    key = jax.random.key(seed)
    k1, k2, k3, k4, k5, k6, k7, k8 = jax.random.split(key, 8)
    group_members = jax.random.randint(k1, (G,), 0, USER_NUM, dtype=jnp.int64) if jax.config.jax_enable_x64 else jax.random.randint(k1, (G,), 0, USER_NUM).astype(jnp.int32)
    history = jax.random.randint(k2, (L,), 0, ITEM_NUM).astype(jnp.int32)
    group_members = group_members.astype(jnp.int32)
    user_table = jax.random.normal(k3, (USER_NUM + 1, EMB), dtype=jnp.float32) * 0.02
    item_table = jax.random.normal(k4, (ITEM_NUM + 1, EMB), dtype=jnp.float32) * 0.02
    W1 = jax.random.normal(k5, (EMB, EMB), dtype=jnp.float32) * (1.0 / np.sqrt(EMB))
    b1 = jnp.zeros((EMB,), dtype=jnp.float32)
    W2 = jax.random.normal(k6, (EMB, 1), dtype=jnp.float32) * (1.0 / np.sqrt(EMB))
    b2 = jnp.zeros((1,), dtype=jnp.float32)
    return {
        "group_members": group_members,
        "history": history,
        "user_table": user_table,
        "item_table": item_table,
        "W1": W1,
        "b1": b1,
        "W2": W2,
        "b2": b2,
    }


def reference(group_members, history, user_table, item_table, W1, b1, W2, b2):
    # user embedding gather: [G, D]
    embedded_group_members = jnp.take(user_table, group_members, axis=0)
    # attention MLP: Linear -> ReLU -> Linear, output [G, 1]
    h = jnp.maximum(embedded_group_members @ W1 + b1, 0.0)
    att_logits = h @ W2 + b2  # [G, 1]
    # softmax over last dim (size 1, as in the original module)
    group_member_attentions = jax.nn.softmax(att_logits, axis=-1)  # [G, 1]
    # torch.inner(att.T, emb.T) with att.T [1,G], emb.T [D,G] -> [1, D]; squeeze -> [D]
    embedded_group = jnp.squeeze(group_member_attentions.T @ embedded_group_members)
    # item embedding gather [L, D] -> flatten last two dims -> [L*D]
    embedded_history = jnp.take(item_table, history, axis=0).reshape(-1)
    embedded_state = jnp.concatenate([embedded_group, embedded_history], axis=-1)
    return embedded_state

if __name__ == "__main__":
    import jax
    _d = setup_inputs()
    print(jax.jit(kernel)(*tuple(_d.values())))

</pallas_src>

<mosaic_0001>
#map = affine_map<(d0, d1) -> (0)>
#map1 = affine_map<(d0, d1) -> (0, 0)>
module attributes {stable_mosaic.version = 14 : i64} {
  func.func @_sc_body(%arg0: i32, %arg1: i32, %arg2: memref<56xi32, #tpu.memory_space<hbm>>, %arg3: memref<100001x64xf32, #tpu.memory_space<hbm>>, %arg4: memref<64xf32, #tpu.memory_space<hbm>>, %arg5: memref<56xi32, #tpu.memory_space<vmem>>, %arg6: memref<56x64xf32, #tpu.memory_space<vmem>>, %arg7: memref<64xf32, #tpu.memory_space<vmem>>, %arg8: memref<!tpu.dma_semaphore, #tpu.memory_space<semaphore_mem>>) attributes {dimension_semantics = [#tpu.dimension_semantics<core_parallel>, #tpu.dimension_semantics<subcore_parallel>], iteration_bounds = array<i64: 2, 16>, scalar_prefetch = 0 : i64, scratch_operands = 4 : i64, tpu.core_type = #tpu.core_type<sc_vector_subcore>, window_params = [{transform_indices = #map}, {transform_indices = #map1}, {transform_indices = #map}]} {
    %mul3A = arith.constant 2 : i32
    %mul3A_0 = arith.muli %arg1, %mul3A : i32
    %add3A = arith.addi %mul3A_0, %arg0 : i32
    %eq3A = arith.constant 0 : i32
    %eq3A_1 = arith.cmpi eq, %add3A, %eq3A : i32
    %convert_element_type3A = arith.extui %eq3A_1 : i1 to i32
    %cond3A = arith.constant 0 : i32
    %cond3A_2 = arith.cmpi ne, %convert_element_type3A, %cond3A : i32
    scf.if %cond3A_2 {
      "tpu.region"() ({
        %run_scoped3A = tpu.sem_alloc : memref<!tpu.dma_semaphore, #tpu.memory_space<semaphore_mem>>
        tpu.enqueue_dma source(%arg2 : memref<56xi32, #tpu.memory_space<hbm>>) target(%arg5 : memref<56xi32, #tpu.memory_space<vmem>>) target_semaphore(%run_scoped3A : memref<!tpu.dma_semaphore, #tpu.memory_space<semaphore_mem>>)
        tpu.wait_dma2 semaphore(%run_scoped3A : memref<!tpu.dma_semaphore, #tpu.memory_space<semaphore_mem>>) src(%arg2 : memref<56xi32, #tpu.memory_space<hbm>>) dst(%arg5 : memref<56xi32, #tpu.memory_space<vmem>>)
        tpu.yield
      }) : () -> ()
      %dma_start3A = arith.constant 0 : i32
      %dma_start3A_3 = arith.constant 0 : i32
      %dma_start3A_4 = tpu.memref_slice %arg3[%dma_start3A, %dma_start3A_3] : memref<100001x64xf32, #tpu.memory_space<hbm>> -> memref<100001x64xf32, #tpu.memory_space<hbm>>
      tpu.enqueue_indirect_dma source(%dma_start3A_4 : memref<100001x64xf32, #tpu.memory_space<hbm>>) target(%arg6 : memref<56x64xf32, #tpu.memory_space<vmem>>) offsets(%arg5 : memref<56xi32, #tpu.memory_space<vmem>>) semaphore(%arg8 : memref<!tpu.dma_semaphore, #tpu.memory_space<semaphore_mem>>)
      %dma_wait3A = arith.constant 0 : i32
      %dma_wait3A_5 = arith.constant 0 : i32
      %dma_wait3A_6 = tpu.memref_slice %arg3[%dma_wait3A, %dma_wait3A_5] : memref<100001x64xf32, #tpu.memory_space<hbm>> -> memref<100001x64xf32, #tpu.memory_space<hbm>>
      tpu.wait_indirect_dma semaphore(%arg8 : memref<!tpu.dma_semaphore, #tpu.memory_space<semaphore_mem>>) src(%dma_wait3A_6 : memref<100001x64xf32, #tpu.memory_space<hbm>>) dst(%arg6 : memref<56x64xf32, #tpu.memory_space<vmem>>)
      %broadcast_in_dim3A = arith.constant 0.000000e+00 : f32
      %broadcast_in_dim3A_7 = vector.broadcast %broadcast_in_dim3A : f32 to vector<16xf32>
      %broadcast_in_dim3A_8 = arith.constant 0.000000e+00 : f32
      %broadcast_in_dim3A_9 = vector.broadcast %broadcast_in_dim3A_8 : f32 to vector<16xf32>
      %broadcast_in_dim3A_10 = arith.constant 0.000000e+00 : f32
      %broadcast_in_dim3A_11 = vector.broadcast %broadcast_in_dim3A_10 : f32 to vector<16xf32>
      %broadcast_in_dim3A_12 = arith.constant 0.000000e+00 : f32
      %broadcast_in_dim3A_13 = vector.broadcast %broadcast_in_dim3A_12 : f32 to vector<16xf32>
      %get3A = arith.constant 0 : i32
      %get3A_14 = arith.index_cast %get3A : i32 to index
      %get3A_15 = arith.constant 0 : index
      %get3A_16 = tpu.vector_load %arg6[%get3A_14, %get3A_15] {strides = array<i32>} : memref<56x64xf32, #tpu.memory_space<vmem>>, vector<1x16xf32>,
      %get3A_17 = vector.shape_cast %get3A_16 : vector<1x16xf32> to vector<16xf32>
      %add3A_18 = arith.addf %broadcast_in_dim3A_7, %get3A_17 : vector<16xf32>
      %get3A_19 = arith.constant 0 : i32
      %get3A_20 = arith.index_cast %get3A_19 : i32 to index
      %get3A_21 = arith.constant 16 : index
      %get3A_22 = tpu.vector_load %arg6[%get3A_20, %get3A_21] {strides = array<i32>} : memref<56x64xf32, #tpu.memory_space<vmem>>, vector<1x16xf32>,
      %get3A_23 = vector.shape_cast %get3A_22 : vector<1x16xf32> to vector<16xf32>
      %add3A_24 = arith.addf %broadcast_in_dim3A_9, %get3A_23 : vector<16xf32>
      %get3A_25 = arith.constant 0 : i32
      %get3A_26 = arith.index_cast %get3A_25 : i32 to index
      %get3A_27 = arith.constant 32 : index
      %get3A_28 = tpu.vector_load %arg6[%get3A_26, %get3A_27] {strides = array<i32>} : memref<56x64xf32, #tpu.memory_space<vmem>>, vector<1x16xf32>,
      %get3A_29 = vector.shape_cast %get3A_28 : vector<1x16xf32> to vector<16xf32>
      %add3A_30 = arith.addf %broadcast_in_dim3A_11, %get3A_29 : vector<16xf32>
      %get3A_31 = arith.constant 0 : i32
      %get3A_32 = arith.index_cast %get3A_31 : i32 to index
      %get3A_33 = arith.constant 48 : index
      %get3A_34 = tpu.vector_load %arg6[%get3A_32, %get3A_33] {strides = array<i32>} : memref<56x64xf32, #tpu.memory_space<vmem>>, vector<1x16xf32>,
      %get3A_35 = vector.shape_cast %get3A_34 : vector<1x16xf32> to vector<16xf32>
      %add3A_36 = arith.addf %broadcast_in_dim3A_13, %get3A_35 : vector<16xf32>
      %get3A_37 = arith.constant 1 : i32
      %get3A_38 = arith.index_cast %get3A_37 : i32 to index
      %get3A_39 = arith.constant 0 : index
      %get3A_40 = tpu.vector_load %arg6[%get3A_38, %get3A_39] {strides = array<i32>} : memref<56x64xf32, #tpu.memory_space<vmem>>, vector<1x16xf32>,
      %get3A_41 = vector.shape_cast %get3A_40 : vector<1x16xf32> to vector<16xf32>
      %add3A_42 = arith.addf %add3A_18, %get3A_41 : vector<16xf32>
      %get3A_43 = arith.constant 1 : i32
      %get3A_44 = arith.index_cast %get3A_43 : i32 to index
      %get3A_45 = arith.constant 16 : index
      %get3A_46 = tpu.vector_load %arg6[%get3A_44, %get3A_45] {strides = array<i32>} : memref<56x64xf32, #tpu.memory_space<vmem>>, vector<1x16xf32>,
      %get3A_47 = vector.shape_cast %get3A_46 : vector<1x16xf32> to vector<16xf32>
      %add3A_48 = arith.addf %add3A_24, %get3A_47 : vector<16xf32>
      %get3A_49 = arith.constant 1 : i32
      %get3A_50 = arith.index_cast %get3A_49 : i32 to index
      %get3A_51 = arith.constant 32 : index
      %get3A_52 = tpu.vector_load %arg6[%get3A_50, %get3A_51] {strides = array<i32>} : memref<56x64xf32, #tpu.memory_space<vmem>>, vector<1x16xf32>,
      %get3A_53 = vector.shape_cast %get3A_52 : vector<1x16xf32> to vector<16xf32>
      %add3A_54 = arith.addf %add3A_30, %get3A_53 : vector<16xf32>
      %get3A_55 = arith.constant 1 : i32
      %get3A_56 = arith.index_cast %get3A_55 : i32 to index
      %get3A_57 = arith.constant 48 : index
      %get3A_58 = tpu.vector_load %arg6[%get3A_56, %get3A_57] {strides = array<i32>} : memref<56x64xf32, #tpu.memory_space<vmem>>, vector<1x16xf32>,
      %get3A_59 = vector.shape_cast %get3A_58 : vector<1x16xf32> to vector<16xf32>
      %add3A_60 = arith.addf %add3A_36, %get3A_59 : vector<16xf32>
      %get3A_61 = arith.constant 2 : i32
      %get3A_62 = arith.index_cast %get3A_61 : i32 to index
      %get3A_63 = arith.constant 0 : index
      %get3A_64 = tpu.vector_load %arg6[%get3A_62, %get3A_63] {strides = array<i32>} : memref<56x64xf32, #tpu.memory_space<vmem>>, vector<1x16xf32>,
      %get3A_65 = vector.shape_cast %get3A_64 : vector<1x16xf32> to vector<16xf32>
      %add3A_66 = arith.addf %add3A_42, %get3A_65 : vector<16xf32>
      %get3A_67 = arith.constant 2 : i32
      %get3A_68 = arith.index_cast %get3A_67 : i32 to index
      %get3A_69 = arith.constant 16 : index
      %get3A_70 = tpu.vector_load %arg6[%get3A_68, %get3A_69] {strides = array<i32>} : memref<56x64xf32, #tpu.memory_space<vmem>>, vector<1x16xf32>,
      %get3A_71 = vector.shape_cast %get3A_70 : vector<1x16xf32> to vector<16xf32>
      %add3A_72 = arith.addf %add3A_48, %get3A_71 : vector<16xf32>
      %get3A_73 = arith.constant 2 : i32
      %get3A_74 = arith.index_cast %get3A_73 : i32 to index
      %get3A_75 = arith.constant 32 : index
      %get3A_76 = tpu.vector_load %arg6[%get3A_74, %get3A_75] {strides = array<i32>} : memref<56x64xf32, #tpu.memory_space<vmem>>, vector<1x16xf32>,
      %get3A_77 = vector.shape_cast %get3A_76 : vector<1x16xf32> to vector<16xf32>
      %add3A_78 = arith.addf %add3A_54, %get3A_77 : vector<16xf32>
      %get3A_79 = arith.constant 2 : i32
      %get3A_80 = arith.index_cast %get3A_79 : i32 to index
      %get3A_81 = arith.constant 48 : index
      %get3A_82 = tpu.vector_load %arg6[%get3A_80, %get3A_81] {strides = array<i32>} : memref<56x64xf32, #tpu.memory_space<vmem>>, vector<1x16xf32>,
      %get3A_83 = vector.shape_cast %get3A_82 : vector<1x16xf32> to vector<16xf32>
      %add3A_84 = arith.addf %add3A_60, %get3A_83 : vector<16xf32>
      %get3A_85 = arith.constant 3 : i32
      %get3A_86 = arith.index_cast %get3A_85 : i32 to index
      %get3A_87 = arith.constant 0 : index
      %get3A_88 = tpu.vector_load %arg6[%get3A_86, %get3A_87] {strides = array<i32>} : memref<56x64xf32, #tpu.memory_space<vmem>>, vector<1x16xf32>,
      %get3A_89 = vector.shape_cast %get3A_88 : vector<1x16xf32> to vector<16xf32>
      %add3A_90 = arith.addf %add3A_66, %get3A_89 : vector<16xf32>
      %get3A_91 = arith.constant 3 : i32
      %get3A_92 = arith.index_cast %get3A_91 : i32 to index
      %get3A_93 = arith.constant 16 : index
      %get3A_94 = tpu.vector_load %arg6[%get3A_92, %get3A_93] {strides = array<i32>} : memref<56x64xf32, #tpu.memory_space<vmem>>, vector<1x16xf32>,
      %get3A_95 = vector.shape_cast %get3A_94 : vector<1x16xf32> to vector<16xf32>
      %add3A_96 = arith.addf %add3A_72, %get3A_95 : vector<16xf32>
      %get3A_97 = arith.constant 3 : i32
      %get3A_98 = arith.index_cast %get3A_97 : i32 to index
      %get3A_99 = arith.constant 32 : index
      %get3A_100 = tpu.vector_load %arg6[%get3A_98, %get3A_99] {strides = array<i32>} : memref<56x64xf32, #tpu.memory_space<vmem>>, vector<1x16xf32>,
      %get3A_101 = vector.shape_cast %get3A_100 : vector<1x16xf32> to vector<16xf32>
      %add3A_102 = arith.addf %add3A_78, %get3A_101 : vector<16xf32>
      %get3A_103 = arith.constant 3 : i32
      %get3A_104 = arith.index_cast %get3A_103 : i32 to index
      %get3A_105 = arith.constant 48 : index
      %get3A_106 = tpu.vector_load %arg6[%get3A_104, %get3A_105] {strides = array<i32>} : memref<56x64xf32, #tpu.memory_space<vmem>>, vector<1x16xf32>,
      %get3A_107 = vector.shape_cast %get3A_106 : vector<1x16xf32> to vector<16xf32>
      %add3A_108 = arith.addf %add3A_84, %get3A_107 : vector<16xf32>
      %get3A_109 = arith.constant 4 : i32
      %get3A_110 = arith.index_cast %get3A_109 : i32 to index
      %get3A_111 = arith.constant 0 : index
      %get3A_112 = tpu.vector_load %arg6[%get3A_110, %get3A_111] {strides = array<i32>} : memref<56x64xf32, #tpu.memory_space<vmem>>, vector<1x16xf32>,
      %get3A_113 = vector.shape_cast %get3A_112 : vector<1x16xf32> to vector<16xf32>
      %add3A_114 = arith.addf %add3A_90, %get3A_113 : vector<16xf32>
      %get3A_115 = arith.constant 4 : i32
      %get3A_116 = arith.index_cast %get3A_115 : i32 to index
      %get3A_117 = arith.constant 16 : index
      %get3A_118 = tpu.vector_load %arg6[%get3A_116, %get3A_117] {strides = array<i32>} : memref<56x64xf32, #tpu.memory_space<vmem>>, vector<1x16xf32>,
      %get3A_119 = vector.shape_cast %get3A_118 : vector<1x16xf32> to vector<16xf32>
      %add3A_120 = arith.addf %add3A_96, %get3A_119 : vector<16xf32>
      %get3A_121 = arith.constant 4 : i32
      %get3A_122 = arith.index_cast %get3A_121 : i32 to index
      %get3A_123 = arith.constant 32 : index
      %get3A_124 = tpu.vector_load %arg6[%get3A_122, %get3A_123] {strides = array<i32>} : memref<56x64xf32, #tpu.memory_space<vmem>>, vector<1x16xf32>,
      %get3A_125 = vector.shape_cast %get3A_124 : vector<1x16xf32> to vector<16xf32>
      %add3A_126 = arith.addf %add3A_102, %get3A_125 : vector<16xf32>
      %get3A_127 = arith.constant 4 : i32
      %get3A_128 = arith.index_cast %get3A_127 : i32 to index
      %get3A_129 = arith.constant 48 : index
      %get3A_130 = tpu.vector_load %arg6[%get3A_128, %get3A_129] {strides = array<i32>} : memref<56x64xf32, #tpu.memory_space<vmem>>, vector<1x16xf32>,
      %get3A_131 = vector.shape_cast %get3A_130 : vector<1x16xf32> to vector<16xf32>
      %add3A_132 = arith.addf %add3A_108, %get3A_131 : vector<16xf32>
      %get3A_133 = arith.constant 5 : i32
      %get3A_134 = arith.index_cast %get3A_133 : i32 to index
      %get3A_135 = arith.constant 0 : index
      %get3A_136 = tpu.vector_load %arg6[%get3A_134, %get3A_135] {strides = array<i32>} : memref<56x64xf32, #tpu.memory_space<vmem>>, vector<1x16xf32>,
      %get3A_137 = vector.shape_cast %get3A_136 : vector<1x16xf32> to vector<16xf32>
      %add3A_138 = arith.addf %add3A_114, %get3A_137 : vector<16xf32>
      %get3A_139 = arith.constant 5 : i32
      %get3A_140 = arith.index_cast %get3A_139 : i32 to index
      %get3A_141 = arith.constant 16 : index
      %get3A_142 = tpu.vector_load %arg6[%get3A_140, %get3A_141] {strides = array<i32>} : memref<56x64xf32, #tpu.memory_space<vmem>>, vector<1x16xf32>,
      %get3A_143 = vector.shape_cast %get3A_142 : vector<1x16xf32> to vector<16xf32>
      %add3A_144 = arith.addf %add3A_120, %get3A_143 : vector<16xf32>
      %get3A_145 = arith.constant 5 : i32
      %get3A_146 = arith.index_cast %get3A_145 : i32 to index
      %get3A_147 = arith.constant 32 : index
      %get3A_148 = tpu.vector_load %arg6[%get3A_146, %get3A_147] {strides = array<i32>} : memref<56x64xf32, #tpu.memory_space<vmem>>, vector<1x16xf32>,
      %get3A_149 = vector.shape_cast %get3A_148 : vector<1x16xf32> to vector<16xf32>
      %add3A_150 = arith.addf %add3A_126, %get3A_149 : vector<16xf32>
      %get3A_151 = arith.constant 5 : i32
      %get3A_152 = arith.index_cast %get3A_151 : i32 to index
      %get3A_153 = arith.constant 48 : index
      %get3A_154 = tpu.vector_load %arg6[%get3A_152, %get3A_153] {strides = array<i32>} : memref<56x64xf32, #tpu.memory_space<vmem>>, vector<1x16xf32>,
      %get3A_155 = vector.shape_cast %get3A_154 : vector<1x16xf32> to vector<16xf32>
      %add3A_156 = arith.addf %add3A_132, %get3A_155 : vector<16xf32>
      %get3A_157 = arith.constant 6 : i32
      %get3A_158 = arith.index_cast %get3A_157 : i32 to index
      %get3A_159 = arith.constant 0 : index
      %get3A_160 = tpu.vector_load %arg6[%get3A_158, %get3A_159] {strides = array<i32>} : memref<56x64xf32, #tpu.memory_space<vmem>>, vector<1x16xf32>,
      %get3A_161 = vector.shape_cast %get3A_160 : vector<1x16xf32> to vector<16xf32>
      %add3A_162 = arith.addf %add3A_138, %get3A_161 : vector<16xf32>
      %get3A_163 = arith.constant 6 : i32
      %get3A_164 = arith.index_cast %get3A_163 : i32 to index
      %get3A_165 = arith.constant 16 : index
      %get3A_166 = tpu.vector_load %arg6[%get3A_164, %get3A_165] {strides = array<i32>} : memref<56x64xf32, #tpu.memory_space<vmem>>, vector<1x16xf32>,
      %get3A_167 = vector.shape_cast %get3A_166 : vector<1x16xf32> to vector<16xf32>
      %add3A_168 = arith.addf %add3A_144, %get3A_167 : vector<16xf32>
      %get3A_169 = arith.constant 6 : i32
      %get3A_170 = arith.index_cast %get3A_169 : i32 to index
      %get3A_171 = arith.constant 32 : index
      %get3A_172 = tpu.vector_load %arg6[%get3A_170, %get3A_171] {strides = array<i32>} : memref<56x64xf32, #tpu.memory_space<vmem>>, vector<1x16xf32>,
      %get3A_173 = vector.shape_cast %get3A_172 : vector<1x16xf32> to vector<16xf32>
      %add3A_174 = arith.addf %add3A_150, %get3A_173 : vector<16xf32>
      %get3A_175 = arith.constant 6 : i32
      %get3A_176 = arith.index_cast %get3A_175 : i32 to index
      %get3A_177 = arith.constant 48 : index
      %get3A_178 = tpu.vector_load %arg6[%get3A_176, %get3A_177] {strides = array<i32>} : memref<56x64xf32, #tpu.memory_space<vmem>>, vector<1x16xf32>,
      %get3A_179 = vector.shape_cast %get3A_178 : vector<1x16xf32> to vector<16xf32>
      %add3A_180 = arith.addf %add3A_156, %get3A_179 : vector<16xf32>
      %get3A_181 = arith.constant 7 : i32
      %get3A_182 = arith.index_cast %get3A_181 : i32 to index
      %get3A_183 = arith.constant 0 : index
      %get3A_184 = tpu.vector_load %arg6[%get3A_182, %get3A_183] {strides = array<i32>} : memref<56x64xf32, #tpu.memory_space<vmem>>, vector<1x16xf32>,
      %get3A_185 = vector.shape_cast %get3A_184 : vector<1x16xf32> to vector<16xf32>
      %add3A_186 = arith.addf %add3A_162, %get3A_185 : vector<16xf32>
      %get3A_187 = arith.constant 7 : i32
      %get3A_188 = arith.index_cast %get3A_187 : i32 to index
      %get3A_189 = arith.constant 16 : index
      %get3A_190 = tpu.vector_load %arg6[%get3A_188, %get3A_189] {strides = array<i32>} : memref<56x64xf32, #tpu.memory_space<vmem>>, vector<1x16xf32>,
      %get3A_191 = vector.shape_cast %get3A_190 : vector<1x16xf32> to vector<16xf32>
      %add3A_192 = arith.addf %add3A_168, %get3A_191 : vector<16xf32>
      %get3A_193 = arith.constant 7 : i32
      %get3A_194 = arith.index_cast %get3A_193 : i32 to index
      %get3A_195 = arith.constant 32 : index
      %get3A_196 = tpu.vector_load %arg6[%get3A_194, %get3A_195] {strides = array<i32>} : memref<56x64xf32, #tpu.memory_space<vmem>>, vector<1x16xf32>,
      %get3A_197 = vector.shape_cast %get3A_196 : vector<1x16xf32> to vector<16xf32>
      %add3A_198 = arith.addf %add3A_174, %get3A_197 : vector<16xf32>
      %get3A_199 = arith.constant 7 : i32
      %get3A_200 = arith.index_cast %get3A_199 : i32 to index
      %get3A_201 = arith.constant 48 : index
      %get3A_202 = tpu.vector_load %arg6[%get3A_200, %get3A_201] {strides = array<i32>} : memref<56x64xf32, #tpu.memory_space<vmem>>, vector<1x16xf32>,
      %get3A_203 = vector.shape_cast %get3A_202 : vector<1x16xf32> to vector<16xf32>
      %add3A_204 = arith.addf %add3A_180, %get3A_203 : vector<16xf32>
      %get3A_205 = arith.constant 8 : i32
      %get3A_206 = arith.index_cast %get3A_205 : i32 to index
      %get3A_207 = arith.constant 0 : index
      %get3A_208 = tpu.vector_load %arg6[%get3A_206, %get3A_207] {strides = array<i32>} : memref<56x64xf32, #tpu.memory_space<vmem>>, vector<1x16xf32>,
      %get3A_209 = vector.shape_cast %get3A_208 : vector<1x16xf32> to vector<16xf32>
      %add3A_210 = arith.addf %add3A_186, %get3A_209 : vector<16xf32>
      %get3A_211 = arith.constant 8 : i32
      %get3A_212 = arith.index_cast %get3A_211 : i32 to index
      %get3A_213 = arith.constant 16 : index
      %get3A_214 = tpu.vector_load %arg6[%get3A_212, %get3A_213] {strides = array<i32>} : memref<56x64xf32, #tpu.memory_space<vmem>>, vector<1x16xf32>,
      %get3A_215 = vector.shape_cast %get3A_214 : vector<1x16xf32> to vector<16xf32>
      %add3A_216 = arith.addf %add3A_192, %get3A_215 : vector<16xf32>
      %get3A_217 = arith.constant 8 : i32
      %get3A_218 = arith.index_cast %get3A_217 : i32 to index
      %get3A_219 = arith.constant 32 : index
      %get3A_220 = tpu.vector_load %arg6[%get3A_218, %get3A_219] {strides = array<i32>} : memref<56x64xf32, #tpu.memory_space<vmem>>, vector<1x16xf32>,
      %get3A_221 = vector.shape_cast %get3A_220 : vector<1x16xf32> to vector<16xf32>
      %add3A_222 = arith.addf %add3A_198, %get3A_221 : vector<16xf32>
      %get3A_223 = arith.constant 8 : i32
      %get3A_224 = arith.index_cast %get3A_223 : i32 to index
      %get3A_225 = arith.constant 48 : index
      %get3A_226 = tpu.vector_load %arg6[%get3A_224, %get3A_225] {strides = array<i32>} : memref<56x64xf32, #tpu.memory_space<vmem>>, vector<1x16xf32>,
      %get3A_227 = vector.shape_cast %get3A_226 : vector<1x16xf32> to vector<16xf32>
      %add3A_228 = arith.addf %add3A_204, %get3A_227 : vector<16xf32>
      %get3A_229 = arith.constant 9 : i32
      %get3A_230 = arith.index_cast %get3A_229 : i32 to index
      %get3A_231 = arith.constant 0 : index
      %get3A_232 = tpu.vector_load %arg6[%get3A_230, %get3A_231] {strides = array<i32>} : memref<56x64xf32, #tpu.memory_space<vmem>>, vector<1x16xf32>,
      %get3A_233 = vector.shape_cast %get3A_232 : vector<1x16xf32> to vector<16xf32>
      %add3A_234 = arith.addf %add3A_210, %get3A_233 : vector<16xf32>
      %get3A_235 = arith.constant 9 : i32
      %get3A_236 = arith.index_cast %get3A_235 : i32 to index
      %get3A_237 = arith.constant 16 : index
      %get3A_238 = tpu.vector_load %arg6[%get3A_236, %get3A_237] {strides = array<i32>} : memref<56x64xf32, #tpu.memory_space<vmem>>, vector<1x16xf32>,
      %get3A_239 = vector.shape_cast %get3A_238 : vector<1x16xf32> to vector<16xf32>
      %add3A_240 = arith.addf %add3A_216, %get3A_239 : vector<16xf32>
      %get3A_241 = arith.constant 9 : i32
      %get3A_242 = arith.index_cast %get3A_241 : i32 to index
      %get3A_243 = arith.constant 32 : index
      %get3A_244 = tpu.vector_load %arg6[%get3A_242, %get3A_243] {strides = array<i32>} : memref<56x64xf32, #tpu.memory_space<vmem>>, vector<1x16xf32>,
      %get3A_245 = vector.shape_cast %get3A_244 : vector<1x16xf32> to vector<16xf32>
      %add3A_246 = arith.addf %add3A_222, %get3A_245 : vector<16xf32>
      %get3A_247 = arith.constant 9 : i32
      %get3A_248 = arith.index_cast %get3A_247 : i32 to index
      %get3A_249 = arith.constant 48 : index
      %get3A_250 = tpu.vector_load %arg6[%get3A_248, %get3A_249] {strides = array<i32>} : memref<56x64xf32, #tpu.memory_space<vmem>>, vector<1x16xf32>,
      %get3A_251 = vector.shape_cast %get3A_250 : vector<1x16xf32> to vector<16xf32>
      %add3A_252 = arith.addf %add3A_228, %get3A_251 : vector<16xf32>
      %get3A_253 = arith.constant 10 : i32
      %get3A_254 = arith.index_cast %get3A_253 : i32 to index
      %get3A_255 = arith.constant 0 : index
      %get3A_256 = tpu.vector_load %arg6[%get3A_254, %get3A_255] {strides = array<i32>} : memref<56x64xf32, #tpu.memory_space<vmem>>, vector<1x16xf32>,
      %get3A_257 = vector.shape_cast %get3A_256 : vector<1x16xf32> to vector<16xf32>
      %add3A_258 = arith.addf %add3A_234, %get3A_257 : vector<16xf32>
      %get3A_259 = arith.constant 10 : i32
      %get3A_260 = arith.index_cast %get3A_259 : i32 to index
      %get3A_261 = arith.constant 16 : index
      %get3A_262 = tpu.vector_load %arg6[%get3A_260, %get3A_261] {strides = array<i32>} : memref<56x64xf32, #tpu.memory_space<vmem>>, vector<1x16xf32>,
      %get3A_263 = vector.shape_cast %get3A_262 : vector<1x16xf32> to vector<16xf32>
      %add3A_264 = arith.addf %add3A_240, %get3A_263 : vector<16xf32>
      %get3A_265 = arith.constant 10 : i32
      %get3A_266 = arith.index_cast %get3A_265 : i32 to index
      %get3A_267 = arith.constant 32 : index
      %get3A_268 = tpu.vector_load %arg6[%get3A_266, %get3A_267] {strides = array<i32>} : memref<56x64xf32, #tpu.memory_space<vmem>>, vector<1x16xf32>,
      %get3A_269 = vector.shape_cast %get3A_268 : vector<1x16xf32> to vector<16xf32>
      %add3A_270 = arith.addf %add3A_246, %get3A_269 : vector<16xf32>
      %get3A_271 = arith.constant 10 : i32
      %get3A_272 = arith.index_cast %get3A_271 : i32 to index
      %get3A_273 = arith.constant 48 : index
      %get3A_274 = tpu.vector_load %arg6[%get3A_272, %get3A_273] {strides = array<i32>} : memref<56x64xf32, #tpu.memory_space<vmem>>, vector<1x16xf32>,
      %get3A_275 = vector.shape_cast %get3A_274 : vector<1x16xf32> to vector<16xf32>
      %add3A_276 = arith.addf %add3A_252, %get3A_275 : vector<16xf32>
      %get3A_277 = arith.constant 11 : i32
      %get3A_278 = arith.index_cast %get3A_277 : i32 to index
      %get3A_279 = arith.constant 0 : index
      %get3A_280 = tpu.vector_load %arg6[%get3A_278, %get3A_279] {strides = array<i32>} : memref<56x64xf32, #tpu.memory_space<vmem>>, vector<1x16xf32>,
      %get3A_281 = vector.shape_cast %get3A_280 : vector<1x16xf32> to vector<16xf32>
      %add3A_282 = arith.addf %add3A_258, %get3A_281 : vector<16xf32>
      %get3A_283 = arith.constant 11 : i32
      %get3A_284 = arith.index_cast %get3A_283 : i32 to index
      %get3A_285 = arith.constant 16 : index
      %get3A_286 = tpu.vector_load %arg6[%get3A_284, %get3A_285] {strides = array<i32>} : memref<56x64xf32, #tpu.memory_space<vmem>>, vector<1x16xf32>,
      %get3A_287 = vector.shape_cast %get3A_286 : vector<1x16xf32> to vector<16xf32>
      %add3A_288 = arith.addf %add3A_264, %get3A_287 : vector<16xf32>
      %get3A_289 = arith.constant 11 : i32
      %get3A_290 = arith.index_cast %get3A_289 : i32 to index
      %get3A_291 = arith.constant 32 : index
      %get3A_292 = tpu.vector_load %arg6[%get3A_290, %get3A_291] {strides = array<i32>} : memref<56x64xf32, #tpu.memory_space<vmem>>, vector<1x16xf32>,
      %get3A_293 = vector.shape_cast %get3A_292 : vector<1x16xf32> to vector<16xf32>
      %add3A_294 = arith.addf %add3A_270, %get3A_293 : vector<16xf32>
      %get3A_295 = arith.constant 11 : i32
      %get3A_296 = arith.index_cast %get3A_295 : i32 to index
      %get3A_297 = arith.constant 48 : index
      %get3A_298 = tpu.vector_load %arg6[%get3A_296, %get3A_297] {strides = array<i32>} : memref<56x64xf32, #tpu.memory_space<vmem>>, vector<1x16xf32>,
      %get3A_299 = vector.shape_cast %get3A_298 : vector<1x16xf32> to vector<16xf32>
      %add3A_300 = arith.addf %add3A_276, %get3A_299 : vector<16xf32>
      %get3A_301 = arith.constant 12 : i32
      %get3A_302 = arith.index_cast %get3A_301 : i32 to index
      %get3A_303 = arith.constant 0 : index
      %get3A_304 = tpu.vector_load %arg6[%get3A_302, %get3A_303] {strides = array<i32>} : memref<56x64xf32, #tpu.memory_space<vmem>>, vector<1x16xf32>,
      %get3A_305 = vector.shape_cast %get3A_304 : vector<1x16xf32> to vector<16xf32>
      %add3A_306 = arith.addf %add3A_282, %get3A_305 : vector<16xf32>
      %get3A_307 = arith.constant 12 : i32
      %get3A_308 = arith.index_cast %get3A_307 : i32 to index
      %get3A_309 = arith.constant 16 : index
      %get3A_310 = tpu.vector_load %arg6[%get3A_308, %get3A_309] {strides = array<i32>} : memref<56x64xf32, #tpu.memory_space<vmem>>, vector<1x16xf32>,
      %get3A_311 = vector.shape_cast %get3A_310 : vector<1x16xf32> to vector<16xf32>
      %add3A_312 = arith.addf %add3A_288, %get3A_311 : vector<16xf32>
      %get3A_313 = arith.constant 12 : i32
      %get3A_314 = arith.index_cast %get3A_313 : i32 to index
      %get3A_315 = arith.constant 32 : index
      %get3A_316 = tpu.vector_load %arg6[%get3A_314, %get3A_315] {strides = array<i32>} : memref<56x64xf32, #tpu.memory_space<vmem>>, vector<1x16xf32>,
      %get3A_317 = vector.shape_cast %get3A_316 : vector<1x16xf32> to vector<16xf32>
      %add3A_318 = arith.addf %add3A_294, %get3A_317 : vector<16xf32>
      %get3A_319 = arith.constant 12 : i32
      %get3A_320 = arith.index_cast %get3A_319 : i32 to index
      %get3A_321 = arith.constant 48 : index
      %get3A_322 = tpu.vector_load %arg6[%get3A_320, %get3A_321] {strides = array<i32>} : memref<56x64xf32, #tpu.memory_space<vmem>>, vector<1x16xf32>,
      %get3A_323 = vector.shape_cast %get3A_322 : vector<1x16xf32> to vector<16xf32>
      %add3A_324 = arith.addf %add3A_300, %get3A_323 : vector<16xf32>
      %get3A_325 = arith.constant 13 : i32
      %get3A_326 = arith.index_cast %get3A_325 : i32 to index
      %get3A_327 = arith.constant 0 : index
      %get3A_328 = tpu.vector_load %arg6[%get3A_326, %get3A_327] {strides = array<i32>} : memref<56x64xf32, #tpu.memory_space<vmem>>, vector<1x16xf32>,
      %get3A_329 = vector.shape_cast %get3A_328 : vector<1x16xf32> to vector<16xf32>
      %add3A_330 = arith.addf %add3A_306, %get3A_329 : vector<16xf32>
      %get3A_331 = arith.constant 13 : i32
      %get3A_332 = arith.index_cast %get3A_331 : i32 to index
      %get3A_333 = arith.constant 16 : index
      %get3A_334 = tpu.vector_load %arg6[%get3A_332, %get3A_333] {strides = array<i32>} : memref<56x64xf32, #tpu.memory_space<vmem>>, vector<1x16xf32>,
      %get3A_335 = vector.shape_cast %get3A_334 : vector<1x16xf32> to vector<16xf32>
      %add3A_336 = arith.addf %add3A_312, %get3A_335 : vector<16xf32>
      %get3A_337 = arith.constant 13 : i32
      %get3A_338 = arith.index_cast %get3A_337 : i32 to index
      %get3A_339 = arith.constant 32 : index
      %get3A_340 = tpu.vector_load %arg6[%get3A_338, %get3A_339] {strides = array<i32>} : memref<56x64xf32, #tpu.memory_space<vmem>>, vector<1x16xf32>,
      %get3A_341 = vector.shape_cast %get3A_340 : vector<1x16xf32> to vector<16xf32>
      %add3A_342 = arith.addf %add3A_318, %get3A_341 : vector<16xf32>
      %get3A_343 = arith.constant 13 : i32
      %get3A_344 = arith.index_cast %get3A_343 : i32 to index
      %get3A_345 = arith.constant 48 : index
      %get3A_346 = tpu.vector_load %arg6[%get3A_344, %get3A_345] {strides = array<i32>} : memref<56x64xf32, #tpu.memory_space<vmem>>, vector<1x16xf32>,
      %get3A_347 = vector.shape_cast %get3A_346 : vector<1x16xf32> to vector<16xf32>
      %add3A_348 = arith.addf %add3A_324, %get3A_347 : vector<16xf32>
      %get3A_349 = arith.constant 14 : i32
      %get3A_350 = arith.index_cast %get3A_349 : i32 to index
      %get3A_351 = arith.constant 0 : index
      %get3A_352 = tpu.vector_load %arg6[%get3A_350, %get3A_351] {strides = array<i32>} : memref<56x64xf32, #tpu.memory_space<vmem>>, vector<1x16xf32>,
      %get3A_353 = vector.shape_cast %get3A_352 : vector<1x16xf32> to vector<16xf32>
      %add3A_354 = arith.addf %add3A_330, %get3A_353 : vector<16xf32>
      %get3A_355 = arith.constant 14 : i32
      %get3A_356 = arith.index_cast %get3A_355 : i32 to index
      %get3A_357 = arith.constant 16 : index
      %get3A_358 = tpu.vector_load %arg6[%get3A_356, %get3A_357] {strides = array<i32>} : memref<56x64xf32, #tpu.memory_space<vmem>>, vector<1x16xf32>,
      %get3A_359 = vector.shape_cast %get3A_358 : vector<1x16xf32> to vector<16xf32>
      %add3A_360 = arith.addf %add3A_336, %get3A_359 : vector<16xf32>
      %get3A_361 = arith.constant 14 : i32
      %get3A_362 = arith.index_cast %get3A_361 : i32 to index
      %get3A_363 = arith.constant 32 : index
      %get3A_364 = tpu.vector_load %arg6[%get3A_362, %get3A_363] {strides = array<i32>} : memref<56x64xf32, #tpu.memory_space<vmem>>, vector<1x16xf32>,
      %get3A_365 = vector.shape_cast %get3A_364 : vector<1x16xf32> to vector<16xf32>
      %add3A_366 = arith.addf %add3A_342, %get3A_365 : vector<16xf32>
      %get3A_367 = arith.constant 14 : i32
      %get3A_368 = arith.index_cast %get3A_367 : i32 to index
      %get3A_369 = arith.constant 48 : index
      %get3A_370 = tpu.vector_load %arg6[%get3A_368, %get3A_369] {strides = array<i32>} : memref<56x64xf32, #tpu.memory_space<vmem>>, vector<1x16xf32>,
      %get3A_371 = vector.shape_cast %get3A_370 : vector<1x16xf32> to vector<16xf32>
      %add3A_372 = arith.addf %add3A_348, %get3A_371 : vector<16xf32>
      %get3A_373 = arith.constant 15 : i32
      %get3A_374 = arith.index_cast %get3A_373 : i32 to index
      %get3A_375 = arith.constant 0 : index
      %get3A_376 = tpu.vector_load %arg6[%get3A_374, %get3A_375] {strides = array<i32>} : memref<56x64xf32, #tpu.memory_space<vmem>>, vector<1x16xf32>,
      %get3A_377 = vector.shape_cast %get3A_376 : vector<1x16xf32> to vector<16xf32>
      %add3A_378 = arith.addf %add3A_354, %get3A_377 : vector<16xf32>
      %get3A_379 = arith.constant 15 : i32
      %get3A_380 = arith.index_cast %get3A_379 : i32 to index
      %get3A_381 = arith.constant 16 : index
      %get3A_382 = tpu.vector_load %arg6[%get3A_380, %get3A_381] {strides = array<i32>} : memref<56x64xf32, #tpu.memory_space<vmem>>, vector<1x16xf32>,
      %get3A_383 = vector.shape_cast %get3A_382 : vector<1x16xf32> to vector<16xf32>
      %add3A_384 = arith.addf %add3A_360, %get3A_383 : vector<16xf32>
      %get3A_385 = arith.constant 15 : i32
      %get3A_386 = arith.index_cast %get3A_385 : i32 to index
      %get3A_387 = arith.constant 32 : index
      %get3A_388 = tpu.vector_load %arg6[%get3A_386, %get3A_387] {strides = array<i32>} : memref<56x64xf32, #tpu.memory_space<vmem>>, vector<1x16xf32>,
      %get3A_389 = vector.shape_cast %get3A_388 : vector<1x16xf32> to vector<16xf32>
      %add3A_390 = arith.addf %add3A_366, %get3A_389 : vector<16xf32>
      %get3A_391 = arith.constant 15 : i32
      %get3A_392 = arith.index_cast %get3A_391 : i32 to index
      %get3A_393 = arith.constant 48 : index
      %get3A_394 = tpu.vector_load %arg6[%get3A_392, %get3A_393] {strides = array<i32>} : memref<56x64xf32, #tpu.memory_space<vmem>>, vector<1x16xf32>,
      %get3A_395 = vector.shape_cast %get3A_394 : vector<1x16xf32> to vector<16xf32>
      %add3A_396 = arith.addf %add3A_372, %get3A_395 : vector<16xf32>
      %get3A_397 = arith.constant 16 : i32
      %get3A_398 = arith.index_cast %get3A_397 : i32 to index
      %get3A_399 = arith.constant 0 : index
      %get3A_400 = tpu.vector_load %arg6[%get3A_398, %get3A_399] {strides = array<i32>} : memref<56x64xf32, #tpu.memory_space<vmem>>, vector<1x16xf32>,
      %get3A_401 = vector.shape_cast %get3A_400 : vector<1x16xf32> to vector<16xf32>
      %add3A_402 = arith.addf %add3A_378, %get3A_401 : vector<16xf32>
      %get3A_403 = arith.constant 16 : i32
      %get3A_404 = arith.index_cast %get3A_403 : i32 to index
      %get3A_405 = arith.constant 16 : index
      %get3A_406 = tpu.vector_load %arg6[%get3A_404, %get3A_405] {strides = array<i32>} : memref<56x64xf32, #tpu.memory_space<vmem>>, vector<1x16xf32>,
      %get3A_407 = vector.shape_cast %get3A_406 : vector<1x16xf32> to vector<16xf32>
      %add3A_408 = arith.addf %add3A_384, %get3A_407 : vector<16xf32>
      %get3A_409 = arith.constant 16 : i32
      %get3A_410 = arith.index_cast %get3A_409 : i32 to index
      %get3A_411 = arith.constant 32 : index
      %get3A_412 = tpu.vector_load %arg6[%get3A_410, %get3A_411] {strides = array<i32>} : memref<56x64xf32, #tpu.memory_space<vmem>>, vector<1x16xf32>,
      %get3A_413 = vector.shape_cast %get3A_412 : vector<1x16xf32> to vector<16xf32>
      %add3A_414 = arith.addf %add3A_390, %get3A_413 : vector<16xf32>
      %get3A_415 = arith.constant 16 : i32
      %get3A_416 = arith.index_cast %get3A_415 : i32 to index
      %get3A_417 = arith.constant 48 : index
      %get3A_418 = tpu.vector_load %arg6[%get3A_416, %get3A_417] {strides = array<i32>} : memref<56x64xf32, #tpu.memory_space<vmem>>, vector<1x16xf32>,
      %get3A_419 = vector.shape_cast %get3A_418 : vector<1x16xf32> to vector<16xf32>
      %add3A_420 = arith.addf %add3A_396, %get3A_419 : vector<16xf32>
      %get3A_421 = arith.constant 17 : i32
      %get3A_422 = arith.index_cast %get3A_421 : i32 to index
      %get3A_423 = arith.constant 0 : index
      %get3A_424 = tpu.vector_load %arg6[%get3A_422, %get3A_423] {strides = array<i32>} : memref<56x64xf32, #tpu.memory_space<vmem>>, vector<1x16xf32>,
      %get3A_425 = vector.shape_cast %get3A_424 : vector<1x16xf32> to vector<16xf32>
      %add3A_426 = arith.addf %add3A_402, %get3A_425 : vector<16xf32>
      %get3A_427 = arith.constant 17 : i32
      %get3A_428 = arith.index_cast %get3A_427 : i32 to index
      %get3A_429 = arith.constant 16 : index
      %get3A_430 = tpu.vector_load %arg6[%get3A_428, %get3A_429] {strides = array<i32>} : memref<56x64xf32, #tpu.memory_space<vmem>>, vector<1x16xf32>,
      %get3A_431 = vector.shape_cast %get3A_430 : vector<1x16xf32> to vector<16xf32>
      %add3A_432 = arith.addf %add3A_408, %get3A_431 : vector<16xf32>
      %get3A_433 = arith.constant 17 : i32
      %get3A_434 = arith.index_cast %get3A_433 : i32 to index
      %get3A_435 = arith.constant 32 : index
      %get3A_436 = tpu.vector_load %arg6[%get3A_434, %get3A_435] {strides = array<i32>} : memref<56x64xf32, #tpu.memory_space<vmem>>, vector<1x16xf32>,
      %get3A_437 = vector.shape_cast %get3A_436 : vector<1x16xf32> to vector<16xf32>
      %add3A_438 = arith.addf %add3A_414, %get3A_437 : vector<16xf32>
      %get3A_439 = arith.constant 17 : i32
      %get3A_440 = arith.index_cast %get3A_439 : i32 to index
      %get3A_441 = arith.constant 48 : index
      %get3A_442 = tpu.vector_load %arg6[%get3A_440, %get3A_441] {strides = array<i32>} : memref<56x64xf32, #tpu.memory_space<vmem>>, vector<1x16xf32>,
      %get3A_443 = vector.shape_cast %get3A_442 : vector<1x16xf32> to vector<16xf32>
      %add3A_444 = arith.addf %add3A_420, %get3A_443 : vector<16xf32>
      %get3A_445 = arith.constant 18 : i32
      %get3A_446 = arith.index_cast %get3A_445 : i32 to index
      %get3A_447 = arith.constant 0 : index
      %get3A_448 = tpu.vector_load %arg6[%get3A_446, %get3A_447] {strides = array<i32>} : memref<56x64xf32, #tpu.memory_space<vmem>>, vector<1x16xf32>,
      %get3A_449 = vector.shape_cast %get3A_448 : vector<1x16xf32> to vector<16xf32>
      %add3A_450 = arith.addf %add3A_426, %get3A_449 : vector<16xf32>
      %get3A_451 = arith.constant 18 : i32
      %get3A_452 = arith.index_cast %get3A_451 : i32 to index
      %get3A_453 = arith.constant 16 : index
      %get3A_454 = tpu.vector_load %arg6[%get3A_452, %get3A_453] {strides = array<i32>} : memref<56x64xf32, #tpu.memory_space<vmem>>, vector<1x16xf32>,
      %get3A_455 = vector.shape_cast %get3A_454 : vector<1x16xf32> to vector<16xf32>
      %add3A_456 = arith.addf %add3A_432, %get3A_455 : vector<16xf32>
      %get3A_457 = arith.constant 18 : i32
      %get3A_458 = arith.index_cast %get3A_457 : i32 to index
      %get3A_459 = arith.constant 32 : index
      %get3A_460 = tpu.vector_load %arg6[%get3A_458, %get3A_459] {strides = array<i32>} : memref<56x64xf32, #tpu.memory_space<vmem>>, vector<1x16xf32>,
      %get3A_461 = vector.shape_cast %get3A_460 : vector<1x16xf32> to vector<16xf32>
      %add3A_462 = arith.addf %add3A_438, %get3A_461 : vector<16xf32>
      %get3A_463 = arith.constant 18 : i32
      %get3A_464 = arith.index_cast %get3A_463 : i32 to index
      %get3A_465 = arith.constant 48 : index
      %get3A_466 = tpu.vector_load %arg6[%get3A_464, %get3A_465] {strides = array<i32>} : memref<56x64xf32, #tpu.memory_space<vmem>>, vector<1x16xf32>,
      %get3A_467 = vector.shape_cast %get3A_466 : vector<1x16xf32> to vector<16xf32>
      %add3A_468 = arith.addf %add3A_444, %get3A_467 : vector<16xf32>
      %get3A_469 = arith.constant 19 : i32
      %get3A_470 = arith.index_cast %get3A_469 : i32 to index
      %get3A_471 = arith.constant 0 : index
      %get3A_472 = tpu.vector_load %arg6[%get3A_470, %get3A_471] {strides = array<i32>} : memref<56x64xf32, #tpu.memory_space<vmem>>, vector<1x16xf32>,
      %get3A_473 = vector.shape_cast %get3A_472 : vector<1x16xf32> to vector<16xf32>
      %add3A_474 = arith.addf %add3A_450, %get3A_473 : vector<16xf32>
      %get3A_475 = arith.constant 19 : i32
      %get3A_476 = arith.index_cast %get3A_475 : i32 to index
      %get3A_477 = arith.constant 16 : index
      %get3A_478 = tpu.vector_load %arg6[%get3A_476, %get3A_477] {strides = array<i32>} : memref<56x64xf32, #tpu.memory_space<vmem>>, vector<1x16xf32>,
      %get3A_479 = vector.shape_cast %get3A_478 : vector<1x16xf32> to vector<16xf32>
      %add3A_480 = arith.addf %add3A_456, %get3A_479 : vector<16xf32>
      %get3A_481 = arith.constant 19 : i32
      %get3A_482 = arith.index_cast %get3A_481 : i32 to index
      %get3A_483 = arith.constant 32 : index
      %get3A_484 = tpu.vector_load %arg6[%get3A_482, %get3A_483] {strides = array<i32>} : memref<56x64xf32, #tpu.memory_space<vmem>>, vector<1x16xf32>,
      %get3A_485 = vector.shape_cast %get3A_484 : vector<1x16xf32> to vector<16xf32>
      %add3A_486 = arith.addf %add3A_462, %get3A_485 : vector<16xf32>
      %get3A_487 = arith.constant 19 : i32
      %get3A_488 = arith.index_cast %get3A_487 : i32 to index
      %get3A_489 = arith.constant 48 : index
      %get3A_490 = tpu.vector_load %arg6[%get3A_488, %get3A_489] {strides = array<i32>} : memref<56x64xf32, #tpu.memory_space<vmem>>, vector<1x16xf32>,
      %get3A_491 = vector.shape_cast %get3A_490 : vector<1x16xf32> to vector<16xf32>
      %add3A_492 = arith.addf %add3A_468, %get3A_491 : vector<16xf32>
      %get3A_493 = arith.constant 20 : i32
      %get3A_494 = arith.index_cast %get3A_493 : i32 to index
      %get3A_495 = arith.constant 0 : index
      %get3A_496 = tpu.vector_load %arg6[%get3A_494, %get3A_495] {strides = array<i32>} : memref<56x64xf32, #tpu.memory_space<vmem>>, vector<1x16xf32>,
      %get3A_497 = vector.shape_cast %get3A_496 : vector<1x16xf32> to vector<16xf32>
      %add3A_498 = arith.addf %add3A_474, %get3A_497 : vector<16xf32>
      %get3A_499 = arith.constant 20 : i32
      %get3A_500 = arith.index_cast %get3A_499 : i32 to index
      %get3A_501 = arith.constant 16 : index
      %get3A_502 = tpu.vector_load %arg6[%get3A_500, %get3A_501] {strides = array<i32>} : memref<56x64xf32, #tpu.memory_space<vmem>>, vector<1x16xf32>,
      %get3A_503 = vector.shape_cast %get3A_502 : vector<1x16xf32> to vector<16xf32>
      %add3A_504 = arith.addf %add3A_480, %get3A_503 : vector<16xf32>
      %get3A_505 = arith.constant 20 : i32
      %get3A_506 = arith.index_cast %get3A_505 : i32 to index
      %get3A_507 = arith.constant 32 : index
      %get3A_508 = tpu.vector_load %arg6[%get3A_506, %get3A_507] {strides = array<i32>} : memref<56x64xf32, #tpu.memory_space<vmem>>, vector<1x16xf32>,
      %get3A_509 = vector.shape_cast %get3A_508 : vector<1x16xf32> to vector<16xf32>
      %add3A_510 = arith.addf %add3A_486, %get3A_509 : vector<16xf32>
      %get3A_511 = arith.constant 20 : i32
      %get3A_512 = arith.index_cast %get3A_511 : i32 to index
      %get3A_513 = arith.constant 48 : index
      %get3A_514 = tpu.vector_load %arg6[%get3A_512, %get3A_513] {strides = array<i32>} : memref<56x64xf32, #tpu.memory_space<vmem>>, vector<1x16xf32>,
      %get3A_515 = vector.shape_cast %get3A_514 : vector<1x16xf32> to vector<16xf32>
      %add3A_516 = arith.addf %add3A_492, %get3A_515 : vector<16xf32>
      %get3A_517 = arith.constant 21 : i32
      %get3A_518 = arith.index_cast %get3A_517 : i32 to index
      %get3A_519 = arith.constant 0 : index
      %get3A_520 = tpu.vector_load %arg6[%get3A_518, %get3A_519] {strides = array<i32>} : memref<56x64xf32, #tpu.memory_space<vmem>>, vector<1x16xf32>,
      %get3A_521 = vector.shape_cast %get3A_520 : vector<1x16xf32> to vector<16xf32>
      %add3A_522 = arith.addf %add3A_498, %get3A_521 : vector<16xf32>
      %get3A_523 = arith.constant 21 : i32
      %get3A_524 = arith.index_cast %get3A_523 : i32 to index
      %get3A_525 = arith.constant 16 : index
      %get3A_526 = tpu.vector_load %arg6[%get3A_524, %get3A_525] {strides = array<i32>} : memref<56x64xf32, #tpu.memory_space<vmem>>, vector<1x16xf32>,
      %get3A_527 = vector.shape_cast %get3A_526 : vector<1x16xf32> to vector<16xf32>
      %add3A_528 = arith.addf %add3A_504, %get3A_527 : vector<16xf32>
      %get3A_529 = arith.constant 21 : i32
      %get3A_530 = arith.index_cast %get3A_529 : i32 to index
      %get3A_531 = arith.constant 32 : index
      %get3A_532 = tpu.vector_load %arg6[%get3A_530, %get3A_531] {strides = array<i32>} : memref<56x64xf32, #tpu.memory_space<vmem>>, vector<1x16xf32>,
      %get3A_533 = vector.shape_cast %get3A_532 : vector<1x16xf32> to vector<16xf32>
      %add3A_534 = arith.addf %add3A_510, %get3A_533 : vector<16xf32>
      %get3A_535 = arith.constant 21 : i32
      %get3A_536 = arith.index_cast %get3A_535 : i32 to index
      %get3A_537 = arith.constant 48 : index
      %get3A_538 = tpu.vector_load %arg6[%get3A_536, %get3A_537] {strides = array<i32>} : memref<56x64xf32, #tpu.memory_space<vmem>>, vector<1x16xf32>,
      %get3A_539 = vector.shape_cast %get3A_538 : vector<1x16xf32> to vector<16xf32>
      %add3A_540 = arith.addf %add3A_516, %get3A_539 : vector<16xf32>
      %get3A_541 = arith.constant 22 : i32
      %get3A_542 = arith.index_cast %get3A_541 : i32 to index
      %get3A_543 = arith.constant 0 : index
      %get3A_544 = tpu.vector_load %arg6[%get3A_542, %get3A_543] {strides = array<i32>} : memref<56x64xf32, #tpu.memory_space<vmem>>, vector<1x16xf32>,
      %get3A_545 = vector.shape_cast %get3A_544 : vector<1x16xf32> to vector<16xf32>
      %add3A_546 = arith.addf %add3A_522, %get3A_545 : vector<16xf32>
      %get3A_547 = arith.constant 22 : i32
      %get3A_548 = arith.index_cast %get3A_547 : i32 to index
      %get3A_549 = arith.constant 16 : index
      %get3A_550 = tpu.vector_load %arg6[%get3A_548, %get3A_549] {strides = array<i32>} : memref<56x64xf32, #tpu.memory_space<vmem>>, vector<1x16xf32>,
      %get3A_551 = vector.shape_cast %get3A_550 : vector<1x16xf32> to vector<16xf32>
      %add3A_552 = arith.addf %add3A_528, %get3A_551 : vector<16xf32>
      %get3A_553 = arith.constant 22 : i32
      %get3A_554 = arith.index_cast %get3A_553 : i32 to index
      %get3A_555 = arith.constant 32 : index
      %get3A_556 = tpu.vector_load %arg6[%get3A_554, %get3A_555] {strides = array<i32>} : memref<56x64xf32, #tpu.memory_space<vmem>>, vector<1x16xf32>,
      %get3A_557 = vector.shape_cast %get3A_556 : vector<1x16xf32> to vector<16xf32>
      %add3A_558 = arith.addf %add3A_534, %get3A_557 : vector<16xf32>
      %get3A_559 = arith.constant 22 : i32
      %get3A_560 = arith.index_cast %get3A_559 : i32 to index
      %get3A_561 = arith.constant 48 : index
      %get3A_562 = tpu.vector_load %arg6[%get3A_560, %get3A_561] {strides = array<i32>} : memref<56x64xf32, #tpu.memory_space<vmem>>, vector<1x16xf32>,
      %get3A_563 = vector.shape_cast %get3A_562 : vector<1x16xf32> to vector<16xf32>
      %add3A_564 = arith.addf %add3A_540, %get3A_563 : vector<16xf32>
      %get3A_565 = arith.constant 23 : i32
      %get3A_566 = arith.index_cast %get3A_565 : i32 to index
      %get3A_567 = arith.constant 0 : index
      %get3A_568 = tpu.vector_load %arg6[%get3A_566, %get3A_567] {strides = array<i32>} : memref<56x64xf32, #tpu.memory_space<vmem>>, vector<1x16xf32>,
      %get3A_569 = vector.shape_cast %get3A_568 : vector<1x16xf32> to vector<16xf32>
      %add3A_570 = arith.addf %add3A_546, %get3A_569 : vector<16xf32>
      %get3A_571 = arith.constant 23 : i32
      %get3A_572 = arith.index_cast %get3A_571 : i32 to index
      %get3A_573 = arith.constant 16 : index
      %get3A_574 = tpu.vector_load %arg6[%get3A_572, %get3A_573] {strides = array<i32>} : memref<56x64xf32, #tpu.memory_space<vmem>>, vector<1x16xf32>,
      %get3A_575 = vector.shape_cast %get3A_574 : vector<1x16xf32> to vector<16xf32>
      %add3A_576 = arith.addf %add3A_552, %get3A_575 : vector<16xf32>
      %get3A_577 = arith.constant 23 : i32
      %get3A_578 = arith.index_cast %get3A_577 : i32 to index
      %get3A_579 = arith.constant 32 : index
      %get3A_580 = tpu.vector_load %arg6[%get3A_578, %get3A_579] {strides = array<i32>} : memref<56x64xf32, #tpu.memory_space<vmem>>, vector<1x16xf32>,
      %get3A_581 = vector.shape_cast %get3A_580 : vector<1x16xf32> to vector<16xf32>
      %add3A_582 = arith.addf %add3A_558, %get3A_581 : vector<16xf32>
      %get3A_583 = arith.constant 23 : i32
      %get3A_584 = arith.index_cast %get3A_583 : i32 to index
      %get3A_585 = arith.constant 48 : index
      %get3A_586 = tpu.vector_load %arg6[%get3A_584, %get3A_585] {strides = array<i32>} : memref<56x64xf32, #tpu.memory_space<vmem>>, vector<1x16xf32>,
      %get3A_587 = vector.shape_cast %get3A_586 : vector<1x16xf32> to vector<16xf32>
      %add3A_588 = arith.addf %add3A_564, %get3A_587 : vector<16xf32>
      %get3A_589 = arith.constant 24 : i32
      %get3A_590 = arith.index_cast %get3A_589 : i32 to index
      %get3A_591 = arith.constant 0 : index
      %get3A_592 = tpu.vector_load %arg6[%get3A_590, %get3A_591] {strides = array<i32>} : memref<56x64xf32, #tpu.memory_space<vmem>>, vector<1x16xf32>,
      %get3A_593 = vector.shape_cast %get3A_592 : vector<1x16xf32> to vector<16xf32>
      %add3A_594 = arith.addf %add3A_570, %get3A_593 : vector<16xf32>
      %get3A_595 = arith.constant 24 : i32
      %get3A_596 = arith.index_cast %get3A_595 : i32 to index
      %get3A_597 = arith.constant 16 : index
      %get3A_598 = tpu.vector_load %arg6[%get3A_596, %get3A_597] {strides = array<i32>} : memref<56x64xf32, #tpu.memory_space<vmem>>, vector<1x16xf32>,
      %get3A_599 = vector.shape_cast %get3A_598 : vector<1x16xf32> to vector<16xf32>
      %add3A_600 = arith.addf %add3A_576, %get3A_599 : vector<16xf32>
      %get3A_601 = arith.constant 24 : i32
      %get3A_602 = arith.index_cast %get3A_601 : i32 to index
      %get3A_603 = arith.constant 32 : index
      %get3A_604 = tpu.vector_load %arg6[%get3A_602, %get3A_603] {strides = array<i32>} : memref<56x64xf32, #tpu.memory_space<vmem>>, vector<1x16xf32>,
      %get3A_605 = vector.shape_cast %get3A_604 : vector<1x16xf32> to vector<16xf32>
      %add3A_606 = arith.addf %add3A_582, %get3A_605 : vector<16xf32>
      %get3A_607 = arith.constant 24 : i32
      %get3A_608 = arith.index_cast %get3A_607 : i32 to index
      %get3A_609 = arith.constant 48 : index
      %get3A_610 = tpu.vector_load %arg6[%get3A_608, %get3A_609] {strides = array<i32>} : memref<56x64xf32, #tpu.memory_space<vmem>>, vector<1x16xf32>,
      %get3A_611 = vector.shape_cast %get3A_610 : vector<1x16xf32> to vector<16xf32>
      %add3A_612 = arith.addf %add3A_588, %get3A_611 : vector<16xf32>
      %get3A_613 = arith.constant 25 : i32
      %get3A_614 = arith.index_cast %get3A_613 : i32 to index
      %get3A_615 = arith.constant 0 : index
      %get3A_616 = tpu.vector_load %arg6[%get3A_614, %get3A_615] {strides = array<i32>} : memref<56x64xf32, #tpu.memory_space<vmem>>, vector<1x16xf32>,
      %get3A_617 = vector.shape_cast %get3A_616 : vector<1x16xf32> to vector<16xf32>
      %add3A_618 = arith.addf %add3A_594, %get3A_617 : vector<16xf32>
      %get3A_619 = arith.constant 25 : i32
      %get3A_620 = arith.index_cast %get3A_619 : i32 to index
      %get3A_621 = arith.constant 16 : index
      %get3A_622 = tpu.vector_load %arg6[%get3A_620, %get3A_621] {strides = array<i32>} : memref<56x64xf32, #tpu.memory_space<vmem>>, vector<1x16xf32>,
      %get3A_623 = vector.shape_cast %get3A_622 : vector<1x16xf32> to vector<16xf32>
      %add3A_624 = arith.addf %add3A_600, %get3A_623 : vector<16xf32>
      %get3A_625 = arith.constant 25 : i32
      %get3A_626 = arith.index_cast %get3A_625 : i32 to index
      %get3A_627 = arith.constant 32 : index
      %get3A_628 = tpu.vector_load %arg6[%get3A_626, %get3A_627] {strides = array<i32>} : memref<56x64xf32, #tpu.memory_space<vmem>>, vector<1x16xf32>,
      %get3A_629 = vector.shape_cast %get3A_628 : vector<1x16xf32> to vector<16xf32>
      %add3A_630 = arith.addf %add3A_606, %get3A_629 : vector<16xf32>
      %get3A_631 = arith.constant 25 : i32
      %get3A_632 = arith.index_cast %get3A_631 : i32 to index
      %get3A_633 = arith.constant 48 : index
      %get3A_634 = tpu.vector_load %arg6[%get3A_632, %get3A_633] {strides = array<i32>} : memref<56x64xf32, #tpu.memory_space<vmem>>, vector<1x16xf32>,
      %get3A_635 = vector.shape_cast %get3A_634 : vector<1x16xf32> to vector<16xf32>
      %add3A_636 = arith.addf %add3A_612, %get3A_635 : vector<16xf32>
      %get3A_637 = arith.constant 26 : i32
      %get3A_638 = arith.index_cast %get3A_637 : i32 to index
      %get3A_639 = arith.constant 0 : index
      %get3A_640 = tpu.vector_load %arg6[%get3A_638, %get3A_639] {strides = array<i32>} : memref<56x64xf32, #tpu.memory_space<vmem>>, vector<1x16xf32>,
      %get3A_641 = vector.shape_cast %get3A_640 : vector<1x16xf32> to vector<16xf32>
      %add3A_642 = arith.addf %add3A_618, %get3A_641 : vector<16xf32>
      %get3A_643 = arith.constant 26 : i32
      %get3A_644 = arith.index_cast %get3A_643 : i32 to index
      %get3A_645 = arith.constant 16 : index
      %get3A_646 = tpu.vector_load %arg6[%get3A_644, %get3A_645] {strides = array<i32>} : memref<56x64xf32, #tpu.memory_space<vmem>>, vector<1x16xf32>,
      %get3A_647 = vector.shape_cast %get3A_646 : vector<1x16xf32> to vector<16xf32>
      %add3A_648 = arith.addf %add3A_624, %get3A_647 : vector<16xf32>
      %get3A_649 = arith.constant 26 : i32
      %get3A_650 = arith.index_cast %get3A_649 : i32 to index
      %get3A_651 = arith.constant 32 : index
      %get3A_652 = tpu.vector_load %arg6[%get3A_650, %get3A_651] {strides = array<i32>} : memref<56x64xf32, #tpu.memory_space<vmem>>, vector<1x16xf32>,
      %get3A_653 = vector.shape_cast %get3A_652 : vector<1x16xf32> to vector<16xf32>
      %add3A_654 = arith.addf %add3A_630, %get3A_653 : vector<16xf32>
      %get3A_655 = arith.constant 26 : i32
      %get3A_656 = arith.index_cast %get3A_655 : i32 to index
      %get3A_657 = arith.constant 48 : index
      %get3A_658 = tpu.vector_load %arg6[%get3A_656, %get3A_657] {strides = array<i32>} : memref<56x64xf32, #tpu.memory_space<vmem>>, vector<1x16xf32>,
      %get3A_659 = vector.shape_cast %get3A_658 : vector<1x16xf32> to vector<16xf32>
      %add3A_660 = arith.addf %add3A_636, %get3A_659 : vector<16xf32>
      %get3A_661 = arith.constant 27 : i32
      %get3A_662 = arith.index_cast %get3A_661 : i32 to index
      %get3A_663 = arith.constant 0 : index
      %get3A_664 = tpu.vector_load %arg6[%get3A_662, %get3A_663] {strides = array<i32>} : memref<56x64xf32, #tpu.memory_space<vmem>>, vector<1x16xf32>,
      %get3A_665 = vector.shape_cast %get3A_664 : vector<1x16xf32> to vector<16xf32>
      %add3A_666 = arith.addf %add3A_642, %get3A_665 : vector<16xf32>
      %get3A_667 = arith.constant 27 : i32
      %get3A_668 = arith.index_cast %get3A_667 : i32 to index
      %get3A_669 = arith.constant 16 : index
      %get3A_670 = tpu.vector_load %arg6[%get3A_668, %get3A_669] {strides = array<i32>} : memref<56x64xf32, #tpu.memory_space<vmem>>, vector<1x16xf32>,
      %get3A_671 = vector.shape_cast %get3A_670 : vector<1x16xf32> to vector<16xf32>
      %add3A_672 = arith.addf %add3A_648, %get3A_671 : vector<16xf32>
      %get3A_673 = arith.constant 27 : i32
      %get3A_674 = arith.index_cast %get3A_673 : i32 to index
      %get3A_675 = arith.constant 32 : index
      %get3A_676 = tpu.vector_load %arg6[%get3A_674, %get3A_675] {strides = array<i32>} : memref<56x64xf32, #tpu.memory_space<vmem>>, vector<1x16xf32>,
      %get3A_677 = vector.shape_cast %get3A_676 : vector<1x16xf32> to vector<16xf32>
      %add3A_678 = arith.addf %add3A_654, %get3A_677 : vector<16xf32>
      %get3A_679 = arith.constant 27 : i32
      %get3A_680 = arith.index_cast %get3A_679 : i32 to index
      %get3A_681 = arith.constant 48 : index
      %get3A_682 = tpu.vector_load %arg6[%get3A_680, %get3A_681] {strides = array<i32>} : memref<56x64xf32, #tpu.memory_space<vmem>>, vector<1x16xf32>,
      %get3A_683 = vector.shape_cast %get3A_682 : vector<1x16xf32> to vector<16xf32>
      %add3A_684 = arith.addf %add3A_660, %get3A_683 : vector<16xf32>
      %get3A_685 = arith.constant 28 : i32
      %get3A_686 = arith.index_cast %get3A_685 : i32 to index
      %get3A_687 = arith.constant 0 : index
      %get3A_688 = tpu.vector_load %arg6[%get3A_686, %get3A_687] {strides = array<i32>} : memref<56x64xf32, #tpu.memory_space<vmem>>, vector<1x16xf32>,
      %get3A_689 = vector.shape_cast %get3A_688 : vector<1x16xf32> to vector<16xf32>
      %add3A_690 = arith.addf %add3A_666, %get3A_689 : vector<16xf32>
      %get3A_691 = arith.constant 28 : i32
      %get3A_692 = arith.index_cast %get3A_691 : i32 to index
      %get3A_693 = arith.constant 16 : index
      %get3A_694 = tpu.vector_load %arg6[%get3A_692, %get3A_693] {strides = array<i32>} : memref<56x64xf32, #tpu.memory_space<vmem>>, vector<1x16xf32>,
      %get3A_695 = vector.shape_cast %get3A_694 : vector<1x16xf32> to vector<16xf32>
      %add3A_696 = arith.addf %add3A_672, %get3A_695 : vector<16xf32>
      %get3A_697 = arith.constant 28 : i32
      %get3A_698 = arith.index_cast %get3A_697 : i32 to index
      %get3A_699 = arith.constant 32 : index
      %get3A_700 = tpu.vector_load %arg6[%get3A_698, %get3A_699] {strides = array<i32>} : memref<56x64xf32, #tpu.memory_space<vmem>>, vector<1x16xf32>,
      %get3A_701 = vector.shape_cast %get3A_700 : vector<1x16xf32> to vector<16xf32>
      %add3A_702 = arith.addf %add3A_678, %get3A_701 : vector<16xf32>
      %get3A_703 = arith.constant 28 : i32
      %get3A_704 = arith.index_cast %get3A_703 : i32 to index
      %get3A_705 = arith.constant 48 : index
      %get3A_706 = tpu.vector_load %arg6[%get3A_704, %get3A_705] {strides = array<i32>} : memref<56x64xf32, #tpu.memory_space<vmem>>, vector<1x16xf32>,
      %get3A_707 = vector.shape_cast %get3A_706 : vector<1x16xf32> to vector<16xf32>
      %add3A_708 = arith.addf %add3A_684, %get3A_707 : vector<16xf32>
      %get3A_709 = arith.constant 29 : i32
      %get3A_710 = arith.index_cast %get3A_709 : i32 to index
      %get3A_711 = arith.constant 0 : index
      %get3A_712 = tpu.vector_load %arg6[%get3A_710, %get3A_711] {strides = array<i32>} : memref<56x64xf32, #tpu.memory_space<vmem>>, vector<1x16xf32>,
      %get3A_713 = vector.shape_cast %get3A_712 : vector<1x16xf32> to vector<16xf32>
      %add3A_714 = arith.addf %add3A_690, %get3A_713 : vector<16xf32>
      %get3A_715 = arith.constant 29 : i32
      %get3A_716 = arith.index_cast %get3A_715 : i32 to index
      %get3A_717 = arith.constant 16 : index
      %get3A_718 = tpu.vector_load %arg6[%get3A_716, %get3A_717] {strides = array<i32>} : memref<56x64xf32, #tpu.memory_space<vmem>>, vector<1x16xf32>,
      %get3A_719 = vector.shape_cast %get3A_718 : vector<1x16xf32> to vector<16xf32>
      %add3A_720 = arith.addf %add3A_696, %get3A_719 : vector<16xf32>
      %get3A_721 = arith.constant 29 : i32
      %get3A_722 = arith.index_cast %get3A_721 : i32 to index
      %get3A_723 = arith.constant 32 : index
      %get3A_724 = tpu.vector_load %arg6[%get3A_722, %get3A_723] {strides = array<i32>} : memref<56x64xf32, #tpu.memory_space<vmem>>, vector<1x16xf32>,
      %get3A_725 = vector.shape_cast %get3A_724 : vector<1x16xf32> to vector<16xf32>
      %add3A_726 = arith.addf %add3A_702, %get3A_725 : vector<16xf32>
      %get3A_727 = arith.constant 29 : i32
      %get3A_728 = arith.index_cast %get3A_727 : i32 to index
      %get3A_729 = arith.constant 48 : index
      %get3A_730 = tpu.vector_load %arg6[%get3A_728, %get3A_729] {strides = array<i32>} : memref<56x64xf32, #tpu.memory_space<vmem>>, vector<1x16xf32>,
      %get3A_731 = vector.shape_cast %get3A_730 : vector<1x16xf32> to vector<16xf32>
      %add3A_732 = arith.addf %add3A_708, %get3A_731 : vector<16xf32>
      %get3A_733 = arith.constant 30 : i32
      %get3A_734 = arith.index_cast %get3A_733 : i32 to index
      %get3A_735 = arith.constant 0 : index
      %get3A_736 = tpu.vector_load %arg6[%get3A_734, %get3A_735] {strides = array<i32>} : memref<56x64xf32, #tpu.memory_space<vmem>>, vector<1x16xf32>,
      %get3A_737 = vector.shape_cast %get3A_736 : vector<1x16xf32> to vector<16xf32>
      %add3A_738 = arith.addf %add3A_714, %get3A_737 : vector<16xf32>
      %get3A_739 = arith.constant 30 : i32
      %get3A_740 = arith.index_cast %get3A_739 : i32 to index
      %get3A_741 = arith.constant 16 : index
      %get3A_742 = tpu.vector_load %arg6[%get3A_740, %get3A_741] {strides = array<i32>} : memref<56x64xf32, #tpu.memory_space<vmem>>, vector<1x16xf32>,
      %get3A_743 = vector.shape_cast %get3A_742 : vector<1x16xf32> to vector<16xf32>
      %add3A_744 = arith.addf %add3A_720, %get3A_743 : vector<16xf32>
      %get3A_745 = arith.constant 30 : i32
      %get3A_746 = arith.index_cast %get3A_745 : i32 to index
      %get3A_747 = arith.constant 32 : index
      %get3A_748 = tpu.vector_load %arg6[%get3A_746, %get3A_747] {strides = array<i32>} : memref<56x64xf32, #tpu.memory_space<vmem>>, vector<1x16xf32>,
      %get3A_749 = vector.shape_cast %get3A_748 : vector<1x16xf32> to vector<16xf32>
      %add3A_750 = arith.addf %add3A_726, %get3A_749 : vector<16xf32>
      %get3A_751 = arith.constant 30 : i32
      %get3A_752 = arith.index_cast %get3A_751 : i32 to index
      %get3A_753 = arith.constant 48 : index
      %get3A_754 = tpu.vector_load %arg6[%get3A_752, %get3A_753] {strides = array<i32>} : memref<56x64xf32, #tpu.memory_space<vmem>>, vector<1x16xf32>,
      %get3A_755 = vector.shape_cast %get3A_754 : vector<1x16xf32> to vector<16xf32>
      %add3A_756 = arith.addf %add3A_732, %get3A_755 : vector<16xf32>
      %get3A_757 = arith.constant 31 : i32
      %get3A_758 = arith.index_cast %get3A_757 : i32 to index
      %get3A_759 = arith.constant 0 : index
      %get3A_760 = tpu.vector_load %arg6[%get3A_758, %get3A_759] {strides = array<i32>} : memref<56x64xf32, #tpu.memory_space<vmem>>, vector<1x16xf32>,
      %get3A_761 = vector.shape_cast %get3A_760 : vector<1x16xf32> to vector<16xf32>
      %add3A_762 = arith.addf %add3A_738, %get3A_761 : vector<16xf32>
      %get3A_763 = arith.constant 31 : i32
      %get3A_764 = arith.index_cast %get3A_763 : i32 to index
      %get3A_765 = arith.constant 16 : index
      %get3A_766 = tpu.vector_load %arg6[%get3A_764, %get3A_765] {strides = array<i32>} : memref<56x64xf32, #tpu.memory_space<vmem>>, vector<1x16xf32>,
      %get3A_767 = vector.shape_cast %get3A_766 : vector<1x16xf32> to vector<16xf32>
      %add3A_768 = arith.addf %add3A_744, %get3A_767 : vector<16xf32>
      %get3A_769 = arith.constant 31 : i32
      %get3A_770 = arith.index_cast %get3A_769 : i32 to index
      %get3A_771 = arith.constant 32 : index
      %get3A_772 = tpu.vector_load %arg6[%get3A_770, %get3A_771] {strides = array<i32>} : memref<56x64xf32, #tpu.memory_space<vmem>>, vector<1x16xf32>,
      %get3A_773 = vector.shape_cast %get3A_772 : vector<1x16xf32> to vector<16xf32>
      %add3A_774 = arith.addf %add3A_750, %get3A_773 : vector<16xf32>
      %get3A_775 = arith.constant 31 : i32
      %get3A_776 = arith.index_cast %get3A_775 : i32 to index
      %get3A_777 = arith.constant 48 : index
      %get3A_778 = tpu.vector_load %arg6[%get3A_776, %get3A_777] {strides = array<i32>} : memref<56x64xf32, #tpu.memory_space<vmem>>, vector<1x16xf32>,
      %get3A_779 = vector.shape_cast %get3A_778 : vector<1x16xf32> to vector<16xf32>
      %add3A_780 = arith.addf %add3A_756, %get3A_779 : vector<16xf32>
      %get3A_781 = arith.constant 32 : i32
      %get3A_782 = arith.index_cast %get3A_781 : i32 to index
      %get3A_783 = arith.constant 0 : index
      %get3A_784 = tpu.vector_load %arg6[%get3A_782, %get3A_783] {strides = array<i32>} : memref<56x64xf32, #tpu.memory_space<vmem>>, vector<1x16xf32>,
      %get3A_785 = vector.shape_cast %get3A_784 : vector<1x16xf32> to vector<16xf32>
      %add3A_786 = arith.addf %add3A_762, %get3A_785 : vector<16xf32>
      %get3A_787 = arith.constant 32 : i32
      %get3A_788 = arith.index_cast %get3A_787 : i32 to index
      %get3A_789 = arith.constant 16 : index
      %get3A_790 = tpu.vector_load %arg6[%get3A_788, %get3A_789] {strides = array<i32>} : memref<56x64xf32, #tpu.memory_space<vmem>>, vector<1x16xf32>,
      %get3A_791 = vector.shape_cast %get3A_790 : vector<1x16xf32> to vector<16xf32>
      %add3A_792 = arith.addf %add3A_768, %get3A_791 : vector<16xf32>
      %get3A_793 = arith.constant 32 : i32
      %get3A_794 = arith.index_cast %get3A_793 : i32 to index
      %get3A_795 = arith.constant 32 : index
      %get3A_796 = tpu.vector_load %arg6[%get3A_794, %get3A_795] {strides = array<i32>} : memref<56x64xf32, #tpu.memory_space<vmem>>, vector<1x16xf32>,
      %get3A_797 = vector.shape_cast %get3A_796 : vector<1x16xf32> to vector<16xf32>
      %add3A_798 = arith.addf %add3A_774, %get3A_797 : vector<16xf32>
      %get3A_799 = arith.constant 32 : i32
      %get3A_800 = arith.index_cast %get3A_799 : i32 to index
      %get3A_801 = arith.constant 48 : index
      %get3A_802 = tpu.vector_load %arg6[%get3A_800, %get3A_801] {strides = array<i32>} : memref<56x64xf32, #tpu.memory_space<vmem>>, vector<1x16xf32>,
      %get3A_803 = vector.shape_cast %get3A_802 : vector<1x16xf32> to vector<16xf32>
      %add3A_804 = arith.addf %add3A_780, %get3A_803 : vector<16xf32>
      %get3A_805 = arith.constant 33 : i32
      %get3A_806 = arith.index_cast %get3A_805 : i32 to index
      %get3A_807 = arith.constant 0 : index
      %get3A_808 = tpu.vector_load %arg6[%get3A_806, %get3A_807] {strides = array<i32>} : memref<56x64xf32, #tpu.memory_space<vmem>>, vector<1x16xf32>,
      %get3A_809 = vector.shape_cast %get3A_808 : vector<1x16xf32> to vector<16xf32>
      %add3A_810 = arith.addf %add3A_786, %get3A_809 : vector<16xf32>
      %get3A_811 = arith.constant 33 : i32
      %get3A_812 = arith.index_cast %get3A_811 : i32 to index
      %get3A_813 = arith.constant 16 : index
      %get3A_814 = tpu.vector_load %arg6[%get3A_812, %get3A_813] {strides = array<i32>} : memref<56x64xf32, #tpu.memory_space<vmem>>, vector<1x16xf32>,
      %get3A_815 = vector.shape_cast %get3A_814 : vector<1x16xf32> to vector<16xf32>
      %add3A_816 = arith.addf %add3A_792, %get3A_815 : vector<16xf32>
      %get3A_817 = arith.constant 33 : i32
      %get3A_818 = arith.index_cast %get3A_817 : i32 to index
      %get3A_819 = arith.constant 32 : index
      %get3A_820 = tpu.vector_load %arg6[%get3A_818, %get3A_819] {strides = array<i32>} : memref<56x64xf32, #tpu.memory_space<vmem>>, vector<1x16xf32>,
      %get3A_821 = vector.shape_cast %get3A_820 : vector<1x16xf32> to vector<16xf32>
      %add3A_822 = arith.addf %add3A_798, %get3A_821 : vector<16xf32>
      %get3A_823 = arith.constant 33 : i32
      %get3A_824 = arith.index_cast %get3A_823 : i32 to index
      %get3A_825 = arith.constant 48 : index
      %get3A_826 = tpu.vector_load %arg6[%get3A_824, %get3A_825] {strides = array<i32>} : memref<56x64xf32, #tpu.memory_space<vmem>>, vector<1x16xf32>,
      %get3A_827 = vector.shape_cast %get3A_826 : vector<1x16xf32> to vector<16xf32>
      %add3A_828 = arith.addf %add3A_804, %get3A_827 : vector<16xf32>
      %get3A_829 = arith.constant 34 : i32
      %get3A_830 = arith.index_cast %get3A_829 : i32 to index
      %get3A_831 = arith.constant 0 : index
      %get3A_832 = tpu.vector_load %arg6[%get3A_830, %get3A_831] {strides = array<i32>} : memref<56x64xf32, #tpu.memory_space<vmem>>, vector<1x16xf32>,
      %get3A_833 = vector.shape_cast %get3A_832 : vector<1x16xf32> to vector<16xf32>
      %add3A_834 = arith.addf %add3A_810, %get3A_833 : vector<16xf32>
      %get3A_835 = arith.constant 34 : i32
      %get3A_836 = arith.index_cast %get3A_835 : i32 to index
      %get3A_837 = arith.constant 16 : index
      %get3A_838 = tpu.vector_load %arg6[%get3A_836, %get3A_837] {strides = array<i32>} : memref<56x64xf32, #tpu.memory_space<vmem>>, vector<1x16xf32>,
      %get3A_839 = vector.shape_cast %get3A_838 : vector<1x16xf32> to vector<16xf32>
      %add3A_840 = arith.addf %add3A_816, %get3A_839 : vector<16xf32>
      %get3A_841 = arith.constant 34 : i32
      %get3A_842 = arith.index_cast %get3A_841 : i32 to index
      %get3A_843 = arith.constant 32 : index
      %get3A_844 = tpu.vector_load %arg6[%get3A_842, %get3A_843] {strides = array<i32>} : memref<56x64xf32, #tpu.memory_space<vmem>>, vector<1x16xf32>,
      %get3A_845 = vector.shape_cast %get3A_844 : vector<1x16xf32> to vector<16xf32>
      %add3A_846 = arith.addf %add3A_822, %get3A_845 : vector<16xf32>
      %get3A_847 = arith.constant 34 : i32
      %get3A_848 = arith.index_cast %get3A_847 : i32 to index
      %get3A_849 = arith.constant 48 : index
      %get3A_850 = tpu.vector_load %arg6[%get3A_848, %get3A_849] {strides = array<i32>} : memref<56x64xf32, #tpu.memory_space<vmem>>, vector<1x16xf32>,
      %get3A_851 = vector.shape_cast %get3A_850 : vector<1x16xf32> to vector<16xf32>
      %add3A_852 = arith.addf %add3A_828, %get3A_851 : vector<16xf32>
      %get3A_853 = arith.constant 35 : i32
      %get3A_854 = arith.index_cast %get3A_853 : i32 to index
      %get3A_855 = arith.constant 0 : index
      %get3A_856 = tpu.vector_load %arg6[%get3A_854, %get3A_855] {strides = array<i32>} : memref<56x64xf32, #tpu.memory_space<vmem>>, vector<1x16xf32>,
      %get3A_857 = vector.shape_cast %get3A_856 : vector<1x16xf32> to vector<16xf32>
      %add3A_858 = arith.addf %add3A_834, %get3A_857 : vector<16xf32>
      %get3A_859 = arith.constant 35 : i32
      %get3A_860 = arith.index_cast %get3A_859 : i32 to index
      %get3A_861 = arith.constant 16 : index
      %get3A_862 = tpu.vector_load %arg6[%get3A_860, %get3A_861] {strides = array<i32>} : memref<56x64xf32, #tpu.memory_space<vmem>>, vector<1x16xf32>,
      %get3A_863 = vector.shape_cast %get3A_862 : vector<1x16xf32> to vector<16xf32>
      %add3A_864 = arith.addf %add3A_840, %get3A_863 : vector<16xf32>
      %get3A_865 = arith.constant 35 : i32
      %get3A_866 = arith.index_cast %get3A_865 : i32 to index
      %get3A_867 = arith.constant 32 : index
      %get3A_868 = tpu.vector_load %arg6[%get3A_866, %get3A_867] {strides = array<i32>} : memref<56x64xf32, #tpu.memory_space<vmem>>, vector<1x16xf32>,
      %get3A_869 = vector.shape_cast %get3A_868 : vector<1x16xf32> to vector<16xf32>
      %add3A_870 = arith.addf %add3A_846, %get3A_869 : vector<16xf32>
      %get3A_871 = arith.constant 35 : i32
      %get3A_872 = arith.index_cast %get3A_871 : i32 to index
      %get3A_873 = arith.constant 48 : index
      %get3A_874 = tpu.vector_load %arg6[%get3A_872, %get3A_873] {strides = array<i32>} : memref<56x64xf32, #tpu.memory_space<vmem>>, vector<1x16xf32>,
      %get3A_875 = vector.shape_cast %get3A_874 : vector<1x16xf32> to vector<16xf32>
      %add3A_876 = arith.addf %add3A_852, %get3A_875 : vector<16xf32>
      %get3A_877 = arith.constant 36 : i32
      %get3A_878 = arith.index_cast %get3A_877 : i32 to index
      %get3A_879 = arith.constant 0 : index
      %get3A_880 = tpu.vector_load %arg6[%get3A_878, %get3A_879] {strides = array<i32>} : memref<56x64xf32, #tpu.memory_space<vmem>>, vector<1x16xf32>,
      %get3A_881 = vector.shape_cast %get3A_880 : vector<1x16xf32> to vector<16xf32>
      %add3A_882 = arith.addf %add3A_858, %get3A_881 : vector<16xf32>
      %get3A_883 = arith.constant 36 : i32
      %get3A_884 = arith.index_cast %get3A_883 : i32 to index
      %get3A_885 = arith.constant 16 : index
      %get3A_886 = tpu.vector_load %arg6[%get3A_884, %get3A_885] {strides = array<i32>} : memref<56x64xf32, #tpu.memory_space<vmem>>, vector<1x16xf32>,
      %get3A_887 = vector.shape_cast %get3A_886 : vector<1x16xf32> to vector<16xf32>
      %add3A_888 = arith.addf %add3A_864, %get3A_887 : vector<16xf32>
      %get3A_889 = arith.constant 36 : i32
      %get3A_890 = arith.index_cast %get3A_889 : i32 to index
      %get3A_891 = arith.constant 32 : index
      %get3A_892 = tpu.vector_load %arg6[%get3A_890, %get3A_891] {strides = array<i32>} : memref<56x64xf32, #tpu.memory_space<vmem>>, vector<1x16xf32>,
      %get3A_893 = vector.shape_cast %get3A_892 : vector<1x16xf32> to vector<16xf32>
      %add3A_894 = arith.addf %add3A_870, %get3A_893 : vector<16xf32>
      %get3A_895 = arith.constant 36 : i32
      %get3A_896 = arith.index_cast %get3A_895 : i32 to index
      %get3A_897 = arith.constant 48 : index
      %get3A_898 = tpu.vector_load %arg6[%get3A_896, %get3A_897] {strides = array<i32>} : memref<56x64xf32, #tpu.memory_space<vmem>>, vector<1x16xf32>,
      %get3A_899 = vector.shape_cast %get3A_898 : vector<1x16xf32> to vector<16xf32>
      %add3A_900 = arith.addf %add3A_876, %get3A_899 : vector<16xf32>
      %get3A_901 = arith.constant 37 : i32
      %get3A_902 = arith.index_cast %get3A_901 : i32 to index
      %get3A_903 = arith.constant 0 : index
      %get3A_904 = tpu.vector_load %arg6[%get3A_902, %get3A_903] {strides = array<i32>} : memref<56x64xf32, #tpu.memory_space<vmem>>, vector<1x16xf32>,
      %get3A_905 = vector.shape_cast %get3A_904 : vector<1x16xf32> to vector<16xf32>
      %add3A_906 = arith.addf %add3A_882, %get3A_905 : vector<16xf32>
      %get3A_907 = arith.constant 37 : i32
      %get3A_908 = arith.index_cast %get3A_907 : i32 to index
      %get3A_909 = arith.constant 16 : index
      %get3A_910 = tpu.vector_load %arg6[%get3A_908, %get3A_909] {strides = array<i32>} : memref<56x64xf32, #tpu.memory_space<vmem>>, vector<1x16xf32>,
      %get3A_911 = vector.shape_cast %get3A_910 : vector<1x16xf32> to vector<16xf32>
      %add3A_912 = arith.addf %add3A_888, %get3A_911 : vector<16xf32>
      %get3A_913 = arith.constant 37 : i32
      %get3A_914 = arith.index_cast %get3A_913 : i32 to index
      %get3A_915 = arith.constant 32 : index
      %get3A_916 = tpu.vector_load %arg6[%get3A_914, %get3A_915] {strides = array<i32>} : memref<56x64xf32, #tpu.memory_space<vmem>>, vector<1x16xf32>,
      %get3A_917 = vector.shape_cast %get3A_916 : vector<1x16xf32> to vector<16xf32>
      %add3A_918 = arith.addf %add3A_894, %get3A_917 : vector<16xf32>
      %get3A_919 = arith.constant 37 : i32
      %get3A_920 = arith.index_cast %get3A_919 : i32 to index
      %get3A_921 = arith.constant 48 : index
      %get3A_922 = tpu.vector_load %arg6[%get3A_920, %get3A_921] {strides = array<i32>} : memref<56x64xf32, #tpu.memory_space<vmem>>, vector<1x16xf32>,
      %get3A_923 = vector.shape_cast %get3A_922 : vector<1x16xf32> to vector<16xf32>
      %add3A_924 = arith.addf %add3A_900, %get3A_923 : vector<16xf32>
      %get3A_925 = arith.constant 38 : i32
      %get3A_926 = arith.index_cast %get3A_925 : i32 to index
      %get3A_927 = arith.constant 0 : index
      %get3A_928 = tpu.vector_load %arg6[%get3A_926, %get3A_927] {strides = array<i32>} : memref<56x64xf32, #tpu.memory_space<vmem>>, vector<1x16xf32>,
      %get3A_929 = vector.shape_cast %get3A_928 : vector<1x16xf32> to vector<16xf32>
      %add3A_930 = arith.addf %add3A_906, %get3A_929 : vector<16xf32>
      %get3A_931 = arith.constant 38 : i32
      %get3A_932 = arith.index_cast %get3A_931 : i32 to index
      %get3A_933 = arith.constant 16 : index
      %get3A_934 = tpu.vector_load %arg6[%get3A_932, %get3A_933] {strides = array<i32>} : memref<56x64xf32, #tpu.memory_space<vmem>>, vector<1x16xf32>,
      %get3A_935 = vector.shape_cast %get3A_934 : vector<1x16xf32> to vector<16xf32>
      %add3A_936 = arith.addf %add3A_912, %get3A_935 : vector<16xf32>
      %get3A_937 = arith.constant 38 : i32
      %get3A_938 = arith.index_cast %get3A_937 : i32 to index
      %get3A_939 = arith.constant 32 : index
      %get3A_940 = tpu.vector_load %arg6[%get3A_938, %get3A_939] {strides = array<i32>} : memref<56x64xf32, #tpu.memory_space<vmem>>, vector<1x16xf32>,
      %get3A_941 = vector.shape_cast %get3A_940 : vector<1x16xf32> to vector<16xf32>
      %add3A_942 = arith.addf %add3A_918, %get3A_941 : vector<16xf32>
      %get3A_943 = arith.constant 38 : i32
      %get3A_944 = arith.index_cast %get3A_943 : i32 to index
      %get3A_945 = arith.constant 48 : index
      %get3A_946 = tpu.vector_load %arg6[%get3A_944, %get3A_945] {strides = array<i32>} : memref<56x64xf32, #tpu.memory_space<vmem>>, vector<1x16xf32>,
      %get3A_947 = vector.shape_cast %get3A_946 : vector<1x16xf32> to vector<16xf32>
      %add3A_948 = arith.addf %add3A_924, %get3A_947 : vector<16xf32>
      %get3A_949 = arith.constant 39 : i32
      %get3A_950 = arith.index_cast %get3A_949 : i32 to index
      %get3A_951 = arith.constant 0 : index
      %get3A_952 = tpu.vector_load %arg6[%get3A_950, %get3A_951] {strides = array<i32>} : memref<56x64xf32, #tpu.memory_space<vmem>>, vector<1x16xf32>,
      %get3A_953 = vector.shape_cast %get3A_952 : vector<1x16xf32> to vector<16xf32>
      %add3A_954 = arith.addf %add3A_930, %get3A_953 : vector<16xf32>
      %get3A_955 = arith.constant 39 : i32
      %get3A_956 = arith.index_cast %get3A_955 : i32 to index
      %get3A_957 = arith.constant 16 : index
      %get3A_958 = tpu.vector_load %arg6[%get3A_956, %get3A_957] {strides = array<i32>} : memref<56x64xf32, #tpu.memory_space<vmem>>, vector<1x16xf32>,
      %get3A_959 = vector.shape_cast %get3A_958 : vector<1x16xf32> to vector<16xf32>
      %add3A_960 = arith.addf %add3A_936, %get3A_959 : vector<16xf32>
      %get3A_961 = arith.constant 39 : i32
      %get3A_962 = arith.index_cast %get3A_961 : i32 to index
      %get3A_963 = arith.constant 32 : index
      %get3A_964 = tpu.vector_load %arg6[%get3A_962, %get3A_963] {strides = array<i32>} : memref<56x64xf32, #tpu.memory_space<vmem>>, vector<1x16xf32>,
      %get3A_965 = vector.shape_cast %get3A_964 : vector<1x16xf32> to vector<16xf32>
      %add3A_966 = arith.addf %add3A_942, %get3A_965 : vector<16xf32>
      %get3A_967 = arith.constant 39 : i32
      %get3A_968 = arith.index_cast %get3A_967 : i32 to index
      %get3A_969 = arith.constant 48 : index
      %get3A_970 = tpu.vector_load %arg6[%get3A_968, %get3A_969] {strides = array<i32>} : memref<56x64xf32, #tpu.memory_space<vmem>>, vector<1x16xf32>,
      %get3A_971 = vector.shape_cast %get3A_970 : vector<1x16xf32> to vector<16xf32>
      %add3A_972 = arith.addf %add3A_948, %get3A_971 : vector<16xf32>
      %get3A_973 = arith.constant 40 : i32
      %get3A_974 = arith.index_cast %get3A_973 : i32 to index
      %get3A_975 = arith.constant 0 : index
      %get3A_976 = tpu.vector_load %arg6[%get3A_974, %get3A_975] {strides = array<i32>} : memref<56x64xf32, #tpu.memory_space<vmem>>, vector<1x16xf32>,
      %get3A_977 = vector.shape_cast %get3A_976 : vector<1x16xf32> to vector<16xf32>
      %add3A_978 = arith.addf %add3A_954, %get3A_977 : vector<16xf32>
      %get3A_979 = arith.constant 40 : i32
      %get3A_980 = arith.index_cast %get3A_979 : i32 to index
      %get3A_981 = arith.constant 16 : index
      %get3A_982 = tpu.vector_load %arg6[%get3A_980, %get3A_981] {strides = array<i32>} : memref<56x64xf32, #tpu.memory_space<vmem>>, vector<1x16xf32>,
      %get3A_983 = vector.shape_cast %get3A_982 : vector<1x16xf32> to vector<16xf32>
      %add3A_984 = arith.addf %add3A_960, %get3A_983 : vector<16xf32>
      %get3A_985 = arith.constant 40 : i32
      %get3A_986 = arith.index_cast %get3A_985 : i32 to index
      %get3A_987 = arith.constant 32 : index
      %get3A_988 = tpu.vector_load %arg6[%get3A_986, %get3A_987] {strides = array<i32>} : memref<56x64xf32, #tpu.memory_space<vmem>>, vector<1x16xf32>,
      %get3A_989 = vector.shape_cast %get3A_988 : vector<1x16xf32> to vector<16xf32>
      %add3A_990 = arith.addf %add3A_966, %get3A_989 : vector<16xf32>
      %get3A_991 = arith.constant 40 : i32
      %get3A_992 = arith.index_cast %get3A_991 : i32 to index
      %get3A_993 = arith.constant 48 : index
      %get3A_994 = tpu.vector_load %arg6[%get3A_992, %get3A_993] {strides = array<i32>} : memref<56x64xf32, #tpu.memory_space<vmem>>, vector<1x16xf32>,
      %get3A_995 = vector.shape_cast %get3A_994 : vector<1x16xf32> to vector<16xf32>
      %add3A_996 = arith.addf %add3A_972, %get3A_995 : vector<16xf32>
      %get3A_997 = arith.constant 41 : i32
      %get3A_998 = arith.index_cast %get3A_997 : i32 to index
      %get3A_999 = arith.constant 0 : index
      %get3A_1000 = tpu.vector_load %arg6[%get3A_998, %get3A_999] {strides = array<i32>} : memref<56x64xf32, #tpu.memory_space<vmem>>, vector<1x16xf32>,
      %get3A_1001 = vector.shape_cast %get3A_1000 : vector<1x16xf32> to vector<16xf32>
      %add3A_1002 = arith.addf %add3A_978, %get3A_1001 : vector<16xf32>
      %get3A_1003 = arith.constant 41 : i32
      %get3A_1004 = arith.index_cast %get3A_1003 : i32 to index
      %get3A_1005 = arith.constant 16 : index
      %get3A_1006 = tpu.vector_load %arg6[%get3A_1004, %get3A_1005] {strides = array<i32>} : memref<56x64xf32, #tpu.memory_space<vmem>>, vector<1x16xf32>,
      %get3A_1007 = vector.shape_cast %get3A_1006 : vector<1x16xf32> to vector<16xf32>
      %add3A_1008 = arith.addf %add3A_984, %get3A_1007 : vector<16xf32>
      %get3A_1009 = arith.constant 41 : i32
      %get3A_1010 = arith.index_cast %get3A_1009 : i32 to index
      %get3A_1011 = arith.constant 32 : index
      %get3A_1012 = tpu.vector_load %arg6[%get3A_1010, %get3A_1011] {strides = array<i32>} : memref<56x64xf32, #tpu.memory_space<vmem>>, vector<1x16xf32>,
      %get3A_1013 = vector.shape_cast %get3A_1012 : vector<1x16xf32> to vector<16xf32>
      %add3A_1014 = arith.addf %add3A_990, %get3A_1013 : vector<16xf32>
      %get3A_1015 = arith.constant 41 : i32
      %get3A_1016 = arith.index_cast %get3A_1015 : i32 to index
      %get3A_1017 = arith.constant 48 : index
      %get3A_1018 = tpu.vector_load %arg6[%get3A_1016, %get3A_1017] {strides = array<i32>} : memref<56x64xf32, #tpu.memory_space<vmem>>, vector<1x16xf32>,
      %get3A_1019 = vector.shape_cast %get3A_1018 : vector<1x16xf32> to vector<16xf32>
      %add3A_1020 = arith.addf %add3A_996, %get3A_1019 : vector<16xf32>
      %get3A_1021 = arith.constant 42 : i32
      %get3A_1022 = arith.index_cast %get3A_1021 : i32 to index
      %get3A_1023 = arith.constant 0 : index
      %get3A_1024 = tpu.vector_load %arg6[%get3A_1022, %get3A_1023] {strides = array<i32>} : memref<56x64xf32, #tpu.memory_space<vmem>>, vector<1x16xf32>,
      %get3A_1025 = vector.shape_cast %get3A_1024 : vector<1x16xf32> to vector<16xf32>
      %add3A_1026 = arith.addf %add3A_1002, %get3A_1025 : vector<16xf32>
      %get3A_1027 = arith.constant 42 : i32
      %get3A_1028 = arith.index_cast %get3A_1027 : i32 to index
      %get3A_1029 = arith.constant 16 : index
      %get3A_1030 = tpu.vector_load %arg6[%get3A_1028, %get3A_1029] {strides = array<i32>} : memref<56x64xf32, #tpu.memory_space<vmem>>, vector<1x16xf32>,
      %get3A_1031 = vector.shape_cast %get3A_1030 : vector<1x16xf32> to vector<16xf32>
      %add3A_1032 = arith.addf %add3A_1008, %get3A_1031 : vector<16xf32>
      %get3A_1033 = arith.constant 42 : i32
      %get3A_1034 = arith.index_cast %get3A_1033 : i32 to index
      %get3A_1035 = arith.constant 32 : index
      %get3A_1036 = tpu.vector_load %arg6[%get3A_1034, %get3A_1035] {strides = array<i32>} : memref<56x64xf32, #tpu.memory_space<vmem>>, vector<1x16xf32>,
      %get3A_1037 = vector.shape_cast %get3A_1036 : vector<1x16xf32> to vector<16xf32>
      %add3A_1038 = arith.addf %add3A_1014, %get3A_1037 : vector<16xf32>
      %get3A_1039 = arith.constant 42 : i32
      %get3A_1040 = arith.index_cast %get3A_1039 : i32 to index
      %get3A_1041 = arith.constant 48 : index
      %get3A_1042 = tpu.vector_load %arg6[%get3A_1040, %get3A_1041] {strides = array<i32>} : memref<56x64xf32, #tpu.memory_space<vmem>>, vector<1x16xf32>,
      %get3A_1043 = vector.shape_cast %get3A_1042 : vector<1x16xf32> to vector<16xf32>
      %add3A_1044 = arith.addf %add3A_1020, %get3A_1043 : vector<16xf32>
      %get3A_1045 = arith.constant 43 : i32
      %get3A_1046 = arith.index_cast %get3A_1045 : i32 to index
      %get3A_1047 = arith.constant 0 : index
      %get3A_1048 = tpu.vector_load %arg6[%get3A_1046, %get3A_1047] {strides = array<i32>} : memref<56x64xf32, #tpu.memory_space<vmem>>, vector<1x16xf32>,
      %get3A_1049 = vector.shape_cast %get3A_1048 : vector<1x16xf32> to vector<16xf32>
      %add3A_1050 = arith.addf %add3A_1026, %get3A_1049 : vector<16xf32>
      %get3A_1051 = arith.constant 43 : i32
      %get3A_1052 = arith.index_cast %get3A_1051 : i32 to index
      %get3A_1053 = arith.constant 16 : index
      %get3A_1054 = tpu.vector_load %arg6[%get3A_1052, %get3A_1053] {strides = array<i32>} : memref<56x64xf32, #tpu.memory_space<vmem>>, vector<1x16xf32>,
      %get3A_1055 = vector.shape_cast %get3A_1054 : vector<1x16xf32> to vector<16xf32>
      %add3A_1056 = arith.addf %add3A_1032, %get3A_1055 : vector<16xf32>
      %get3A_1057 = arith.constant 43 : i32
      %get3A_1058 = arith.index_cast %get3A_1057 : i32 to index
      %get3A_1059 = arith.constant 32 : index
      %get3A_1060 = tpu.vector_load %arg6[%get3A_1058, %get3A_1059] {strides = array<i32>} : memref<56x64xf32, #tpu.memory_space<vmem>>, vector<1x16xf32>,
      %get3A_1061 = vector.shape_cast %get3A_1060 : vector<1x16xf32> to vector<16xf32>
      %add3A_1062 = arith.addf %add3A_1038, %get3A_1061 : vector<16xf32>
      %get3A_1063 = arith.constant 43 : i32
      %get3A_1064 = arith.index_cast %get3A_1063 : i32 to index
      %get3A_1065 = arith.constant 48 : index
      %get3A_1066 = tpu.vector_load %arg6[%get3A_1064, %get3A_1065] {strides = array<i32>} : memref<56x64xf32, #tpu.memory_space<vmem>>, vector<1x16xf32>,
      %get3A_1067 = vector.shape_cast %get3A_1066 : vector<1x16xf32> to vector<16xf32>
      %add3A_1068 = arith.addf %add3A_1044, %get3A_1067 : vector<16xf32>
      %get3A_1069 = arith.constant 44 : i32
      %get3A_1070 = arith.index_cast %get3A_1069 : i32 to index
      %get3A_1071 = arith.constant 0 : index
      %get3A_1072 = tpu.vector_load %arg6[%get3A_1070, %get3A_1071] {strides = array<i32>} : memref<56x64xf32, #tpu.memory_space<vmem>>, vector<1x16xf32>,
      %get3A_1073 = vector.shape_cast %get3A_1072 : vector<1x16xf32> to vector<16xf32>
      %add3A_1074 = arith.addf %add3A_1050, %get3A_1073 : vector<16xf32>
      %get3A_1075 = arith.constant 44 : i32
      %get3A_1076 = arith.index_cast %get3A_1075 : i32 to index
      %get3A_1077 = arith.constant 16 : index
      %get3A_1078 = tpu.vector_load %arg6[%get3A_1076, %get3A_1077] {strides = array<i32>} : memref<56x64xf32, #tpu.memory_space<vmem>>, vector<1x16xf32>,
      %get3A_1079 = vector.shape_cast %get3A_1078 : vector<1x16xf32> to vector<16xf32>
      %add3A_1080 = arith.addf %add3A_1056, %get3A_1079 : vector<16xf32>
      %get3A_1081 = arith.constant 44 : i32
      %get3A_1082 = arith.index_cast %get3A_1081 : i32 to index
      %get3A_1083 = arith.constant 32 : index
      %get3A_1084 = tpu.vector_load %arg6[%get3A_1082, %get3A_1083] {strides = array<i32>} : memref<56x64xf32, #tpu.memory_space<vmem>>, vector<1x16xf32>,
      %get3A_1085 = vector.shape_cast %get3A_1084 : vector<1x16xf32> to vector<16xf32>
      %add3A_1086 = arith.addf %add3A_1062, %get3A_1085 : vector<16xf32>
      %get3A_1087 = arith.constant 44 : i32
      %get3A_1088 = arith.index_cast %get3A_1087 : i32 to index
      %get3A_1089 = arith.constant 48 : index
      %get3A_1090 = tpu.vector_load %arg6[%get3A_1088, %get3A_1089] {strides = array<i32>} : memref<56x64xf32, #tpu.memory_space<vmem>>, vector<1x16xf32>,
      %get3A_1091 = vector.shape_cast %get3A_1090 : vector<1x16xf32> to vector<16xf32>
      %add3A_1092 = arith.addf %add3A_1068, %get3A_1091 : vector<16xf32>
      %get3A_1093 = arith.constant 45 : i32
      %get3A_1094 = arith.index_cast %get3A_1093 : i32 to index
      %get3A_1095 = arith.constant 0 : index
      %get3A_1096 = tpu.vector_load %arg6[%get3A_1094, %get3A_1095] {strides = array<i32>} : memref<56x64xf32, #tpu.memory_space<vmem>>, vector<1x16xf32>,
      %get3A_1097 = vector.shape_cast %get3A_1096 : vector<1x16xf32> to vector<16xf32>
      %add3A_1098 = arith.addf %add3A_1074, %get3A_1097 : vector<16xf32>
      %get3A_1099 = arith.constant 45 : i32
      %get3A_1100 = arith.index_cast %get3A_1099 : i32 to index
      %get3A_1101 = arith.constant 16 : index
      %get3A_1102 = tpu.vector_load %arg6[%get3A_1100, %get3A_1101] {strides = array<i32>} : memref<56x64xf32, #tpu.memory_space<vmem>>, vector<1x16xf32>,
      %get3A_1103 = vector.shape_cast %get3A_1102 : vector<1x16xf32> to vector<16xf32>
      %add3A_1104 = arith.addf %add3A_1080, %get3A_1103 : vector<16xf32>
      %get3A_1105 = arith.constant 45 : i32
      %get3A_1106 = arith.index_cast %get3A_1105 : i32 to index
      %get3A_1107 = arith.constant 32 : index
      %get3A_1108 = tpu.vector_load %arg6[%get3A_1106, %get3A_1107] {strides = array<i32>} : memref<56x64xf32, #tpu.memory_space<vmem>>, vector<1x16xf32>,
      %get3A_1109 = vector.shape_cast %get3A_1108 : vector<1x16xf32> to vector<16xf32>
      %add3A_1110 = arith.addf %add3A_1086, %get3A_1109 : vector<16xf32>
      %get3A_1111 = arith.constant 45 : i32
      %get3A_1112 = arith.index_cast %get3A_1111 : i32 to index
      %get3A_1113 = arith.constant 48 : index
      %get3A_1114 = tpu.vector_load %arg6[%get3A_1112, %get3A_1113] {strides = array<i32>} : memref<56x64xf32, #tpu.memory_space<vmem>>, vector<1x16xf32>,
      %get3A_1115 = vector.shape_cast %get3A_1114 : vector<1x16xf32> to vector<16xf32>
      %add3A_1116 = arith.addf %add3A_1092, %get3A_1115 : vector<16xf32>
      %get3A_1117 = arith.constant 46 : i32
      %get3A_1118 = arith.index_cast %get3A_1117 : i32 to index
      %get3A_1119 = arith.constant 0 : index
      %get3A_1120 = tpu.vector_load %arg6[%get3A_1118, %get3A_1119] {strides = array<i32>} : memref<56x64xf32, #tpu.memory_space<vmem>>, vector<1x16xf32>,
      %get3A_1121 = vector.shape_cast %get3A_1120 : vector<1x16xf32> to vector<16xf32>
      %add3A_1122 = arith.addf %add3A_1098, %get3A_1121 : vector<16xf32>
      %get3A_1123 = arith.constant 46 : i32
      %get3A_1124 = arith.index_cast %get3A_1123 : i32 to index
      %get3A_1125 = arith.constant 16 : index
      %get3A_1126 = tpu.vector_load %arg6[%get3A_1124, %get3A_1125] {strides = array<i32>} : memref<56x64xf32, #tpu.memory_space<vmem>>, vector<1x16xf32>,
      %get3A_1127 = vector.shape_cast %get3A_1126 : vector<1x16xf32> to vector<16xf32>
      %add3A_1128 = arith.addf %add3A_1104, %get3A_1127 : vector<16xf32>
      %get3A_1129 = arith.constant 46 : i32
      %get3A_1130 = arith.index_cast %get3A_1129 : i32 to index
      %get3A_1131 = arith.constant 32 : index
      %get3A_1132 = tpu.vector_load %arg6[%get3A_1130, %get3A_1131] {strides = array<i32>} : memref<56x64xf32, #tpu.memory_space<vmem>>, vector<1x16xf32>,
      %get3A_1133 = vector.shape_cast %get3A_1132 : vector<1x16xf32> to vector<16xf32>
      %add3A_1134 = arith.addf %add3A_1110, %get3A_1133 : vector<16xf32>
      %get3A_1135 = arith.constant 46 : i32
      %get3A_1136 = arith.index_cast %get3A_1135 : i32 to index
      %get3A_1137 = arith.constant 48 : index
      %get3A_1138 = tpu.vector_load %arg6[%get3A_1136, %get3A_1137] {strides = array<i32>} : memref<56x64xf32, #tpu.memory_space<vmem>>, vector<1x16xf32>,
      %get3A_1139 = vector.shape_cast %get3A_1138 : vector<1x16xf32> to vector<16xf32>
      %add3A_1140 = arith.addf %add3A_1116, %get3A_1139 : vector<16xf32>
      %get3A_1141 = arith.constant 47 : i32
      %get3A_1142 = arith.index_cast %get3A_1141 : i32 to index
      %get3A_1143 = arith.constant 0 : index
      %get3A_1144 = tpu.vector_load %arg6[%get3A_1142, %get3A_1143] {strides = array<i32>} : memref<56x64xf32, #tpu.memory_space<vmem>>, vector<1x16xf32>,
      %get3A_1145 = vector.shape_cast %get3A_1144 : vector<1x16xf32> to vector<16xf32>
      %add3A_1146 = arith.addf %add3A_1122, %get3A_1145 : vector<16xf32>
      %get3A_1147 = arith.constant 47 : i32
      %get3A_1148 = arith.index_cast %get3A_1147 : i32 to index
      %get3A_1149 = arith.constant 16 : index
      %get3A_1150 = tpu.vector_load %arg6[%get3A_1148, %get3A_1149] {strides = array<i32>} : memref<56x64xf32, #tpu.memory_space<vmem>>, vector<1x16xf32>,
      %get3A_1151 = vector.shape_cast %get3A_1150 : vector<1x16xf32> to vector<16xf32>
      %add3A_1152 = arith.addf %add3A_1128, %get3A_1151 : vector<16xf32>
      %get3A_1153 = arith.constant 47 : i32
      %get3A_1154 = arith.index_cast %get3A_1153 : i32 to index
      %get3A_1155 = arith.constant 32 : index
      %get3A_1156 = tpu.vector_load %arg6[%get3A_1154, %get3A_1155] {strides = array<i32>} : memref<56x64xf32, #tpu.memory_space<vmem>>, vector<1x16xf32>,
      %get3A_1157 = vector.shape_cast %get3A_1156 : vector<1x16xf32> to vector<16xf32>
      %add3A_1158 = arith.addf %add3A_1134, %get3A_1157 : vector<16xf32>
      %get3A_1159 = arith.constant 47 : i32
      %get3A_1160 = arith.index_cast %get3A_1159 : i32 to index
      %get3A_1161 = arith.constant 48 : index
      %get3A_1162 = tpu.vector_load %arg6[%get3A_1160, %get3A_1161] {strides = array<i32>} : memref<56x64xf32, #tpu.memory_space<vmem>>, vector<1x16xf32>,
      %get3A_1163 = vector.shape_cast %get3A_1162 : vector<1x16xf32> to vector<16xf32>
      %add3A_1164 = arith.addf %add3A_1140, %get3A_1163 : vector<16xf32>
      %get3A_1165 = arith.constant 48 : i32
      %get3A_1166 = arith.index_cast %get3A_1165 : i32 to index
      %get3A_1167 = arith.constant 0 : index
      %get3A_1168 = tpu.vector_load %arg6[%get3A_1166, %get3A_1167] {strides = array<i32>} : memref<56x64xf32, #tpu.memory_space<vmem>>, vector<1x16xf32>,
      %get3A_1169 = vector.shape_cast %get3A_1168 : vector<1x16xf32> to vector<16xf32>
      %add3A_1170 = arith.addf %add3A_1146, %get3A_1169 : vector<16xf32>
      %get3A_1171 = arith.constant 48 : i32
      %get3A_1172 = arith.index_cast %get3A_1171 : i32 to index
      %get3A_1173 = arith.constant 16 : index
      %get3A_1174 = tpu.vector_load %arg6[%get3A_1172, %get3A_1173] {strides = array<i32>} : memref<56x64xf32, #tpu.memory_space<vmem>>, vector<1x16xf32>,
      %get3A_1175 = vector.shape_cast %get3A_1174 : vector<1x16xf32> to vector<16xf32>
      %add3A_1176 = arith.addf %add3A_1152, %get3A_1175 : vector<16xf32>
      %get3A_1177 = arith.constant 48 : i32
      %get3A_1178 = arith.index_cast %get3A_1177 : i32 to index
      %get3A_1179 = arith.constant 32 : index
      %get3A_1180 = tpu.vector_load %arg6[%get3A_1178, %get3A_1179] {strides = array<i32>} : memref<56x64xf32, #tpu.memory_space<vmem>>, vector<1x16xf32>,
      %get3A_1181 = vector.shape_cast %get3A_1180 : vector<1x16xf32> to vector<16xf32>
      %add3A_1182 = arith.addf %add3A_1158, %get3A_1181 : vector<16xf32>
      %get3A_1183 = arith.constant 48 : i32
      %get3A_1184 = arith.index_cast %get3A_1183 : i32 to index
      %get3A_1185 = arith.constant 48 : index
      %get3A_1186 = tpu.vector_load %arg6[%get3A_1184, %get3A_1185] {strides = array<i32>} : memref<56x64xf32, #tpu.memory_space<vmem>>, vector<1x16xf32>,
      %get3A_1187 = vector.shape_cast %get3A_1186 : vector<1x16xf32> to vector<16xf32>
      %add3A_1188 = arith.addf %add3A_1164, %get3A_1187 : vector<16xf32>
      %get3A_1189 = arith.constant 49 : i32
      %get3A_1190 = arith.index_cast %get3A_1189 : i32 to index
      %get3A_1191 = arith.constant 0 : index
      %get3A_1192 = tpu.vector_load %arg6[%get3A_1190, %get3A_1191] {strides = array<i32>} : memref<56x64xf32, #tpu.memory_space<vmem>>, vector<1x16xf32>,
      %get3A_1193 = vector.shape_cast %get3A_1192 : vector<1x16xf32> to vector<16xf32>
      %add3A_1194 = arith.addf %add3A_1170, %get3A_1193 : vector<16xf32>
      %get3A_1195 = arith.constant 49 : i32
      %get3A_1196 = arith.index_cast %get3A_1195 : i32 to index
      %get3A_1197 = arith.constant 16 : index
      %get3A_1198 = tpu.vector_load %arg6[%get3A_1196, %get3A_1197] {strides = array<i32>} : memref<56x64xf32, #tpu.memory_space<vmem>>, vector<1x16xf32>,
      %get3A_1199 = vector.shape_cast %get3A_1198 : vector<1x16xf32> to vector<16xf32>
      %add3A_1200 = arith.addf %add3A_1176, %get3A_1199 : vector<16xf32>
      %get3A_1201 = arith.constant 49 : i32
      %get3A_1202 = arith.index_cast %get3A_1201 : i32 to index
      %get3A_1203 = arith.constant 32 : index
      %get3A_1204 = tpu.vector_load %arg6[%get3A_1202, %get3A_1203] {strides = array<i32>} : memref<56x64xf32, #tpu.memory_space<vmem>>, vector<1x16xf32>,
      %get3A_1205 = vector.shape_cast %get3A_1204 : vector<1x16xf32> to vector<16xf32>
      %add3A_1206 = arith.addf %add3A_1182, %get3A_1205 : vector<16xf32>
      %get3A_1207 = arith.constant 49 : i32
      %get3A_1208 = arith.index_cast %get3A_1207 : i32 to index
      %get3A_1209 = arith.constant 48 : index
      %get3A_1210 = tpu.vector_load %arg6[%get3A_1208, %get3A_1209] {strides = array<i32>} : memref<56x64xf32, #tpu.memory_space<vmem>>, vector<1x16xf32>,
      %get3A_1211 = vector.shape_cast %get3A_1210 : vector<1x16xf32> to vector<16xf32>
      %add3A_1212 = arith.addf %add3A_1188, %get3A_1211 : vector<16xf32>
      %swap3A = arith.constant 0 : index
      %swap3A_1213 = tpu.vector_load %arg7[%swap3A] {strides = array<i32>} : memref<64xf32, #tpu.memory_space<vmem>>, vector<16xf32>,
      %swap3A_1214 = vector.shape_cast %swap3A_1213 : vector<16xf32> to vector<16xf32>
      %swap3A_1215 = vector.shape_cast %add3A_1194 : vector<16xf32> to vector<16xf32>
      tpu.vector_store %arg7[%swap3A], %swap3A_1215 {strides = array<i32>} : memref<64xf32, #tpu.memory_space<vmem>>, vector<16xf32>,
      %swap3A_1216 = arith.constant 16 : index
      %swap3A_1217 = tpu.vector_load %arg7[%swap3A_1216] {strides = array<i32>} : memref<64xf32, #tpu.memory_space<vmem>>, vector<16xf32>,
      %swap3A_1218 = vector.shape_cast %swap3A_1217 : vector<16xf32> to vector<16xf32>
      %swap3A_1219 = vector.shape_cast %add3A_1200 : vector<16xf32> to vector<16xf32>
      tpu.vector_store %arg7[%swap3A_1216], %swap3A_1219 {strides = array<i32>} : memref<64xf32, #tpu.memory_space<vmem>>, vector<16xf32>,
      %swap3A_1220 = arith.constant 32 : index
      %swap3A_1221 = tpu.vector_load %arg7[%swap3A_1220] {strides = array<i32>} : memref<64xf32, #tpu.memory_space<vmem>>, vector<16xf32>,
      %swap3A_1222 = vector.shape_cast %swap3A_1221 : vector<16xf32> to vector<16xf32>
      %swap3A_1223 = vector.shape_cast %add3A_1206 : vector<16xf32> to vector<16xf32>
      tpu.vector_store %arg7[%swap3A_1220], %swap3A_1223 {strides = array<i32>} : memref<64xf32, #tpu.memory_space<vmem>>, vector<16xf32>,
      %swap3A_1224 = arith.constant 48 : index
      %swap3A_1225 = tpu.vector_load %arg7[%swap3A_1224] {strides = array<i32>} : memref<64xf32, #tpu.memory_space<vmem>>, vector<16xf32>,
      %swap3A_1226 = vector.shape_cast %swap3A_1225 : vector<16xf32> to vector<16xf32>
      %swap3A_1227 = vector.shape_cast %add3A_1212 : vector<16xf32> to vector<16xf32>
      tpu.vector_store %arg7[%swap3A_1224], %swap3A_1227 {strides = array<i32>} : memref<64xf32, #tpu.memory_space<vmem>>, vector<16xf32>,
      "tpu.region"() ({
        %run_scoped3A = tpu.sem_alloc : memref<!tpu.dma_semaphore, #tpu.memory_space<semaphore_mem>>
        tpu.enqueue_dma source(%arg7 : memref<64xf32, #tpu.memory_space<vmem>>) target(%arg4 : memref<64xf32, #tpu.memory_space<hbm>>) target_semaphore(%run_scoped3A : memref<!tpu.dma_semaphore, #tpu.memory_space<semaphore_mem>>)
        tpu.wait_dma2 semaphore(%run_scoped3A : memref<!tpu.dma_semaphore, #tpu.memory_space<semaphore_mem>>) src(%arg7 : memref<64xf32, #tpu.memory_space<vmem>>) dst(%arg4 : memref<64xf32, #tpu.memory_space<hbm>>)
        tpu.yield
      }) : () -> ()
    } else {
    }
    return
  }
}

module attributes {stable_mosaic.version = 14 : i64} {
  func.func @_tc_body(%arg0: i32, %arg1: memref<200xi32, #tpu.memory_space<smem>>, %arg2: memref<1000001x64xf32, #tpu.memory_space<any>>, %arg3: memref<200x64xf32, #tpu.memory_space<vmem>>, %arg4: memref<!tpu.dma_semaphore, #tpu.memory_space<semaphore_mem>>) attributes {dimension_semantics = [#tpu.dimension_semantics<arbitrary>], iteration_bounds = array<i64: 1>, scalar_prefetch = 1 : i64, scratch_operands = 1 : i64, tpu.core_type = #tpu.core_type<tc>, window_params = [{}, {pipeline_mode = #tpu.pipeline_mode<synchronous>, transform_indices = @transform_1, window_bounds = array<i64: 200, 64>}]} {
    %get3A = arith.constant 0 : index
    %get3A_0 = memref.load %arg1[%get3A] : memref<200xi32, #tpu.memory_space<smem>>
    %dma_start3A = arith.constant 0 : i32
    %dma_start3A_1 = arith.constant 0 : i32
    %dma_start3A_2 = tpu.memref_slice %arg3[%dma_start3A, %dma_start3A_1] : memref<200x64xf32, #tpu.memory_space<vmem>> -> memref<1x64xf32, #tpu.memory_space<vmem>>
    %dma_start3A_3 = arith.constant 0 : i32
    %dma_start3A_4 = tpu.memref_slice %arg2[%get3A_0, %dma_start3A_3] : memref<1000001x64xf32, #tpu.memory_space<any>> -> memref<1x64xf32, #tpu.memory_space<any>>
    tpu.enqueue_dma source(%dma_start3A_4 : memref<1x64xf32, #tpu.memory_space<any>>) target(%dma_start3A_2 : memref<1x64xf32, #tpu.memory_space<vmem>>) target_semaphore(%arg4 : memref<!tpu.dma_semaphore, #tpu.memory_space<semaphore_mem>>)
    %get3A_5 = arith.constant 1 : index
    %get3A_6 = memref.load %arg1[%get3A_5] : memref<200xi32, #tpu.memory_space<smem>>
    %dma_start3A_7 = arith.constant 1 : i32
    %dma_start3A_8 = arith.constant 0 : i32
    %dma_start3A_9 = tpu.memref_slice %arg3[%dma_start3A_7, %dma_start3A_8] : memref<200x64xf32, #tpu.memory_space<vmem>> -> memref<1x64xf32, #tpu.memory_space<vmem>>
    %dma_start3A_10 = arith.constant 0 : i32
    %dma_start3A_11 = tpu.memref_slice %arg2[%get3A_6, %dma_start3A_10] : memref<1000001x64xf32, #tpu.memory_space<any>> -> memref<1x64xf32, #tpu.memory_space<any>>
    tpu.enqueue_dma source(%dma_start3A_11 : memref<1x64xf32, #tpu.memory_space<any>>) target(%dma_start3A_9 : memref<1x64xf32, #tpu.memory_space<vmem>>) target_semaphore(%arg4 : memref<!tpu.dma_semaphore, #tpu.memory_space<semaphore_mem>>)
    %get3A_12 = arith.constant 2 : index
    %get3A_13 = memref.load %arg1[%get3A_12] : memref<200xi32, #tpu.memory_space<smem>>
    %dma_start3A_14 = arith.constant 2 : i32
    %dma_start3A_15 = arith.constant 0 : i32
    %dma_start3A_16 = tpu.memref_slice %arg3[%dma_start3A_14, %dma_start3A_15] : memref<200x64xf32, #tpu.memory_space<vmem>> -> memref<1x64xf32, #tpu.memory_space<vmem>>
    %dma_start3A_17 = arith.constant 0 : i32
    %dma_start3A_18 = tpu.memref_slice %arg2[%get3A_13, %dma_start3A_17] : memref<1000001x64xf32, #tpu.memory_space<any>> -> memref<1x64xf32, #tpu.memory_space<any>>
    tpu.enqueue_dma source(%dma_start3A_18 : memref<1x64xf32, #tpu.memory_space<any>>) target(%dma_start3A_16 : memref<1x64xf32, #tpu.memory_space<vmem>>) target_semaphore(%arg4 : memref<!tpu.dma_semaphore, #tpu.memory_space<semaphore_mem>>)
    %get3A_19 = arith.constant 3 : index
    %get3A_20 = memref.load %arg1[%get3A_19] : memref<200xi32, #tpu.memory_space<smem>>
    %dma_start3A_21 = arith.constant 3 : i32
    %dma_start3A_22 = arith.constant 0 : i32
    %dma_start3A_23 = tpu.memref_slice %arg3[%dma_start3A_21, %dma_start3A_22] : memref<200x64xf32, #tpu.memory_space<vmem>> -> memref<1x64xf32, #tpu.memory_space<vmem>>
    %dma_start3A_24 = arith.constant 0 : i32
    %dma_start3A_25 = tpu.memref_slice %arg2[%get3A_20, %dma_start3A_24] : memref<1000001x64xf32, #tpu.memory_space<any>> -> memref<1x64xf32, #tpu.memory_space<any>>
    tpu.enqueue_dma source(%dma_start3A_25 : memref<1x64xf32, #tpu.memory_space<any>>) target(%dma_start3A_23 : memref<1x64xf32, #tpu.memory_space<vmem>>) target_semaphore(%arg4 : memref<!tpu.dma_semaphore, #tpu.memory_space<semaphore_mem>>)
    %get3A_26 = arith.constant 4 : index
    %get3A_27 = memref.load %arg1[%get3A_26] : memref<200xi32, #tpu.memory_space<smem>>
    %dma_start3A_28 = arith.constant 4 : i32
    %dma_start3A_29 = arith.constant 0 : i32
    %dma_start3A_30 = tpu.memref_slice %arg3[%dma_start3A_28, %dma_start3A_29] : memref<200x64xf32, #tpu.memory_space<vmem>> -> memref<1x64xf32, #tpu.memory_space<vmem>>
    %dma_start3A_31 = arith.constant 0 : i32
    %dma_start3A_32 = tpu.memref_slice %arg2[%get3A_27, %dma_start3A_31] : memref<1000001x64xf32, #tpu.memory_space<any>> -> memref<1x64xf32, #tpu.memory_space<any>>
    tpu.enqueue_dma source(%dma_start3A_32 : memref<1x64xf32, #tpu.memory_space<any>>) target(%dma_start3A_30 : memref<1x64xf32, #tpu.memory_space<vmem>>) target_semaphore(%arg4 : memref<!tpu.dma_semaphore, #tpu.memory_space<semaphore_mem>>)
    %get3A_33 = arith.constant 5 : index
    %get3A_34 = memref.load %arg1[%get3A_33] : memref<200xi32, #tpu.memory_space<smem>>
    %dma_start3A_35 = arith.constant 5 : i32
    %dma_start3A_36 = arith.constant 0 : i32
    %dma_start3A_37 = tpu.memref_slice %arg3[%dma_start3A_35, %dma_start3A_36] : memref<200x64xf32, #tpu.memory_space<vmem>> -> memref<1x64xf32, #tpu.memory_space<vmem>>
    %dma_start3A_38 = arith.constant 0 : i32
    %dma_start3A_39 = tpu.memref_slice %arg2[%get3A_34, %dma_start3A_38] : memref<1000001x64xf32, #tpu.memory_space<any>> -> memref<1x64xf32, #tpu.memory_space<any>>
    tpu.enqueue_dma source(%dma_start3A_39 : memref<1x64xf32, #tpu.memory_space<any>>) target(%dma_start3A_37 : memref<1x64xf32, #tpu.memory_space<vmem>>) target_semaphore(%arg4 : memref<!tpu.dma_semaphore, #tpu.memory_space<semaphore_mem>>)
    %get3A_40 = arith.constant 6 : index
    %get3A_41 = memref.load %arg1[%get3A_40] : memref<200xi32, #tpu.memory_space<smem>>
    %dma_start3A_42 = arith.constant 6 : i32
    %dma_start3A_43 = arith.constant 0 : i32
    %dma_start3A_44 = tpu.memref_slice %arg3[%dma_start3A_42, %dma_start3A_43] : memref<200x64xf32, #tpu.memory_space<vmem>> -> memref<1x64xf32, #tpu.memory_space<vmem>>
    %dma_start3A_45 = arith.constant 0 : i32
    %dma_start3A_46 = tpu.memref_slice %arg2[%get3A_41, %dma_start3A_45] : memref<1000001x64xf32, #tpu.memory_space<any>> -> memref<1x64xf32, #tpu.memory_space<any>>
    tpu.enqueue_dma source(%dma_start3A_46 : memref<1x64xf32, #tpu.memory_space<any>>) target(%dma_start3A_44 : memref<1x64xf32, #tpu.memory_space<vmem>>) target_semaphore(%arg4 : memref<!tpu.dma_semaphore, #tpu.memory_space<semaphore_mem>>)
    %get3A_47 = arith.constant 7 : index
    %get3A_48 = memref.load %arg1[%get3A_47] : memref<200xi32, #tpu.memory_space<smem>>
    %dma_start3A_49 = arith.constant 7 : i32
    %dma_start3A_50 = arith.constant 0 : i32
    %dma_start3A_51 = tpu.memref_slice %arg3[%dma_start3A_49, %dma_start3A_50] : memref<200x64xf32, #tpu.memory_space<vmem>> -> memref<1x64xf32, #tpu.memory_space<vmem>>
    %dma_start3A_52 = arith.constant 0 : i32
    %dma_start3A_53 = tpu.memref_slice %arg2[%get3A_48, %dma_start3A_52] : memref<1000001x64xf32, #tpu.memory_space<any>> -> memref<1x64xf32, #tpu.memory_space<any>>
    tpu.enqueue_dma source(%dma_start3A_53 : memref<1x64xf32, #tpu.memory_space<any>>) target(%dma_start3A_51 : memref<1x64xf32, #tpu.memory_space<vmem>>) target_semaphore(%arg4 : memref<!tpu.dma_semaphore, #tpu.memory_space<semaphore_mem>>)
    %get3A_54 = arith.constant 8 : index
    %get3A_55 = memref.load %arg1[%get3A_54] : memref<200xi32, #tpu.memory_space<smem>>
    %dma_start3A_56 = arith.constant 8 : i32
    %dma_start3A_57 = arith.constant 0 : i32
    %dma_start3A_58 = tpu.memref_slice %arg3[%dma_start3A_56, %dma_start3A_57] : memref<200x64xf32, #tpu.memory_space<vmem>> -> memref<1x64xf32, #tpu.memory_space<vmem>>
    %dma_start3A_59 = arith.constant 0 : i32
    %dma_start3A_60 = tpu.memref_slice %arg2[%get3A_55, %dma_start3A_59] : memref<1000001x64xf32, #tpu.memory_space<any>> -> memref<1x64xf32, #tpu.memory_space<any>>
    tpu.enqueue_dma source(%dma_start3A_60 : memref<1x64xf32, #tpu.memory_space<any>>) target(%dma_start3A_58 : memref<1x64xf32, #tpu.memory_space<vmem>>) target_semaphore(%arg4 : memref<!tpu.dma_semaphore, #tpu.memory_space<semaphore_mem>>)
    %get3A_61 = arith.constant 9 : index
    %get3A_62 = memref.load %arg1[%get3A_61] : memref<200xi32, #tpu.memory_space<smem>>
    %dma_start3A_63 = arith.constant 9 : i32
    %dma_start3A_64 = arith.constant 0 : i32
    %dma_start3A_65 = tpu.memref_slice %arg3[%dma_start3A_63, %dma_start3A_64] : memref<200x64xf32, #tpu.memory_space<vmem>> -> memref<1x64xf32, #tpu.memory_space<vmem>>
    %dma_start3A_66 = arith.constant 0 : i32
    %dma_start3A_67 = tpu.memref_slice %arg2[%get3A_62, %dma_start3A_66] : memref<1000001x64xf32, #tpu.memory_space<any>> -> memref<1x64xf32, #tpu.memory_space<any>>
    tpu.enqueue_dma source(%dma_start3A_67 : memref<1x64xf32, #tpu.memory_space<any>>) target(%dma_start3A_65 : memref<1x64xf32, #tpu.memory_space<vmem>>) target_semaphore(%arg4 : memref<!tpu.dma_semaphore, #tpu.memory_space<semaphore_mem>>)
    %get3A_68 = arith.constant 10 : index
    %get3A_69 = memref.load %arg1[%get3A_68] : memref<200xi32, #tpu.memory_space<smem>>
    %dma_start3A_70 = arith.constant 10 : i32
    %dma_start3A_71 = arith.constant 0 : i32
    %dma_start3A_72 = tpu.memref_slice %arg3[%dma_start3A_70, %dma_start3A_71] : memref<200x64xf32, #tpu.memory_space<vmem>> -> memref<1x64xf32, #tpu.memory_space<vmem>>
    %dma_start3A_73 = arith.constant 0 : i32
    %dma_start3A_74 = tpu.memref_slice %arg2[%get3A_69, %dma_start3A_73] : memref<1000001x64xf32, #tpu.memory_space<any>> -> memref<1x64xf32, #tpu.memory_space<any>>
    tpu.enqueue_dma source(%dma_start3A_74 : memref<1x64xf32, #tpu.memory_space<any>>) target(%dma_start3A_72 : memref<1x64xf32, #tpu.memory_space<vmem>>) target_semaphore(%arg4 : memref<!tpu.dma_semaphore, #tpu.memory_space<semaphore_mem>>)
    %get3A_75 = arith.constant 11 : index
    %get3A_76 = memref.load %arg1[%get3A_75] : memref<200xi32, #tpu.memory_space<smem>>
    %dma_start3A_77 = arith.constant 11 : i32
    %dma_start3A_78 = arith.constant 0 : i32
    %dma_start3A_79 = tpu.memref_slice %arg3[%dma_start3A_77, %dma_start3A_78] : memref<200x64xf32, #tpu.memory_space<vmem>> -> memref<1x64xf32, #tpu.memory_space<vmem>>
    %dma_start3A_80 = arith.constant 0 : i32
    %dma_start3A_81 = tpu.memref_slice %arg2[%get3A_76, %dma_start3A_80] : memref<1000001x64xf32, #tpu.memory_space<any>> -> memref<1x64xf32, #tpu.memory_space<any>>
    tpu.enqueue_dma source(%dma_start3A_81 : memref<1x64xf32, #tpu.memory_space<any>>) target(%dma_start3A_79 : memref<1x64xf32, #tpu.memory_space<vmem>>) target_semaphore(%arg4 : memref<!tpu.dma_semaphore, #tpu.memory_space<semaphore_mem>>)
    %get3A_82 = arith.constant 12 : index
    %get3A_83 = memref.load %arg1[%get3A_82] : memref<200xi32, #tpu.memory_space<smem>>
    %dma_start3A_84 = arith.constant 12 : i32
    %dma_start3A_85 = arith.constant 0 : i32
    %dma_start3A_86 = tpu.memref_slice %arg3[%dma_start3A_84, %dma_start3A_85] : memref<200x64xf32, #tpu.memory_space<vmem>> -> memref<1x64xf32, #tpu.memory_space<vmem>>
    %dma_start3A_87 = arith.constant 0 : i32
    %dma_start3A_88 = tpu.memref_slice %arg2[%get3A_83, %dma_start3A_87] : memref<1000001x64xf32, #tpu.memory_space<any>> -> memref<1x64xf32, #tpu.memory_space<any>>
    tpu.enqueue_dma source(%dma_start3A_88 : memref<1x64xf32, #tpu.memory_space<any>>) target(%dma_start3A_86 : memref<1x64xf32, #tpu.memory_space<vmem>>) target_semaphore(%arg4 : memref<!tpu.dma_semaphore, #tpu.memory_space<semaphore_mem>>)
    %get3A_89 = arith.constant 13 : index
    %get3A_90 = memref.load %arg1[%get3A_89] : memref<200xi32, #tpu.memory_space<smem>>
    %dma_start3A_91 = arith.constant 13 : i32
    %dma_start3A_92 = arith.constant 0 : i32
    %dma_start3A_93 = tpu.memref_slice %arg3[%dma_start3A_91, %dma_start3A_92] : memref<200x64xf32, #tpu.memory_space<vmem>> -> memref<1x64xf32, #tpu.memory_space<vmem>>
    %dma_start3A_94 = arith.constant 0 : i32
    %dma_start3A_95 = tpu.memref_slice %arg2[%get3A_90, %dma_start3A_94] : memref<1000001x64xf32, #tpu.memory_space<any>> -> memref<1x64xf32, #tpu.memory_space<any>>
    tpu.enqueue_dma source(%dma_start3A_95 : memref<1x64xf32, #tpu.memory_space<any>>) target(%dma_start3A_93 : memref<1x64xf32, #tpu.memory_space<vmem>>) target_semaphore(%arg4 : memref<!tpu.dma_semaphore, #tpu.memory_space<semaphore_mem>>)
    %get3A_96 = arith.constant 14 : index
    %get3A_97 = memref.load %arg1[%get3A_96] : memref<200xi32, #tpu.memory_space<smem>>
    %dma_start3A_98 = arith.constant 14 : i32
    %dma_start3A_99 = arith.constant 0 : i32
    %dma_start3A_100 = tpu.memref_slice %arg3[%dma_start3A_98, %dma_start3A_99] : memref<200x64xf32, #tpu.memory_space<vmem>> -> memref<1x64xf32, #tpu.memory_space<vmem>>
    %dma_start3A_101 = arith.constant 0 : i32
    %dma_start3A_102 = tpu.memref_slice %arg2[%get3A_97, %dma_start3A_101] : memref<1000001x64xf32, #tpu.memory_space<any>> -> memref<1x64xf32, #tpu.memory_space<any>>
    tpu.enqueue_dma source(%dma_start3A_102 : memref<1x64xf32, #tpu.memory_space<any>>) target(%dma_start3A_100 : memref<1x64xf32, #tpu.memory_space<vmem>>) target_semaphore(%arg4 : memref<!tpu.dma_semaphore, #tpu.memory_space<semaphore_mem>>)
    %get3A_103 = arith.constant 15 : index
    %get3A_104 = memref.load %arg1[%get3A_103] : memref<200xi32, #tpu.memory_space<smem>>
    %dma_start3A_105 = arith.constant 15 : i32
    %dma_start3A_106 = arith.constant 0 : i32
    %dma_start3A_107 = tpu.memref_slice %arg3[%dma_start3A_105, %dma_start3A_106] : memref<200x64xf32, #tpu.memory_space<vmem>> -> memref<1x64xf32, #tpu.memory_space<vmem>>
    %dma_start3A_108 = arith.constant 0 : i32
    %dma_start3A_109 = tpu.memref_slice %arg2[%get3A_104, %dma_start3A_108] : memref<1000001x64xf32, #tpu.memory_space<any>> -> memref<1x64xf32, #tpu.memory_space<any>>
    tpu.enqueue_dma source(%dma_start3A_109 : memref<1x64xf32, #tpu.memory_space<any>>) target(%dma_start3A_107 : memref<1x64xf32, #tpu.memory_space<vmem>>) target_semaphore(%arg4 : memref<!tpu.dma_semaphore, #tpu.memory_space<semaphore_mem>>)
    %get3A_110 = arith.constant 16 : index
    %get3A_111 = memref.load %arg1[%get3A_110] : memref<200xi32, #tpu.memory_space<smem>>
    %dma_start3A_112 = arith.constant 16 : i32
    %dma_start3A_113 = arith.constant 0 : i32
    %dma_start3A_114 = tpu.memref_slice %arg3[%dma_start3A_112, %dma_start3A_113] : memref<200x64xf32, #tpu.memory_space<vmem>> -> memref<1x64xf32, #tpu.memory_space<vmem>>
    %dma_start3A_115 = arith.constant 0 : i32
    %dma_start3A_116 = tpu.memref_slice %arg2[%get3A_111, %dma_start3A_115] : memref<1000001x64xf32, #tpu.memory_space<any>> -> memref<1x64xf32, #tpu.memory_space<any>>
    tpu.enqueue_dma source(%dma_start3A_116 : memref<1x64xf32, #tpu.memory_space<any>>) target(%dma_start3A_114 : memref<1x64xf32, #tpu.memory_space<vmem>>) target_semaphore(%arg4 : memref<!tpu.dma_semaphore, #tpu.memory_space<semaphore_mem>>)
    %get3A_117 = arith.constant 17 : index
    %get3A_118 = memref.load %arg1[%get3A_117] : memref<200xi32, #tpu.memory_space<smem>>
    %dma_start3A_119 = arith.constant 17 : i32
    %dma_start3A_120 = arith.constant 0 : i32
    %dma_start3A_121 = tpu.memref_slice %arg3[%dma_start3A_119, %dma_start3A_120] : memref<200x64xf32, #tpu.memory_space<vmem>> -> memref<1x64xf32, #tpu.memory_space<vmem>>
    %dma_start3A_122 = arith.constant 0 : i32
    %dma_start3A_123 = tpu.memref_slice %arg2[%get3A_118, %dma_start3A_122] : memref<1000001x64xf32, #tpu.memory_space<any>> -> memref<1x64xf32, #tpu.memory_space<any>>
    tpu.enqueue_dma source(%dma_start3A_123 : memref<1x64xf32, #tpu.memory_space<any>>) target(%dma_start3A_121 : memref<1x64xf32, #tpu.memory_space<vmem>>) target_semaphore(%arg4 : memref<!tpu.dma_semaphore, #tpu.memory_space<semaphore_mem>>)
    %get3A_124 = arith.constant 18 : index
    %get3A_125 = memref.load %arg1[%get3A_124] : memref<200xi32, #tpu.memory_space<smem>>
    %dma_start3A_126 = arith.constant 18 : i32
    %dma_start3A_127 = arith.constant 0 : i32
    %dma_start3A_128 = tpu.memref_slice %arg3[%dma_start3A_126, %dma_start3A_127] : memref<200x64xf32, #tpu.memory_space<vmem>> -> memref<1x64xf32, #tpu.memory_space<vmem>>
    %dma_start3A_129 = arith.constant 0 : i32
    %dma_start3A_130 = tpu.memref_slice %arg2[%get3A_125, %dma_start3A_129] : memref<1000001x64xf32, #tpu.memory_space<any>> -> memref<1x64xf32, #tpu.memory_space<any>>
    tpu.enqueue_dma source(%dma_start3A_130 : memref<1x64xf32, #tpu.memory_space<any>>) target(%dma_start3A_128 : memref<1x64xf32, #tpu.memory_space<vmem>>) target_semaphore(%arg4 : memref<!tpu.dma_semaphore, #tpu.memory_space<semaphore_mem>>)
    %get3A_131 = arith.constant 19 : index
    %get3A_132 = memref.load %arg1[%get3A_131] : memref<200xi32, #tpu.memory_space<smem>>
    %dma_start3A_133 = arith.constant 19 : i32
    %dma_start3A_134 = arith.constant 0 : i32
    %dma_start3A_135 = tpu.memref_slice %arg3[%dma_start3A_133, %dma_start3A_134] : memref<200x64xf32, #tpu.memory_space<vmem>> -> memref<1x64xf32, #tpu.memory_space<vmem>>
    %dma_start3A_136 = arith.constant 0 : i32
    %dma_start3A_137 = tpu.memref_slice %arg2[%get3A_132, %dma_start3A_136] : memref<1000001x64xf32, #tpu.memory_space<any>> -> memref<1x64xf32, #tpu.memory_space<any>>
    tpu.enqueue_dma source(%dma_start3A_137 : memref<1x64xf32, #tpu.memory_space<any>>) target(%dma_start3A_135 : memref<1x64xf32, #tpu.memory_space<vmem>>) target_semaphore(%arg4 : memref<!tpu.dma_semaphore, #tpu.memory_space<semaphore_mem>>)
    %get3A_138 = arith.constant 20 : index
    %get3A_139 = memref.load %arg1[%get3A_138] : memref<200xi32, #tpu.memory_space<smem>>
    %dma_start3A_140 = arith.constant 20 : i32
    %dma_start3A_141 = arith.constant 0 : i32
    %dma_start3A_142 = tpu.memref_slice %arg3[%dma_start3A_140, %dma_start3A_141] : memref<200x64xf32, #tpu.memory_space<vmem>> -> memref<1x64xf32, #tpu.memory_space<vmem>>
    %dma_start3A_143 = arith.constant 0 : i32
    %dma_start3A_144 = tpu.memref_slice %arg2[%get3A_139, %dma_start3A_143] : memref<1000001x64xf32, #tpu.memory_space<any>> -> memref<1x64xf32, #tpu.memory_space<any>>
    tpu.enqueue_dma source(%dma_start3A_144 : memref<1x64xf32, #tpu.memory_space<any>>) target(%dma_start3A_142 : memref<1x64xf32, #tpu.memory_space<vmem>>) target_semaphore(%arg4 : memref<!tpu.dma_semaphore, #tpu.memory_space<semaphore_mem>>)
    %get3A_145 = arith.constant 21 : index
    %get3A_146 = memref.load %arg1[%get3A_145] : memref<200xi32, #tpu.memory_space<smem>>
    %dma_start3A_147 = arith.constant 21 : i32
    %dma_start3A_148 = arith.constant 0 : i32
    %dma_start3A_149 = tpu.memref_slice %arg3[%dma_start3A_147, %dma_start3A_148] : memref<200x64xf32, #tpu.memory_space<vmem>> -> memref<1x64xf32, #tpu.memory_space<vmem>>
    %dma_start3A_150 = arith.constant 0 : i32
    %dma_start3A_151 = tpu.memref_slice %arg2[%get3A_146, %dma_start3A_150] : memref<1000001x64xf32, #tpu.memory_space<any>> -> memref<1x64xf32, #tpu.memory_space<any>>
    tpu.enqueue_dma source(%dma_start3A_151 : memref<1x64xf32, #tpu.memory_space<any>>) target(%dma_start3A_149 : memref<1x64xf32, #tpu.memory_space<vmem>>) target_semaphore(%arg4 : memref<!tpu.dma_semaphore, #tpu.memory_space<semaphore_mem>>)
    %get3A_152 = arith.constant 22 : index
    %get3A_153 = memref.load %arg1[%get3A_152] : memref<200xi32, #tpu.memory_space<smem>>
    %dma_start3A_154 = arith.constant 22 : i32
    %dma_start3A_155 = arith.constant 0 : i32
    %dma_start3A_156 = tpu.memref_slice %arg3[%dma_start3A_154, %dma_start3A_155] : memref<200x64xf32, #tpu.memory_space<vmem>> -> memref<1x64xf32, #tpu.memory_space<vmem>>
    %dma_start3A_157 = arith.constant 0 : i32
    %dma_start3A_158 = tpu.memref_slice %arg2[%get3A_153, %dma_start3A_157] : memref<1000001x64xf32, #tpu.memory_space<any>> -> memref<1x64xf32, #tpu.memory_space<any>>
    tpu.enqueue_dma source(%dma_start3A_158 : memref<1x64xf32, #tpu.memory_space<any>>) target(%dma_start3A_156 : memref<1x64xf32, #tpu.memory_space<vmem>>) target_semaphore(%arg4 : memref<!tpu.dma_semaphore, #tpu.memory_space<semaphore_mem>>)
    %get3A_159 = arith.constant 23 : index
    %get3A_160 = memref.load %arg1[%get3A_159] : memref<200xi32, #tpu.memory_space<smem>>
    %dma_start3A_161 = arith.constant 23 : i32
    %dma_start3A_162 = arith.constant 0 : i32
    %dma_start3A_163 = tpu.memref_slice %arg3[%dma_start3A_161, %dma_start3A_162] : memref<200x64xf32, #tpu.memory_space<vmem>> -> memref<1x64xf32, #tpu.memory_space<vmem>>
    %dma_start3A_164 = arith.constant 0 : i32
    %dma_start3A_165 = tpu.memref_slice %arg2[%get3A_160, %dma_start3A_164] : memref<1000001x64xf32, #tpu.memory_space<any>> -> memref<1x64xf32, #tpu.memory_space<any>>
    tpu.enqueue_dma source(%dma_start3A_165 : memref<1x64xf32, #tpu.memory_space<any>>) target(%dma_start3A_163 : memref<1x64xf32, #tpu.memory_space<vmem>>) target_semaphore(%arg4 : memref<!tpu.dma_semaphore, #tpu.memory_space<semaphore_mem>>)
    %get3A_166 = arith.constant 24 : index
    %get3A_167 = memref.load %arg1[%get3A_166] : memref<200xi32, #tpu.memory_space<smem>>
    %dma_start3A_168 = arith.constant 24 : i32
    %dma_start3A_169 = arith.constant 0 : i32
    %dma_start3A_170 = tpu.memref_slice %arg3[%dma_start3A_168, %dma_start3A_169] : memref<200x64xf32, #tpu.memory_space<vmem>> -> memref<1x64xf32, #tpu.memory_space<vmem>>
    %dma_start3A_171 = arith.constant 0 : i32
    %dma_start3A_172 = tpu.memref_slice %arg2[%get3A_167, %dma_start3A_171] : memref<1000001x64xf32, #tpu.memory_space<any>> -> memref<1x64xf32, #tpu.memory_space<any>>
    tpu.enqueue_dma source(%dma_start3A_172 : memref<1x64xf32, #tpu.memory_space<any>>) target(%dma_start3A_170 : memref<1x64xf32, #tpu.memory_space<vmem>>) target_semaphore(%arg4 : memref<!tpu.dma_semaphore, #tpu.memory_space<semaphore_mem>>)
    %get3A_173 = arith.constant 25 : index
    %get3A_174 = memref.load %arg1[%get3A_173] : memref<200xi32, #tpu.memory_space<smem>>
    %dma_start3A_175 = arith.constant 25 : i32
    %dma_start3A_176 = arith.constant 0 : i32
    %dma_start3A_177 = tpu.memref_slice %arg3[%dma_start3A_175, %dma_start3A_176] : memref<200x64xf32, #tpu.memory_space<vmem>> -> memref<1x64xf32, #tpu.memory_space<vmem>>
    %dma_start3A_178 = arith.constant 0 : i32
    %dma_start3A_179 = tpu.memref_slice %arg2[%get3A_174, %dma_start3A_178] : memref<1000001x64xf32, #tpu.memory_space<any>> -> memref<1x64xf32, #tpu.memory_space<any>>
    tpu.enqueue_dma source(%dma_start3A_179 : memref<1x64xf32, #tpu.memory_space<any>>) target(%dma_start3A_177 : memref<1x64xf32, #tpu.memory_space<vmem>>) target_semaphore(%arg4 : memref<!tpu.dma_semaphore, #tpu.memory_space<semaphore_mem>>)
    %get3A_180 = arith.constant 26 : index
    %get3A_181 = memref.load %arg1[%get3A_180] : memref<200xi32, #tpu.memory_space<smem>>
    %dma_start3A_182 = arith.constant 26 : i32
    %dma_start3A_183 = arith.constant 0 : i32
    %dma_start3A_184 = tpu.memref_slice %arg3[%dma_start3A_182, %dma_start3A_183] : memref<200x64xf32, #tpu.memory_space<vmem>> -> memref<1x64xf32, #tpu.memory_space<vmem>>
    %dma_start3A_185 = arith.constant 0 : i32
    %dma_start3A_186 = tpu.memref_slice %arg2[%get3A_181, %dma_start3A_185] : memref<1000001x64xf32, #tpu.memory_space<any>> -> memref<1x64xf32, #tpu.memory_space<any>>
    tpu.enqueue_dma source(%dma_start3A_186 : memref<1x64xf32, #tpu.memory_space<any>>) target(%dma_start3A_184 : memref<1x64xf32, #tpu.memory_space<vmem>>) target_semaphore(%arg4 : memref<!tpu.dma_semaphore, #tpu.memory_space<semaphore_mem>>)
    %get3A_187 = arith.constant 27 : index
    %get3A_188 = memref.load %arg1[%get3A_187] : memref<200xi32, #tpu.memory_space<smem>>
    %dma_start3A_189 = arith.constant 27 : i32
    %dma_start3A_190 = arith.constant 0 : i32
    %dma_start3A_191 = tpu.memref_slice %arg3[%dma_start3A_189, %dma_start3A_190] : memref<200x64xf32, #tpu.memory_space<vmem>> -> memref<1x64xf32, #tpu.memory_space<vmem>>
    %dma_start3A_192 = arith.constant 0 : i32
    %dma_start3A_193 = tpu.memref_slice %arg2[%get3A_188, %dma_start3A_192] : memref<1000001x64xf32, #tpu.memory_space<any>> -> memref<1x64xf32, #tpu.memory_space<any>>
    tpu.enqueue_dma source(%dma_start3A_193 : memref<1x64xf32, #tpu.memory_space<any>>) target(%dma_start3A_191 : memref<1x64xf32, #tpu.memory_space<vmem>>) target_semaphore(%arg4 : memref<!tpu.dma_semaphore, #tpu.memory_space<semaphore_mem>>)
    %get3A_194 = arith.constant 28 : index
    %get3A_195 = memref.load %arg1[%get3A_194] : memref<200xi32, #tpu.memory_space<smem>>
    %dma_start3A_196 = arith.constant 28 : i32
    %dma_start3A_197 = arith.constant 0 : i32
    %dma_start3A_198 = tpu.memref_slice %arg3[%dma_start3A_196, %dma_start3A_197] : memref<200x64xf32, #tpu.memory_space<vmem>> -> memref<1x64xf32, #tpu.memory_space<vmem>>
    %dma_start3A_199 = arith.constant 0 : i32
    %dma_start3A_200 = tpu.memref_slice %arg2[%get3A_195, %dma_start3A_199] : memref<1000001x64xf32, #tpu.memory_space<any>> -> memref<1x64xf32, #tpu.memory_space<any>>
    tpu.enqueue_dma source(%dma_start3A_200 : memref<1x64xf32, #tpu.memory_space<any>>) target(%dma_start3A_198 : memref<1x64xf32, #tpu.memory_space<vmem>>) target_semaphore(%arg4 : memref<!tpu.dma_semaphore, #tpu.memory_space<semaphore_mem>>)
    %get3A_201 = arith.constant 29 : index
    %get3A_202 = memref.load %arg1[%get3A_201] : memref<200xi32, #tpu.memory_space<smem>>
    %dma_start3A_203 = arith.constant 29 : i32
    %dma_start3A_204 = arith.constant 0 : i32
    %dma_start3A_205 = tpu.memref_slice %arg3[%dma_start3A_203, %dma_start3A_204] : memref<200x64xf32, #tpu.memory_space<vmem>> -> memref<1x64xf32, #tpu.memory_space<vmem>>
    %dma_start3A_206 = arith.constant 0 : i32
    %dma_start3A_207 = tpu.memref_slice %arg2[%get3A_202, %dma_start3A_206] : memref<1000001x64xf32, #tpu.memory_space<any>> -> memref<1x64xf32, #tpu.memory_space<any>>
    tpu.enqueue_dma source(%dma_start3A_207 : memref<1x64xf32, #tpu.memory_space<any>>) target(%dma_start3A_205 : memref<1x64xf32, #tpu.memory_space<vmem>>) target_semaphore(%arg4 : memref<!tpu.dma_semaphore, #tpu.memory_space<semaphore_mem>>)
    %get3A_208 = arith.constant 30 : index
    %get3A_209 = memref.load %arg1[%get3A_208] : memref<200xi32, #tpu.memory_space<smem>>
    %dma_start3A_210 = arith.constant 30 : i32
    %dma_start3A_211 = arith.constant 0 : i32
    %dma_start3A_212 = tpu.memref_slice %arg3[%dma_start3A_210, %dma_start3A_211] : memref<200x64xf32, #tpu.memory_space<vmem>> -> memref<1x64xf32, #tpu.memory_space<vmem>>
    %dma_start3A_213 = arith.constant 0 : i32
    %dma_start3A_214 = tpu.memref_slice %arg2[%get3A_209, %dma_start3A_213] : memref<1000001x64xf32, #tpu.memory_space<any>> -> memref<1x64xf32, #tpu.memory_space<any>>
    tpu.enqueue_dma source(%dma_start3A_214 : memref<1x64xf32, #tpu.memory_space<any>>) target(%dma_start3A_212 : memref<1x64xf32, #tpu.memory_space<vmem>>) target_semaphore(%arg4 : memref<!tpu.dma_semaphore, #tpu.memory_space<semaphore_mem>>)
    %get3A_215 = arith.constant 31 : index
    %get3A_216 = memref.load %arg1[%get3A_215] : memref<200xi32, #tpu.memory_space<smem>>
    %dma_start3A_217 = arith.constant 31 : i32
    %dma_start3A_218 = arith.constant 0 : i32
    %dma_start3A_219 = tpu.memref_slice %arg3[%dma_start3A_217, %dma_start3A_218] : memref<200x64xf32, #tpu.memory_space<vmem>> -> memref<1x64xf32, #tpu.memory_space<vmem>>
    %dma_start3A_220 = arith.constant 0 : i32
    %dma_start3A_221 = tpu.memref_slice %arg2[%get3A_216, %dma_start3A_220] : memref<1000001x64xf32, #tpu.memory_space<any>> -> memref<1x64xf32, #tpu.memory_space<any>>
    tpu.enqueue_dma source(%dma_start3A_221 : memref<1x64xf32, #tpu.memory_space<any>>) target(%dma_start3A_219 : memref<1x64xf32, #tpu.memory_space<vmem>>) target_semaphore(%arg4 : memref<!tpu.dma_semaphore, #tpu.memory_space<semaphore_mem>>)
    %get3A_222 = arith.constant 32 : index
    %get3A_223 = memref.load %arg1[%get3A_222] : memref<200xi32, #tpu.memory_space<smem>>
    %dma_start3A_224 = arith.constant 32 : i32
    %dma_start3A_225 = arith.constant 0 : i32
    %dma_start3A_226 = tpu.memref_slice %arg3[%dma_start3A_224, %dma_start3A_225] : memref<200x64xf32, #tpu.memory_space<vmem>> -> memref<1x64xf32, #tpu.memory_space<vmem>>
    %dma_start3A_227 = arith.constant 0 : i32
    %dma_start3A_228 = tpu.memref_slice %arg2[%get3A_223, %dma_start3A_227] : memref<1000001x64xf32, #tpu.memory_space<any>> -> memref<1x64xf32, #tpu.memory_space<any>>
    tpu.enqueue_dma source(%dma_start3A_228 : memref<1x64xf32, #tpu.memory_space<any>>) target(%dma_start3A_226 : memref<1x64xf32, #tpu.memory_space<vmem>>) target_semaphore(%arg4 : memref<!tpu.dma_semaphore, #tpu.memory_space<semaphore_mem>>)
    %get3A_229 = arith.constant 33 : index
    %get3A_230 = memref.load %arg1[%get3A_229] : memref<200xi32, #tpu.memory_space<smem>>
    %dma_start3A_231 = arith.constant 33 : i32
    %dma_start3A_232 = arith.constant 0 : i32
    %dma_start3A_233 = tpu.memref_slice %arg3[%dma_start3A_231, %dma_start3A_232] : memref<200x64xf32, #tpu.memory_space<vmem>> -> memref<1x64xf32, #tpu.memory_space<vmem>>
    %dma_start3A_234 = arith.constant 0 : i32
    %dma_start3A_235 = tpu.memref_slice %arg2[%get3A_230, %dma_start3A_234] : memref<1000001x64xf32, #tpu.memory_space<any>> -> memref<1x64xf32, #tpu.memory_space<any>>
    tpu.enqueue_dma source(%dma_start3A_235 : memref<1x64xf32, #tpu.memory_space<any>>) target(%dma_start3A_233 : memref<1x64xf32, #tpu.memory_space<vmem>>) target_semaphore(%arg4 : memref<!tpu.dma_semaphore, #tpu.memory_space<semaphore_mem>>)
    %get3A_236 = arith.constant 34 : index
    %get3A_237 = memref.load %arg1[%get3A_236] : memref<200xi32, #tpu.memory_space<smem>>
    %dma_start3A_238 = arith.constant 34 : i32
    %dma_start3A_239 = arith.constant 0 : i32
    %dma_start3A_240 = tpu.memref_slice %arg3[%dma_start3A_238, %dma_start3A_239] : memref<200x64xf32, #tpu.memory_space<vmem>> -> memref<1x64xf32, #tpu.memory_space<vmem>>
    %dma_start3A_241 = arith.constant 0 : i32
    %dma_start3A_242 = tpu.memref_slice %arg2[%get3A_237, %dma_start3A_241] : memref<1000001x64xf32, #tpu.memory_space<any>> -> memref<1x64xf32, #tpu.memory_space<any>>
    tpu.enqueue_dma source(%dma_start3A_242 : memref<1x64xf32, #tpu.memory_space<any>>) target(%dma_start3A_240 : memref<1x64xf32, #tpu.memory_space<vmem>>) target_semaphore(%arg4 : memref<!tpu.dma_semaphore, #tpu.memory_space<semaphore_mem>>)
    %get3A_243 = arith.constant 35 : index
    %get3A_244 = memref.load %arg1[%get3A_243] : memref<200xi32, #tpu.memory_space<smem>>
    %dma_start3A_245 = arith.constant 35 : i32
    %dma_start3A_246 = arith.constant 0 : i32
    %dma_start3A_247 = tpu.memref_slice %arg3[%dma_start3A_245, %dma_start3A_246] : memref<200x64xf32, #tpu.memory_space<vmem>> -> memref<1x64xf32, #tpu.memory_space<vmem>>
    %dma_start3A_248 = arith.constant 0 : i32
    %dma_start3A_249 = tpu.memref_slice %arg2[%get3A_244, %dma_start3A_248] : memref<1000001x64xf32, #tpu.memory_space<any>> -> memref<1x64xf32, #tpu.memory_space<any>>
    tpu.enqueue_dma source(%dma_start3A_249 : memref<1x64xf32, #tpu.memory_space<any>>) target(%dma_start3A_247 : memref<1x64xf32, #tpu.memory_space<vmem>>) target_semaphore(%arg4 : memref<!tpu.dma_semaphore, #tpu.memory_space<semaphore_mem>>)
    %get3A_250 = arith.constant 36 : index
    %get3A_251 = memref.load %arg1[%get3A_250] : memref<200xi32, #tpu.memory_space<smem>>
    %dma_start3A_252 = arith.constant 36 : i32
    %dma_start3A_253 = arith.constant 0 : i32
    %dma_start3A_254 = tpu.memref_slice %arg3[%dma_start3A_252, %dma_start3A_253] : memref<200x64xf32, #tpu.memory_space<vmem>> -> memref<1x64xf32, #tpu.memory_space<vmem>>
    %dma_start3A_255 = arith.constant 0 : i32
    %dma_start3A_256 = tpu.memref_slice %arg2[%get3A_251, %dma_start3A_255] : memref<1000001x64xf32, #tpu.memory_space<any>> -> memref<1x64xf32, #tpu.memory_space<any>>
    tpu.enqueue_dma source(%dma_start3A_256 : memref<1x64xf32, #tpu.memory_space<any>>) target(%dma_start3A_254 : memref<1x64xf32, #tpu.memory_space<vmem>>) target_semaphore(%arg4 : memref<!tpu.dma_semaphore, #tpu.memory_space<semaphore_mem>>)
    %get3A_257 = arith.constant 37 : index
    %get3A_258 = memref.load %arg1[%get3A_257] : memref<200xi32, #tpu.memory_space<smem>>
    %dma_start3A_259 = arith.constant 37 : i32
    %dma_start3A_260 = arith.constant 0 : i32
    %dma_start3A_261 = tpu.memref_slice %arg3[%dma_start3A_259, %dma_start3A_260] : memref<200x64xf32, #tpu.memory_space<vmem>> -> memref<1x64xf32, #tpu.memory_space<vmem>>
    %dma_start3A_262 = arith.constant 0 : i32
    %dma_start3A_263 = tpu.memref_slice %arg2[%get3A_258, %dma_start3A_262] : memref<1000001x64xf32, #tpu.memory_space<any>> -> memref<1x64xf32, #tpu.memory_space<any>>
    tpu.enqueue_dma source(%dma_start3A_263 : memref<1x64xf32, #tpu.memory_space<any>>) target(%dma_start3A_261 : memref<1x64xf32, #tpu.memory_space<vmem>>) target_semaphore(%arg4 : memref<!tpu.dma_semaphore, #tpu.memory_space<semaphore_mem>>)
    %get3A_264 = arith.constant 38 : index
    %get3A_265 = memref.load %arg1[%get3A_264] : memref<200xi32, #tpu.memory_space<smem>>
    %dma_start3A_266 = arith.constant 38 : i32
    %dma_start3A_267 = arith.constant 0 : i32
    %dma_start3A_268 = tpu.memref_slice %arg3[%dma_start3A_266, %dma_start3A_267] : memref<200x64xf32, #tpu.memory_space<vmem>> -> memref<1x64xf32, #tpu.memory_space<vmem>>
    %dma_start3A_269 = arith.constant 0 : i32
    %dma_start3A_270 = tpu.memref_slice %arg2[%get3A_265, %dma_start3A_269] : memref<1000001x64xf32, #tpu.memory_space<any>> -> memref<1x64xf32, #tpu.memory_space<any>>
    tpu.enqueue_dma source(%dma_start3A_270 : memref<1x64xf32, #tpu.memory_space<any>>) target(%dma_start3A_268 : memref<1x64xf32, #tpu.memory_space<vmem>>) target_semaphore(%arg4 : memref<!tpu.dma_semaphore, #tpu.memory_space<semaphore_mem>>)
    %get3A_271 = arith.constant 39 : index
    %get3A_272 = memref.load %arg1[%get3A_271] : memref<200xi32, #tpu.memory_space<smem>>
    %dma_start3A_273 = arith.constant 39 : i32
    %dma_start3A_274 = arith.constant 0 : i32
    %dma_start3A_275 = tpu.memref_slice %arg3[%dma_start3A_273, %dma_start3A_274] : memref<200x64xf32, #tpu.memory_space<vmem>> -> memref<1x64xf32, #tpu.memory_space<vmem>>
    %dma_start3A_276 = arith.constant 0 : i32
    %dma_start3A_277 = tpu.memref_slice %arg2[%get3A_272, %dma_start3A_276] : memref<1000001x64xf32, #tpu.memory_space<any>> -> memref<1x64xf32, #tpu.memory_space<any>>
    tpu.enqueue_dma source(%dma_start3A_277 : memref<1x64xf32, #tpu.memory_space<any>>) target(%dma_start3A_275 : memref<1x64xf32, #tpu.memory_space<vmem>>) target_semaphore(%arg4 : memref<!tpu.dma_semaphore, #tpu.memory_space<semaphore_mem>>)
    %get3A_278 = arith.constant 40 : index
    %get3A_279 = memref.load %arg1[%get3A_278] : memref<200xi32, #tpu.memory_space<smem>>
    %dma_start3A_280 = arith.constant 40 : i32
    %dma_start3A_281 = arith.constant 0 : i32
    %dma_start3A_282 = tpu.memref_slice %arg3[%dma_start3A_280, %dma_start3A_281] : memref<200x64xf32, #tpu.memory_space<vmem>> -> memref<1x64xf32, #tpu.memory_space<vmem>>
    %dma_start3A_283 = arith.constant 0 : i32
    %dma_start3A_284 = tpu.memref_slice %arg2[%get3A_279, %dma_start3A_283] : memref<1000001x64xf32, #tpu.memory_space<any>> -> memref<1x64xf32, #tpu.memory_space<any>>
    tpu.enqueue_dma source(%dma_start3A_284 : memref<1x64xf32, #tpu.memory_space<any>>) target(%dma_start3A_282 : memref<1x64xf32, #tpu.memory_space<vmem>>) target_semaphore(%arg4 : memref<!tpu.dma_semaphore, #tpu.memory_space<semaphore_mem>>)
    %get3A_285 = arith.constant 41 : index
    %get3A_286 = memref.load %arg1[%get3A_285] : memref<200xi32, #tpu.memory_space<smem>>
    %dma_start3A_287 = arith.constant 41 : i32
    %dma_start3A_288 = arith.constant 0 : i32
    %dma_start3A_289 = tpu.memref_slice %arg3[%dma_start3A_287, %dma_start3A_288] : memref<200x64xf32, #tpu.memory_space<vmem>> -> memref<1x64xf32, #tpu.memory_space<vmem>>
    %dma_start3A_290 = arith.constant 0 : i32
    %dma_start3A_291 = tpu.memref_slice %arg2[%get3A_286, %dma_start3A_290] : memref<1000001x64xf32, #tpu.memory_space<any>> -> memref<1x64xf32, #tpu.memory_space<any>>
    tpu.enqueue_dma source(%dma_start3A_291 : memref<1x64xf32, #tpu.memory_space<any>>) target(%dma_start3A_289 : memref<1x64xf32, #tpu.memory_space<vmem>>) target_semaphore(%arg4 : memref<!tpu.dma_semaphore, #tpu.memory_space<semaphore_mem>>)
    %get3A_292 = arith.constant 42 : index
    %get3A_293 = memref.load %arg1[%get3A_292] : memref<200xi32, #tpu.memory_space<smem>>
    %dma_start3A_294 = arith.constant 42 : i32
    %dma_start3A_295 = arith.constant 0 : i32
    %dma_start3A_296 = tpu.memref_slice %arg3[%dma_start3A_294, %dma_start3A_295] : memref<200x64xf32, #tpu.memory_space<vmem>> -> memref<1x64xf32, #tpu.memory_space<vmem>>
    %dma_start3A_297 = arith.constant 0 : i32
    %dma_start3A_298 = tpu.memref_slice %arg2[%get3A_293, %dma_start3A_297] : memref<1000001x64xf32, #tpu.memory_space<any>> -> memref<1x64xf32, #tpu.memory_space<any>>
    tpu.enqueue_dma source(%dma_start3A_298 : memref<1x64xf32, #tpu.memory_space<any>>) target(%dma_start3A_296 : memref<1x64xf32, #tpu.memory_space<vmem>>) target_semaphore(%arg4 : memref<!tpu.dma_semaphore, #tpu.memory_space<semaphore_mem>>)
    %get3A_299 = arith.constant 43 : index
    %get3A_300 = memref.load %arg1[%get3A_299] : memref<200xi32, #tpu.memory_space<smem>>
    %dma_start3A_301 = arith.constant 43 : i32
    %dma_start3A_302 = arith.constant 0 : i32
    %dma_start3A_303 = tpu.memref_slice %arg3[%dma_start3A_301, %dma_start3A_302] : memref<200x64xf32, #tpu.memory_space<vmem>> -> memref<1x64xf32, #tpu.memory_space<vmem>>
    %dma_start3A_304 = arith.constant 0 : i32
    %dma_start3A_305 = tpu.memref_slice %arg2[%get3A_300, %dma_start3A_304] : memref<1000001x64xf32, #tpu.memory_space<any>> -> memref<1x64xf32, #tpu.memory_space<any>>
    tpu.enqueue_dma source(%dma_start3A_305 : memref<1x64xf32, #tpu.memory_space<any>>) target(%dma_start3A_303 : memref<1x64xf32, #tpu.memory_space<vmem>>) target_semaphore(%arg4 : memref<!tpu.dma_semaphore, #tpu.memory_space<semaphore_mem>>)
    %get3A_306 = arith.constant 44 : index
    %get3A_307 = memref.load %arg1[%get3A_306] : memref<200xi32, #tpu.memory_space<smem>>
    %dma_start3A_308 = arith.constant 44 : i32
    %dma_start3A_309 = arith.constant 0 : i32
    %dma_start3A_310 = tpu.memref_slice %arg3[%dma_start3A_308, %dma_start3A_309] : memref<200x64xf32, #tpu.memory_space<vmem>> -> memref<1x64xf32, #tpu.memory_space<vmem>>
    %dma_start3A_311 = arith.constant 0 : i32
    %dma_start3A_312 = tpu.memref_slice %arg2[%get3A_307, %dma_start3A_311] : memref<1000001x64xf32, #tpu.memory_space<any>> -> memref<1x64xf32, #tpu.memory_space<any>>
    tpu.enqueue_dma source(%dma_start3A_312 : memref<1x64xf32, #tpu.memory_space<any>>) target(%dma_start3A_310 : memref<1x64xf32, #tpu.memory_space<vmem>>) target_semaphore(%arg4 : memref<!tpu.dma_semaphore, #tpu.memory_space<semaphore_mem>>)
    %get3A_313 = arith.constant 45 : index
    %get3A_314 = memref.load %arg1[%get3A_313] : memref<200xi32, #tpu.memory_space<smem>>
    %dma_start3A_315 = arith.constant 45 : i32
    %dma_start3A_316 = arith.constant 0 : i32
    %dma_start3A_317 = tpu.memref_slice %arg3[%dma_start3A_315, %dma_start3A_316] : memref<200x64xf32, #tpu.memory_space<vmem>> -> memref<1x64xf32, #tpu.memory_space<vmem>>
    %dma_start3A_318 = arith.constant 0 : i32
    %dma_start3A_319 = tpu.memref_slice %arg2[%get3A_314, %dma_start3A_318] : memref<1000001x64xf32, #tpu.memory_space<any>> -> memref<1x64xf32, #tpu.memory_space<any>>
    tpu.enqueue_dma source(%dma_start3A_319 : memref<1x64xf32, #tpu.memory_space<any>>) target(%dma_start3A_317 : memref<1x64xf32, #tpu.memory_space<vmem>>) target_semaphore(%arg4 : memref<!tpu.dma_semaphore, #tpu.memory_space<semaphore_mem>>)
    %get3A_320 = arith.constant 46 : index
    %get3A_321 = memref.load %arg1[%get3A_320] : memref<200xi32, #tpu.memory_space<smem>>
    %dma_start3A_322 = arith.constant 46 : i32
    %dma_start3A_323 = arith.constant 0 : i32
    %dma_start3A_324 = tpu.memref_slice %arg3[%dma_start3A_322, %dma_start3A_323] : memref<200x64xf32, #tpu.memory_space<vmem>> -> memref<1x64xf32, #tpu.memory_space<vmem>>
    %dma_start3A_325 = arith.constant 0 : i32
    %dma_start3A_326 = tpu.memref_slice %arg2[%get3A_321, %dma_start3A_325] : memref<1000001x64xf32, #tpu.memory_space<any>> -> memref<1x64xf32, #tpu.memory_space<any>>
    tpu.enqueue_dma source(%dma_start3A_326 : memref<1x64xf32, #tpu.memory_space<any>>) target(%dma_start3A_324 : memref<1x64xf32, #tpu.memory_space<vmem>>) target_semaphore(%arg4 : memref<!tpu.dma_semaphore, #tpu.memory_space<semaphore_mem>>)
    %get3A_327 = arith.constant 47 : index
    %get3A_328 = memref.load %arg1[%get3A_327] : memref<200xi32, #tpu.memory_space<smem>>
    %dma_start3A_329 = arith.constant 47 : i32
    %dma_start3A_330 = arith.constant 0 : i32
    %dma_start3A_331 = tpu.memref_slice %arg3[%dma_start3A_329, %dma_start3A_330] : memref<200x64xf32, #tpu.memory_space<vmem>> -> memref<1x64xf32, #tpu.memory_space<vmem>>
    %dma_start3A_332 = arith.constant 0 : i32
    %dma_start3A_333 = tpu.memref_slice %arg2[%get3A_328, %dma_start3A_332] : memref<1000001x64xf32, #tpu.memory_space<any>> -> memref<1x64xf32, #tpu.memory_space<any>>
    tpu.enqueue_dma source(%dma_start3A_333 : memref<1x64xf32, #tpu.memory_space<any>>) target(%dma_start3A_331 : memref<1x64xf32, #tpu.memory_space<vmem>>) target_semaphore(%arg4 : memref<!tpu.dma_semaphore, #tpu.memory_space<semaphore_mem>>)
    %get3A_334 = arith.constant 48 : index
    %get3A_335 = memref.load %arg1[%get3A_334] : memref<200xi32, #tpu.memory_space<smem>>
    %dma_start3A_336 = arith.constant 48 : i32
    %dma_start3A_337 = arith.constant 0 : i32
    %dma_start3A_338 = tpu.memref_slice %arg3[%dma_start3A_336, %dma_start3A_337] : memref<200x64xf32, #tpu.memory_space<vmem>> -> memref<1x64xf32, #tpu.memory_space<vmem>>
    %dma_start3A_339 = arith.constant 0 : i32
    %dma_start3A_340 = tpu.memref_slice %arg2[%get3A_335, %dma_start3A_339] : memref<1000001x64xf32, #tpu.memory_space<any>> -> memref<1x64xf32, #tpu.memory_space<any>>
    tpu.enqueue_dma source(%dma_start3A_340 : memref<1x64xf32, #tpu.memory_space<any>>) target(%dma_start3A_338 : memref<1x64xf32, #tpu.memory_space<vmem>>) target_semaphore(%arg4 : memref<!tpu.dma_semaphore, #tpu.memory_space<semaphore_mem>>)
    %get3A_341 = arith.constant 49 : index
    %get3A_342 = memref.load %arg1[%get3A_341] : memref<200xi32, #tpu.memory_space<smem>>
    %dma_start3A_343 = arith.constant 49 : i32
    %dma_start3A_344 = arith.constant 0 : i32
    %dma_start3A_345 = tpu.memref_slice %arg3[%dma_start3A_343, %dma_start3A_344] : memref<200x64xf32, #tpu.memory_space<vmem>> -> memref<1x64xf32, #tpu.memory_space<vmem>>
    %dma_start3A_346 = arith.constant 0 : i32
    %dma_start3A_347 = tpu.memref_slice %arg2[%get3A_342, %dma_start3A_346] : memref<1000001x64xf32, #tpu.memory_space<any>> -> memref<1x64xf32, #tpu.memory_space<any>>
    tpu.enqueue_dma source(%dma_start3A_347 : memref<1x64xf32, #tpu.memory_space<any>>) target(%dma_start3A_345 : memref<1x64xf32, #tpu.memory_space<vmem>>) target_semaphore(%arg4 : memref<!tpu.dma_semaphore, #tpu.memory_space<semaphore_mem>>)
    %get3A_348 = arith.constant 50 : index
    %get3A_349 = memref.load %arg1[%get3A_348] : memref<200xi32, #tpu.memory_space<smem>>
    %dma_start3A_350 = arith.constant 50 : i32
    %dma_start3A_351 = arith.constant 0 : i32
    %dma_start3A_352 = tpu.memref_slice %arg3[%dma_start3A_350, %dma_start3A_351] : memref<200x64xf32, #tpu.memory_space<vmem>> -> memref<1x64xf32, #tpu.memory_space<vmem>>
    %dma_start3A_353 = arith.constant 0 : i32
    %dma_start3A_354 = tpu.memref_slice %arg2[%get3A_349, %dma_start3A_353] : memref<1000001x64xf32, #tpu.memory_space<any>> -> memref<1x64xf32, #tpu.memory_space<any>>
    tpu.enqueue_dma source(%dma_start3A_354 : memref<1x64xf32, #tpu.memory_space<any>>) target(%dma_start3A_352 : memref<1x64xf32, #tpu.memory_space<vmem>>) target_semaphore(%arg4 : memref<!tpu.dma_semaphore, #tpu.memory_space<semaphore_mem>>)
    %get3A_355 = arith.constant 51 : index
    %get3A_356 = memref.load %arg1[%get3A_355] : memref<200xi32, #tpu.memory_space<smem>>
    %dma_start3A_357 = arith.constant 51 : i32
    %dma_start3A_358 = arith.constant 0 : i32
    %dma_start3A_359 = tpu.memref_slice %arg3[%dma_start3A_357, %dma_start3A_358] : memref<200x64xf32, #tpu.memory_space<vmem>> -> memref<1x64xf32, #tpu.memory_space<vmem>>
    %dma_start3A_360 = arith.constant 0 : i32
    %dma_start3A_361 = tpu.memref_slice %arg2[%get3A_356, %dma_start3A_360] : memref<1000001x64xf32, #tpu.memory_space<any>> -> memref<1x64xf32, #tpu.memory_space<any>>
    tpu.enqueue_dma source(%dma_start3A_361 : memref<1x64xf32, #tpu.memory_space<any>>) target(%dma_start3A_359 : memref<1x64xf32, #tpu.memory_space<vmem>>) target_semaphore(%arg4 : memref<!tpu.dma_semaphore, #tpu.memory_space<semaphore_mem>>)
    %get3A_362 = arith.constant 52 : index
    %get3A_363 = memref.load %arg1[%get3A_362] : memref<200xi32, #tpu.memory_space<smem>>
    %dma_start3A_364 = arith.constant 52 : i32
    %dma_start3A_365 = arith.constant 0 : i32
    %dma_start3A_366 = tpu.memref_slice %arg3[%dma_start3A_364, %dma_start3A_365] : memref<200x64xf32, #tpu.memory_space<vmem>> -> memref<1x64xf32, #tpu.memory_space<vmem>>
    %dma_start3A_367 = arith.constant 0 : i32
    %dma_start3A_368 = tpu.memref_slice %arg2[%get3A_363, %dma_start3A_367] : memref<1000001x64xf32, #tpu.memory_space<any>> -> memref<1x64xf32, #tpu.memory_space<any>>
    tpu.enqueue_dma source(%dma_start3A_368 : memref<1x64xf32, #tpu.memory_space<any>>) target(%dma_start3A_366 : memref<1x64xf32, #tpu.memory_space<vmem>>) target_semaphore(%arg4 : memref<!tpu.dma_semaphore, #tpu.memory_space<semaphore_mem>>)
    %get3A_369 = arith.constant 53 : index
    %get3A_370 = memref.load %arg1[%get3A_369] : memref<200xi32, #tpu.memory_space<smem>>
    %dma_start3A_371 = arith.constant 53 : i32
    %dma_start3A_372 = arith.constant 0 : i32
    %dma_start3A_373 = tpu.memref_slice %arg3[%dma_start3A_371, %dma_start3A_372] : memref<200x64xf32, #tpu.memory_space<vmem>> -> memref<1x64xf32, #tpu.memory_space<vmem>>
    %dma_start3A_374 = arith.constant 0 : i32
    %dma_start3A_375 = tpu.memref_slice %arg2[%get3A_370, %dma_start3A_374] : memref<1000001x64xf32, #tpu.memory_space<any>> -> memref<1x64xf32, #tpu.memory_space<any>>
    tpu.enqueue_dma source(%dma_start3A_375 : memref<1x64xf32, #tpu.memory_space<any>>) target(%dma_start3A_373 : memref<1x64xf32, #tpu.memory_space<vmem>>) target_semaphore(%arg4 : memref<!tpu.dma_semaphore, #tpu.memory_space<semaphore_mem>>)
    %get3A_376 = arith.constant 54 : index
    %get3A_377 = memref.load %arg1[%get3A_376] : memref<200xi32, #tpu.memory_space<smem>>
    %dma_start3A_378 = arith.constant 54 : i32
    %dma_start3A_379 = arith.constant 0 : i32
    %dma_start3A_380 = tpu.memref_slice %arg3[%dma_start3A_378, %dma_start3A_379] : memref<200x64xf32, #tpu.memory_space<vmem>> -> memref<1x64xf32, #tpu.memory_space<vmem>>
    %dma_start3A_381 = arith.constant 0 : i32
    %dma_start3A_382 = tpu.memref_slice %arg2[%get3A_377, %dma_start3A_381] : memref<1000001x64xf32, #tpu.memory_space<any>> -> memref<1x64xf32, #tpu.memory_space<any>>
    tpu.enqueue_dma source(%dma_start3A_382 : memref<1x64xf32, #tpu.memory_space<any>>) target(%dma_start3A_380 : memref<1x64xf32, #tpu.memory_space<vmem>>) target_semaphore(%arg4 : memref<!tpu.dma_semaphore, #tpu.memory_space<semaphore_mem>>)
    %get3A_383 = arith.constant 55 : index
    %get3A_384 = memref.load %arg1[%get3A_383] : memref<200xi32, #tpu.memory_space<smem>>
    %dma_start3A_385 = arith.constant 55 : i32
    %dma_start3A_386 = arith.constant 0 : i32
    %dma_start3A_387 = tpu.memref_slice %arg3[%dma_start3A_385, %dma_start3A_386] : memref<200x64xf32, #tpu.memory_space<vmem>> -> memref<1x64xf32, #tpu.memory_space<vmem>>
    %dma_start3A_388 = arith.constant 0 : i32
    %dma_start3A_389 = tpu.memref_slice %arg2[%get3A_384, %dma_start3A_388] : memref<1000001x64xf32, #tpu.memory_space<any>> -> memref<1x64xf32, #tpu.memory_space<any>>
    tpu.enqueue_dma source(%dma_start3A_389 : memref<1x64xf32, #tpu.memory_space<any>>) target(%dma_start3A_387 : memref<1x64xf32, #tpu.memory_space<vmem>>) target_semaphore(%arg4 : memref<!tpu.dma_semaphore, #tpu.memory_space<semaphore_mem>>)
    %get3A_390 = arith.constant 56 : index
    %get3A_391 = memref.load %arg1[%get3A_390] : memref<200xi32, #tpu.memory_space<smem>>
    %dma_start3A_392 = arith.constant 56 : i32
    %dma_start3A_393 = arith.constant 0 : i32
    %dma_start3A_394 = tpu.memref_slice %arg3[%dma_start3A_392, %dma_start3A_393] : memref<200x64xf32, #tpu.memory_space<vmem>> -> memref<1x64xf32, #tpu.memory_space<vmem>>
    %dma_start3A_395 = arith.constant 0 : i32
    %dma_start3A_396 = tpu.memref_slice %arg2[%get3A_391, %dma_start3A_395] : memref<1000001x64xf32, #tpu.memory_space<any>> -> memref<1x64xf32, #tpu.memory_space<any>>
    tpu.enqueue_dma source(%dma_start3A_396 : memref<1x64xf32, #tpu.memory_space<any>>) target(%dma_start3A_394 : memref<1x64xf32, #tpu.memory_space<vmem>>) target_semaphore(%arg4 : memref<!tpu.dma_semaphore, #tpu.memory_space<semaphore_mem>>)
    %get3A_397 = arith.constant 57 : index
    %get3A_398 = memref.load %arg1[%get3A_397] : memref<200xi32, #tpu.memory_space<smem>>
    %dma_start3A_399 = arith.constant 57 : i32
    %dma_start3A_400 = arith.constant 0 : i32
    %dma_start3A_401 = tpu.memref_slice %arg3[%dma_start3A_399, %dma_start3A_400] : memref<200x64xf32, #tpu.memory_space<vmem>> -> memref<1x64xf32, #tpu.memory_space<vmem>>
    %dma_start3A_402 = arith.constant 0 : i32
    %dma_start3A_403 = tpu.memref_slice %arg2[%get3A_398, %dma_start3A_402] : memref<1000001x64xf32, #tpu.memory_space<any>> -> memref<1x64xf32, #tpu.memory_space<any>>
    tpu.enqueue_dma source(%dma_start3A_403 : memref<1x64xf32, #tpu.memory_space<any>>) target(%dma_start3A_401 : memref<1x64xf32, #tpu.memory_space<vmem>>) target_semaphore(%arg4 : memref<!tpu.dma_semaphore, #tpu.memory_space<semaphore_mem>>)
    %get3A_404 = arith.constant 58 : index
    %get3A_405 = memref.load %arg1[%get3A_404] : memref<200xi32, #tpu.memory_space<smem>>
    %dma_start3A_406 = arith.constant 58 : i32
    %dma_start3A_407 = arith.constant 0 : i32
    %dma_start3A_408 = tpu.memref_slice %arg3[%dma_start3A_406, %dma_start3A_407] : memref<200x64xf32, #tpu.memory_space<vmem>> -> memref<1x64xf32, #tpu.memory_space<vmem>>
    %dma_start3A_409 = arith.constant 0 : i32
    %dma_start3A_410 = tpu.memref_slice %arg2[%get3A_405, %dma_start3A_409] : memref<1000001x64xf32, #tpu.memory_space<any>> -> memref<1x64xf32, #tpu.memory_space<any>>
    tpu.enqueue_dma source(%dma_start3A_410 : memref<1x64xf32, #tpu.memory_space<any>>) target(%dma_start3A_408 : memref<1x64xf32, #tpu.memory_space<vmem>>) target_semaphore(%arg4 : memref<!tpu.dma_semaphore, #tpu.memory_space<semaphore_mem>>)
    %get3A_411 = arith.constant 59 : index
    %get3A_412 = memref.load %arg1[%get3A_411] : memref<200xi32, #tpu.memory_space<smem>>
    %dma_start3A_413 = arith.constant 59 : i32
    %dma_start3A_414 = arith.constant 0 : i32
    %dma_start3A_415 = tpu.memref_slice %arg3[%dma_start3A_413, %dma_start3A_414] : memref<200x64xf32, #tpu.memory_space<vmem>> -> memref<1x64xf32, #tpu.memory_space<vmem>>
    %dma_start3A_416 = arith.constant 0 : i32
    %dma_start3A_417 = tpu.memref_slice %arg2[%get3A_412, %dma_start3A_416] : memref<1000001x64xf32, #tpu.memory_space<any>> -> memref<1x64xf32, #tpu.memory_space<any>>
    tpu.enqueue_dma source(%dma_start3A_417 : memref<1x64xf32, #tpu.memory_space<any>>) target(%dma_start3A_415 : memref<1x64xf32, #tpu.memory_space<vmem>>) target_semaphore(%arg4 : memref<!tpu.dma_semaphore, #tpu.memory_space<semaphore_mem>>)
    %get3A_418 = arith.constant 60 : index
    %get3A_419 = memref.load %arg1[%get3A_418] : memref<200xi32, #tpu.memory_space<smem>>
    %dma_start3A_420 = arith.constant 60 : i32
    %dma_start3A_421 = arith.constant 0 : i32
    %dma_start3A_422 = tpu.memref_slice %arg3[%dma_start3A_420, %dma_start3A_421] : memref<200x64xf32, #tpu.memory_space<vmem>> -> memref<1x64xf32, #tpu.memory_space<vmem>>
    %dma_start3A_423 = arith.constant 0 : i32
    %dma_start3A_424 = tpu.memref_slice %arg2[%get3A_419, %dma_start3A_423] : memref<1000001x64xf32, #tpu.memory_space<any>> -> memref<1x64xf32, #tpu.memory_space<any>>
    tpu.enqueue_dma source(%dma_start3A_424 : memref<1x64xf32, #tpu.memory_space<any>>) target(%dma_start3A_422 : memref<1x64xf32, #tpu.memory_space<vmem>>) target_semaphore(%arg4 : memref<!tpu.dma_semaphore, #tpu.memory_space<semaphore_mem>>)
    %get3A_425 = arith.constant 61 : index
    %get3A_426 = memref.load %arg1[%get3A_425] : memref<200xi32, #tpu.memory_space<smem>>
    %dma_start3A_427 = arith.constant 61 : i32
    %dma_start3A_428 = arith.constant 0 : i32
    %dma_start3A_429 = tpu.memref_slice %arg3[%dma_start3A_427, %dma_start3A_428] : memref<200x64xf32, #tpu.memory_space<vmem>> -> memref<1x64xf32, #tpu.memory_space<vmem>>
    %dma_start3A_430 = arith.constant 0 : i32
    %dma_start3A_431 = tpu.memref_slice %arg2[%get3A_426, %dma_start3A_430] : memref<1000001x64xf32, #tpu.memory_space<any>> -> memref<1x64xf32, #tpu.memory_space<any>>
    tpu.enqueue_dma source(%dma_start3A_431 : memref<1x64xf32, #tpu.memory_space<any>>) target(%dma_start3A_429 : memref<1x64xf32, #tpu.memory_space<vmem>>) target_semaphore(%arg4 : memref<!tpu.dma_semaphore, #tpu.memory_space<semaphore_mem>>)
    %get3A_432 = arith.constant 62 : index
    %get3A_433 = memref.load %arg1[%get3A_432] : memref<200xi32, #tpu.memory_space<smem>>
    %dma_start3A_434 = arith.constant 62 : i32
    %dma_start3A_435 = arith.constant 0 : i32
    %dma_start3A_436 = tpu.memref_slice %arg3[%dma_start3A_434, %dma_start3A_435] : memref<200x64xf32, #tpu.memory_space<vmem>> -> memref<1x64xf32, #tpu.memory_space<vmem>>
    %dma_start3A_437 = arith.constant 0 : i32
    %dma_start3A_438 = tpu.memref_slice %arg2[%get3A_433, %dma_start3A_437] : memref<1000001x64xf32, #tpu.memory_space<any>> -> memref<1x64xf32, #tpu.memory_space<any>>
    tpu.enqueue_dma source(%dma_start3A_438 : memref<1x64xf32, #tpu.memory_space<any>>) target(%dma_start3A_436 : memref<1x64xf32, #tpu.memory_space<vmem>>) target_semaphore(%arg4 : memref<!tpu.dma_semaphore, #tpu.memory_space<semaphore_mem>>)
    %get3A_439 = arith.constant 63 : index
    %get3A_440 = memref.load %arg1[%get3A_439] : memref<200xi32, #tpu.memory_space<smem>>
    %dma_start3A_441 = arith.constant 63 : i32
    %dma_start3A_442 = arith.constant 0 : i32
    %dma_start3A_443 = tpu.memref_slice %arg3[%dma_start3A_441, %dma_start3A_442] : memref<200x64xf32, #tpu.memory_space<vmem>> -> memref<1x64xf32, #tpu.memory_space<vmem>>
    %dma_start3A_444 = arith.constant 0 : i32
    %dma_start3A_445 = tpu.memref_slice %arg2[%get3A_440, %dma_start3A_444] : memref<1000001x64xf32, #tpu.memory_space<any>> -> memref<1x64xf32, #tpu.memory_space<any>>
    tpu.enqueue_dma source(%dma_start3A_445 : memref<1x64xf32, #tpu.memory_space<any>>) target(%dma_start3A_443 : memref<1x64xf32, #tpu.memory_space<vmem>>) target_semaphore(%arg4 : memref<!tpu.dma_semaphore, #tpu.memory_space<semaphore_mem>>)
    %get3A_446 = arith.constant 64 : index
    %get3A_447 = memref.load %arg1[%get3A_446] : memref<200xi32, #tpu.memory_space<smem>>
    %dma_start3A_448 = arith.constant 64 : i32
    %dma_start3A_449 = arith.constant 0 : i32
    %dma_start3A_450 = tpu.memref_slice %arg3[%dma_start3A_448, %dma_start3A_449] : memref<200x64xf32, #tpu.memory_space<vmem>> -> memref<1x64xf32, #tpu.memory_space<vmem>>
    %dma_start3A_451 = arith.constant 0 : i32
    %dma_start3A_452 = tpu.memref_slice %arg2[%get3A_447, %dma_start3A_451] : memref<1000001x64xf32, #tpu.memory_space<any>> -> memref<1x64xf32, #tpu.memory_space<any>>
    tpu.enqueue_dma source(%dma_start3A_452 : memref<1x64xf32, #tpu.memory_space<any>>) target(%dma_start3A_450 : memref<1x64xf32, #tpu.memory_space<vmem>>) target_semaphore(%arg4 : memref<!tpu.dma_semaphore, #tpu.memory_space<semaphore_mem>>)
    %get3A_453 = arith.constant 65 : index
    %get3A_454 = memref.load %arg1[%get3A_453] : memref<200xi32, #tpu.memory_space<smem>>
    %dma_start3A_455 = arith.constant 65 : i32
    %dma_start3A_456 = arith.constant 0 : i32
    %dma_start3A_457 = tpu.memref_slice %arg3[%dma_start3A_455, %dma_start3A_456] : memref<200x64xf32, #tpu.memory_space<vmem>> -> memref<1x64xf32, #tpu.memory_space<vmem>>
    %dma_start3A_458 = arith.constant 0 : i32
    %dma_start3A_459 = tpu.memref_slice %arg2[%get3A_454, %dma_start3A_458] : memref<1000001x64xf32, #tpu.memory_space<any>> -> memref<1x64xf32, #tpu.memory_space<any>>
    tpu.enqueue_dma source(%dma_start3A_459 : memref<1x64xf32, #tpu.memory_space<any>>) target(%dma_start3A_457 : memref<1x64xf32, #tpu.memory_space<vmem>>) target_semaphore(%arg4 : memref<!tpu.dma_semaphore, #tpu.memory_space<semaphore_mem>>)
    %get3A_460 = arith.constant 66 : index
    %get3A_461 = memref.load %arg1[%get3A_460] : memref<200xi32, #tpu.memory_space<smem>>
    %dma_start3A_462 = arith.constant 66 : i32
    %dma_start3A_463 = arith.constant 0 : i32
    %dma_start3A_464 = tpu.memref_slice %arg3[%dma_start3A_462, %dma_start3A_463] : memref<200x64xf32, #tpu.memory_space<vmem>> -> memref<1x64xf32, #tpu.memory_space<vmem>>
    %dma_start3A_465 = arith.constant 0 : i32
    %dma_start3A_466 = tpu.memref_slice %arg2[%get3A_461, %dma_start3A_465] : memref<1000001x64xf32, #tpu.memory_space<any>> -> memref<1x64xf32, #tpu.memory_space<any>>
    tpu.enqueue_dma source(%dma_start3A_466 : memref<1x64xf32, #tpu.memory_space<any>>) target(%dma_start3A_464 : memref<1x64xf32, #tpu.memory_space<vmem>>) target_semaphore(%arg4 : memref<!tpu.dma_semaphore, #tpu.memory_space<semaphore_mem>>)
    %get3A_467 = arith.constant 67 : index
    %get3A_468 = memref.load %arg1[%get3A_467] : memref<200xi32, #tpu.memory_space<smem>>
    %dma_start3A_469 = arith.constant 67 : i32
    %dma_start3A_470 = arith.constant 0 : i32
    %dma_start3A_471 = tpu.memref_slice %arg3[%dma_start3A_469, %dma_start3A_470] : memref<200x64xf32, #tpu.memory_space<vmem>> -> memref<1x64xf32, #tpu.memory_space<vmem>>
    %dma_start3A_472 = arith.constant 0 : i32
    %dma_start3A_473 = tpu.memref_slice %arg2[%get3A_468, %dma_start3A_472] : memref<1000001x64xf32, #tpu.memory_space<any>> -> memref<1x64xf32, #tpu.memory_space<any>>
    tpu.enqueue_dma source(%dma_start3A_473 : memref<1x64xf32, #tpu.memory_space<any>>) target(%dma_start3A_471 : memref<1x64xf32, #tpu.memory_space<vmem>>) target_semaphore(%arg4 : memref<!tpu.dma_semaphore, #tpu.memory_space<semaphore_mem>>)
    %get3A_474 = arith.constant 68 : index
    %get3A_475 = memref.load %arg1[%get3A_474] : memref<200xi32, #tpu.memory_space<smem>>
    %dma_start3A_476 = arith.constant 68 : i32
    %dma_start3A_477 = arith.constant 0 : i32
    %dma_start3A_478 = tpu.memref_slice %arg3[%dma_start3A_476, %dma_start3A_477] : memref<200x64xf32, #tpu.memory_space<vmem>> -> memref<1x64xf32, #tpu.memory_space<vmem>>
    %dma_start3A_479 = arith.constant 0 : i32
    %dma_start3A_480 = tpu.memref_slice %arg2[%get3A_475, %dma_start3A_479] : memref<1000001x64xf32, #tpu.memory_space<any>> -> memref<1x64xf32, #tpu.memory_space<any>>
    tpu.enqueue_dma source(%dma_start3A_480 : memref<1x64xf32, #tpu.memory_space<any>>) target(%dma_start3A_478 : memref<1x64xf32, #tpu.memory_space<vmem>>) target_semaphore(%arg4 : memref<!tpu.dma_semaphore, #tpu.memory_space<semaphore_mem>>)
    %get3A_481 = arith.constant 69 : index
    %get3A_482 = memref.load %arg1[%get3A_481] : memref<200xi32, #tpu.memory_space<smem>>
    %dma_start3A_483 = arith.constant 69 : i32
    %dma_start3A_484 = arith.constant 0 : i32
    %dma_start3A_485 = tpu.memref_slice %arg3[%dma_start3A_483, %dma_start3A_484] : memref<200x64xf32, #tpu.memory_space<vmem>> -> memref<1x64xf32, #tpu.memory_space<vmem>>
    %dma_start3A_486 = arith.constant 0 : i32
    %dma_start3A_487 = tpu.memref_slice %arg2[%get3A_482, %dma_start3A_486] : memref<1000001x64xf32, #tpu.memory_space<any>> -> memref<1x64xf32, #tpu.memory_space<any>>
    tpu.enqueue_dma source(%dma_start3A_487 : memref<1x64xf32, #tpu.memory_space<any>>) target(%dma_start3A_485 : memref<1x64xf32, #tpu.memory_space<vmem>>) target_semaphore(%arg4 : memref<!tpu.dma_semaphore, #tpu.memory_space<semaphore_mem>>)
    %get3A_488 = arith.constant 70 : index
    %get3A_489 = memref.load %arg1[%get3A_488] : memref<200xi32, #tpu.memory_space<smem>>
    %dma_start3A_490 = arith.constant 70 : i32
    %dma_start3A_491 = arith.constant 0 : i32
    %dma_start3A_492 = tpu.memref_slice %arg3[%dma_start3A_490, %dma_start3A_491] : memref<200x64xf32, #tpu.memory_space<vmem>> -> memref<1x64xf32, #tpu.memory_space<vmem>>
    %dma_start3A_493 = arith.constant 0 : i32
    %dma_start3A_494 = tpu.memref_slice %arg2[%get3A_489, %dma_start3A_493] : memref<1000001x64xf32, #tpu.memory_space<any>> -> memref<1x64xf32, #tpu.memory_space<any>>
    tpu.enqueue_dma source(%dma_start3A_494 : memref<1x64xf32, #tpu.memory_space<any>>) target(%dma_start3A_492 : memref<1x64xf32, #tpu.memory_space<vmem>>) target_semaphore(%arg4 : memref<!tpu.dma_semaphore, #tpu.memory_space<semaphore_mem>>)
    %get3A_495 = arith.constant 71 : index
    %get3A_496 = memref.load %arg1[%get3A_495] : memref<200xi32, #tpu.memory_space<smem>>
    %dma_start3A_497 = arith.constant 71 : i32
    %dma_start3A_498 = arith.constant 0 : i32
    %dma_start3A_499 = tpu.memref_slice %arg3[%dma_start3A_497, %dma_start3A_498] : memref<200x64xf32, #tpu.memory_space<vmem>> -> memref<1x64xf32, #tpu.memory_space<vmem>>
    %dma_start3A_500 = arith.constant 0 : i32
    %dma_start3A_501 = tpu.memref_slice %arg2[%get3A_496, %dma_start3A_500] : memref<1000001x64xf32, #tpu.memory_space<any>> -> memref<1x64xf32, #tpu.memory_space<any>>
    tpu.enqueue_dma source(%dma_start3A_501 : memref<1x64xf32, #tpu.memory_space<any>>) target(%dma_start3A_499 : memref<1x64xf32, #tpu.memory_space<vmem>>) target_semaphore(%arg4 : memref<!tpu.dma_semaphore, #tpu.memory_space<semaphore_mem>>)
    %get3A_502 = arith.constant 72 : index
    %get3A_503 = memref.load %arg1[%get3A_502] : memref<200xi32, #tpu.memory_space<smem>>
    %dma_start3A_504 = arith.constant 72 : i32
    %dma_start3A_505 = arith.constant 0 : i32
    %dma_start3A_506 = tpu.memref_slice %arg3[%dma_start3A_504, %dma_start3A_505] : memref<200x64xf32, #tpu.memory_space<vmem>> -> memref<1x64xf32, #tpu.memory_space<vmem>>
    %dma_start3A_507 = arith.constant 0 : i32
    %dma_start3A_508 = tpu.memref_slice %arg2[%get3A_503, %dma_start3A_507] : memref<1000001x64xf32, #tpu.memory_space<any>> -> memref<1x64xf32, #tpu.memory_space<any>>
    tpu.enqueue_dma source(%dma_start3A_508 : memref<1x64xf32, #tpu.memory_space<any>>) target(%dma_start3A_506 : memref<1x64xf32, #tpu.memory_space<vmem>>) target_semaphore(%arg4 : memref<!tpu.dma_semaphore, #tpu.memory_space<semaphore_mem>>)
    %get3A_509 = arith.constant 73 : index
    %get3A_510 = memref.load %arg1[%get3A_509] : memref<200xi32, #tpu.memory_space<smem>>
    %dma_start3A_511 = arith.constant 73 : i32
    %dma_start3A_512 = arith.constant 0 : i32
    %dma_start3A_513 = tpu.memref_slice %arg3[%dma_start3A_511, %dma_start3A_512] : memref<200x64xf32, #tpu.memory_space<vmem>> -> memref<1x64xf32, #tpu.memory_space<vmem>>
    %dma_start3A_514 = arith.constant 0 : i32
    %dma_start3A_515 = tpu.memref_slice %arg2[%get3A_510, %dma_start3A_514] : memref<1000001x64xf32, #tpu.memory_space<any>> -> memref<1x64xf32, #tpu.memory_space<any>>
    tpu.enqueue_dma source(%dma_start3A_515 : memref<1x64xf32, #tpu.memory_space<any>>) target(%dma_start3A_513 : memref<1x64xf32, #tpu.memory_space<vmem>>) target_semaphore(%arg4 : memref<!tpu.dma_semaphore, #tpu.memory_space<semaphore_mem>>)
    %get3A_516 = arith.constant 74 : index
    %get3A_517 = memref.load %arg1[%get3A_516] : memref<200xi32, #tpu.memory_space<smem>>
    %dma_start3A_518 = arith.constant 74 : i32
    %dma_start3A_519 = arith.constant 0 : i32
    %dma_start3A_520 = tpu.memref_slice %arg3[%dma_start3A_518, %dma_start3A_519] : memref<200x64xf32, #tpu.memory_space<vmem>> -> memref<1x64xf32, #tpu.memory_space<vmem>>
    %dma_start3A_521 = arith.constant 0 : i32
    %dma_start3A_522 = tpu.memref_slice %arg2[%get3A_517, %dma_start3A_521] : memref<1000001x64xf32, #tpu.memory_space<any>> -> memref<1x64xf32, #tpu.memory_space<any>>
    tpu.enqueue_dma source(%dma_start3A_522 : memref<1x64xf32, #tpu.memory_space<any>>) target(%dma_start3A_520 : memref<1x64xf32, #tpu.memory_space<vmem>>) target_semaphore(%arg4 : memref<!tpu.dma_semaphore, #tpu.memory_space<semaphore_mem>>)
    %get3A_523 = arith.constant 75 : index
    %get3A_524 = memref.load %arg1[%get3A_523] : memref<200xi32, #tpu.memory_space<smem>>
    %dma_start3A_525 = arith.constant 75 : i32
    %dma_start3A_526 = arith.constant 0 : i32
    %dma_start3A_527 = tpu.memref_slice %arg3[%dma_start3A_525, %dma_start3A_526] : memref<200x64xf32, #tpu.memory_space<vmem>> -> memref<1x64xf32, #tpu.memory_space<vmem>>
    %dma_start3A_528 = arith.constant 0 : i32
    %dma_start3A_529 = tpu.memref_slice %arg2[%get3A_524, %dma_start3A_528] : memref<1000001x64xf32, #tpu.memory_space<any>> -> memref<1x64xf32, #tpu.memory_space<any>>
    tpu.enqueue_dma source(%dma_start3A_529 : memref<1x64xf32, #tpu.memory_space<any>>) target(%dma_start3A_527 : memref<1x64xf32, #tpu.memory_space<vmem>>) target_semaphore(%arg4 : memref<!tpu.dma_semaphore, #tpu.memory_space<semaphore_mem>>)
    %get3A_530 = arith.constant 76 : index
    %get3A_531 = memref.load %arg1[%get3A_530] : memref<200xi32, #tpu.memory_space<smem>>
    %dma_start3A_532 = arith.constant 76 : i32
    %dma_start3A_533 = arith.constant 0 : i32
    %dma_start3A_534 = tpu.memref_slice %arg3[%dma_start3A_532, %dma_start3A_533] : memref<200x64xf32, #tpu.memory_space<vmem>> -> memref<1x64xf32, #tpu.memory_space<vmem>>
    %dma_start3A_535 = arith.constant 0 : i32
    %dma_start3A_536 = tpu.memref_slice %arg2[%get3A_531, %dma_start3A_535] : memref<1000001x64xf32, #tpu.memory_space<any>> -> memref<1x64xf32, #tpu.memory_space<any>>
    tpu.enqueue_dma source(%dma_start3A_536 : memref<1x64xf32, #tpu.memory_space<any>>) target(%dma_start3A_534 : memref<1x64xf32, #tpu.memory_space<vmem>>) target_semaphore(%arg4 : memref<!tpu.dma_semaphore, #tpu.memory_space<semaphore_mem>>)
    %get3A_537 = arith.constant 77 : index
    %get3A_538 = memref.load %arg1[%get3A_537] : memref<200xi32, #tpu.memory_space<smem>>
    %dma_start3A_539 = arith.constant 77 : i32
    %dma_start3A_540 = arith.constant 0 : i32
    %dma_start3A_541 = tpu.memref_slice %arg3[%dma_start3A_539, %dma_start3A_540] : memref<200x64xf32, #tpu.memory_space<vmem>> -> memref<1x64xf32, #tpu.memory_space<vmem>>
    %dma_start3A_542 = arith.constant 0 : i32
    %dma_start3A_543 = tpu.memref_slice %arg2[%get3A_538, %dma_start3A_542] : memref<1000001x64xf32, #tpu.memory_space<any>> -> memref<1x64xf32, #tpu.memory_space<any>>
    tpu.enqueue_dma source(%dma_start3A_543 : memref<1x64xf32, #tpu.memory_space<any>>) target(%dma_start3A_541 : memref<1x64xf32, #tpu.memory_space<vmem>>) target_semaphore(%arg4 : memref<!tpu.dma_semaphore, #tpu.memory_space<semaphore_mem>>)
    %get3A_544 = arith.constant 78 : index
    %get3A_545 = memref.load %arg1[%get3A_544] : memref<200xi32, #tpu.memory_space<smem>>
    %dma_start3A_546 = arith.constant 78 : i32
    %dma_start3A_547 = arith.constant 0 : i32
    %dma_start3A_548 = tpu.memref_slice %arg3[%dma_start3A_546, %dma_start3A_547] : memref<200x64xf32, #tpu.memory_space<vmem>> -> memref<1x64xf32, #tpu.memory_space<vmem>>
    %dma_start3A_549 = arith.constant 0 : i32
    %dma_start3A_550 = tpu.memref_slice %arg2[%get3A_545, %dma_start3A_549] : memref<1000001x64xf32, #tpu.memory_space<any>> -> memref<1x64xf32, #tpu.memory_space<any>>
    tpu.enqueue_dma source(%dma_start3A_550 : memref<1x64xf32, #tpu.memory_space<any>>) target(%dma_start3A_548 : memref<1x64xf32, #tpu.memory_space<vmem>>) target_semaphore(%arg4 : memref<!tpu.dma_semaphore, #tpu.memory_space<semaphore_mem>>)
    %get3A_551 = arith.constant 79 : index
    %get3A_552 = memref.load %arg1[%get3A_551] : memref<200xi32, #tpu.memory_space<smem>>
    %dma_start3A_553 = arith.constant 79 : i32
    %dma_start3A_554 = arith.constant 0 : i32
    %dma_start3A_555 = tpu.memref_slice %arg3[%dma_start3A_553, %dma_start3A_554] : memref<200x64xf32, #tpu.memory_space<vmem>> -> memref<1x64xf32, #tpu.memory_space<vmem>>
    %dma_start3A_556 = arith.constant 0 : i32
    %dma_start3A_557 = tpu.memref_slice %arg2[%get3A_552, %dma_start3A_556] : memref<1000001x64xf32, #tpu.memory_space<any>> -> memref<1x64xf32, #tpu.memory_space<any>>
    tpu.enqueue_dma source(%dma_start3A_557 : memref<1x64xf32, #tpu.memory_space<any>>) target(%dma_start3A_555 : memref<1x64xf32, #tpu.memory_space<vmem>>) target_semaphore(%arg4 : memref<!tpu.dma_semaphore, #tpu.memory_space<semaphore_mem>>)
    %get3A_558 = arith.constant 80 : index
    %get3A_559 = memref.load %arg1[%get3A_558] : memref<200xi32, #tpu.memory_space<smem>>
    %dma_start3A_560 = arith.constant 80 : i32
    %dma_start3A_561 = arith.constant 0 : i32
    %dma_start3A_562 = tpu.memref_slice %arg3[%dma_start3A_560, %dma_start3A_561] : memref<200x64xf32, #tpu.memory_space<vmem>> -> memref<1x64xf32, #tpu.memory_space<vmem>>
    %dma_start3A_563 = arith.constant 0 : i32
    %dma_start3A_564 = tpu.memref_slice %arg2[%get3A_559, %dma_start3A_563] : memref<1000001x64xf32, #tpu.memory_space<any>> -> memref<1x64xf32, #tpu.memory_space<any>>
    tpu.enqueue_dma source(%dma_start3A_564 : memref<1x64xf32, #tpu.memory_space<any>>) target(%dma_start3A_562 : memref<1x64xf32, #tpu.memory_space<vmem>>) target_semaphore(%arg4 : memref<!tpu.dma_semaphore, #tpu.memory_space<semaphore_mem>>)
    %get3A_565 = arith.constant 81 : index
    %get3A_566 = memref.load %arg1[%get3A_565] : memref<200xi32, #tpu.memory_space<smem>>
    %dma_start3A_567 = arith.constant 81 : i32
    %dma_start3A_568 = arith.constant 0 : i32
    %dma_start3A_569 = tpu.memref_slice %arg3[%dma_start3A_567, %dma_start3A_568] : memref<200x64xf32, #tpu.memory_space<vmem>> -> memref<1x64xf32, #tpu.memory_space<vmem>>
    %dma_start3A_570 = arith.constant 0 : i32
    %dma_start3A_571 = tpu.memref_slice %arg2[%get3A_566, %dma_start3A_570] : memref<1000001x64xf32, #tpu.memory_space<any>> -> memref<1x64xf32, #tpu.memory_space<any>>
    tpu.enqueue_dma source(%dma_start3A_571 : memref<1x64xf32, #tpu.memory_space<any>>) target(%dma_start3A_569 : memref<1x64xf32, #tpu.memory_space<vmem>>) target_semaphore(%arg4 : memref<!tpu.dma_semaphore, #tpu.memory_space<semaphore_mem>>)
    %get3A_572 = arith.constant 82 : index
    %get3A_573 = memref.load %arg1[%get3A_572] : memref<200xi32, #tpu.memory_space<smem>>
    %dma_start3A_574 = arith.constant 82 : i32
    %dma_start3A_575 = arith.constant 0 : i32
    %dma_start3A_576 = tpu.memref_slice %arg3[%dma_start3A_574, %dma_start3A_575] : memref<200x64xf32, #tpu.memory_space<vmem>> -> memref<1x64xf32, #tpu.memory_space<vmem>>
    %dma_start3A_577 = arith.constant 0 : i32
    %dma_start3A_578 = tpu.memref_slice %arg2[%get3A_573, %dma_start3A_577] : memref<1000001x64xf32, #tpu.memory_space<any>> -> memref<1x64xf32, #tpu.memory_space<any>>
    tpu.enqueue_dma source(%dma_start3A_578 : memref<1x64xf32, #tpu.memory_space<any>>) target(%dma_start3A_576 : memref<1x64xf32, #tpu.memory_space<vmem>>) target_semaphore(%arg4 : memref<!tpu.dma_semaphore, #tpu.memory_space<semaphore_mem>>)
    %get3A_579 = arith.constant 83 : index
    %get3A_580 = memref.load %arg1[%get3A_579] : memref<200xi32, #tpu.memory_space<smem>>
    %dma_start3A_581 = arith.constant 83 : i32
    %dma_start3A_582 = arith.constant 0 : i32
    %dma_start3A_583 = tpu.memref_slice %arg3[%dma_start3A_581, %dma_start3A_582] : memref<200x64xf32, #tpu.memory_space<vmem>> -> memref<1x64xf32, #tpu.memory_space<vmem>>
    %dma_start3A_584 = arith.constant 0 : i32
    %dma_start3A_585 = tpu.memref_slice %arg2[%get3A_580, %dma_start3A_584] : memref<1000001x64xf32, #tpu.memory_space<any>> -> memref<1x64xf32, #tpu.memory_space<any>>
    tpu.enqueue_dma source(%dma_start3A_585 : memref<1x64xf32, #tpu.memory_space<any>>) target(%dma_start3A_583 : memref<1x64xf32, #tpu.memory_space<vmem>>) target_semaphore(%arg4 : memref<!tpu.dma_semaphore, #tpu.memory_space<semaphore_mem>>)
    %get3A_586 = arith.constant 84 : index
    %get3A_587 = memref.load %arg1[%get3A_586] : memref<200xi32, #tpu.memory_space<smem>>
    %dma_start3A_588 = arith.constant 84 : i32
    %dma_start3A_589 = arith.constant 0 : i32
    %dma_start3A_590 = tpu.memref_slice %arg3[%dma_start3A_588, %dma_start3A_589] : memref<200x64xf32, #tpu.memory_space<vmem>> -> memref<1x64xf32, #tpu.memory_space<vmem>>
    %dma_start3A_591 = arith.constant 0 : i32
    %dma_start3A_592 = tpu.memref_slice %arg2[%get3A_587, %dma_start3A_591] : memref<1000001x64xf32, #tpu.memory_space<any>> -> memref<1x64xf32, #tpu.memory_space<any>>
    tpu.enqueue_dma source(%dma_start3A_592 : memref<1x64xf32, #tpu.memory_space<any>>) target(%dma_start3A_590 : memref<1x64xf32, #tpu.memory_space<vmem>>) target_semaphore(%arg4 : memref<!tpu.dma_semaphore, #tpu.memory_space<semaphore_mem>>)
    %get3A_593 = arith.constant 85 : index
    %get3A_594 = memref.load %arg1[%get3A_593] : memref<200xi32, #tpu.memory_space<smem>>
    %dma_start3A_595 = arith.constant 85 : i32
    %dma_start3A_596 = arith.constant 0 : i32
    %dma_start3A_597 = tpu.memref_slice %arg3[%dma_start3A_595, %dma_start3A_596] : memref<200x64xf32, #tpu.memory_space<vmem>> -> memref<1x64xf32, #tpu.memory_space<vmem>>
    %dma_start3A_598 = arith.constant 0 : i32
    %dma_start3A_599 = tpu.memref_slice %arg2[%get3A_594, %dma_start3A_598] : memref<1000001x64xf32, #tpu.memory_space<any>> -> memref<1x64xf32, #tpu.memory_space<any>>
    tpu.enqueue_dma source(%dma_start3A_599 : memref<1x64xf32, #tpu.memory_space<any>>) target(%dma_start3A_597 : memref<1x64xf32, #tpu.memory_space<vmem>>) target_semaphore(%arg4 : memref<!tpu.dma_semaphore, #tpu.memory_space<semaphore_mem>>)
    %get3A_600 = arith.constant 86 : index
    %get3A_601 = memref.load %arg1[%get3A_600] : memref<200xi32, #tpu.memory_space<smem>>
    %dma_start3A_602 = arith.constant 86 : i32
    %dma_start3A_603 = arith.constant 0 : i32
    %dma_start3A_604 = tpu.memref_slice %arg3[%dma_start3A_602, %dma_start3A_603] : memref<200x64xf32, #tpu.memory_space<vmem>> -> memref<1x64xf32, #tpu.memory_space<vmem>>
    %dma_start3A_605 = arith.constant 0 : i32
    %dma_start3A_606 = tpu.memref_slice %arg2[%get3A_601, %dma_start3A_605] : memref<1000001x64xf32, #tpu.memory_space<any>> -> memref<1x64xf32, #tpu.memory_space<any>>
    tpu.enqueue_dma source(%dma_start3A_606 : memref<1x64xf32, #tpu.memory_space<any>>) target(%dma_start3A_604 : memref<1x64xf32, #tpu.memory_space<vmem>>) target_semaphore(%arg4 : memref<!tpu.dma_semaphore, #tpu.memory_space<semaphore_mem>>)
    %get3A_607 = arith.constant 87 : index
    %get3A_608 = memref.load %arg1[%get3A_607] : memref<200xi32, #tpu.memory_space<smem>>
    %dma_start3A_609 = arith.constant 87 : i32
    %dma_start3A_610 = arith.constant 0 : i32
    %dma_start3A_611 = tpu.memref_slice %arg3[%dma_start3A_609, %dma_start3A_610] : memref<200x64xf32, #tpu.memory_space<vmem>> -> memref<1x64xf32, #tpu.memory_space<vmem>>
    %dma_start3A_612 = arith.constant 0 : i32
    %dma_start3A_613 = tpu.memref_slice %arg2[%get3A_608, %dma_start3A_612] : memref<1000001x64xf32, #tpu.memory_space<any>> -> memref<1x64xf32, #tpu.memory_space<any>>
    tpu.enqueue_dma source(%dma_start3A_613 : memref<1x64xf32, #tpu.memory_space<any>>) target(%dma_start3A_611 : memref<1x64xf32, #tpu.memory_space<vmem>>) target_semaphore(%arg4 : memref<!tpu.dma_semaphore, #tpu.memory_space<semaphore_mem>>)
    %get3A_614 = arith.constant 88 : index
    %get3A_615 = memref.load %arg1[%get3A_614] : memref<200xi32, #tpu.memory_space<smem>>
    %dma_start3A_616 = arith.constant 88 : i32
    %dma_start3A_617 = arith.constant 0 : i32
    %dma_start3A_618 = tpu.memref_slice %arg3[%dma_start3A_616, %dma_start3A_617] : memref<200x64xf32, #tpu.memory_space<vmem>> -> memref<1x64xf32, #tpu.memory_space<vmem>>
    %dma_start3A_619 = arith.constant 0 : i32
    %dma_start3A_620 = tpu.memref_slice %arg2[%get3A_615, %dma_start3A_619] : memref<1000001x64xf32, #tpu.memory_space<any>> -> memref<1x64xf32, #tpu.memory_space<any>>
    tpu.enqueue_dma source(%dma_start3A_620 : memref<1x64xf32, #tpu.memory_space<any>>) target(%dma_start3A_618 : memref<1x64xf32, #tpu.memory_space<vmem>>) target_semaphore(%arg4 : memref<!tpu.dma_semaphore, #tpu.memory_space<semaphore_mem>>)
    %get3A_621 = arith.constant 89 : index
    %get3A_622 = memref.load %arg1[%get3A_621] : memref<200xi32, #tpu.memory_space<smem>>
    %dma_start3A_623 = arith.constant 89 : i32
    %dma_start3A_624 = arith.constant 0 : i32
    %dma_start3A_625 = tpu.memref_slice %arg3[%dma_start3A_623, %dma_start3A_624] : memref<200x64xf32, #tpu.memory_space<vmem>> -> memref<1x64xf32, #tpu.memory_space<vmem>>
    %dma_start3A_626 = arith.constant 0 : i32
    %dma_start3A_627 = tpu.memref_slice %arg2[%get3A_622, %dma_start3A_626] : memref<1000001x64xf32, #tpu.memory_space<any>> -> memref<1x64xf32, #tpu.memory_space<any>>
    tpu.enqueue_dma source(%dma_start3A_627 : memref<1x64xf32, #tpu.memory_space<any>>) target(%dma_start3A_625 : memref<1x64xf32, #tpu.memory_space<vmem>>) target_semaphore(%arg4 : memref<!tpu.dma_semaphore, #tpu.memory_space<semaphore_mem>>)
    %get3A_628 = arith.constant 90 : index
    %get3A_629 = memref.load %arg1[%get3A_628] : memref<200xi32, #tpu.memory_space<smem>>
    %dma_start3A_630 = arith.constant 90 : i32
    %dma_start3A_631 = arith.constant 0 : i32
    %dma_start3A_632 = tpu.memref_slice %arg3[%dma_start3A_630, %dma_start3A_631] : memref<200x64xf32, #tpu.memory_space<vmem>> -> memref<1x64xf32, #tpu.memory_space<vmem>>
    %dma_start3A_633 = arith.constant 0 : i32
    %dma_start3A_634 = tpu.memref_slice %arg2[%get3A_629, %dma_start3A_633] : memref<1000001x64xf32, #tpu.memory_space<any>> -> memref<1x64xf32, #tpu.memory_space<any>>
    tpu.enqueue_dma source(%dma_start3A_634 : memref<1x64xf32, #tpu.memory_space<any>>) target(%dma_start3A_632 : memref<1x64xf32, #tpu.memory_space<vmem>>) target_semaphore(%arg4 : memref<!tpu.dma_semaphore, #tpu.memory_space<semaphore_mem>>)
    %get3A_635 = arith.constant 91 : index
    %get3A_636 = memref.load %arg1[%get3A_635] : memref<200xi32, #tpu.memory_space<smem>>
    %dma_start3A_637 = arith.constant 91 : i32
    %dma_start3A_638 = arith.constant 0 : i32
    %dma_start3A_639 = tpu.memref_slice %arg3[%dma_start3A_637, %dma_start3A_638] : memref<200x64xf32, #tpu.memory_space<vmem>> -> memref<1x64xf32, #tpu.memory_space<vmem>>
    %dma_start3A_640 = arith.constant 0 : i32
    %dma_start3A_641 = tpu.memref_slice %arg2[%get3A_636, %dma_start3A_640] : memref<1000001x64xf32, #tpu.memory_space<any>> -> memref<1x64xf32, #tpu.memory_space<any>>
    tpu.enqueue_dma source(%dma_start3A_641 : memref<1x64xf32, #tpu.memory_space<any>>) target(%dma_start3A_639 : memref<1x64xf32, #tpu.memory_space<vmem>>) target_semaphore(%arg4 : memref<!tpu.dma_semaphore, #tpu.memory_space<semaphore_mem>>)
    %get3A_642 = arith.constant 92 : index
    %get3A_643 = memref.load %arg1[%get3A_642] : memref<200xi32, #tpu.memory_space<smem>>
    %dma_start3A_644 = arith.constant 92 : i32
    %dma_start3A_645 = arith.constant 0 : i32
    %dma_start3A_646 = tpu.memref_slice %arg3[%dma_start3A_644, %dma_start3A_645] : memref<200x64xf32, #tpu.memory_space<vmem>> -> memref<1x64xf32, #tpu.memory_space<vmem>>
    %dma_start3A_647 = arith.constant 0 : i32
    %dma_start3A_648 = tpu.memref_slice %arg2[%get3A_643, %dma_start3A_647] : memref<1000001x64xf32, #tpu.memory_space<any>> -> memref<1x64xf32, #tpu.memory_space<any>>
    tpu.enqueue_dma source(%dma_start3A_648 : memref<1x64xf32, #tpu.memory_space<any>>) target(%dma_start3A_646 : memref<1x64xf32, #tpu.memory_space<vmem>>) target_semaphore(%arg4 : memref<!tpu.dma_semaphore, #tpu.memory_space<semaphore_mem>>)
    %get3A_649 = arith.constant 93 : index
    %get3A_650 = memref.load %arg1[%get3A_649] : memref<200xi32, #tpu.memory_space<smem>>
    %dma_start3A_651 = arith.constant 93 : i32
    %dma_start3A_652 = arith.constant 0 : i32
    %dma_start3A_653 = tpu.memref_slice %arg3[%dma_start3A_651, %dma_start3A_652] : memref<200x64xf32, #tpu.memory_space<vmem>> -> memref<1x64xf32, #tpu.memory_space<vmem>>
    %dma_start3A_654 = arith.constant 0 : i32
    %dma_start3A_655 = tpu.memref_slice %arg2[%get3A_650, %dma_start3A_654] : memref<1000001x64xf32, #tpu.memory_space<any>> -> memref<1x64xf32, #tpu.memory_space<any>>
    tpu.enqueue_dma source(%dma_start3A_655 : memref<1x64xf32, #tpu.memory_space<any>>) target(%dma_start3A_653 : memref<1x64xf32, #tpu.memory_space<vmem>>) target_semaphore(%arg4 : memref<!tpu.dma_semaphore, #tpu.memory_space<semaphore_mem>>)
    %get3A_656 = arith.constant 94 : index
    %get3A_657 = memref.load %arg1[%get3A_656] : memref<200xi32, #tpu.memory_space<smem>>
    %dma_start3A_658 = arith.constant 94 : i32
    %dma_start3A_659 = arith.constant 0 : i32
    %dma_start3A_660 = tpu.memref_slice %arg3[%dma_start3A_658, %dma_start3A_659] : memref<200x64xf32, #tpu.memory_space<vmem>> -> memref<1x64xf32, #tpu.memory_space<vmem>>
    %dma_start3A_661 = arith.constant 0 : i32
    %dma_start3A_662 = tpu.memref_slice %arg2[%get3A_657, %dma_start3A_661] : memref<1000001x64xf32, #tpu.memory_space<any>> -> memref<1x64xf32, #tpu.memory_space<any>>
    tpu.enqueue_dma source(%dma_start3A_662 : memref<1x64xf32, #tpu.memory_space<any>>) target(%dma_start3A_660 : memref<1x64xf32, #tpu.memory_space<vmem>>) target_semaphore(%arg4 : memref<!tpu.dma_semaphore, #tpu.memory_space<semaphore_mem>>)
    %get3A_663 = arith.constant 95 : index
    %get3A_664 = memref.load %arg1[%get3A_663] : memref<200xi32, #tpu.memory_space<smem>>
    %dma_start3A_665 = arith.constant 95 : i32
    %dma_start3A_666 = arith.constant 0 : i32
    %dma_start3A_667 = tpu.memref_slice %arg3[%dma_start3A_665, %dma_start3A_666] : memref<200x64xf32, #tpu.memory_space<vmem>> -> memref<1x64xf32, #tpu.memory_space<vmem>>
    %dma_start3A_668 = arith.constant 0 : i32
    %dma_start3A_669 = tpu.memref_slice %arg2[%get3A_664, %dma_start3A_668] : memref<1000001x64xf32, #tpu.memory_space<any>> -> memref<1x64xf32, #tpu.memory_space<any>>
    tpu.enqueue_dma source(%dma_start3A_669 : memref<1x64xf32, #tpu.memory_space<any>>) target(%dma_start3A_667 : memref<1x64xf32, #tpu.memory_space<vmem>>) target_semaphore(%arg4 : memref<!tpu.dma_semaphore, #tpu.memory_space<semaphore_mem>>)
    %get3A_670 = arith.constant 96 : index
    %get3A_671 = memref.load %arg1[%get3A_670] : memref<200xi32, #tpu.memory_space<smem>>
    %dma_start3A_672 = arith.constant 96 : i32
    %dma_start3A_673 = arith.constant 0 : i32
    %dma_start3A_674 = tpu.memref_slice %arg3[%dma_start3A_672, %dma_start3A_673] : memref<200x64xf32, #tpu.memory_space<vmem>> -> memref<1x64xf32, #tpu.memory_space<vmem>>
    %dma_start3A_675 = arith.constant 0 : i32
    %dma_start3A_676 = tpu.memref_slice %arg2[%get3A_671, %dma_start3A_675] : memref<1000001x64xf32, #tpu.memory_space<any>> -> memref<1x64xf32, #tpu.memory_space<any>>
    tpu.enqueue_dma source(%dma_start3A_676 : memref<1x64xf32, #tpu.memory_space<any>>) target(%dma_start3A_674 : memref<1x64xf32, #tpu.memory_space<vmem>>) target_semaphore(%arg4 : memref<!tpu.dma_semaphore, #tpu.memory_space<semaphore_mem>>)
    %get3A_677 = arith.constant 97 : index
    %get3A_678 = memref.load %arg1[%get3A_677] : memref<200xi32, #tpu.memory_space<smem>>
    %dma_start3A_679 = arith.constant 97 : i32
    %dma_start3A_680 = arith.constant 0 : i32
    %dma_start3A_681 = tpu.memref_slice %arg3[%dma_start3A_679, %dma_start3A_680] : memref<200x64xf32, #tpu.memory_space<vmem>> -> memref<1x64xf32, #tpu.memory_space<vmem>>
    %dma_start3A_682 = arith.constant 0 : i32
    %dma_start3A_683 = tpu.memref_slice %arg2[%get3A_678, %dma_start3A_682] : memref<1000001x64xf32, #tpu.memory_space<any>> -> memref<1x64xf32, #tpu.memory_space<any>>
    tpu.enqueue_dma source(%dma_start3A_683 : memref<1x64xf32, #tpu.memory_space<any>>) target(%dma_start3A_681 : memref<1x64xf32, #tpu.memory_space<vmem>>) target_semaphore(%arg4 : memref<!tpu.dma_semaphore, #tpu.memory_space<semaphore_mem>>)
    %get3A_684 = arith.constant 98 : index
    %get3A_685 = memref.load %arg1[%get3A_684] : memref<200xi32, #tpu.memory_space<smem>>
    %dma_start3A_686 = arith.constant 98 : i32
    %dma_start3A_687 = arith.constant 0 : i32
    %dma_start3A_688 = tpu.memref_slice %arg3[%dma_start3A_686, %dma_start3A_687] : memref<200x64xf32, #tpu.memory_space<vmem>> -> memref<1x64xf32, #tpu.memory_space<vmem>>
    %dma_start3A_689 = arith.constant 0 : i32
    %dma_start3A_690 = tpu.memref_slice %arg2[%get3A_685, %dma_start3A_689] : memref<1000001x64xf32, #tpu.memory_space<any>> -> memref<1x64xf32, #tpu.memory_space<any>>
    tpu.enqueue_dma source(%dma_start3A_690 : memref<1x64xf32, #tpu.memory_space<any>>) target(%dma_start3A_688 : memref<1x64xf32, #tpu.memory_space<vmem>>) target_semaphore(%arg4 : memref<!tpu.dma_semaphore, #tpu.memory_space<semaphore_mem>>)
    %get3A_691 = arith.constant 99 : index
    %get3A_692 = memref.load %arg1[%get3A_691] : memref<200xi32, #tpu.memory_space<smem>>
    %dma_start3A_693 = arith.constant 99 : i32
    %dma_start3A_694 = arith.constant 0 : i32
    %dma_start3A_695 = tpu.memref_slice %arg3[%dma_start3A_693, %dma_start3A_694] : memref<200x64xf32, #tpu.memory_space<vmem>> -> memref<1x64xf32, #tpu.memory_space<vmem>>
    %dma_start3A_696 = arith.constant 0 : i32
    %dma_start3A_697 = tpu.memref_slice %arg2[%get3A_692, %dma_start3A_696] : memref<1000001x64xf32, #tpu.memory_space<any>> -> memref<1x64xf32, #tpu.memory_space<any>>
    tpu.enqueue_dma source(%dma_start3A_697 : memref<1x64xf32, #tpu.memory_space<any>>) target(%dma_start3A_695 : memref<1x64xf32, #tpu.memory_space<vmem>>) target_semaphore(%arg4 : memref<!tpu.dma_semaphore, #tpu.memory_space<semaphore_mem>>)
    %get3A_698 = arith.constant 100 : index
    %get3A_699 = memref.load %arg1[%get3A_698] : memref<200xi32, #tpu.memory_space<smem>>
    %dma_start3A_700 = arith.constant 100 : i32
    %dma_start3A_701 = arith.constant 0 : i32
    %dma_start3A_702 = tpu.memref_slice %arg3[%dma_start3A_700, %dma_start3A_701] : memref<200x64xf32, #tpu.memory_space<vmem>> -> memref<1x64xf32, #tpu.memory_space<vmem>>
    %dma_start3A_703 = arith.constant 0 : i32
    %dma_start3A_704 = tpu.memref_slice %arg2[%get3A_699, %dma_start3A_703] : memref<1000001x64xf32, #tpu.memory_space<any>> -> memref<1x64xf32, #tpu.memory_space<any>>
    tpu.enqueue_dma source(%dma_start3A_704 : memref<1x64xf32, #tpu.memory_space<any>>) target(%dma_start3A_702 : memref<1x64xf32, #tpu.memory_space<vmem>>) target_semaphore(%arg4 : memref<!tpu.dma_semaphore, #tpu.memory_space<semaphore_mem>>)
    %get3A_705 = arith.constant 101 : index
    %get3A_706 = memref.load %arg1[%get3A_705] : memref<200xi32, #tpu.memory_space<smem>>
    %dma_start3A_707 = arith.constant 101 : i32
    %dma_start3A_708 = arith.constant 0 : i32
    %dma_start3A_709 = tpu.memref_slice %arg3[%dma_start3A_707, %dma_start3A_708] : memref<200x64xf32, #tpu.memory_space<vmem>> -> memref<1x64xf32, #tpu.memory_space<vmem>>
    %dma_start3A_710 = arith.constant 0 : i32
    %dma_start3A_711 = tpu.memref_slice %arg2[%get3A_706, %dma_start3A_710] : memref<1000001x64xf32, #tpu.memory_space<any>> -> memref<1x64xf32, #tpu.memory_space<any>>
    tpu.enqueue_dma source(%dma_start3A_711 : memref<1x64xf32, #tpu.memory_space<any>>) target(%dma_start3A_709 : memref<1x64xf32, #tpu.memory_space<vmem>>) target_semaphore(%arg4 : memref<!tpu.dma_semaphore, #tpu.memory_space<semaphore_mem>>)
    %get3A_712 = arith.constant 102 : index
    %get3A_713 = memref.load %arg1[%get3A_712] : memref<200xi32, #tpu.memory_space<smem>>
    %dma_start3A_714 = arith.constant 102 : i32
    %dma_start3A_715 = arith.constant 0 : i32
    %dma_start3A_716 = tpu.memref_slice %arg3[%dma_start3A_714, %dma_start3A_715] : memref<200x64xf32, #tpu.memory_space<vmem>> -> memref<1x64xf32, #tpu.memory_space<vmem>>
    %dma_start3A_717 = arith.constant 0 : i32
    %dma_start3A_718 = tpu.memref_slice %arg2[%get3A_713, %dma_start3A_717] : memref<1000001x64xf32, #tpu.memory_space<any>> -> memref<1x64xf32, #tpu.memory_space<any>>
    tpu.enqueue_dma source(%dma_start3A_718 : memref<1x64xf32, #tpu.memory_space<any>>) target(%dma_start3A_716 : memref<1x64xf32, #tpu.memory_space<vmem>>) target_semaphore(%arg4 : memref<!tpu.dma_semaphore, #tpu.memory_space<semaphore_mem>>)
    %get3A_719 = arith.constant 103 : index
    %get3A_720 = memref.load %arg1[%get3A_719] : memref<200xi32, #tpu.memory_space<smem>>
    %dma_start3A_721 = arith.constant 103 : i32
    %dma_start3A_722 = arith.constant 0 : i32
    %dma_start3A_723 = tpu.memref_slice %arg3[%dma_start3A_721, %dma_start3A_722] : memref<200x64xf32, #tpu.memory_space<vmem>> -> memref<1x64xf32, #tpu.memory_space<vmem>>
    %dma_start3A_724 = arith.constant 0 : i32
    %dma_start3A_725 = tpu.memref_slice %arg2[%get3A_720, %dma_start3A_724] : memref<1000001x64xf32, #tpu.memory_space<any>> -> memref<1x64xf32, #tpu.memory_space<any>>
    tpu.enqueue_dma source(%dma_start3A_725 : memref<1x64xf32, #tpu.memory_space<any>>) target(%dma_start3A_723 : memref<1x64xf32, #tpu.memory_space<vmem>>) target_semaphore(%arg4 : memref<!tpu.dma_semaphore, #tpu.memory_space<semaphore_mem>>)
    %get3A_726 = arith.constant 104 : index
    %get3A_727 = memref.load %arg1[%get3A_726] : memref<200xi32, #tpu.memory_space<smem>>
    %dma_start3A_728 = arith.constant 104 : i32
    %dma_start3A_729 = arith.constant 0 : i32
    %dma_start3A_730 = tpu.memref_slice %arg3[%dma_start3A_728, %dma_start3A_729] : memref<200x64xf32, #tpu.memory_space<vmem>> -> memref<1x64xf32, #tpu.memory_space<vmem>>
    %dma_start3A_731 = arith.constant 0 : i32
    %dma_start3A_732 = tpu.memref_slice %arg2[%get3A_727, %dma_start3A_731] : memref<1000001x64xf32, #tpu.memory_space<any>> -> memref<1x64xf32, #tpu.memory_space<any>>
    tpu.enqueue_dma source(%dma_start3A_732 : memref<1x64xf32, #tpu.memory_space<any>>) target(%dma_start3A_730 : memref<1x64xf32, #tpu.memory_space<vmem>>) target_semaphore(%arg4 : memref<!tpu.dma_semaphore, #tpu.memory_space<semaphore_mem>>)
    %get3A_733 = arith.constant 105 : index
    %get3A_734 = memref.load %arg1[%get3A_733] : memref<200xi32, #tpu.memory_space<smem>>
    %dma_start3A_735 = arith.constant 105 : i32
    %dma_start3A_736 = arith.constant 0 : i32
    %dma_start3A_737 = tpu.memref_slice %arg3[%dma_start3A_735, %dma_start3A_736] : memref<200x64xf32, #tpu.memory_space<vmem>> -> memref<1x64xf32, #tpu.memory_space<vmem>>
    %dma_start3A_738 = arith.constant 0 : i32
    %dma_start3A_739 = tpu.memref_slice %arg2[%get3A_734, %dma_start3A_738] : memref<1000001x64xf32, #tpu.memory_space<any>> -> memref<1x64xf32, #tpu.memory_space<any>>
    tpu.enqueue_dma source(%dma_start3A_739 : memref<1x64xf32, #tpu.memory_space<any>>) target(%dma_start3A_737 : memref<1x64xf32, #tpu.memory_space<vmem>>) target_semaphore(%arg4 : memref<!tpu.dma_semaphore, #tpu.memory_space<semaphore_mem>>)
    %get3A_740 = arith.constant 106 : index
    %get3A_741 = memref.load %arg1[%get3A_740] : memref<200xi32, #tpu.memory_space<smem>>
    %dma_start3A_742 = arith.constant 106 : i32
    %dma_start3A_743 = arith.constant 0 : i32
    %dma_start3A_744 = tpu.memref_slice %arg3[%dma_start3A_742, %dma_start3A_743] : memref<200x64xf32, #tpu.memory_space<vmem>> -> memref<1x64xf32, #tpu.memory_space<vmem>>
    %dma_start3A_745 = arith.constant 0 : i32
    %dma_start3A_746 = tpu.memref_slice %arg2[%get3A_741, %dma_start3A_745] : memref<1000001x64xf32, #tpu.memory_space<any>> -> memref<1x64xf32, #tpu.memory_space<any>>
    tpu.enqueue_dma source(%dma_start3A_746 : memref<1x64xf32, #tpu.memory_space<any>>) target(%dma_start3A_744 : memref<1x64xf32, #tpu.memory_space<vmem>>) target_semaphore(%arg4 : memref<!tpu.dma_semaphore, #tpu.memory_space<semaphore_mem>>)
    %get3A_747 = arith.constant 107 : index
    %get3A_748 = memref.load %arg1[%get3A_747] : memref<200xi32, #tpu.memory_space<smem>>
    %dma_start3A_749 = arith.constant 107 : i32
    %dma_start3A_750 = arith.constant 0 : i32
    %dma_start3A_751 = tpu.memref_slice %arg3[%dma_start3A_749, %dma_start3A_750] : memref<200x64xf32, #tpu.memory_space<vmem>> -> memref<1x64xf32, #tpu.memory_space<vmem>>
    %dma_start3A_752 = arith.constant 0 : i32
    %dma_start3A_753 = tpu.memref_slice %arg2[%get3A_748, %dma_start3A_752] : memref<1000001x64xf32, #tpu.memory_space<any>> -> memref<1x64xf32, #tpu.memory_space<any>>
    tpu.enqueue_dma source(%dma_start3A_753 : memref<1x64xf32, #tpu.memory_space<any>>) target(%dma_start3A_751 : memref<1x64xf32, #tpu.memory_space<vmem>>) target_semaphore(%arg4 : memref<!tpu.dma_semaphore, #tpu.memory_space<semaphore_mem>>)
    %get3A_754 = arith.constant 108 : index
    %get3A_755 = memref.load %arg1[%get3A_754] : memref<200xi32, #tpu.memory_space<smem>>
    %dma_start3A_756 = arith.constant 108 : i32
    %dma_start3A_757 = arith.constant 0 : i32
    %dma_start3A_758 = tpu.memref_slice %arg3[%dma_start3A_756, %dma_start3A_757] : memref<200x64xf32, #tpu.memory_space<vmem>> -> memref<1x64xf32, #tpu.memory_space<vmem>>
    %dma_start3A_759 = arith.constant 0 : i32
    %dma_start3A_760 = tpu.memref_slice %arg2[%get3A_755, %dma_start3A_759] : memref<1000001x64xf32, #tpu.memory_space<any>> -> memref<1x64xf32, #tpu.memory_space<any>>
    tpu.enqueue_dma source(%dma_start3A_760 : memref<1x64xf32, #tpu.memory_space<any>>) target(%dma_start3A_758 : memref<1x64xf32, #tpu.memory_space<vmem>>) target_semaphore(%arg4 : memref<!tpu.dma_semaphore, #tpu.memory_space<semaphore_mem>>)
    %get3A_761 = arith.constant 109 : index
    %get3A_762 = memref.load %arg1[%get3A_761] : memref<200xi32, #tpu.memory_space<smem>>
    %dma_start3A_763 = arith.constant 109 : i32
    %dma_start3A_764 = arith.constant 0 : i32
    %dma_start3A_765 = tpu.memref_slice %arg3[%dma_start3A_763, %dma_start3A_764] : memref<200x64xf32, #tpu.memory_space<vmem>> -> memref<1x64xf32, #tpu.memory_space<vmem>>
    %dma_start3A_766 = arith.constant 0 : i32
    %dma_start3A_767 = tpu.memref_slice %arg2[%get3A_762, %dma_start3A_766] : memref<1000001x64xf32, #tpu.memory_space<any>> -> memref<1x64xf32, #tpu.memory_space<any>>
    tpu.enqueue_dma source(%dma_start3A_767 : memref<1x64xf32, #tpu.memory_space<any>>) target(%dma_start3A_765 : memref<1x64xf32, #tpu.memory_space<vmem>>) target_semaphore(%arg4 : memref<!tpu.dma_semaphore, #tpu.memory_space<semaphore_mem>>)
    %get3A_768 = arith.constant 110 : index
    %get3A_769 = memref.load %arg1[%get3A_768] : memref<200xi32, #tpu.memory_space<smem>>
    %dma_start3A_770 = arith.constant 110 : i32
    %dma_start3A_771 = arith.constant 0 : i32
    %dma_start3A_772 = tpu.memref_slice %arg3[%dma_start3A_770, %dma_start3A_771] : memref<200x64xf32, #tpu.memory_space<vmem>> -> memref<1x64xf32, #tpu.memory_space<vmem>>
    %dma_start3A_773 = arith.constant 0 : i32
    %dma_start3A_774 = tpu.memref_slice %arg2[%get3A_769, %dma_start3A_773] : memref<1000001x64xf32, #tpu.memory_space<any>> -> memref<1x64xf32, #tpu.memory_space<any>>
    tpu.enqueue_dma source(%dma_start3A_774 : memref<1x64xf32, #tpu.memory_space<any>>) target(%dma_start3A_772 : memref<1x64xf32, #tpu.memory_space<vmem>>) target_semaphore(%arg4 : memref<!tpu.dma_semaphore, #tpu.memory_space<semaphore_mem>>)
    %get3A_775 = arith.constant 111 : index
    %get3A_776 = memref.load %arg1[%get3A_775] : memref<200xi32, #tpu.memory_space<smem>>
    %dma_start3A_777 = arith.constant 111 : i32
    %dma_start3A_778 = arith.constant 0 : i32
    %dma_start3A_779 = tpu.memref_slice %arg3[%dma_start3A_777, %dma_start3A_778] : memref<200x64xf32, #tpu.memory_space<vmem>> -> memref<1x64xf32, #tpu.memory_space<vmem>>
    %dma_start3A_780 = arith.constant 0 : i32
    %dma_start3A_781 = tpu.memref_slice %arg2[%get3A_776, %dma_start3A_780] : memref<1000001x64xf32, #tpu.memory_space<any>> -> memref<1x64xf32, #tpu.memory_space<any>>
    tpu.enqueue_dma source(%dma_start3A_781 : memref<1x64xf32, #tpu.memory_space<any>>) target(%dma_start3A_779 : memref<1x64xf32, #tpu.memory_space<vmem>>) target_semaphore(%arg4 : memref<!tpu.dma_semaphore, #tpu.memory_space<semaphore_mem>>)
    %get3A_782 = arith.constant 112 : index
    %get3A_783 = memref.load %arg1[%get3A_782] : memref<200xi32, #tpu.memory_space<smem>>
    %dma_start3A_784 = arith.constant 112 : i32
    %dma_start3A_785 = arith.constant 0 : i32
    %dma_start3A_786 = tpu.memref_slice %arg3[%dma_start3A_784, %dma_start3A_785] : memref<200x64xf32, #tpu.memory_space<vmem>> -> memref<1x64xf32, #tpu.memory_space<vmem>>
    %dma_start3A_787 = arith.constant 0 : i32
    %dma_start3A_788 = tpu.memref_slice %arg2[%get3A_783, %dma_start3A_787] : memref<1000001x64xf32, #tpu.memory_space<any>> -> memref<1x64xf32, #tpu.memory_space<any>>
    tpu.enqueue_dma source(%dma_start3A_788 : memref<1x64xf32, #tpu.memory_space<any>>) target(%dma_start3A_786 : memref<1x64xf32, #tpu.memory_space<vmem>>) target_semaphore(%arg4 : memref<!tpu.dma_semaphore, #tpu.memory_space<semaphore_mem>>)
    %get3A_789 = arith.constant 113 : index
    %get3A_790 = memref.load %arg1[%get3A_789] : memref<200xi32, #tpu.memory_space<smem>>
    %dma_start3A_791 = arith.constant 113 : i32
    %dma_start3A_792 = arith.constant 0 : i32
    %dma_start3A_793 = tpu.memref_slice %arg3[%dma_start3A_791, %dma_start3A_792] : memref<200x64xf32, #tpu.memory_space<vmem>> -> memref<1x64xf32, #tpu.memory_space<vmem>>
    %dma_start3A_794 = arith.constant 0 : i32
    %dma_start3A_795 = tpu.memref_slice %arg2[%get3A_790, %dma_start3A_794] : memref<1000001x64xf32, #tpu.memory_space<any>> -> memref<1x64xf32, #tpu.memory_space<any>>
    tpu.enqueue_dma source(%dma_start3A_795 : memref<1x64xf32, #tpu.memory_space<any>>) target(%dma_start3A_793 : memref<1x64xf32, #tpu.memory_space<vmem>>) target_semaphore(%arg4 : memref<!tpu.dma_semaphore, #tpu.memory_space<semaphore_mem>>)
    %get3A_796 = arith.constant 114 : index
    %get3A_797 = memref.load %arg1[%get3A_796] : memref<200xi32, #tpu.memory_space<smem>>
    %dma_start3A_798 = arith.constant 114 : i32
    %dma_start3A_799 = arith.constant 0 : i32
    %dma_start3A_800 = tpu.memref_slice %arg3[%dma_start3A_798, %dma_start3A_799] : memref<200x64xf32, #tpu.memory_space<vmem>> -> memref<1x64xf32, #tpu.memory_space<vmem>>
    %dma_start3A_801 = arith.constant 0 : i32
    %dma_start3A_802 = tpu.memref_slice %arg2[%get3A_797, %dma_start3A_801] : memref<1000001x64xf32, #tpu.memory_space<any>> -> memref<1x64xf32, #tpu.memory_space<any>>
    tpu.enqueue_dma source(%dma_start3A_802 : memref<1x64xf32, #tpu.memory_space<any>>) target(%dma_start3A_800 : memref<1x64xf32, #tpu.memory_space<vmem>>) target_semaphore(%arg4 : memref<!tpu.dma_semaphore, #tpu.memory_space<semaphore_mem>>)
    %get3A_803 = arith.constant 115 : index
    %get3A_804 = memref.load %arg1[%get3A_803] : memref<200xi32, #tpu.memory_space<smem>>
    %dma_start3A_805 = arith.constant 115 : i32
    %dma_start3A_806 = arith.constant 0 : i32
    %dma_start3A_807 = tpu.memref_slice %arg3[%dma_start3A_805, %dma_start3A_806] : memref<200x64xf32, #tpu.memory_space<vmem>> -> memref<1x64xf32, #tpu.memory_space<vmem>>
    %dma_start3A_808 = arith.constant 0 : i32
    %dma_start3A_809 = tpu.memref_slice %arg2[%get3A_804, %dma_start3A_808] : memref<1000001x64xf32, #tpu.memory_space<any>> -> memref<1x64xf32, #tpu.memory_space<any>>
    tpu.enqueue_dma source(%dma_start3A_809 : memref<1x64xf32, #tpu.memory_space<any>>) target(%dma_start3A_807 : memref<1x64xf32, #tpu.memory_space<vmem>>) target_semaphore(%arg4 : memref<!tpu.dma_semaphore, #tpu.memory_space<semaphore_mem>>)
    %get3A_810 = arith.constant 116 : index
    %get3A_811 = memref.load %arg1[%get3A_810] : memref<200xi32, #tpu.memory_space<smem>>
    %dma_start3A_812 = arith.constant 116 : i32
    %dma_start3A_813 = arith.constant 0 : i32
    %dma_start3A_814 = tpu.memref_slice %arg3[%dma_start3A_812, %dma_start3A_813] : memref<200x64xf32, #tpu.memory_space<vmem>> -> memref<1x64xf32, #tpu.memory_space<vmem>>
    %dma_start3A_815 = arith.constant 0 : i32
    %dma_start3A_816 = tpu.memref_slice %arg2[%get3A_811, %dma_start3A_815] : memref<1000001x64xf32, #tpu.memory_space<any>> -> memref<1x64xf32, #tpu.memory_space<any>>
    tpu.enqueue_dma source(%dma_start3A_816 : memref<1x64xf32, #tpu.memory_space<any>>) target(%dma_start3A_814 : memref<1x64xf32, #tpu.memory_space<vmem>>) target_semaphore(%arg4 : memref<!tpu.dma_semaphore, #tpu.memory_space<semaphore_mem>>)
    %get3A_817 = arith.constant 117 : index
    %get3A_818 = memref.load %arg1[%get3A_817] : memref<200xi32, #tpu.memory_space<smem>>
    %dma_start3A_819 = arith.constant 117 : i32
    %dma_start3A_820 = arith.constant 0 : i32
    %dma_start3A_821 = tpu.memref_slice %arg3[%dma_start3A_819, %dma_start3A_820] : memref<200x64xf32, #tpu.memory_space<vmem>> -> memref<1x64xf32, #tpu.memory_space<vmem>>
    %dma_start3A_822 = arith.constant 0 : i32
    %dma_start3A_823 = tpu.memref_slice %arg2[%get3A_818, %dma_start3A_822] : memref<1000001x64xf32, #tpu.memory_space<any>> -> memref<1x64xf32, #tpu.memory_space<any>>
    tpu.enqueue_dma source(%dma_start3A_823 : memref<1x64xf32, #tpu.memory_space<any>>) target(%dma_start3A_821 : memref<1x64xf32, #tpu.memory_space<vmem>>) target_semaphore(%arg4 : memref<!tpu.dma_semaphore, #tpu.memory_space<semaphore_mem>>)
    %get3A_824 = arith.constant 118 : index
    %get3A_825 = memref.load %arg1[%get3A_824] : memref<200xi32, #tpu.memory_space<smem>>
    %dma_start3A_826 = arith.constant 118 : i32
    %dma_start3A_827 = arith.constant 0 : i32
    %dma_start3A_828 = tpu.memref_slice %arg3[%dma_start3A_826, %dma_start3A_827] : memref<200x64xf32, #tpu.memory_space<vmem>> -> memref<1x64xf32, #tpu.memory_space<vmem>>
    %dma_start3A_829 = arith.constant 0 : i32
    %dma_start3A_830 = tpu.memref_slice %arg2[%get3A_825, %dma_start3A_829] : memref<1000001x64xf32, #tpu.memory_space<any>> -> memref<1x64xf32, #tpu.memory_space<any>>
    tpu.enqueue_dma source(%dma_start3A_830 : memref<1x64xf32, #tpu.memory_space<any>>) target(%dma_start3A_828 : memref<1x64xf32, #tpu.memory_space<vmem>>) target_semaphore(%arg4 : memref<!tpu.dma_semaphore, #tpu.memory_space<semaphore_mem>>)
    %get3A_831 = arith.constant 119 : index
    %get3A_832 = memref.load %arg1[%get3A_831] : memref<200xi32, #tpu.memory_space<smem>>
    %dma_start3A_833 = arith.constant 119 : i32
    %dma_start3A_834 = arith.constant 0 : i32
    %dma_start3A_835 = tpu.memref_slice %arg3[%dma_start3A_833, %dma_start3A_834] : memref<200x64xf32, #tpu.memory_space<vmem>> -> memref<1x64xf32, #tpu.memory_space<vmem>>
    %dma_start3A_836 = arith.constant 0 : i32
    %dma_start3A_837 = tpu.memref_slice %arg2[%get3A_832, %dma_start3A_836] : memref<1000001x64xf32, #tpu.memory_space<any>> -> memref<1x64xf32, #tpu.memory_space<any>>
    tpu.enqueue_dma source(%dma_start3A_837 : memref<1x64xf32, #tpu.memory_space<any>>) target(%dma_start3A_835 : memref<1x64xf32, #tpu.memory_space<vmem>>) target_semaphore(%arg4 : memref<!tpu.dma_semaphore, #tpu.memory_space<semaphore_mem>>)
    %get3A_838 = arith.constant 120 : index
    %get3A_839 = memref.load %arg1[%get3A_838] : memref<200xi32, #tpu.memory_space<smem>>
    %dma_start3A_840 = arith.constant 120 : i32
    %dma_start3A_841 = arith.constant 0 : i32
    %dma_start3A_842 = tpu.memref_slice %arg3[%dma_start3A_840, %dma_start3A_841] : memref<200x64xf32, #tpu.memory_space<vmem>> -> memref<1x64xf32, #tpu.memory_space<vmem>>
    %dma_start3A_843 = arith.constant 0 : i32
    %dma_start3A_844 = tpu.memref_slice %arg2[%get3A_839, %dma_start3A_843] : memref<1000001x64xf32, #tpu.memory_space<any>> -> memref<1x64xf32, #tpu.memory_space<any>>
    tpu.enqueue_dma source(%dma_start3A_844 : memref<1x64xf32, #tpu.memory_space<any>>) target(%dma_start3A_842 : memref<1x64xf32, #tpu.memory_space<vmem>>) target_semaphore(%arg4 : memref<!tpu.dma_semaphore, #tpu.memory_space<semaphore_mem>>)
    %get3A_845 = arith.constant 121 : index
    %get3A_846 = memref.load %arg1[%get3A_845] : memref<200xi32, #tpu.memory_space<smem>>
    %dma_start3A_847 = arith.constant 121 : i32
    %dma_start3A_848 = arith.constant 0 : i32
    %dma_start3A_849 = tpu.memref_slice %arg3[%dma_start3A_847, %dma_start3A_848] : memref<200x64xf32, #tpu.memory_space<vmem>> -> memref<1x64xf32, #tpu.memory_space<vmem>>
    %dma_start3A_850 = arith.constant 0 : i32
    %dma_start3A_851 = tpu.memref_slice %arg2[%get3A_846, %dma_start3A_850] : memref<1000001x64xf32, #tpu.memory_space<any>> -> memref<1x64xf32, #tpu.memory_space<any>>
    tpu.enqueue_dma source(%dma_start3A_851 : memref<1x64xf32, #tpu.memory_space<any>>) target(%dma_start3A_849 : memref<1x64xf32, #tpu.memory_space<vmem>>) target_semaphore(%arg4 : memref<!tpu.dma_semaphore, #tpu.memory_space<semaphore_mem>>)
    %get3A_852 = arith.constant 122 : index
    %get3A_853 = memref.load %arg1[%get3A_852] : memref<200xi32, #tpu.memory_space<smem>>
    %dma_start3A_854 = arith.constant 122 : i32
    %dma_start3A_855 = arith.constant 0 : i32
    %dma_start3A_856 = tpu.memref_slice %arg3[%dma_start3A_854, %dma_start3A_855] : memref<200x64xf32, #tpu.memory_space<vmem>> -> memref<1x64xf32, #tpu.memory_space<vmem>>
    %dma_start3A_857 = arith.constant 0 : i32
    %dma_start3A_858 = tpu.memref_slice %arg2[%get3A_853, %dma_start3A_857] : memref<1000001x64xf32, #tpu.memory_space<any>> -> memref<1x64xf32, #tpu.memory_space<any>>
    tpu.enqueue_dma source(%dma_start3A_858 : memref<1x64xf32, #tpu.memory_space<any>>) target(%dma_start3A_856 : memref<1x64xf32, #tpu.memory_space<vmem>>) target_semaphore(%arg4 : memref<!tpu.dma_semaphore, #tpu.memory_space<semaphore_mem>>)
    %get3A_859 = arith.constant 123 : index
    %get3A_860 = memref.load %arg1[%get3A_859] : memref<200xi32, #tpu.memory_space<smem>>
    %dma_start3A_861 = arith.constant 123 : i32
    %dma_start3A_862 = arith.constant 0 : i32
    %dma_start3A_863 = tpu.memref_slice %arg3[%dma_start3A_861, %dma_start3A_862] : memref<200x64xf32, #tpu.memory_space<vmem>> -> memref<1x64xf32, #tpu.memory_space<vmem>>
    %dma_start3A_864 = arith.constant 0 : i32
    %dma_start3A_865 = tpu.memref_slice %arg2[%get3A_860, %dma_start3A_864] : memref<1000001x64xf32, #tpu.memory_space<any>> -> memref<1x64xf32, #tpu.memory_space<any>>
    tpu.enqueue_dma source(%dma_start3A_865 : memref<1x64xf32, #tpu.memory_space<any>>) target(%dma_start3A_863 : memref<1x64xf32, #tpu.memory_space<vmem>>) target_semaphore(%arg4 : memref<!tpu.dma_semaphore, #tpu.memory_space<semaphore_mem>>)
    %get3A_866 = arith.constant 124 : index
    %get3A_867 = memref.load %arg1[%get3A_866] : memref<200xi32, #tpu.memory_space<smem>>
    %dma_start3A_868 = arith.constant 124 : i32
    %dma_start3A_869 = arith.constant 0 : i32
    %dma_start3A_870 = tpu.memref_slice %arg3[%dma_start3A_868, %dma_start3A_869] : memref<200x64xf32, #tpu.memory_space<vmem>> -> memref<1x64xf32, #tpu.memory_space<vmem>>
    %dma_start3A_871 = arith.constant 0 : i32
    %dma_start3A_872 = tpu.memref_slice %arg2[%get3A_867, %dma_start3A_871] : memref<1000001x64xf32, #tpu.memory_space<any>> -> memref<1x64xf32, #tpu.memory_space<any>>
    tpu.enqueue_dma source(%dma_start3A_872 : memref<1x64xf32, #tpu.memory_space<any>>) target(%dma_start3A_870 : memref<1x64xf32, #tpu.memory_space<vmem>>) target_semaphore(%arg4 : memref<!tpu.dma_semaphore, #tpu.memory_space<semaphore_mem>>)
    %get3A_873 = arith.constant 125 : index
    %get3A_874 = memref.load %arg1[%get3A_873] : memref<200xi32, #tpu.memory_space<smem>>
    %dma_start3A_875 = arith.constant 125 : i32
    %dma_start3A_876 = arith.constant 0 : i32
    %dma_start3A_877 = tpu.memref_slice %arg3[%dma_start3A_875, %dma_start3A_876] : memref<200x64xf32, #tpu.memory_space<vmem>> -> memref<1x64xf32, #tpu.memory_space<vmem>>
    %dma_start3A_878 = arith.constant 0 : i32
    %dma_start3A_879 = tpu.memref_slice %arg2[%get3A_874, %dma_start3A_878] : memref<1000001x64xf32, #tpu.memory_space<any>> -> memref<1x64xf32, #tpu.memory_space<any>>
    tpu.enqueue_dma source(%dma_start3A_879 : memref<1x64xf32, #tpu.memory_space<any>>) target(%dma_start3A_877 : memref<1x64xf32, #tpu.memory_space<vmem>>) target_semaphore(%arg4 : memref<!tpu.dma_semaphore, #tpu.memory_space<semaphore_mem>>)
    %get3A_880 = arith.constant 126 : index
    %get3A_881 = memref.load %arg1[%get3A_880] : memref<200xi32, #tpu.memory_space<smem>>
    %dma_start3A_882 = arith.constant 126 : i32
    %dma_start3A_883 = arith.constant 0 : i32
    %dma_start3A_884 = tpu.memref_slice %arg3[%dma_start3A_882, %dma_start3A_883] : memref<200x64xf32, #tpu.memory_space<vmem>> -> memref<1x64xf32, #tpu.memory_space<vmem>>
    %dma_start3A_885 = arith.constant 0 : i32
    %dma_start3A_886 = tpu.memref_slice %arg2[%get3A_881, %dma_start3A_885] : memref<1000001x64xf32, #tpu.memory_space<any>> -> memref<1x64xf32, #tpu.memory_space<any>>
    tpu.enqueue_dma source(%dma_start3A_886 : memref<1x64xf32, #tpu.memory_space<any>>) target(%dma_start3A_884 : memref<1x64xf32, #tpu.memory_space<vmem>>) target_semaphore(%arg4 : memref<!tpu.dma_semaphore, #tpu.memory_space<semaphore_mem>>)
    %get3A_887 = arith.constant 127 : index
    %get3A_888 = memref.load %arg1[%get3A_887] : memref<200xi32, #tpu.memory_space<smem>>
    %dma_start3A_889 = arith.constant 127 : i32
    %dma_start3A_890 = arith.constant 0 : i32
    %dma_start3A_891 = tpu.memref_slice %arg3[%dma_start3A_889, %dma_start3A_890] : memref<200x64xf32, #tpu.memory_space<vmem>> -> memref<1x64xf32, #tpu.memory_space<vmem>>
    %dma_start3A_892 = arith.constant 0 : i32
    %dma_start3A_893 = tpu.memref_slice %arg2[%get3A_888, %dma_start3A_892] : memref<1000001x64xf32, #tpu.memory_space<any>> -> memref<1x64xf32, #tpu.memory_space<any>>
    tpu.enqueue_dma source(%dma_start3A_893 : memref<1x64xf32, #tpu.memory_space<any>>) target(%dma_start3A_891 : memref<1x64xf32, #tpu.memory_space<vmem>>) target_semaphore(%arg4 : memref<!tpu.dma_semaphore, #tpu.memory_space<semaphore_mem>>)
    %get3A_894 = arith.constant 128 : index
    %get3A_895 = memref.load %arg1[%get3A_894] : memref<200xi32, #tpu.memory_space<smem>>
    %dma_start3A_896 = arith.constant 128 : i32
    %dma_start3A_897 = arith.constant 0 : i32
    %dma_start3A_898 = tpu.memref_slice %arg3[%dma_start3A_896, %dma_start3A_897] : memref<200x64xf32, #tpu.memory_space<vmem>> -> memref<1x64xf32, #tpu.memory_space<vmem>>
    %dma_start3A_899 = arith.constant 0 : i32
    %dma_start3A_900 = tpu.memref_slice %arg2[%get3A_895, %dma_start3A_899] : memref<1000001x64xf32, #tpu.memory_space<any>> -> memref<1x64xf32, #tpu.memory_space<any>>
    tpu.enqueue_dma source(%dma_start3A_900 : memref<1x64xf32, #tpu.memory_space<any>>) target(%dma_start3A_898 : memref<1x64xf32, #tpu.memory_space<vmem>>) target_semaphore(%arg4 : memref<!tpu.dma_semaphore, #tpu.memory_space<semaphore_mem>>)
    %get3A_901 = arith.constant 129 : index
    %get3A_902 = memref.load %arg1[%get3A_901] : memref<200xi32, #tpu.memory_space<smem>>
    %dma_start3A_903 = arith.constant 129 : i32
    %dma_start3A_904 = arith.constant 0 : i32
    %dma_start3A_905 = tpu.memref_slice %arg3[%dma_start3A_903, %dma_start3A_904] : memref<200x64xf32, #tpu.memory_space<vmem>> -> memref<1x64xf32, #tpu.memory_space<vmem>>
    %dma_start3A_906 = arith.constant 0 : i32
    %dma_start3A_907 = tpu.memref_slice %arg2[%get3A_902, %dma_start3A_906] : memref<1000001x64xf32, #tpu.memory_space<any>> -> memref<1x64xf32, #tpu.memory_space<any>>
    tpu.enqueue_dma source(%dma_start3A_907 : memref<1x64xf32, #tpu.memory_space<any>>) target(%dma_start3A_905 : memref<1x64xf32, #tpu.memory_space<vmem>>) target_semaphore(%arg4 : memref<!tpu.dma_semaphore, #tpu.memory_space<semaphore_mem>>)
    %get3A_908 = arith.constant 130 : index
    %get3A_909 = memref.load %arg1[%get3A_908] : memref<200xi32, #tpu.memory_space<smem>>
    %dma_start3A_910 = arith.constant 130 : i32
    %dma_start3A_911 = arith.constant 0 : i32
    %dma_start3A_912 = tpu.memref_slice %arg3[%dma_start3A_910, %dma_start3A_911] : memref<200x64xf32, #tpu.memory_space<vmem>> -> memref<1x64xf32, #tpu.memory_space<vmem>>
    %dma_start3A_913 = arith.constant 0 : i32
    %dma_start3A_914 = tpu.memref_slice %arg2[%get3A_909, %dma_start3A_913] : memref<1000001x64xf32, #tpu.memory_space<any>> -> memref<1x64xf32, #tpu.memory_space<any>>
    tpu.enqueue_dma source(%dma_start3A_914 : memref<1x64xf32, #tpu.memory_space<any>>) target(%dma_start3A_912 : memref<1x64xf32, #tpu.memory_space<vmem>>) target_semaphore(%arg4 : memref<!tpu.dma_semaphore, #tpu.memory_space<semaphore_mem>>)
    %get3A_915 = arith.constant 131 : index
    %get3A_916 = memref.load %arg1[%get3A_915] : memref<200xi32, #tpu.memory_space<smem>>
    %dma_start3A_917 = arith.constant 131 : i32
    %dma_start3A_918 = arith.constant 0 : i32
    %dma_start3A_919 = tpu.memref_slice %arg3[%dma_start3A_917, %dma_start3A_918] : memref<200x64xf32, #tpu.memory_space<vmem>> -> memref<1x64xf32, #tpu.memory_space<vmem>>
    %dma_start3A_920 = arith.constant 0 : i32
    %dma_start3A_921 = tpu.memref_slice %arg2[%get3A_916, %dma_start3A_920] : memref<1000001x64xf32, #tpu.memory_space<any>> -> memref<1x64xf32, #tpu.memory_space<any>>
    tpu.enqueue_dma source(%dma_start3A_921 : memref<1x64xf32, #tpu.memory_space<any>>) target(%dma_start3A_919 : memref<1x64xf32, #tpu.memory_space<vmem>>) target_semaphore(%arg4 : memref<!tpu.dma_semaphore, #tpu.memory_space<semaphore_mem>>)
    %get3A_922 = arith.constant 132 : index
    %get3A_923 = memref.load %arg1[%get3A_922] : memref<200xi32, #tpu.memory_space<smem>>
    %dma_start3A_924 = arith.constant 132 : i32
    %dma_start3A_925 = arith.constant 0 : i32
    %dma_start3A_926 = tpu.memref_slice %arg3[%dma_start3A_924, %dma_start3A_925] : memref<200x64xf32, #tpu.memory_space<vmem>> -> memref<1x64xf32, #tpu.memory_space<vmem>>
    %dma_start3A_927 = arith.constant 0 : i32
    %dma_start3A_928 = tpu.memref_slice %arg2[%get3A_923, %dma_start3A_927] : memref<1000001x64xf32, #tpu.memory_space<any>> -> memref<1x64xf32, #tpu.memory_space<any>>
    tpu.enqueue_dma source(%dma_start3A_928 : memref<1x64xf32, #tpu.memory_space<any>>) target(%dma_start3A_926 : memref<1x64xf32, #tpu.memory_space<vmem>>) target_semaphore(%arg4 : memref<!tpu.dma_semaphore, #tpu.memory_space<semaphore_mem>>)
    %get3A_929 = arith.constant 133 : index
    %get3A_930 = memref.load %arg1[%get3A_929] : memref<200xi32, #tpu.memory_space<smem>>
    %dma_start3A_931 = arith.constant 133 : i32
    %dma_start3A_932 = arith.constant 0 : i32
    %dma_start3A_933 = tpu.memref_slice %arg3[%dma_start3A_931, %dma_start3A_932] : memref<200x64xf32, #tpu.memory_space<vmem>> -> memref<1x64xf32, #tpu.memory_space<vmem>>
    %dma_start3A_934 = arith.constant 0 : i32
    %dma_start3A_935 = tpu.memref_slice %arg2[%get3A_930, %dma_start3A_934] : memref<1000001x64xf32, #tpu.memory_space<any>> -> memref<1x64xf32, #tpu.memory_space<any>>
    tpu.enqueue_dma source(%dma_start3A_935 : memref<1x64xf32, #tpu.memory_space<any>>) target(%dma_start3A_933 : memref<1x64xf32, #tpu.memory_space<vmem>>) target_semaphore(%arg4 : memref<!tpu.dma_semaphore, #tpu.memory_space<semaphore_mem>>)
    %get3A_936 = arith.constant 134 : index
    %get3A_937 = memref.load %arg1[%get3A_936] : memref<200xi32, #tpu.memory_space<smem>>
    %dma_start3A_938 = arith.constant 134 : i32
    %dma_start3A_939 = arith.constant 0 : i32
    %dma_start3A_940 = tpu.memref_slice %arg3[%dma_start3A_938, %dma_start3A_939] : memref<200x64xf32, #tpu.memory_space<vmem>> -> memref<1x64xf32, #tpu.memory_space<vmem>>
    %dma_start3A_941 = arith.constant 0 : i32
    %dma_start3A_942 = tpu.memref_slice %arg2[%get3A_937, %dma_start3A_941] : memref<1000001x64xf32, #tpu.memory_space<any>> -> memref<1x64xf32, #tpu.memory_space<any>>
    tpu.enqueue_dma source(%dma_start3A_942 : memref<1x64xf32, #tpu.memory_space<any>>) target(%dma_start3A_940 : memref<1x64xf32, #tpu.memory_space<vmem>>) target_semaphore(%arg4 : memref<!tpu.dma_semaphore, #tpu.memory_space<semaphore_mem>>)
    %get3A_943 = arith.constant 135 : index
    %get3A_944 = memref.load %arg1[%get3A_943] : memref<200xi32, #tpu.memory_space<smem>>
    %dma_start3A_945 = arith.constant 135 : i32
    %dma_start3A_946 = arith.constant 0 : i32
    %dma_start3A_947 = tpu.memref_slice %arg3[%dma_start3A_945, %dma_start3A_946] : memref<200x64xf32, #tpu.memory_space<vmem>> -> memref<1x64xf32, #tpu.memory_space<vmem>>
    %dma_start3A_948 = arith.constant 0 : i32
    %dma_start3A_949 = tpu.memref_slice %arg2[%get3A_944, %dma_start3A_948] : memref<1000001x64xf32, #tpu.memory_space<any>> -> memref<1x64xf32, #tpu.memory_space<any>>
    tpu.enqueue_dma source(%dma_start3A_949 : memref<1x64xf32, #tpu.memory_space<any>>) target(%dma_start3A_947 : memref<1x64xf32, #tpu.memory_space<vmem>>) target_semaphore(%arg4 : memref<!tpu.dma_semaphore, #tpu.memory_space<semaphore_mem>>)
    %get3A_950 = arith.constant 136 : index
    %get3A_951 = memref.load %arg1[%get3A_950] : memref<200xi32, #tpu.memory_space<smem>>
    %dma_start3A_952 = arith.constant 136 : i32
    %dma_start3A_953 = arith.constant 0 : i32
    %dma_start3A_954 = tpu.memref_slice %arg3[%dma_start3A_952, %dma_start3A_953] : memref<200x64xf32, #tpu.memory_space<vmem>> -> memref<1x64xf32, #tpu.memory_space<vmem>>
    %dma_start3A_955 = arith.constant 0 : i32
    %dma_start3A_956 = tpu.memref_slice %arg2[%get3A_951, %dma_start3A_955] : memref<1000001x64xf32, #tpu.memory_space<any>> -> memref<1x64xf32, #tpu.memory_space<any>>
    tpu.enqueue_dma source(%dma_start3A_956 : memref<1x64xf32, #tpu.memory_space<any>>) target(%dma_start3A_954 : memref<1x64xf32, #tpu.memory_space<vmem>>) target_semaphore(%arg4 : memref<!tpu.dma_semaphore, #tpu.memory_space<semaphore_mem>>)
    %get3A_957 = arith.constant 137 : index
    %get3A_958 = memref.load %arg1[%get3A_957] : memref<200xi32, #tpu.memory_space<smem>>
    %dma_start3A_959 = arith.constant 137 : i32
    %dma_start3A_960 = arith.constant 0 : i32
    %dma_start3A_961 = tpu.memref_slice %arg3[%dma_start3A_959, %dma_start3A_960] : memref<200x64xf32, #tpu.memory_space<vmem>> -> memref<1x64xf32, #tpu.memory_space<vmem>>
    %dma_start3A_962 = arith.constant 0 : i32
    %dma_start3A_963 = tpu.memref_slice %arg2[%get3A_958, %dma_start3A_962] : memref<1000001x64xf32, #tpu.memory_space<any>> -> memref<1x64xf32, #tpu.memory_space<any>>
    tpu.enqueue_dma source(%dma_start3A_963 : memref<1x64xf32, #tpu.memory_space<any>>) target(%dma_start3A_961 : memref<1x64xf32, #tpu.memory_space<vmem>>) target_semaphore(%arg4 : memref<!tpu.dma_semaphore, #tpu.memory_space<semaphore_mem>>)
    %get3A_964 = arith.constant 138 : index
    %get3A_965 = memref.load %arg1[%get3A_964] : memref<200xi32, #tpu.memory_space<smem>>
    %dma_start3A_966 = arith.constant 138 : i32
    %dma_start3A_967 = arith.constant 0 : i32
    %dma_start3A_968 = tpu.memref_slice %arg3[%dma_start3A_966, %dma_start3A_967] : memref<200x64xf32, #tpu.memory_space<vmem>> -> memref<1x64xf32, #tpu.memory_space<vmem>>
    %dma_start3A_969 = arith.constant 0 : i32
    %dma_start3A_970 = tpu.memref_slice %arg2[%get3A_965, %dma_start3A_969] : memref<1000001x64xf32, #tpu.memory_space<any>> -> memref<1x64xf32, #tpu.memory_space<any>>
    tpu.enqueue_dma source(%dma_start3A_970 : memref<1x64xf32, #tpu.memory_space<any>>) target(%dma_start3A_968 : memref<1x64xf32, #tpu.memory_space<vmem>>) target_semaphore(%arg4 : memref<!tpu.dma_semaphore, #tpu.memory_space<semaphore_mem>>)
    %get3A_971 = arith.constant 139 : index
    %get3A_972 = memref.load %arg1[%get3A_971] : memref<200xi32, #tpu.memory_space<smem>>
    %dma_start3A_973 = arith.constant 139 : i32
    %dma_start3A_974 = arith.constant 0 : i32
    %dma_start3A_975 = tpu.memref_slice %arg3[%dma_start3A_973, %dma_start3A_974] : memref<200x64xf32, #tpu.memory_space<vmem>> -> memref<1x64xf32, #tpu.memory_space<vmem>>
    %dma_start3A_976 = arith.constant 0 : i32
    %dma_start3A_977 = tpu.memref_slice %arg2[%get3A_972, %dma_start3A_976] : memref<1000001x64xf32, #tpu.memory_space<any>> -> memref<1x64xf32, #tpu.memory_space<any>>
    tpu.enqueue_dma source(%dma_start3A_977 : memref<1x64xf32, #tpu.memory_space<any>>) target(%dma_start3A_975 : memref<1x64xf32, #tpu.memory_space<vmem>>) target_semaphore(%arg4 : memref<!tpu.dma_semaphore, #tpu.memory_space<semaphore_mem>>)
    %get3A_978 = arith.constant 140 : index
    %get3A_979 = memref.load %arg1[%get3A_978] : memref<200xi32, #tpu.memory_space<smem>>
    %dma_start3A_980 = arith.constant 140 : i32
    %dma_start3A_981 = arith.constant 0 : i32
    %dma_start3A_982 = tpu.memref_slice %arg3[%dma_start3A_980, %dma_start3A_981] : memref<200x64xf32, #tpu.memory_space<vmem>> -> memref<1x64xf32, #tpu.memory_space<vmem>>
    %dma_start3A_983 = arith.constant 0 : i32
    %dma_start3A_984 = tpu.memref_slice %arg2[%get3A_979, %dma_start3A_983] : memref<1000001x64xf32, #tpu.memory_space<any>> -> memref<1x64xf32, #tpu.memory_space<any>>
    tpu.enqueue_dma source(%dma_start3A_984 : memref<1x64xf32, #tpu.memory_space<any>>) target(%dma_start3A_982 : memref<1x64xf32, #tpu.memory_space<vmem>>) target_semaphore(%arg4 : memref<!tpu.dma_semaphore, #tpu.memory_space<semaphore_mem>>)
    %get3A_985 = arith.constant 141 : index
    %get3A_986 = memref.load %arg1[%get3A_985] : memref<200xi32, #tpu.memory_space<smem>>
    %dma_start3A_987 = arith.constant 141 : i32
    %dma_start3A_988 = arith.constant 0 : i32
    %dma_start3A_989 = tpu.memref_slice %arg3[%dma_start3A_987, %dma_start3A_988] : memref<200x64xf32, #tpu.memory_space<vmem>> -> memref<1x64xf32, #tpu.memory_space<vmem>>
    %dma_start3A_990 = arith.constant 0 : i32
    %dma_start3A_991 = tpu.memref_slice %arg2[%get3A_986, %dma_start3A_990] : memref<1000001x64xf32, #tpu.memory_space<any>> -> memref<1x64xf32, #tpu.memory_space<any>>
    tpu.enqueue_dma source(%dma_start3A_991 : memref<1x64xf32, #tpu.memory_space<any>>) target(%dma_start3A_989 : memref<1x64xf32, #tpu.memory_space<vmem>>) target_semaphore(%arg4 : memref<!tpu.dma_semaphore, #tpu.memory_space<semaphore_mem>>)
    %get3A_992 = arith.constant 142 : index
    %get3A_993 = memref.load %arg1[%get3A_992] : memref<200xi32, #tpu.memory_space<smem>>
    %dma_start3A_994 = arith.constant 142 : i32
    %dma_start3A_995 = arith.constant 0 : i32
    %dma_start3A_996 = tpu.memref_slice %arg3[%dma_start3A_994, %dma_start3A_995] : memref<200x64xf32, #tpu.memory_space<vmem>> -> memref<1x64xf32, #tpu.memory_space<vmem>>
    %dma_start3A_997 = arith.constant 0 : i32
    %dma_start3A_998 = tpu.memref_slice %arg2[%get3A_993, %dma_start3A_997] : memref<1000001x64xf32, #tpu.memory_space<any>> -> memref<1x64xf32, #tpu.memory_space<any>>
    tpu.enqueue_dma source(%dma_start3A_998 : memref<1x64xf32, #tpu.memory_space<any>>) target(%dma_start3A_996 : memref<1x64xf32, #tpu.memory_space<vmem>>) target_semaphore(%arg4 : memref<!tpu.dma_semaphore, #tpu.memory_space<semaphore_mem>>)
    %get3A_999 = arith.constant 143 : index
    %get3A_1000 = memref.load %arg1[%get3A_999] : memref<200xi32, #tpu.memory_space<smem>>
    %dma_start3A_1001 = arith.constant 143 : i32
    %dma_start3A_1002 = arith.constant 0 : i32
    %dma_start3A_1003 = tpu.memref_slice %arg3[%dma_start3A_1001, %dma_start3A_1002] : memref<200x64xf32, #tpu.memory_space<vmem>> -> memref<1x64xf32, #tpu.memory_space<vmem>>
    %dma_start3A_1004 = arith.constant 0 : i32
    %dma_start3A_1005 = tpu.memref_slice %arg2[%get3A_1000, %dma_start3A_1004] : memref<1000001x64xf32, #tpu.memory_space<any>> -> memref<1x64xf32, #tpu.memory_space<any>>
    tpu.enqueue_dma source(%dma_start3A_1005 : memref<1x64xf32, #tpu.memory_space<any>>) target(%dma_start3A_1003 : memref<1x64xf32, #tpu.memory_space<vmem>>) target_semaphore(%arg4 : memref<!tpu.dma_semaphore, #tpu.memory_space<semaphore_mem>>)
    %get3A_1006 = arith.constant 144 : index
    %get3A_1007 = memref.load %arg1[%get3A_1006] : memref<200xi32, #tpu.memory_space<smem>>
    %dma_start3A_1008 = arith.constant 144 : i32
    %dma_start3A_1009 = arith.constant 0 : i32
    %dma_start3A_1010 = tpu.memref_slice %arg3[%dma_start3A_1008, %dma_start3A_1009] : memref<200x64xf32, #tpu.memory_space<vmem>> -> memref<1x64xf32, #tpu.memory_space<vmem>>
    %dma_start3A_1011 = arith.constant 0 : i32
    %dma_start3A_1012 = tpu.memref_slice %arg2[%get3A_1007, %dma_start3A_1011] : memref<1000001x64xf32, #tpu.memory_space<any>> -> memref<1x64xf32, #tpu.memory_space<any>>
    tpu.enqueue_dma source(%dma_start3A_1012 : memref<1x64xf32, #tpu.memory_space<any>>) target(%dma_start3A_1010 : memref<1x64xf32, #tpu.memory_space<vmem>>) target_semaphore(%arg4 : memref<!tpu.dma_semaphore, #tpu.memory_space<semaphore_mem>>)
    %get3A_1013 = arith.constant 145 : index
    %get3A_1014 = memref.load %arg1[%get3A_1013] : memref<200xi32, #tpu.memory_space<smem>>
    %dma_start3A_1015 = arith.constant 145 : i32
    %dma_start3A_1016 = arith.constant 0 : i32
    %dma_start3A_1017 = tpu.memref_slice %arg3[%dma_start3A_1015, %dma_start3A_1016] : memref<200x64xf32, #tpu.memory_space<vmem>> -> memref<1x64xf32, #tpu.memory_space<vmem>>
    %dma_start3A_1018 = arith.constant 0 : i32
    %dma_start3A_1019 = tpu.memref_slice %arg2[%get3A_1014, %dma_start3A_1018] : memref<1000001x64xf32, #tpu.memory_space<any>> -> memref<1x64xf32, #tpu.memory_space<any>>
    tpu.enqueue_dma source(%dma_start3A_1019 : memref<1x64xf32, #tpu.memory_space<any>>) target(%dma_start3A_1017 : memref<1x64xf32, #tpu.memory_space<vmem>>) target_semaphore(%arg4 : memref<!tpu.dma_semaphore, #tpu.memory_space<semaphore_mem>>)
    %get3A_1020 = arith.constant 146 : index
    %get3A_1021 = memref.load %arg1[%get3A_1020] : memref<200xi32, #tpu.memory_space<smem>>
    %dma_start3A_1022 = arith.constant 146 : i32
    %dma_start3A_1023 = arith.constant 0 : i32
    %dma_start3A_1024 = tpu.memref_slice %arg3[%dma_start3A_1022, %dma_start3A_1023] : memref<200x64xf32, #tpu.memory_space<vmem>> -> memref<1x64xf32, #tpu.memory_space<vmem>>
    %dma_start3A_1025 = arith.constant 0 : i32
    %dma_start3A_1026 = tpu.memref_slice %arg2[%get3A_1021, %dma_start3A_1025] : memref<1000001x64xf32, #tpu.memory_space<any>> -> memref<1x64xf32, #tpu.memory_space<any>>
    tpu.enqueue_dma source(%dma_start3A_1026 : memref<1x64xf32, #tpu.memory_space<any>>) target(%dma_start3A_1024 : memref<1x64xf32, #tpu.memory_space<vmem>>) target_semaphore(%arg4 : memref<!tpu.dma_semaphore, #tpu.memory_space<semaphore_mem>>)
    %get3A_1027 = arith.constant 147 : index
    %get3A_1028 = memref.load %arg1[%get3A_1027] : memref<200xi32, #tpu.memory_space<smem>>
    %dma_start3A_1029 = arith.constant 147 : i32
    %dma_start3A_1030 = arith.constant 0 : i32
    %dma_start3A_1031 = tpu.memref_slice %arg3[%dma_start3A_1029, %dma_start3A_1030] : memref<200x64xf32, #tpu.memory_space<vmem>> -> memref<1x64xf32, #tpu.memory_space<vmem>>
    %dma_start3A_1032 = arith.constant 0 : i32
    %dma_start3A_1033 = tpu.memref_slice %arg2[%get3A_1028, %dma_start3A_1032] : memref<1000001x64xf32, #tpu.memory_space<any>> -> memref<1x64xf32, #tpu.memory_space<any>>
    tpu.enqueue_dma source(%dma_start3A_1033 : memref<1x64xf32, #tpu.memory_space<any>>) target(%dma_start3A_1031 : memref<1x64xf32, #tpu.memory_space<vmem>>) target_semaphore(%arg4 : memref<!tpu.dma_semaphore, #tpu.memory_space<semaphore_mem>>)
    %get3A_1034 = arith.constant 148 : index
    %get3A_1035 = memref.load %arg1[%get3A_1034] : memref<200xi32, #tpu.memory_space<smem>>
    %dma_start3A_1036 = arith.constant 148 : i32
    %dma_start3A_1037 = arith.constant 0 : i32
    %dma_start3A_1038 = tpu.memref_slice %arg3[%dma_start3A_1036, %dma_start3A_1037] : memref<200x64xf32, #tpu.memory_space<vmem>> -> memref<1x64xf32, #tpu.memory_space<vmem>>
    %dma_start3A_1039 = arith.constant 0 : i32
    %dma_start3A_1040 = tpu.memref_slice %arg2[%get3A_1035, %dma_start3A_1039] : memref<1000001x64xf32, #tpu.memory_space<any>> -> memref<1x64xf32, #tpu.memory_space<any>>
    tpu.enqueue_dma source(%dma_start3A_1040 : memref<1x64xf32, #tpu.memory_space<any>>) target(%dma_start3A_1038 : memref<1x64xf32, #tpu.memory_space<vmem>>) target_semaphore(%arg4 : memref<!tpu.dma_semaphore, #tpu.memory_space<semaphore_mem>>)
    %get3A_1041 = arith.constant 149 : index
    %get3A_1042 = memref.load %arg1[%get3A_1041] : memref<200xi32, #tpu.memory_space<smem>>
    %dma_start3A_1043 = arith.constant 149 : i32
    %dma_start3A_1044 = arith.constant 0 : i32
    %dma_start3A_1045 = tpu.memref_slice %arg3[%dma_start3A_1043, %dma_start3A_1044] : memref<200x64xf32, #tpu.memory_space<vmem>> -> memref<1x64xf32, #tpu.memory_space<vmem>>
    %dma_start3A_1046 = arith.constant 0 : i32
    %dma_start3A_1047 = tpu.memref_slice %arg2[%get3A_1042, %dma_start3A_1046] : memref<1000001x64xf32, #tpu.memory_space<any>> -> memref<1x64xf32, #tpu.memory_space<any>>
    tpu.enqueue_dma source(%dma_start3A_1047 : memref<1x64xf32, #tpu.memory_space<any>>) target(%dma_start3A_1045 : memref<1x64xf32, #tpu.memory_space<vmem>>) target_semaphore(%arg4 : memref<!tpu.dma_semaphore, #tpu.memory_space<semaphore_mem>>)
    %get3A_1048 = arith.constant 150 : index
    %get3A_1049 = memref.load %arg1[%get3A_1048] : memref<200xi32, #tpu.memory_space<smem>>
    %dma_start3A_1050 = arith.constant 150 : i32
    %dma_start3A_1051 = arith.constant 0 : i32
    %dma_start3A_1052 = tpu.memref_slice %arg3[%dma_start3A_1050, %dma_start3A_1051] : memref<200x64xf32, #tpu.memory_space<vmem>> -> memref<1x64xf32, #tpu.memory_space<vmem>>
    %dma_start3A_1053 = arith.constant 0 : i32
    %dma_start3A_1054 = tpu.memref_slice %arg2[%get3A_1049, %dma_start3A_1053] : memref<1000001x64xf32, #tpu.memory_space<any>> -> memref<1x64xf32, #tpu.memory_space<any>>
    tpu.enqueue_dma source(%dma_start3A_1054 : memref<1x64xf32, #tpu.memory_space<any>>) target(%dma_start3A_1052 : memref<1x64xf32, #tpu.memory_space<vmem>>) target_semaphore(%arg4 : memref<!tpu.dma_semaphore, #tpu.memory_space<semaphore_mem>>)
    %get3A_1055 = arith.constant 151 : index
    %get3A_1056 = memref.load %arg1[%get3A_1055] : memref<200xi32, #tpu.memory_space<smem>>
    %dma_start3A_1057 = arith.constant 151 : i32
    %dma_start3A_1058 = arith.constant 0 : i32
    %dma_start3A_1059 = tpu.memref_slice %arg3[%dma_start3A_1057, %dma_start3A_1058] : memref<200x64xf32, #tpu.memory_space<vmem>> -> memref<1x64xf32, #tpu.memory_space<vmem>>
    %dma_start3A_1060 = arith.constant 0 : i32
    %dma_start3A_1061 = tpu.memref_slice %arg2[%get3A_1056, %dma_start3A_1060] : memref<1000001x64xf32, #tpu.memory_space<any>> -> memref<1x64xf32, #tpu.memory_space<any>>
    tpu.enqueue_dma source(%dma_start3A_1061 : memref<1x64xf32, #tpu.memory_space<any>>) target(%dma_start3A_1059 : memref<1x64xf32, #tpu.memory_space<vmem>>) target_semaphore(%arg4 : memref<!tpu.dma_semaphore, #tpu.memory_space<semaphore_mem>>)
    %get3A_1062 = arith.constant 152 : index
    %get3A_1063 = memref.load %arg1[%get3A_1062] : memref<200xi32, #tpu.memory_space<smem>>
    %dma_start3A_1064 = arith.constant 152 : i32
    %dma_start3A_1065 = arith.constant 0 : i32
    %dma_start3A_1066 = tpu.memref_slice %arg3[%dma_start3A_1064, %dma_start3A_1065] : memref<200x64xf32, #tpu.memory_space<vmem>> -> memref<1x64xf32, #tpu.memory_space<vmem>>
    %dma_start3A_1067 = arith.constant 0 : i32
    %dma_start3A_1068 = tpu.memref_slice %arg2[%get3A_1063, %dma_start3A_1067] : memref<1000001x64xf32, #tpu.memory_space<any>> -> memref<1x64xf32, #tpu.memory_space<any>>
    tpu.enqueue_dma source(%dma_start3A_1068 : memref<1x64xf32, #tpu.memory_space<any>>) target(%dma_start3A_1066 : memref<1x64xf32, #tpu.memory_space<vmem>>) target_semaphore(%arg4 : memref<!tpu.dma_semaphore, #tpu.memory_space<semaphore_mem>>)
    %get3A_1069 = arith.constant 153 : index
    %get3A_1070 = memref.load %arg1[%get3A_1069] : memref<200xi32, #tpu.memory_space<smem>>
    %dma_start3A_1071 = arith.constant 153 : i32
    %dma_start3A_1072 = arith.constant 0 : i32
    %dma_start3A_1073 = tpu.memref_slice %arg3[%dma_start3A_1071, %dma_start3A_1072] : memref<200x64xf32, #tpu.memory_space<vmem>> -> memref<1x64xf32, #tpu.memory_space<vmem>>
    %dma_start3A_1074 = arith.constant 0 : i32
    %dma_start3A_1075 = tpu.memref_slice %arg2[%get3A_1070, %dma_start3A_1074] : memref<1000001x64xf32, #tpu.memory_space<any>> -> memref<1x64xf32, #tpu.memory_space<any>>
    tpu.enqueue_dma source(%dma_start3A_1075 : memref<1x64xf32, #tpu.memory_space<any>>) target(%dma_start3A_1073 : memref<1x64xf32, #tpu.memory_space<vmem>>) target_semaphore(%arg4 : memref<!tpu.dma_semaphore, #tpu.memory_space<semaphore_mem>>)
    %get3A_1076 = arith.constant 154 : index
    %get3A_1077 = memref.load %arg1[%get3A_1076] : memref<200xi32, #tpu.memory_space<smem>>
    %dma_start3A_1078 = arith.constant 154 : i32
    %dma_start3A_1079 = arith.constant 0 : i32
    %dma_start3A_1080 = tpu.memref_slice %arg3[%dma_start3A_1078, %dma_start3A_1079] : memref<200x64xf32, #tpu.memory_space<vmem>> -> memref<1x64xf32, #tpu.memory_space<vmem>>
    %dma_start3A_1081 = arith.constant 0 : i32
    %dma_start3A_1082 = tpu.memref_slice %arg2[%get3A_1077, %dma_start3A_1081] : memref<1000001x64xf32, #tpu.memory_space<any>> -> memref<1x64xf32, #tpu.memory_space<any>>
    tpu.enqueue_dma source(%dma_start3A_1082 : memref<1x64xf32, #tpu.memory_space<any>>) target(%dma_start3A_1080 : memref<1x64xf32, #tpu.memory_space<vmem>>) target_semaphore(%arg4 : memref<!tpu.dma_semaphore, #tpu.memory_space<semaphore_mem>>)
    %get3A_1083 = arith.constant 155 : index
    %get3A_1084 = memref.load %arg1[%get3A_1083] : memref<200xi32, #tpu.memory_space<smem>>
    %dma_start3A_1085 = arith.constant 155 : i32
    %dma_start3A_1086 = arith.constant 0 : i32
    %dma_start3A_1087 = tpu.memref_slice %arg3[%dma_start3A_1085, %dma_start3A_1086] : memref<200x64xf32, #tpu.memory_space<vmem>> -> memref<1x64xf32, #tpu.memory_space<vmem>>
    %dma_start3A_1088 = arith.constant 0 : i32
    %dma_start3A_1089 = tpu.memref_slice %arg2[%get3A_1084, %dma_start3A_1088] : memref<1000001x64xf32, #tpu.memory_space<any>> -> memref<1x64xf32, #tpu.memory_space<any>>
    tpu.enqueue_dma source(%dma_start3A_1089 : memref<1x64xf32, #tpu.memory_space<any>>) target(%dma_start3A_1087 : memref<1x64xf32, #tpu.memory_space<vmem>>) target_semaphore(%arg4 : memref<!tpu.dma_semaphore, #tpu.memory_space<semaphore_mem>>)
    %get3A_1090 = arith.constant 156 : index
    %get3A_1091 = memref.load %arg1[%get3A_1090] : memref<200xi32, #tpu.memory_space<smem>>
    %dma_start3A_1092 = arith.constant 156 : i32
    %dma_start3A_1093 = arith.constant 0 : i32
    %dma_start3A_1094 = tpu.memref_slice %arg3[%dma_start3A_1092, %dma_start3A_1093] : memref<200x64xf32, #tpu.memory_space<vmem>> -> memref<1x64xf32, #tpu.memory_space<vmem>>
    %dma_start3A_1095 = arith.constant 0 : i32
    %dma_start3A_1096 = tpu.memref_slice %arg2[%get3A_1091, %dma_start3A_1095] : memref<1000001x64xf32, #tpu.memory_space<any>> -> memref<1x64xf32, #tpu.memory_space<any>>
    tpu.enqueue_dma source(%dma_start3A_1096 : memref<1x64xf32, #tpu.memory_space<any>>) target(%dma_start3A_1094 : memref<1x64xf32, #tpu.memory_space<vmem>>) target_semaphore(%arg4 : memref<!tpu.dma_semaphore, #tpu.memory_space<semaphore_mem>>)
    %get3A_1097 = arith.constant 157 : index
    %get3A_1098 = memref.load %arg1[%get3A_1097] : memref<200xi32, #tpu.memory_space<smem>>
    %dma_start3A_1099 = arith.constant 157 : i32
    %dma_start3A_1100 = arith.constant 0 : i32
    %dma_start3A_1101 = tpu.memref_slice %arg3[%dma_start3A_1099, %dma_start3A_1100] : memref<200x64xf32, #tpu.memory_space<vmem>> -> memref<1x64xf32, #tpu.memory_space<vmem>>
    %dma_start3A_1102 = arith.constant 0 : i32
    %dma_start3A_1103 = tpu.memref_slice %arg2[%get3A_1098, %dma_start3A_1102] : memref<1000001x64xf32, #tpu.memory_space<any>> -> memref<1x64xf32, #tpu.memory_space<any>>
    tpu.enqueue_dma source(%dma_start3A_1103 : memref<1x64xf32, #tpu.memory_space<any>>) target(%dma_start3A_1101 : memref<1x64xf32, #tpu.memory_space<vmem>>) target_semaphore(%arg4 : memref<!tpu.dma_semaphore, #tpu.memory_space<semaphore_mem>>)
    %get3A_1104 = arith.constant 158 : index
    %get3A_1105 = memref.load %arg1[%get3A_1104] : memref<200xi32, #tpu.memory_space<smem>>
    %dma_start3A_1106 = arith.constant 158 : i32
    %dma_start3A_1107 = arith.constant 0 : i32
    %dma_start3A_1108 = tpu.memref_slice %arg3[%dma_start3A_1106, %dma_start3A_1107] : memref<200x64xf32, #tpu.memory_space<vmem>> -> memref<1x64xf32, #tpu.memory_space<vmem>>
    %dma_start3A_1109 = arith.constant 0 : i32
    %dma_start3A_1110 = tpu.memref_slice %arg2[%get3A_1105, %dma_start3A_1109] : memref<1000001x64xf32, #tpu.memory_space<any>> -> memref<1x64xf32, #tpu.memory_space<any>>
    tpu.enqueue_dma source(%dma_start3A_1110 : memref<1x64xf32, #tpu.memory_space<any>>) target(%dma_start3A_1108 : memref<1x64xf32, #tpu.memory_space<vmem>>) target_semaphore(%arg4 : memref<!tpu.dma_semaphore, #tpu.memory_space<semaphore_mem>>)
    %get3A_1111 = arith.constant 159 : index
    %get3A_1112 = memref.load %arg1[%get3A_1111] : memref<200xi32, #tpu.memory_space<smem>>
    %dma_start3A_1113 = arith.constant 159 : i32
    %dma_start3A_1114 = arith.constant 0 : i32
    %dma_start3A_1115 = tpu.memref_slice %arg3[%dma_start3A_1113, %dma_start3A_1114] : memref<200x64xf32, #tpu.memory_space<vmem>> -> memref<1x64xf32, #tpu.memory_space<vmem>>
    %dma_start3A_1116 = arith.constant 0 : i32
    %dma_start3A_1117 = tpu.memref_slice %arg2[%get3A_1112, %dma_start3A_1116] : memref<1000001x64xf32, #tpu.memory_space<any>> -> memref<1x64xf32, #tpu.memory_space<any>>
    tpu.enqueue_dma source(%dma_start3A_1117 : memref<1x64xf32, #tpu.memory_space<any>>) target(%dma_start3A_1115 : memref<1x64xf32, #tpu.memory_space<vmem>>) target_semaphore(%arg4 : memref<!tpu.dma_semaphore, #tpu.memory_space<semaphore_mem>>)
    %get3A_1118 = arith.constant 160 : index
    %get3A_1119 = memref.load %arg1[%get3A_1118] : memref<200xi32, #tpu.memory_space<smem>>
    %dma_start3A_1120 = arith.constant 160 : i32
    %dma_start3A_1121 = arith.constant 0 : i32
    %dma_start3A_1122 = tpu.memref_slice %arg3[%dma_start3A_1120, %dma_start3A_1121] : memref<200x64xf32, #tpu.memory_space<vmem>> -> memref<1x64xf32, #tpu.memory_space<vmem>>
    %dma_start3A_1123 = arith.constant 0 : i32
    %dma_start3A_1124 = tpu.memref_slice %arg2[%get3A_1119, %dma_start3A_1123] : memref<1000001x64xf32, #tpu.memory_space<any>> -> memref<1x64xf32, #tpu.memory_space<any>>
    tpu.enqueue_dma source(%dma_start3A_1124 : memref<1x64xf32, #tpu.memory_space<any>>) target(%dma_start3A_1122 : memref<1x64xf32, #tpu.memory_space<vmem>>) target_semaphore(%arg4 : memref<!tpu.dma_semaphore, #tpu.memory_space<semaphore_mem>>)
    %get3A_1125 = arith.constant 161 : index
    %get3A_1126 = memref.load %arg1[%get3A_1125] : memref<200xi32, #tpu.memory_space<smem>>
    %dma_start3A_1127 = arith.constant 161 : i32
    %dma_start3A_1128 = arith.constant 0 : i32
    %dma_start3A_1129 = tpu.memref_slice %arg3[%dma_start3A_1127, %dma_start3A_1128] : memref<200x64xf32, #tpu.memory_space<vmem>> -> memref<1x64xf32, #tpu.memory_space<vmem>>
    %dma_start3A_1130 = arith.constant 0 : i32
    %dma_start3A_1131 = tpu.memref_slice %arg2[%get3A_1126, %dma_start3A_1130] : memref<1000001x64xf32, #tpu.memory_space<any>> -> memref<1x64xf32, #tpu.memory_space<any>>
    tpu.enqueue_dma source(%dma_start3A_1131 : memref<1x64xf32, #tpu.memory_space<any>>) target(%dma_start3A_1129 : memref<1x64xf32, #tpu.memory_space<vmem>>) target_semaphore(%arg4 : memref<!tpu.dma_semaphore, #tpu.memory_space<semaphore_mem>>)
    %get3A_1132 = arith.constant 162 : index
    %get3A_1133 = memref.load %arg1[%get3A_1132] : memref<200xi32, #tpu.memory_space<smem>>
    %dma_start3A_1134 = arith.constant 162 : i32
    %dma_start3A_1135 = arith.constant 0 : i32
    %dma_start3A_1136 = tpu.memref_slice %arg3[%dma_start3A_1134, %dma_start3A_1135] : memref<200x64xf32, #tpu.memory_space<vmem>> -> memref<1x64xf32, #tpu.memory_space<vmem>>
    %dma_start3A_1137 = arith.constant 0 : i32
    %dma_start3A_1138 = tpu.memref_slice %arg2[%get3A_1133, %dma_start3A_1137] : memref<1000001x64xf32, #tpu.memory_space<any>> -> memref<1x64xf32, #tpu.memory_space<any>>
    tpu.enqueue_dma source(%dma_start3A_1138 : memref<1x64xf32, #tpu.memory_space<any>>) target(%dma_start3A_1136 : memref<1x64xf32, #tpu.memory_space<vmem>>) target_semaphore(%arg4 : memref<!tpu.dma_semaphore, #tpu.memory_space<semaphore_mem>>)
    %get3A_1139 = arith.constant 163 : index
    %get3A_1140 = memref.load %arg1[%get3A_1139] : memref<200xi32, #tpu.memory_space<smem>>
    %dma_start3A_1141 = arith.constant 163 : i32
    %dma_start3A_1142 = arith.constant 0 : i32
    %dma_start3A_1143 = tpu.memref_slice %arg3[%dma_start3A_1141, %dma_start3A_1142] : memref<200x64xf32, #tpu.memory_space<vmem>> -> memref<1x64xf32, #tpu.memory_space<vmem>>
    %dma_start3A_1144 = arith.constant 0 : i32
    %dma_start3A_1145 = tpu.memref_slice %arg2[%get3A_1140, %dma_start3A_1144] : memref<1000001x64xf32, #tpu.memory_space<any>> -> memref<1x64xf32, #tpu.memory_space<any>>
    tpu.enqueue_dma source(%dma_start3A_1145 : memref<1x64xf32, #tpu.memory_space<any>>) target(%dma_start3A_1143 : memref<1x64xf32, #tpu.memory_space<vmem>>) target_semaphore(%arg4 : memref<!tpu.dma_semaphore, #tpu.memory_space<semaphore_mem>>)
    %get3A_1146 = arith.constant 164 : index
    %get3A_1147 = memref.load %arg1[%get3A_1146] : memref<200xi32, #tpu.memory_space<smem>>
    %dma_start3A_1148 = arith.constant 164 : i32
    %dma_start3A_1149 = arith.constant 0 : i32
    %dma_start3A_1150 = tpu.memref_slice %arg3[%dma_start3A_1148, %dma_start3A_1149] : memref<200x64xf32, #tpu.memory_space<vmem>> -> memref<1x64xf32, #tpu.memory_space<vmem>>
    %dma_start3A_1151 = arith.constant 0 : i32
    %dma_start3A_1152 = tpu.memref_slice %arg2[%get3A_1147, %dma_start3A_1151] : memref<1000001x64xf32, #tpu.memory_space<any>> -> memref<1x64xf32, #tpu.memory_space<any>>
    tpu.enqueue_dma source(%dma_start3A_1152 : memref<1x64xf32, #tpu.memory_space<any>>) target(%dma_start3A_1150 : memref<1x64xf32, #tpu.memory_space<vmem>>) target_semaphore(%arg4 : memref<!tpu.dma_semaphore, #tpu.memory_space<semaphore_mem>>)
    %get3A_1153 = arith.constant 165 : index
    %get3A_1154 = memref.load %arg1[%get3A_1153] : memref<200xi32, #tpu.memory_space<smem>>
    %dma_start3A_1155 = arith.constant 165 : i32
    %dma_start3A_1156 = arith.constant 0 : i32
    %dma_start3A_1157 = tpu.memref_slice %arg3[%dma_start3A_1155, %dma_start3A_1156] : memref<200x64xf32, #tpu.memory_space<vmem>> -> memref<1x64xf32, #tpu.memory_space<vmem>>
    %dma_start3A_1158 = arith.constant 0 : i32
    %dma_start3A_1159 = tpu.memref_slice %arg2[%get3A_1154, %dma_start3A_1158] : memref<1000001x64xf32, #tpu.memory_space<any>> -> memref<1x64xf32, #tpu.memory_space<any>>
    tpu.enqueue_dma source(%dma_start3A_1159 : memref<1x64xf32, #tpu.memory_space<any>>) target(%dma_start3A_1157 : memref<1x64xf32, #tpu.memory_space<vmem>>) target_semaphore(%arg4 : memref<!tpu.dma_semaphore, #tpu.memory_space<semaphore_mem>>)
    %get3A_1160 = arith.constant 166 : index
    %get3A_1161 = memref.load %arg1[%get3A_1160] : memref<200xi32, #tpu.memory_space<smem>>
    %dma_start3A_1162 = arith.constant 166 : i32
    %dma_start3A_1163 = arith.constant 0 : i32
    %dma_start3A_1164 = tpu.memref_slice %arg3[%dma_start3A_1162, %dma_start3A_1163] : memref<200x64xf32, #tpu.memory_space<vmem>> -> memref<1x64xf32, #tpu.memory_space<vmem>>
    %dma_start3A_1165 = arith.constant 0 : i32
    %dma_start3A_1166 = tpu.memref_slice %arg2[%get3A_1161, %dma_start3A_1165] : memref<1000001x64xf32, #tpu.memory_space<any>> -> memref<1x64xf32, #tpu.memory_space<any>>
    tpu.enqueue_dma source(%dma_start3A_1166 : memref<1x64xf32, #tpu.memory_space<any>>) target(%dma_start3A_1164 : memref<1x64xf32, #tpu.memory_space<vmem>>) target_semaphore(%arg4 : memref<!tpu.dma_semaphore, #tpu.memory_space<semaphore_mem>>)
    %get3A_1167 = arith.constant 167 : index
    %get3A_1168 = memref.load %arg1[%get3A_1167] : memref<200xi32, #tpu.memory_space<smem>>
    %dma_start3A_1169 = arith.constant 167 : i32
    %dma_start3A_1170 = arith.constant 0 : i32
    %dma_start3A_1171 = tpu.memref_slice %arg3[%dma_start3A_1169, %dma_start3A_1170] : memref<200x64xf32, #tpu.memory_space<vmem>> -> memref<1x64xf32, #tpu.memory_space<vmem>>
    %dma_start3A_1172 = arith.constant 0 : i32
    %dma_start3A_1173 = tpu.memref_slice %arg2[%get3A_1168, %dma_start3A_1172] : memref<1000001x64xf32, #tpu.memory_space<any>> -> memref<1x64xf32, #tpu.memory_space<any>>
    tpu.enqueue_dma source(%dma_start3A_1173 : memref<1x64xf32, #tpu.memory_space<any>>) target(%dma_start3A_1171 : memref<1x64xf32, #tpu.memory_space<vmem>>) target_semaphore(%arg4 : memref<!tpu.dma_semaphore, #tpu.memory_space<semaphore_mem>>)
    %get3A_1174 = arith.constant 168 : index
    %get3A_1175 = memref.load %arg1[%get3A_1174] : memref<200xi32, #tpu.memory_space<smem>>
    %dma_start3A_1176 = arith.constant 168 : i32
    %dma_start3A_1177 = arith.constant 0 : i32
    %dma_start3A_1178 = tpu.memref_slice %arg3[%dma_start3A_1176, %dma_start3A_1177] : memref<200x64xf32, #tpu.memory_space<vmem>> -> memref<1x64xf32, #tpu.memory_space<vmem>>
    %dma_start3A_1179 = arith.constant 0 : i32
    %dma_start3A_1180 = tpu.memref_slice %arg2[%get3A_1175, %dma_start3A_1179] : memref<1000001x64xf32, #tpu.memory_space<any>> -> memref<1x64xf32, #tpu.memory_space<any>>
    tpu.enqueue_dma source(%dma_start3A_1180 : memref<1x64xf32, #tpu.memory_space<any>>) target(%dma_start3A_1178 : memref<1x64xf32, #tpu.memory_space<vmem>>) target_semaphore(%arg4 : memref<!tpu.dma_semaphore, #tpu.memory_space<semaphore_mem>>)
    %get3A_1181 = arith.constant 169 : index
    %get3A_1182 = memref.load %arg1[%get3A_1181] : memref<200xi32, #tpu.memory_space<smem>>
    %dma_start3A_1183 = arith.constant 169 : i32
    %dma_start3A_1184 = arith.constant 0 : i32
    %dma_start3A_1185 = tpu.memref_slice %arg3[%dma_start3A_1183, %dma_start3A_1184] : memref<200x64xf32, #tpu.memory_space<vmem>> -> memref<1x64xf32, #tpu.memory_space<vmem>>
    %dma_start3A_1186 = arith.constant 0 : i32
    %dma_start3A_1187 = tpu.memref_slice %arg2[%get3A_1182, %dma_start3A_1186] : memref<1000001x64xf32, #tpu.memory_space<any>> -> memref<1x64xf32, #tpu.memory_space<any>>
    tpu.enqueue_dma source(%dma_start3A_1187 : memref<1x64xf32, #tpu.memory_space<any>>) target(%dma_start3A_1185 : memref<1x64xf32, #tpu.memory_space<vmem>>) target_semaphore(%arg4 : memref<!tpu.dma_semaphore, #tpu.memory_space<semaphore_mem>>)
    %get3A_1188 = arith.constant 170 : index
    %get3A_1189 = memref.load %arg1[%get3A_1188] : memref<200xi32, #tpu.memory_space<smem>>
    %dma_start3A_1190 = arith.constant 170 : i32
    %dma_start3A_1191 = arith.constant 0 : i32
    %dma_start3A_1192 = tpu.memref_slice %arg3[%dma_start3A_1190, %dma_start3A_1191] : memref<200x64xf32, #tpu.memory_space<vmem>> -> memref<1x64xf32, #tpu.memory_space<vmem>>
    %dma_start3A_1193 = arith.constant 0 : i32
    %dma_start3A_1194 = tpu.memref_slice %arg2[%get3A_1189, %dma_start3A_1193] : memref<1000001x64xf32, #tpu.memory_space<any>> -> memref<1x64xf32, #tpu.memory_space<any>>
    tpu.enqueue_dma source(%dma_start3A_1194 : memref<1x64xf32, #tpu.memory_space<any>>) target(%dma_start3A_1192 : memref<1x64xf32, #tpu.memory_space<vmem>>) target_semaphore(%arg4 : memref<!tpu.dma_semaphore, #tpu.memory_space<semaphore_mem>>)
    %get3A_1195 = arith.constant 171 : index
    %get3A_1196 = memref.load %arg1[%get3A_1195] : memref<200xi32, #tpu.memory_space<smem>>
    %dma_start3A_1197 = arith.constant 171 : i32
    %dma_start3A_1198 = arith.constant 0 : i32
    %dma_start3A_1199 = tpu.memref_slice %arg3[%dma_start3A_1197, %dma_start3A_1198] : memref<200x64xf32, #tpu.memory_space<vmem>> -> memref<1x64xf32, #tpu.memory_space<vmem>>
    %dma_start3A_1200 = arith.constant 0 : i32
    %dma_start3A_1201 = tpu.memref_slice %arg2[%get3A_1196, %dma_start3A_1200] : memref<1000001x64xf32, #tpu.memory_space<any>> -> memref<1x64xf32, #tpu.memory_space<any>>
    tpu.enqueue_dma source(%dma_start3A_1201 : memref<1x64xf32, #tpu.memory_space<any>>) target(%dma_start3A_1199 : memref<1x64xf32, #tpu.memory_space<vmem>>) target_semaphore(%arg4 : memref<!tpu.dma_semaphore, #tpu.memory_space<semaphore_mem>>)
    %get3A_1202 = arith.constant 172 : index
    %get3A_1203 = memref.load %arg1[%get3A_1202] : memref<200xi32, #tpu.memory_space<smem>>
    %dma_start3A_1204 = arith.constant 172 : i32
    %dma_start3A_1205 = arith.constant 0 : i32
    %dma_start3A_1206 = tpu.memref_slice %arg3[%dma_start3A_1204, %dma_start3A_1205] : memref<200x64xf32, #tpu.memory_space<vmem>> -> memref<1x64xf32, #tpu.memory_space<vmem>>
    %dma_start3A_1207 = arith.constant 0 : i32
    %dma_start3A_1208 = tpu.memref_slice %arg2[%get3A_1203, %dma_start3A_1207] : memref<1000001x64xf32, #tpu.memory_space<any>> -> memref<1x64xf32, #tpu.memory_space<any>>
    tpu.enqueue_dma source(%dma_start3A_1208 : memref<1x64xf32, #tpu.memory_space<any>>) target(%dma_start3A_1206 : memref<1x64xf32, #tpu.memory_space<vmem>>) target_semaphore(%arg4 : memref<!tpu.dma_semaphore, #tpu.memory_space<semaphore_mem>>)
    %get3A_1209 = arith.constant 173 : index
    %get3A_1210 = memref.load %arg1[%get3A_1209] : memref<200xi32, #tpu.memory_space<smem>>
    %dma_start3A_1211 = arith.constant 173 : i32
    %dma_start3A_1212 = arith.constant 0 : i32
    %dma_start3A_1213 = tpu.memref_slice %arg3[%dma_start3A_1211, %dma_start3A_1212] : memref<200x64xf32, #tpu.memory_space<vmem>> -> memref<1x64xf32, #tpu.memory_space<vmem>>
    %dma_start3A_1214 = arith.constant 0 : i32
    %dma_start3A_1215 = tpu.memref_slice %arg2[%get3A_1210, %dma_start3A_1214] : memref<1000001x64xf32, #tpu.memory_space<any>> -> memref<1x64xf32, #tpu.memory_space<any>>
    tpu.enqueue_dma source(%dma_start3A_1215 : memref<1x64xf32, #tpu.memory_space<any>>) target(%dma_start3A_1213 : memref<1x64xf32, #tpu.memory_space<vmem>>) target_semaphore(%arg4 : memref<!tpu.dma_semaphore, #tpu.memory_space<semaphore_mem>>)
    %get3A_1216 = arith.constant 174 : index
    %get3A_1217 = memref.load %arg1[%get3A_1216] : memref<200xi32, #tpu.memory_space<smem>>
    %dma_start3A_1218 = arith.constant 174 : i32
    %dma_start3A_1219 = arith.constant 0 : i32
    %dma_start3A_1220 = tpu.memref_slice %arg3[%dma_start3A_1218, %dma_start3A_1219] : memref<200x64xf32, #tpu.memory_space<vmem>> -> memref<1x64xf32, #tpu.memory_space<vmem>>
    %dma_start3A_1221 = arith.constant 0 : i32
    %dma_start3A_1222 = tpu.memref_slice %arg2[%get3A_1217, %dma_start3A_1221] : memref<1000001x64xf32, #tpu.memory_space<any>> -> memref<1x64xf32, #tpu.memory_space<any>>
    tpu.enqueue_dma source(%dma_start3A_1222 : memref<1x64xf32, #tpu.memory_space<any>>) target(%dma_start3A_1220 : memref<1x64xf32, #tpu.memory_space<vmem>>) target_semaphore(%arg4 : memref<!tpu.dma_semaphore, #tpu.memory_space<semaphore_mem>>)
    %get3A_1223 = arith.constant 175 : index
    %get3A_1224 = memref.load %arg1[%get3A_1223] : memref<200xi32, #tpu.memory_space<smem>>
    %dma_start3A_1225 = arith.constant 175 : i32
    %dma_start3A_1226 = arith.constant 0 : i32
    %dma_start3A_1227 = tpu.memref_slice %arg3[%dma_start3A_1225, %dma_start3A_1226] : memref<200x64xf32, #tpu.memory_space<vmem>> -> memref<1x64xf32, #tpu.memory_space<vmem>>
    %dma_start3A_1228 = arith.constant 0 : i32
    %dma_start3A_1229 = tpu.memref_slice %arg2[%get3A_1224, %dma_start3A_1228] : memref<1000001x64xf32, #tpu.memory_space<any>> -> memref<1x64xf32, #tpu.memory_space<any>>
    tpu.enqueue_dma source(%dma_start3A_1229 : memref<1x64xf32, #tpu.memory_space<any>>) target(%dma_start3A_1227 : memref<1x64xf32, #tpu.memory_space<vmem>>) target_semaphore(%arg4 : memref<!tpu.dma_semaphore, #tpu.memory_space<semaphore_mem>>)
    %get3A_1230 = arith.constant 176 : index
    %get3A_1231 = memref.load %arg1[%get3A_1230] : memref<200xi32, #tpu.memory_space<smem>>
    %dma_start3A_1232 = arith.constant 176 : i32
    %dma_start3A_1233 = arith.constant 0 : i32
    %dma_start3A_1234 = tpu.memref_slice %arg3[%dma_start3A_1232, %dma_start3A_1233] : memref<200x64xf32, #tpu.memory_space<vmem>> -> memref<1x64xf32, #tpu.memory_space<vmem>>
    %dma_start3A_1235 = arith.constant 0 : i32
    %dma_start3A_1236 = tpu.memref_slice %arg2[%get3A_1231, %dma_start3A_1235] : memref<1000001x64xf32, #tpu.memory_space<any>> -> memref<1x64xf32, #tpu.memory_space<any>>
    tpu.enqueue_dma source(%dma_start3A_1236 : memref<1x64xf32, #tpu.memory_space<any>>) target(%dma_start3A_1234 : memref<1x64xf32, #tpu.memory_space<vmem>>) target_semaphore(%arg4 : memref<!tpu.dma_semaphore, #tpu.memory_space<semaphore_mem>>)
    %get3A_1237 = arith.constant 177 : index
    %get3A_1238 = memref.load %arg1[%get3A_1237] : memref<200xi32, #tpu.memory_space<smem>>
    %dma_start3A_1239 = arith.constant 177 : i32
    %dma_start3A_1240 = arith.constant 0 : i32
    %dma_start3A_1241 = tpu.memref_slice %arg3[%dma_start3A_1239, %dma_start3A_1240] : memref<200x64xf32, #tpu.memory_space<vmem>> -> memref<1x64xf32, #tpu.memory_space<vmem>>
    %dma_start3A_1242 = arith.constant 0 : i32
    %dma_start3A_1243 = tpu.memref_slice %arg2[%get3A_1238, %dma_start3A_1242] : memref<1000001x64xf32, #tpu.memory_space<any>> -> memref<1x64xf32, #tpu.memory_space<any>>
    tpu.enqueue_dma source(%dma_start3A_1243 : memref<1x64xf32, #tpu.memory_space<any>>) target(%dma_start3A_1241 : memref<1x64xf32, #tpu.memory_space<vmem>>) target_semaphore(%arg4 : memref<!tpu.dma_semaphore, #tpu.memory_space<semaphore_mem>>)
    %get3A_1244 = arith.constant 178 : index
    %get3A_1245 = memref.load %arg1[%get3A_1244] : memref<200xi32, #tpu.memory_space<smem>>
    %dma_start3A_1246 = arith.constant 178 : i32
    %dma_start3A_1247 = arith.constant 0 : i32
    %dma_start3A_1248 = tpu.memref_slice %arg3[%dma_start3A_1246, %dma_start3A_1247] : memref<200x64xf32, #tpu.memory_space<vmem>> -> memref<1x64xf32, #tpu.memory_space<vmem>>
    %dma_start3A_1249 = arith.constant 0 : i32
    %dma_start3A_1250 = tpu.memref_slice %arg2[%get3A_1245, %dma_start3A_1249] : memref<1000001x64xf32, #tpu.memory_space<any>> -> memref<1x64xf32, #tpu.memory_space<any>>
    tpu.enqueue_dma source(%dma_start3A_1250 : memref<1x64xf32, #tpu.memory_space<any>>) target(%dma_start3A_1248 : memref<1x64xf32, #tpu.memory_space<vmem>>) target_semaphore(%arg4 : memref<!tpu.dma_semaphore, #tpu.memory_space<semaphore_mem>>)
    %get3A_1251 = arith.constant 179 : index
    %get3A_1252 = memref.load %arg1[%get3A_1251] : memref<200xi32, #tpu.memory_space<smem>>
    %dma_start3A_1253 = arith.constant 179 : i32
    %dma_start3A_1254 = arith.constant 0 : i32
    %dma_start3A_1255 = tpu.memref_slice %arg3[%dma_start3A_1253, %dma_start3A_1254] : memref<200x64xf32, #tpu.memory_space<vmem>> -> memref<1x64xf32, #tpu.memory_space<vmem>>
    %dma_start3A_1256 = arith.constant 0 : i32
    %dma_start3A_1257 = tpu.memref_slice %arg2[%get3A_1252, %dma_start3A_1256] : memref<1000001x64xf32, #tpu.memory_space<any>> -> memref<1x64xf32, #tpu.memory_space<any>>
    tpu.enqueue_dma source(%dma_start3A_1257 : memref<1x64xf32, #tpu.memory_space<any>>) target(%dma_start3A_1255 : memref<1x64xf32, #tpu.memory_space<vmem>>) target_semaphore(%arg4 : memref<!tpu.dma_semaphore, #tpu.memory_space<semaphore_mem>>)
    %get3A_1258 = arith.constant 180 : index
    %get3A_1259 = memref.load %arg1[%get3A_1258] : memref<200xi32, #tpu.memory_space<smem>>
    %dma_start3A_1260 = arith.constant 180 : i32
    %dma_start3A_1261 = arith.constant 0 : i32
    %dma_start3A_1262 = tpu.memref_slice %arg3[%dma_start3A_1260, %dma_start3A_1261] : memref<200x64xf32, #tpu.memory_space<vmem>> -> memref<1x64xf32, #tpu.memory_space<vmem>>
    %dma_start3A_1263 = arith.constant 0 : i32
    %dma_start3A_1264 = tpu.memref_slice %arg2[%get3A_1259, %dma_start3A_1263] : memref<1000001x64xf32, #tpu.memory_space<any>> -> memref<1x64xf32, #tpu.memory_space<any>>
    tpu.enqueue_dma source(%dma_start3A_1264 : memref<1x64xf32, #tpu.memory_space<any>>) target(%dma_start3A_1262 : memref<1x64xf32, #tpu.memory_space<vmem>>) target_semaphore(%arg4 : memref<!tpu.dma_semaphore, #tpu.memory_space<semaphore_mem>>)
    %get3A_1265 = arith.constant 181 : index
    %get3A_1266 = memref.load %arg1[%get3A_1265] : memref<200xi32, #tpu.memory_space<smem>>
    %dma_start3A_1267 = arith.constant 181 : i32
    %dma_start3A_1268 = arith.constant 0 : i32
    %dma_start3A_1269 = tpu.memref_slice %arg3[%dma_start3A_1267, %dma_start3A_1268] : memref<200x64xf32, #tpu.memory_space<vmem>> -> memref<1x64xf32, #tpu.memory_space<vmem>>
    %dma_start3A_1270 = arith.constant 0 : i32
    %dma_start3A_1271 = tpu.memref_slice %arg2[%get3A_1266, %dma_start3A_1270] : memref<1000001x64xf32, #tpu.memory_space<any>> -> memref<1x64xf32, #tpu.memory_space<any>>
    tpu.enqueue_dma source(%dma_start3A_1271 : memref<1x64xf32, #tpu.memory_space<any>>) target(%dma_start3A_1269 : memref<1x64xf32, #tpu.memory_space<vmem>>) target_semaphore(%arg4 : memref<!tpu.dma_semaphore, #tpu.memory_space<semaphore_mem>>)
    %get3A_1272 = arith.constant 182 : index
    %get3A_1273 = memref.load %arg1[%get3A_1272] : memref<200xi32, #tpu.memory_space<smem>>
    %dma_start3A_1274 = arith.constant 182 : i32
    %dma_start3A_1275 = arith.constant 0 : i32
    %dma_start3A_1276 = tpu.memref_slice %arg3[%dma_start3A_1274, %dma_start3A_1275] : memref<200x64xf32, #tpu.memory_space<vmem>> -> memref<1x64xf32, #tpu.memory_space<vmem>>
    %dma_start3A_1277 = arith.constant 0 : i32
    %dma_start3A_1278 = tpu.memref_slice %arg2[%get3A_1273, %dma_start3A_1277] : memref<1000001x64xf32, #tpu.memory_space<any>> -> memref<1x64xf32, #tpu.memory_space<any>>
    tpu.enqueue_dma source(%dma_start3A_1278 : memref<1x64xf32, #tpu.memory_space<any>>) target(%dma_start3A_1276 : memref<1x64xf32, #tpu.memory_space<vmem>>) target_semaphore(%arg4 : memref<!tpu.dma_semaphore, #tpu.memory_space<semaphore_mem>>)
    %get3A_1279 = arith.constant 183 : index
    %get3A_1280 = memref.load %arg1[%get3A_1279] : memref<200xi32, #tpu.memory_space<smem>>
    %dma_start3A_1281 = arith.constant 183 : i32
    %dma_start3A_1282 = arith.constant 0 : i32
    %dma_start3A_1283 = tpu.memref_slice %arg3[%dma_start3A_1281, %dma_start3A_1282] : memref<200x64xf32, #tpu.memory_space<vmem>> -> memref<1x64xf32, #tpu.memory_space<vmem>>
    %dma_start3A_1284 = arith.constant 0 : i32
    %dma_start3A_1285 = tpu.memref_slice %arg2[%get3A_1280, %dma_start3A_1284] : memref<1000001x64xf32, #tpu.memory_space<any>> -> memref<1x64xf32, #tpu.memory_space<any>>
    tpu.enqueue_dma source(%dma_start3A_1285 : memref<1x64xf32, #tpu.memory_space<any>>) target(%dma_start3A_1283 : memref<1x64xf32, #tpu.memory_space<vmem>>) target_semaphore(%arg4 : memref<!tpu.dma_semaphore, #tpu.memory_space<semaphore_mem>>)
    %get3A_1286 = arith.constant 184 : index
    %get3A_1287 = memref.load %arg1[%get3A_1286] : memref<200xi32, #tpu.memory_space<smem>>
    %dma_start3A_1288 = arith.constant 184 : i32
    %dma_start3A_1289 = arith.constant 0 : i32
    %dma_start3A_1290 = tpu.memref_slice %arg3[%dma_start3A_1288, %dma_start3A_1289] : memref<200x64xf32, #tpu.memory_space<vmem>> -> memref<1x64xf32, #tpu.memory_space<vmem>>
    %dma_start3A_1291 = arith.constant 0 : i32
    %dma_start3A_1292 = tpu.memref_slice %arg2[%get3A_1287, %dma_start3A_1291] : memref<1000001x64xf32, #tpu.memory_space<any>> -> memref<1x64xf32, #tpu.memory_space<any>>
    tpu.enqueue_dma source(%dma_start3A_1292 : memref<1x64xf32, #tpu.memory_space<any>>) target(%dma_start3A_1290 : memref<1x64xf32, #tpu.memory_space<vmem>>) target_semaphore(%arg4 : memref<!tpu.dma_semaphore, #tpu.memory_space<semaphore_mem>>)
    %get3A_1293 = arith.constant 185 : index
    %get3A_1294 = memref.load %arg1[%get3A_1293] : memref<200xi32, #tpu.memory_space<smem>>
    %dma_start3A_1295 = arith.constant 185 : i32
    %dma_start3A_1296 = arith.constant 0 : i32
    %dma_start3A_1297 = tpu.memref_slice %arg3[%dma_start3A_1295, %dma_start3A_1296] : memref<200x64xf32, #tpu.memory_space<vmem>> -> memref<1x64xf32, #tpu.memory_space<vmem>>
    %dma_start3A_1298 = arith.constant 0 : i32
    %dma_start3A_1299 = tpu.memref_slice %arg2[%get3A_1294, %dma_start3A_1298] : memref<1000001x64xf32, #tpu.memory_space<any>> -> memref<1x64xf32, #tpu.memory_space<any>>
    tpu.enqueue_dma source(%dma_start3A_1299 : memref<1x64xf32, #tpu.memory_space<any>>) target(%dma_start3A_1297 : memref<1x64xf32, #tpu.memory_space<vmem>>) target_semaphore(%arg4 : memref<!tpu.dma_semaphore, #tpu.memory_space<semaphore_mem>>)
    %get3A_1300 = arith.constant 186 : index
    %get3A_1301 = memref.load %arg1[%get3A_1300] : memref<200xi32, #tpu.memory_space<smem>>
    %dma_start3A_1302 = arith.constant 186 : i32
    %dma_start3A_1303 = arith.constant 0 : i32
    %dma_start3A_1304 = tpu.memref_slice %arg3[%dma_start3A_1302, %dma_start3A_1303] : memref<200x64xf32, #tpu.memory_space<vmem>> -> memref<1x64xf32, #tpu.memory_space<vmem>>
    %dma_start3A_1305 = arith.constant 0 : i32
    %dma_start3A_1306 = tpu.memref_slice %arg2[%get3A_1301, %dma_start3A_1305] : memref<1000001x64xf32, #tpu.memory_space<any>> -> memref<1x64xf32, #tpu.memory_space<any>>
    tpu.enqueue_dma source(%dma_start3A_1306 : memref<1x64xf32, #tpu.memory_space<any>>) target(%dma_start3A_1304 : memref<1x64xf32, #tpu.memory_space<vmem>>) target_semaphore(%arg4 : memref<!tpu.dma_semaphore, #tpu.memory_space<semaphore_mem>>)
    %get3A_1307 = arith.constant 187 : index
    %get3A_1308 = memref.load %arg1[%get3A_1307] : memref<200xi32, #tpu.memory_space<smem>>
    %dma_start3A_1309 = arith.constant 187 : i32
    %dma_start3A_1310 = arith.constant 0 : i32
    %dma_start3A_1311 = tpu.memref_slice %arg3[%dma_start3A_1309, %dma_start3A_1310] : memref<200x64xf32, #tpu.memory_space<vmem>> -> memref<1x64xf32, #tpu.memory_space<vmem>>
    %dma_start3A_1312 = arith.constant 0 : i32
    %dma_start3A_1313 = tpu.memref_slice %arg2[%get3A_1308, %dma_start3A_1312] : memref<1000001x64xf32, #tpu.memory_space<any>> -> memref<1x64xf32, #tpu.memory_space<any>>
    tpu.enqueue_dma source(%dma_start3A_1313 : memref<1x64xf32, #tpu.memory_space<any>>) target(%dma_start3A_1311 : memref<1x64xf32, #tpu.memory_space<vmem>>) target_semaphore(%arg4 : memref<!tpu.dma_semaphore, #tpu.memory_space<semaphore_mem>>)
    %get3A_1314 = arith.constant 188 : index
    %get3A_1315 = memref.load %arg1[%get3A_1314] : memref<200xi32, #tpu.memory_space<smem>>
    %dma_start3A_1316 = arith.constant 188 : i32
    %dma_start3A_1317 = arith.constant 0 : i32
    %dma_start3A_1318 = tpu.memref_slice %arg3[%dma_start3A_1316, %dma_start3A_1317] : memref<200x64xf32, #tpu.memory_space<vmem>> -> memref<1x64xf32, #tpu.memory_space<vmem>>
    %dma_start3A_1319 = arith.constant 0 : i32
    %dma_start3A_1320 = tpu.memref_slice %arg2[%get3A_1315, %dma_start3A_1319] : memref<1000001x64xf32, #tpu.memory_space<any>> -> memref<1x64xf32, #tpu.memory_space<any>>
    tpu.enqueue_dma source(%dma_start3A_1320 : memref<1x64xf32, #tpu.memory_space<any>>) target(%dma_start3A_1318 : memref<1x64xf32, #tpu.memory_space<vmem>>) target_semaphore(%arg4 : memref<!tpu.dma_semaphore, #tpu.memory_space<semaphore_mem>>)
    %get3A_1321 = arith.constant 189 : index
    %get3A_1322 = memref.load %arg1[%get3A_1321] : memref<200xi32, #tpu.memory_space<smem>>
    %dma_start3A_1323 = arith.constant 189 : i32
    %dma_start3A_1324 = arith.constant 0 : i32
    %dma_start3A_1325 = tpu.memref_slice %arg3[%dma_start3A_1323, %dma_start3A_1324] : memref<200x64xf32, #tpu.memory_space<vmem>> -> memref<1x64xf32, #tpu.memory_space<vmem>>
    %dma_start3A_1326 = arith.constant 0 : i32
    %dma_start3A_1327 = tpu.memref_slice %arg2[%get3A_1322, %dma_start3A_1326] : memref<1000001x64xf32, #tpu.memory_space<any>> -> memref<1x64xf32, #tpu.memory_space<any>>
    tpu.enqueue_dma source(%dma_start3A_1327 : memref<1x64xf32, #tpu.memory_space<any>>) target(%dma_start3A_1325 : memref<1x64xf32, #tpu.memory_space<vmem>>) target_semaphore(%arg4 : memref<!tpu.dma_semaphore, #tpu.memory_space<semaphore_mem>>)
    %get3A_1328 = arith.constant 190 : index
    %get3A_1329 = memref.load %arg1[%get3A_1328] : memref<200xi32, #tpu.memory_space<smem>>
    %dma_start3A_1330 = arith.constant 190 : i32
    %dma_start3A_1331 = arith.constant 0 : i32
    %dma_start3A_1332 = tpu.memref_slice %arg3[%dma_start3A_1330, %dma_start3A_1331] : memref<200x64xf32, #tpu.memory_space<vmem>> -> memref<1x64xf32, #tpu.memory_space<vmem>>
    %dma_start3A_1333 = arith.constant 0 : i32
    %dma_start3A_1334 = tpu.memref_slice %arg2[%get3A_1329, %dma_start3A_1333] : memref<1000001x64xf32, #tpu.memory_space<any>> -> memref<1x64xf32, #tpu.memory_space<any>>
    tpu.enqueue_dma source(%dma_start3A_1334 : memref<1x64xf32, #tpu.memory_space<any>>) target(%dma_start3A_1332 : memref<1x64xf32, #tpu.memory_space<vmem>>) target_semaphore(%arg4 : memref<!tpu.dma_semaphore, #tpu.memory_space<semaphore_mem>>)
    %get3A_1335 = arith.constant 191 : index
    %get3A_1336 = memref.load %arg1[%get3A_1335] : memref<200xi32, #tpu.memory_space<smem>>
    %dma_start3A_1337 = arith.constant 191 : i32
    %dma_start3A_1338 = arith.constant 0 : i32
    %dma_start3A_1339 = tpu.memref_slice %arg3[%dma_start3A_1337, %dma_start3A_1338] : memref<200x64xf32, #tpu.memory_space<vmem>> -> memref<1x64xf32, #tpu.memory_space<vmem>>
    %dma_start3A_1340 = arith.constant 0 : i32
    %dma_start3A_1341 = tpu.memref_slice %arg2[%get3A_1336, %dma_start3A_1340] : memref<1000001x64xf32, #tpu.memory_space<any>> -> memref<1x64xf32, #tpu.memory_space<any>>
    tpu.enqueue_dma source(%dma_start3A_1341 : memref<1x64xf32, #tpu.memory_space<any>>) target(%dma_start3A_1339 : memref<1x64xf32, #tpu.memory_space<vmem>>) target_semaphore(%arg4 : memref<!tpu.dma_semaphore, #tpu.memory_space<semaphore_mem>>)
    %get3A_1342 = arith.constant 192 : index
    %get3A_1343 = memref.load %arg1[%get3A_1342] : memref<200xi32, #tpu.memory_space<smem>>
    %dma_start3A_1344 = arith.constant 192 : i32
    %dma_start3A_1345 = arith.constant 0 : i32
    %dma_start3A_1346 = tpu.memref_slice %arg3[%dma_start3A_1344, %dma_start3A_1345] : memref<200x64xf32, #tpu.memory_space<vmem>> -> memref<1x64xf32, #tpu.memory_space<vmem>>
    %dma_start3A_1347 = arith.constant 0 : i32
    %dma_start3A_1348 = tpu.memref_slice %arg2[%get3A_1343, %dma_start3A_1347] : memref<1000001x64xf32, #tpu.memory_space<any>> -> memref<1x64xf32, #tpu.memory_space<any>>
    tpu.enqueue_dma source(%dma_start3A_1348 : memref<1x64xf32, #tpu.memory_space<any>>) target(%dma_start3A_1346 : memref<1x64xf32, #tpu.memory_space<vmem>>) target_semaphore(%arg4 : memref<!tpu.dma_semaphore, #tpu.memory_space<semaphore_mem>>)
    %get3A_1349 = arith.constant 193 : index
    %get3A_1350 = memref.load %arg1[%get3A_1349] : memref<200xi32, #tpu.memory_space<smem>>
    %dma_start3A_1351 = arith.constant 193 : i32
    %dma_start3A_1352 = arith.constant 0 : i32
    %dma_start3A_1353 = tpu.memref_slice %arg3[%dma_start3A_1351, %dma_start3A_1352] : memref<200x64xf32, #tpu.memory_space<vmem>> -> memref<1x64xf32, #tpu.memory_space<vmem>>
    %dma_start3A_1354 = arith.constant 0 : i32
    %dma_start3A_1355 = tpu.memref_slice %arg2[%get3A_1350, %dma_start3A_1354] : memref<1000001x64xf32, #tpu.memory_space<any>> -> memref<1x64xf32, #tpu.memory_space<any>>
    tpu.enqueue_dma source(%dma_start3A_1355 : memref<1x64xf32, #tpu.memory_space<any>>) target(%dma_start3A_1353 : memref<1x64xf32, #tpu.memory_space<vmem>>) target_semaphore(%arg4 : memref<!tpu.dma_semaphore, #tpu.memory_space<semaphore_mem>>)
    %get3A_1356 = arith.constant 194 : index
    %get3A_1357 = memref.load %arg1[%get3A_1356] : memref<200xi32, #tpu.memory_space<smem>>
    %dma_start3A_1358 = arith.constant 194 : i32
    %dma_start3A_1359 = arith.constant 0 : i32
    %dma_start3A_1360 = tpu.memref_slice %arg3[%dma_start3A_1358, %dma_start3A_1359] : memref<200x64xf32, #tpu.memory_space<vmem>> -> memref<1x64xf32, #tpu.memory_space<vmem>>
    %dma_start3A_1361 = arith.constant 0 : i32
    %dma_start3A_1362 = tpu.memref_slice %arg2[%get3A_1357, %dma_start3A_1361] : memref<1000001x64xf32, #tpu.memory_space<any>> -> memref<1x64xf32, #tpu.memory_space<any>>
    tpu.enqueue_dma source(%dma_start3A_1362 : memref<1x64xf32, #tpu.memory_space<any>>) target(%dma_start3A_1360 : memref<1x64xf32, #tpu.memory_space<vmem>>) target_semaphore(%arg4 : memref<!tpu.dma_semaphore, #tpu.memory_space<semaphore_mem>>)
    %get3A_1363 = arith.constant 195 : index
    %get3A_1364 = memref.load %arg1[%get3A_1363] : memref<200xi32, #tpu.memory_space<smem>>
    %dma_start3A_1365 = arith.constant 195 : i32
    %dma_start3A_1366 = arith.constant 0 : i32
    %dma_start3A_1367 = tpu.memref_slice %arg3[%dma_start3A_1365, %dma_start3A_1366] : memref<200x64xf32, #tpu.memory_space<vmem>> -> memref<1x64xf32, #tpu.memory_space<vmem>>
    %dma_start3A_1368 = arith.constant 0 : i32
    %dma_start3A_1369 = tpu.memref_slice %arg2[%get3A_1364, %dma_start3A_1368] : memref<1000001x64xf32, #tpu.memory_space<any>> -> memref<1x64xf32, #tpu.memory_space<any>>
    tpu.enqueue_dma source(%dma_start3A_1369 : memref<1x64xf32, #tpu.memory_space<any>>) target(%dma_start3A_1367 : memref<1x64xf32, #tpu.memory_space<vmem>>) target_semaphore(%arg4 : memref<!tpu.dma_semaphore, #tpu.memory_space<semaphore_mem>>)
    %get3A_1370 = arith.constant 196 : index
    %get3A_1371 = memref.load %arg1[%get3A_1370] : memref<200xi32, #tpu.memory_space<smem>>
    %dma_start3A_1372 = arith.constant 196 : i32
    %dma_start3A_1373 = arith.constant 0 : i32
    %dma_start3A_1374 = tpu.memref_slice %arg3[%dma_start3A_1372, %dma_start3A_1373] : memref<200x64xf32, #tpu.memory_space<vmem>> -> memref<1x64xf32, #tpu.memory_space<vmem>>
    %dma_start3A_1375 = arith.constant 0 : i32
    %dma_start3A_1376 = tpu.memref_slice %arg2[%get3A_1371, %dma_start3A_1375] : memref<1000001x64xf32, #tpu.memory_space<any>> -> memref<1x64xf32, #tpu.memory_space<any>>
    tpu.enqueue_dma source(%dma_start3A_1376 : memref<1x64xf32, #tpu.memory_space<any>>) target(%dma_start3A_1374 : memref<1x64xf32, #tpu.memory_space<vmem>>) target_semaphore(%arg4 : memref<!tpu.dma_semaphore, #tpu.memory_space<semaphore_mem>>)
    %get3A_1377 = arith.constant 197 : index
    %get3A_1378 = memref.load %arg1[%get3A_1377] : memref<200xi32, #tpu.memory_space<smem>>
    %dma_start3A_1379 = arith.constant 197 : i32
    %dma_start3A_1380 = arith.constant 0 : i32
    %dma_start3A_1381 = tpu.memref_slice %arg3[%dma_start3A_1379, %dma_start3A_1380] : memref<200x64xf32, #tpu.memory_space<vmem>> -> memref<1x64xf32, #tpu.memory_space<vmem>>
    %dma_start3A_1382 = arith.constant 0 : i32
    %dma_start3A_1383 = tpu.memref_slice %arg2[%get3A_1378, %dma_start3A_1382] : memref<1000001x64xf32, #tpu.memory_space<any>> -> memref<1x64xf32, #tpu.memory_space<any>>
    tpu.enqueue_dma source(%dma_start3A_1383 : memref<1x64xf32, #tpu.memory_space<any>>) target(%dma_start3A_1381 : memref<1x64xf32, #tpu.memory_space<vmem>>) target_semaphore(%arg4 : memref<!tpu.dma_semaphore, #tpu.memory_space<semaphore_mem>>)
    %get3A_1384 = arith.constant 198 : index
    %get3A_1385 = memref.load %arg1[%get3A_1384] : memref<200xi32, #tpu.memory_space<smem>>
    %dma_start3A_1386 = arith.constant 198 : i32
    %dma_start3A_1387 = arith.constant 0 : i32
    %dma_start3A_1388 = tpu.memref_slice %arg3[%dma_start3A_1386, %dma_start3A_1387] : memref<200x64xf32, #tpu.memory_space<vmem>> -> memref<1x64xf32, #tpu.memory_space<vmem>>
    %dma_start3A_1389 = arith.constant 0 : i32
    %dma_start3A_1390 = tpu.memref_slice %arg2[%get3A_1385, %dma_start3A_1389] : memref<1000001x64xf32, #tpu.memory_space<any>> -> memref<1x64xf32, #tpu.memory_space<any>>
    tpu.enqueue_dma source(%dma_start3A_1390 : memref<1x64xf32, #tpu.memory_space<any>>) target(%dma_start3A_1388 : memref<1x64xf32, #tpu.memory_space<vmem>>) target_semaphore(%arg4 : memref<!tpu.dma_semaphore, #tpu.memory_space<semaphore_mem>>)
    %get3A_1391 = arith.constant 199 : index
    %get3A_1392 = memref.load %arg1[%get3A_1391] : memref<200xi32, #tpu.memory_space<smem>>
    %dma_start3A_1393 = arith.constant 199 : i32
    %dma_start3A_1394 = arith.constant 0 : i32
    %dma_start3A_1395 = tpu.memref_slice %arg3[%dma_start3A_1393, %dma_start3A_1394] : memref<200x64xf32, #tpu.memory_space<vmem>> -> memref<1x64xf32, #tpu.memory_space<vmem>>
    %dma_start3A_1396 = arith.constant 0 : i32
    %dma_start3A_1397 = tpu.memref_slice %arg2[%get3A_1392, %dma_start3A_1396] : memref<1000001x64xf32, #tpu.memory_space<any>> -> memref<1x64xf32, #tpu.memory_space<any>>
    tpu.enqueue_dma source(%dma_start3A_1397 : memref<1x64xf32, #tpu.memory_space<any>>) target(%dma_start3A_1395 : memref<1x64xf32, #tpu.memory_space<vmem>>) target_semaphore(%arg4 : memref<!tpu.dma_semaphore, #tpu.memory_space<semaphore_mem>>)
    %dma_wait3A = arith.constant 0 : i32
    %dma_wait3A_1398 = arith.constant 0 : i32
    %dma_wait3A_1399 = tpu.memref_slice %arg3[%dma_wait3A, %dma_wait3A_1398] : memref<200x64xf32, #tpu.memory_space<vmem>> -> memref<1x64xf32, #tpu.memory_space<vmem>>
    %dma_wait3A_1400 = arith.constant 0 : i32
    %dma_wait3A_1401 = tpu.memref_slice %arg2[%get3A_0, %dma_wait3A_1400] : memref<1000001x64xf32, #tpu.memory_space<any>> -> memref<1x64xf32, #tpu.memory_space<any>>
    tpu.wait_dma2 semaphore(%arg4 : memref<!tpu.dma_semaphore, #tpu.memory_space<semaphore_mem>>) src(%dma_wait3A_1401 : memref<1x64xf32, #tpu.memory_space<any>>) dst(%dma_wait3A_1399 : memref<1x64xf32, #tpu.memory_space<vmem>>)
    %dma_wait3A_1402 = arith.constant 1 : i32
    %dma_wait3A_1403 = arith.constant 0 : i32
    %dma_wait3A_1404 = tpu.memref_slice %arg3[%dma_wait3A_1402, %dma_wait3A_1403] : memref<200x64xf32, #tpu.memory_space<vmem>> -> memref<1x64xf32, #tpu.memory_space<vmem>>
    %dma_wait3A_1405 = arith.constant 0 : i32
    %dma_wait3A_1406 = tpu.memref_slice %arg2[%get3A_6, %dma_wait3A_1405] : memref<1000001x64xf32, #tpu.memory_space<any>> -> memref<1x64xf32, #tpu.memory_space<any>>
    tpu.wait_dma2 semaphore(%arg4 : memref<!tpu.dma_semaphore, #tpu.memory_space<semaphore_mem>>) src(%dma_wait3A_1406 : memref<1x64xf32, #tpu.memory_space<any>>) dst(%dma_wait3A_1404 : memref<1x64xf32, #tpu.memory_space<vmem>>)
    %dma_wait3A_1407 = arith.constant 2 : i32
    %dma_wait3A_1408 = arith.constant 0 : i32
    %dma_wait3A_1409 = tpu.memref_slice %arg3[%dma_wait3A_1407, %dma_wait3A_1408] : memref<200x64xf32, #tpu.memory_space<vmem>> -> memref<1x64xf32, #tpu.memory_space<vmem>>
    %dma_wait3A_1410 = arith.constant 0 : i32
    %dma_wait3A_1411 = tpu.memref_slice %arg2[%get3A_13, %dma_wait3A_1410] : memref<1000001x64xf32, #tpu.memory_space<any>> -> memref<1x64xf32, #tpu.memory_space<any>>
    tpu.wait_dma2 semaphore(%arg4 : memref<!tpu.dma_semaphore, #tpu.memory_space<semaphore_mem>>) src(%dma_wait3A_1411 : memref<1x64xf32, #tpu.memory_space<any>>) dst(%dma_wait3A_1409 : memref<1x64xf32, #tpu.memory_space<vmem>>)
    %dma_wait3A_1412 = arith.constant 3 : i32
    %dma_wait3A_1413 = arith.constant 0 : i32
    %dma_wait3A_1414 = tpu.memref_slice %arg3[%dma_wait3A_1412, %dma_wait3A_1413] : memref<200x64xf32, #tpu.memory_space<vmem>> -> memref<1x64xf32, #tpu.memory_space<vmem>>
    %dma_wait3A_1415 = arith.constant 0 : i32
    %dma_wait3A_1416 = tpu.memref_slice %arg2[%get3A_20, %dma_wait3A_1415] : memref<1000001x64xf32, #tpu.memory_space<any>> -> memref<1x64xf32, #tpu.memory_space<any>>
    tpu.wait_dma2 semaphore(%arg4 : memref<!tpu.dma_semaphore, #tpu.memory_space<semaphore_mem>>) src(%dma_wait3A_1416 : memref<1x64xf32, #tpu.memory_space<any>>) dst(%dma_wait3A_1414 : memref<1x64xf32, #tpu.memory_space<vmem>>)
    %dma_wait3A_1417 = arith.constant 4 : i32
    %dma_wait3A_1418 = arith.constant 0 : i32
    %dma_wait3A_1419 = tpu.memref_slice %arg3[%dma_wait3A_1417, %dma_wait3A_1418] : memref<200x64xf32, #tpu.memory_space<vmem>> -> memref<1x64xf32, #tpu.memory_space<vmem>>
    %dma_wait3A_1420 = arith.constant 0 : i32
    %dma_wait3A_1421 = tpu.memref_slice %arg2[%get3A_27, %dma_wait3A_1420] : memref<1000001x64xf32, #tpu.memory_space<any>> -> memref<1x64xf32, #tpu.memory_space<any>>
    tpu.wait_dma2 semaphore(%arg4 : memref<!tpu.dma_semaphore, #tpu.memory_space<semaphore_mem>>) src(%dma_wait3A_1421 : memref<1x64xf32, #tpu.memory_space<any>>) dst(%dma_wait3A_1419 : memref<1x64xf32, #tpu.memory_space<vmem>>)
    %dma_wait3A_1422 = arith.constant 5 : i32
    %dma_wait3A_1423 = arith.constant 0 : i32
    %dma_wait3A_1424 = tpu.memref_slice %arg3[%dma_wait3A_1422, %dma_wait3A_1423] : memref<200x64xf32, #tpu.memory_space<vmem>> -> memref<1x64xf32, #tpu.memory_space<vmem>>
    %dma_wait3A_1425 = arith.constant 0 : i32
    %dma_wait3A_1426 = tpu.memref_slice %arg2[%get3A_34, %dma_wait3A_1425] : memref<1000001x64xf32, #tpu.memory_space<any>> -> memref<1x64xf32, #tpu.memory_space<any>>
    tpu.wait_dma2 semaphore(%arg4 : memref<!tpu.dma_semaphore, #tpu.memory_space<semaphore_mem>>) src(%dma_wait3A_1426 : memref<1x64xf32, #tpu.memory_space<any>>) dst(%dma_wait3A_1424 : memref<1x64xf32, #tpu.memory_space<vmem>>)
    %dma_wait3A_1427 = arith.constant 6 : i32
    %dma_wait3A_1428 = arith.constant 0 : i32
    %dma_wait3A_1429 = tpu.memref_slice %arg3[%dma_wait3A_1427, %dma_wait3A_1428] : memref<200x64xf32, #tpu.memory_space<vmem>> -> memref<1x64xf32, #tpu.memory_space<vmem>>
    %dma_wait3A_1430 = arith.constant 0 : i32
    %dma_wait3A_1431 = tpu.memref_slice %arg2[%get3A_41, %dma_wait3A_1430] : memref<1000001x64xf32, #tpu.memory_space<any>> -> memref<1x64xf32, #tpu.memory_space<any>>
    tpu.wait_dma2 semaphore(%arg4 : memref<!tpu.dma_semaphore, #tpu.memory_space<semaphore_mem>>) src(%dma_wait3A_1431 : memref<1x64xf32, #tpu.memory_space<any>>) dst(%dma_wait3A_1429 : memref<1x64xf32, #tpu.memory_space<vmem>>)
    %dma_wait3A_1432 = arith.constant 7 : i32
    %dma_wait3A_1433 = arith.constant 0 : i32
    %dma_wait3A_1434 = tpu.memref_slice %arg3[%dma_wait3A_1432, %dma_wait3A_1433] : memref<200x64xf32, #tpu.memory_space<vmem>> -> memref<1x64xf32, #tpu.memory_space<vmem>>
    %dma_wait3A_1435 = arith.constant 0 : i32
    %dma_wait3A_1436 = tpu.memref_slice %arg2[%get3A_48, %dma_wait3A_1435] : memref<1000001x64xf32, #tpu.memory_space<any>> -> memref<1x64xf32, #tpu.memory_space<any>>
    tpu.wait_dma2 semaphore(%arg4 : memref<!tpu.dma_semaphore, #tpu.memory_space<semaphore_mem>>) src(%dma_wait3A_1436 : memref<1x64xf32, #tpu.memory_space<any>>) dst(%dma_wait3A_1434 : memref<1x64xf32, #tpu.memory_space<vmem>>)
    %dma_wait3A_1437 = arith.constant 8 : i32
    %dma_wait3A_1438 = arith.constant 0 : i32
    %dma_wait3A_1439 = tpu.memref_slice %arg3[%dma_wait3A_1437, %dma_wait3A_1438] : memref<200x64xf32, #tpu.memory_space<vmem>> -> memref<1x64xf32, #tpu.memory_space<vmem>>
    %dma_wait3A_1440 = arith.constant 0 : i32
    %dma_wait3A_1441 = tpu.memref_slice %arg2[%get3A_55, %dma_wait3A_1440] : memref<1000001x64xf32, #tpu.memory_space<any>> -> memref<1x64xf32, #tpu.memory_space<any>>
    tpu.wait_dma2 semaphore(%arg4 : memref<!tpu.dma_semaphore, #tpu.memory_space<semaphore_mem>>) src(%dma_wait3A_1441 : memref<1x64xf32, #tpu.memory_space<any>>) dst(%dma_wait3A_1439 : memref<1x64xf32, #tpu.memory_space<vmem>>)
    %dma_wait3A_1442 = arith.constant 9 : i32
    %dma_wait3A_1443 = arith.constant 0 : i32
    %dma_wait3A_1444 = tpu.memref_slice %arg3[%dma_wait3A_1442, %dma_wait3A_1443] : memref<200x64xf32, #tpu.memory_space<vmem>> -> memref<1x64xf32, #tpu.memory_space<vmem>>
    %dma_wait3A_1445 = arith.constant 0 : i32
    %dma_wait3A_1446 = tpu.memref_slice %arg2[%get3A_62, %dma_wait3A_1445] : memref<1000001x64xf32, #tpu.memory_space<any>> -> memref<1x64xf32, #tpu.memory_space<any>>
    tpu.wait_dma2 semaphore(%arg4 : memref<!tpu.dma_semaphore, #tpu.memory_space<semaphore_mem>>) src(%dma_wait3A_1446 : memref<1x64xf32, #tpu.memory_space<any>>) dst(%dma_wait3A_1444 : memref<1x64xf32, #tpu.memory_space<vmem>>)
    %dma_wait3A_1447 = arith.constant 10 : i32
    %dma_wait3A_1448 = arith.constant 0 : i32
    %dma_wait3A_1449 = tpu.memref_slice %arg3[%dma_wait3A_1447, %dma_wait3A_1448] : memref<200x64xf32, #tpu.memory_space<vmem>> -> memref<1x64xf32, #tpu.memory_space<vmem>>
    %dma_wait3A_1450 = arith.constant 0 : i32
    %dma_wait3A_1451 = tpu.memref_slice %arg2[%get3A_69, %dma_wait3A_1450] : memref<1000001x64xf32, #tpu.memory_space<any>> -> memref<1x64xf32, #tpu.memory_space<any>>
    tpu.wait_dma2 semaphore(%arg4 : memref<!tpu.dma_semaphore, #tpu.memory_space<semaphore_mem>>) src(%dma_wait3A_1451 : memref<1x64xf32, #tpu.memory_space<any>>) dst(%dma_wait3A_1449 : memref<1x64xf32, #tpu.memory_space<vmem>>)
    %dma_wait3A_1452 = arith.constant 11 : i32
    %dma_wait3A_1453 = arith.constant 0 : i32
    %dma_wait3A_1454 = tpu.memref_slice %arg3[%dma_wait3A_1452, %dma_wait3A_1453] : memref<200x64xf32, #tpu.memory_space<vmem>> -> memref<1x64xf32, #tpu.memory_space<vmem>>
    %dma_wait3A_1455 = arith.constant 0 : i32
    %dma_wait3A_1456 = tpu.memref_slice %arg2[%get3A_76, %dma_wait3A_1455] : memref<1000001x64xf32, #tpu.memory_space<any>> -> memref<1x64xf32, #tpu.memory_space<any>>
    tpu.wait_dma2 semaphore(%arg4 : memref<!tpu.dma_semaphore, #tpu.memory_space<semaphore_mem>>) src(%dma_wait3A_1456 : memref<1x64xf32, #tpu.memory_space<any>>) dst(%dma_wait3A_1454 : memref<1x64xf32, #tpu.memory_space<vmem>>)
    %dma_wait3A_1457 = arith.constant 12 : i32
    %dma_wait3A_1458 = arith.constant 0 : i32
    %dma_wait3A_1459 = tpu.memref_slice %arg3[%dma_wait3A_1457, %dma_wait3A_1458] : memref<200x64xf32, #tpu.memory_space<vmem>> -> memref<1x64xf32, #tpu.memory_space<vmem>>
    %dma_wait3A_1460 = arith.constant 0 : i32
    %dma_wait3A_1461 = tpu.memref_slice %arg2[%get3A_83, %dma_wait3A_1460] : memref<1000001x64xf32, #tpu.memory_space<any>> -> memref<1x64xf32, #tpu.memory_space<any>>
    tpu.wait_dma2 semaphore(%arg4 : memref<!tpu.dma_semaphore, #tpu.memory_space<semaphore_mem>>) src(%dma_wait3A_1461 : memref<1x64xf32, #tpu.memory_space<any>>) dst(%dma_wait3A_1459 : memref<1x64xf32, #tpu.memory_space<vmem>>)
    %dma_wait3A_1462 = arith.constant 13 : i32
    %dma_wait3A_1463 = arith.constant 0 : i32
    %dma_wait3A_1464 = tpu.memref_slice %arg3[%dma_wait3A_1462, %dma_wait3A_1463] : memref<200x64xf32, #tpu.memory_space<vmem>> -> memref<1x64xf32, #tpu.memory_space<vmem>>
    %dma_wait3A_1465 = arith.constant 0 : i32
    %dma_wait3A_1466 = tpu.memref_slice %arg2[%get3A_90, %dma_wait3A_1465] : memref<1000001x64xf32, #tpu.memory_space<any>> -> memref<1x64xf32, #tpu.memory_space<any>>
    tpu.wait_dma2 semaphore(%arg4 : memref<!tpu.dma_semaphore, #tpu.memory_space<semaphore_mem>>) src(%dma_wait3A_1466 : memref<1x64xf32, #tpu.memory_space<any>>) dst(%dma_wait3A_1464 : memref<1x64xf32, #tpu.memory_space<vmem>>)
    %dma_wait3A_1467 = arith.constant 14 : i32
    %dma_wait3A_1468 = arith.constant 0 : i32
    %dma_wait3A_1469 = tpu.memref_slice %arg3[%dma_wait3A_1467, %dma_wait3A_1468] : memref<200x64xf32, #tpu.memory_space<vmem>> -> memref<1x64xf32, #tpu.memory_space<vmem>>
    %dma_wait3A_1470 = arith.constant 0 : i32
    %dma_wait3A_1471 = tpu.memref_slice %arg2[%get3A_97, %dma_wait3A_1470] : memref<1000001x64xf32, #tpu.memory_space<any>> -> memref<1x64xf32, #tpu.memory_space<any>>
    tpu.wait_dma2 semaphore(%arg4 : memref<!tpu.dma_semaphore, #tpu.memory_space<semaphore_mem>>) src(%dma_wait3A_1471 : memref<1x64xf32, #tpu.memory_space<any>>) dst(%dma_wait3A_1469 : memref<1x64xf32, #tpu.memory_space<vmem>>)
    %dma_wait3A_1472 = arith.constant 15 : i32
    %dma_wait3A_1473 = arith.constant 0 : i32
    %dma_wait3A_1474 = tpu.memref_slice %arg3[%dma_wait3A_1472, %dma_wait3A_1473] : memref<200x64xf32, #tpu.memory_space<vmem>> -> memref<1x64xf32, #tpu.memory_space<vmem>>
    %dma_wait3A_1475 = arith.constant 0 : i32
    %dma_wait3A_1476 = tpu.memref_slice %arg2[%get3A_104, %dma_wait3A_1475] : memref<1000001x64xf32, #tpu.memory_space<any>> -> memref<1x64xf32, #tpu.memory_space<any>>
    tpu.wait_dma2 semaphore(%arg4 : memref<!tpu.dma_semaphore, #tpu.memory_space<semaphore_mem>>) src(%dma_wait3A_1476 : memref<1x64xf32, #tpu.memory_space<any>>) dst(%dma_wait3A_1474 : memref<1x64xf32, #tpu.memory_space<vmem>>)
    %dma_wait3A_1477 = arith.constant 16 : i32
    %dma_wait3A_1478 = arith.constant 0 : i32
    %dma_wait3A_1479 = tpu.memref_slice %arg3[%dma_wait3A_1477, %dma_wait3A_1478] : memref<200x64xf32, #tpu.memory_space<vmem>> -> memref<1x64xf32, #tpu.memory_space<vmem>>
    %dma_wait3A_1480 = arith.constant 0 : i32
    %dma_wait3A_1481 = tpu.memref_slice %arg2[%get3A_111, %dma_wait3A_1480] : memref<1000001x64xf32, #tpu.memory_space<any>> -> memref<1x64xf32, #tpu.memory_space<any>>
    tpu.wait_dma2 semaphore(%arg4 : memref<!tpu.dma_semaphore, #tpu.memory_space<semaphore_mem>>) src(%dma_wait3A_1481 : memref<1x64xf32, #tpu.memory_space<any>>) dst(%dma_wait3A_1479 : memref<1x64xf32, #tpu.memory_space<vmem>>)
    %dma_wait3A_1482 = arith.constant 17 : i32
    %dma_wait3A_1483 = arith.constant 0 : i32
    %dma_wait3A_1484 = tpu.memref_slice %arg3[%dma_wait3A_1482, %dma_wait3A_1483] : memref<200x64xf32, #tpu.memory_space<vmem>> -> memref<1x64xf32, #tpu.memory_space<vmem>>
    %dma_wait3A_1485 = arith.constant 0 : i32
    %dma_wait3A_1486 = tpu.memref_slice %arg2[%get3A_118, %dma_wait3A_1485] : memref<1000001x64xf32, #tpu.memory_space<any>> -> memref<1x64xf32, #tpu.memory_space<any>>
    tpu.wait_dma2 semaphore(%arg4 : memref<!tpu.dma_semaphore, #tpu.memory_space<semaphore_mem>>) src(%dma_wait3A_1486 : memref<1x64xf32, #tpu.memory_space<any>>) dst(%dma_wait3A_1484 : memref<1x64xf32, #tpu.memory_space<vmem>>)
    %dma_wait3A_1487 = arith.constant 18 : i32
    %dma_wait3A_1488 = arith.constant 0 : i32
    %dma_wait3A_1489 = tpu.memref_slice %arg3[%dma_wait3A_1487, %dma_wait3A_1488] : memref<200x64xf32, #tpu.memory_space<vmem>> -> memref<1x64xf32, #tpu.memory_space<vmem>>
    %dma_wait3A_1490 = arith.constant 0 : i32
    %dma_wait3A_1491 = tpu.memref_slice %arg2[%get3A_125, %dma_wait3A_1490] : memref<1000001x64xf32, #tpu.memory_space<any>> -> memref<1x64xf32, #tpu.memory_space<any>>
    tpu.wait_dma2 semaphore(%arg4 : memref<!tpu.dma_semaphore, #tpu.memory_space<semaphore_mem>>) src(%dma_wait3A_1491 : memref<1x64xf32, #tpu.memory_space<any>>) dst(%dma_wait3A_1489 : memref<1x64xf32, #tpu.memory_space<vmem>>)
    %dma_wait3A_1492 = arith.constant 19 : i32
    %dma_wait3A_1493 = arith.constant 0 : i32
    %dma_wait3A_1494 = tpu.memref_slice %arg3[%dma_wait3A_1492, %dma_wait3A_1493] : memref<200x64xf32, #tpu.memory_space<vmem>> -> memref<1x64xf32, #tpu.memory_space<vmem>>
    %dma_wait3A_1495 = arith.constant 0 : i32
    %dma_wait3A_1496 = tpu.memref_slice %arg2[%get3A_132, %dma_wait3A_1495] : memref<1000001x64xf32, #tpu.memory_space<any>> -> memref<1x64xf32, #tpu.memory_space<any>>
    tpu.wait_dma2 semaphore(%arg4 : memref<!tpu.dma_semaphore, #tpu.memory_space<semaphore_mem>>) src(%dma_wait3A_1496 : memref<1x64xf32, #tpu.memory_space<any>>) dst(%dma_wait3A_1494 : memref<1x64xf32, #tpu.memory_space<vmem>>)
    %dma_wait3A_1497 = arith.constant 20 : i32
    %dma_wait3A_1498 = arith.constant 0 : i32
    %dma_wait3A_1499 = tpu.memref_slice %arg3[%dma_wait3A_1497, %dma_wait3A_1498] : memref<200x64xf32, #tpu.memory_space<vmem>> -> memref<1x64xf32, #tpu.memory_space<vmem>>
    %dma_wait3A_1500 = arith.constant 0 : i32
    %dma_wait3A_1501 = tpu.memref_slice %arg2[%get3A_139, %dma_wait3A_1500] : memref<1000001x64xf32, #tpu.memory_space<any>> -> memref<1x64xf32, #tpu.memory_space<any>>
    tpu.wait_dma2 semaphore(%arg4 : memref<!tpu.dma_semaphore, #tpu.memory_space<semaphore_mem>>) src(%dma_wait3A_1501 : memref<1x64xf32, #tpu.memory_space<any>>) dst(%dma_wait3A_1499 : memref<1x64xf32, #tpu.memory_space<vmem>>)
    %dma_wait3A_1502 = arith.constant 21 : i32
    %dma_wait3A_1503 = arith.constant 0 : i32
    %dma_wait3A_1504 = tpu.memref_slice %arg3[%dma_wait3A_1502, %dma_wait3A_1503] : memref<200x64xf32, #tpu.memory_space<vmem>> -> memref<1x64xf32, #tpu.memory_space<vmem>>
    %dma_wait3A_1505 = arith.constant 0 : i32
    %dma_wait3A_1506 = tpu.memref_slice %arg2[%get3A_146, %dma_wait3A_1505] : memref<1000001x64xf32, #tpu.memory_space<any>> -> memref<1x64xf32, #tpu.memory_space<any>>
    tpu.wait_dma2 semaphore(%arg4 : memref<!tpu.dma_semaphore, #tpu.memory_space<semaphore_mem>>) src(%dma_wait3A_1506 : memref<1x64xf32, #tpu.memory_space<any>>) dst(%dma_wait3A_1504 : memref<1x64xf32, #tpu.memory_space<vmem>>)
    %dma_wait3A_1507 = arith.constant 22 : i32
    %dma_wait3A_1508 = arith.constant 0 : i32
    %dma_wait3A_1509 = tpu.memref_slice %arg3[%dma_wait3A_1507, %dma_wait3A_1508] : memref<200x64xf32, #tpu.memory_space<vmem>> -> memref<1x64xf32, #tpu.memory_space<vmem>>
    %dma_wait3A_1510 = arith.constant 0 : i32
    %dma_wait3A_1511 = tpu.memref_slice %arg2[%get3A_153, %dma_wait3A_1510] : memref<1000001x64xf32, #tpu.memory_space<any>> -> memref<1x64xf32, #tpu.memory_space<any>>
    tpu.wait_dma2 semaphore(%arg4 : memref<!tpu.dma_semaphore, #tpu.memory_space<semaphore_mem>>) src(%dma_wait3A_1511 : memref<1x64xf32, #tpu.memory_space<any>>) dst(%dma_wait3A_1509 : memref<1x64xf32, #tpu.memory_space<vmem>>)
    %dma_wait3A_1512 = arith.constant 23 : i32
    %dma_wait3A_1513 = arith.constant 0 : i32
    %dma_wait3A_1514 = tpu.memref_slice %arg3[%dma_wait3A_1512, %dma_wait3A_1513] : memref<200x64xf32, #tpu.memory_space<vmem>> -> memref<1x64xf32, #tpu.memory_space<vmem>>
    %dma_wait3A_1515 = arith.constant 0 : i32
    %dma_wait3A_1516 = tpu.memref_slice %arg2[%get3A_160, %dma_wait3A_1515] : memref<1000001x64xf32, #tpu.memory_space<any>> -> memref<1x64xf32, #tpu.memory_space<any>>
    tpu.wait_dma2 semaphore(%arg4 : memref<!tpu.dma_semaphore, #tpu.memory_space<semaphore_mem>>) src(%dma_wait3A_1516 : memref<1x64xf32, #tpu.memory_space<any>>) dst(%dma_wait3A_1514 : memref<1x64xf32, #tpu.memory_space<vmem>>)
    %dma_wait3A_1517 = arith.constant 24 : i32
    %dma_wait3A_1518 = arith.constant 0 : i32
    %dma_wait3A_1519 = tpu.memref_slice %arg3[%dma_wait3A_1517, %dma_wait3A_1518] : memref<200x64xf32, #tpu.memory_space<vmem>> -> memref<1x64xf32, #tpu.memory_space<vmem>>
    %dma_wait3A_1520 = arith.constant 0 : i32
    %dma_wait3A_1521 = tpu.memref_slice %arg2[%get3A_167, %dma_wait3A_1520] : memref<1000001x64xf32, #tpu.memory_space<any>> -> memref<1x64xf32, #tpu.memory_space<any>>
    tpu.wait_dma2 semaphore(%arg4 : memref<!tpu.dma_semaphore, #tpu.memory_space<semaphore_mem>>) src(%dma_wait3A_1521 : memref<1x64xf32, #tpu.memory_space<any>>) dst(%dma_wait3A_1519 : memref<1x64xf32, #tpu.memory_space<vmem>>)
    %dma_wait3A_1522 = arith.constant 25 : i32
    %dma_wait3A_1523 = arith.constant 0 : i32
    %dma_wait3A_1524 = tpu.memref_slice %arg3[%dma_wait3A_1522, %dma_wait3A_1523] : memref<200x64xf32, #tpu.memory_space<vmem>> -> memref<1x64xf32, #tpu.memory_space<vmem>>
    %dma_wait3A_1525 = arith.constant 0 : i32
    %dma_wait3A_1526 = tpu.memref_slice %arg2[%get3A_174, %dma_wait3A_1525] : memref<1000001x64xf32, #tpu.memory_space<any>> -> memref<1x64xf32, #tpu.memory_space<any>>
    tpu.wait_dma2 semaphore(%arg4 : memref<!tpu.dma_semaphore, #tpu.memory_space<semaphore_mem>>) src(%dma_wait3A_1526 : memref<1x64xf32, #tpu.memory_space<any>>) dst(%dma_wait3A_1524 : memref<1x64xf32, #tpu.memory_space<vmem>>)
    %dma_wait3A_1527 = arith.constant 26 : i32
    %dma_wait3A_1528 = arith.constant 0 : i32
    %dma_wait3A_1529 = tpu.memref_slice %arg3[%dma_wait3A_1527, %dma_wait3A_1528] : memref<200x64xf32, #tpu.memory_space<vmem>> -> memref<1x64xf32, #tpu.memory_space<vmem>>
    %dma_wait3A_1530 = arith.constant 0 : i32
    %dma_wait3A_1531 = tpu.memref_slice %arg2[%get3A_181, %dma_wait3A_1530] : memref<1000001x64xf32, #tpu.memory_space<any>> -> memref<1x64xf32, #tpu.memory_space<any>>
    tpu.wait_dma2 semaphore(%arg4 : memref<!tpu.dma_semaphore, #tpu.memory_space<semaphore_mem>>) src(%dma_wait3A_1531 : memref<1x64xf32, #tpu.memory_space<any>>) dst(%dma_wait3A_1529 : memref<1x64xf32, #tpu.memory_space<vmem>>)
    %dma_wait3A_1532 = arith.constant 27 : i32
    %dma_wait3A_1533 = arith.constant 0 : i32
    %dma_wait3A_1534 = tpu.memref_slice %arg3[%dma_wait3A_1532, %dma_wait3A_1533] : memref<200x64xf32, #tpu.memory_space<vmem>> -> memref<1x64xf32, #tpu.memory_space<vmem>>
    %dma_wait3A_1535 = arith.constant 0 : i32
    %dma_wait3A_1536 = tpu.memref_slice %arg2[%get3A_188, %dma_wait3A_1535] : memref<1000001x64xf32, #tpu.memory_space<any>> -> memref<1x64xf32, #tpu.memory_space<any>>
    tpu.wait_dma2 semaphore(%arg4 : memref<!tpu.dma_semaphore, #tpu.memory_space<semaphore_mem>>) src(%dma_wait3A_1536 : memref<1x64xf32, #tpu.memory_space<any>>) dst(%dma_wait3A_1534 : memref<1x64xf32, #tpu.memory_space<vmem>>)
    %dma_wait3A_1537 = arith.constant 28 : i32
    %dma_wait3A_1538 = arith.constant 0 : i32
    %dma_wait3A_1539 = tpu.memref_slice %arg3[%dma_wait3A_1537, %dma_wait3A_1538] : memref<200x64xf32, #tpu.memory_space<vmem>> -> memref<1x64xf32, #tpu.memory_space<vmem>>
    %dma_wait3A_1540 = arith.constant 0 : i32
    %dma_wait3A_1541 = tpu.memref_slice %arg2[%get3A_195, %dma_wait3A_1540] : memref<1000001x64xf32, #tpu.memory_space<any>> -> memref<1x64xf32, #tpu.memory_space<any>>
    tpu.wait_dma2 semaphore(%arg4 : memref<!tpu.dma_semaphore, #tpu.memory_space<semaphore_mem>>) src(%dma_wait3A_1541 : memref<1x64xf32, #tpu.memory_space<any>>) dst(%dma_wait3A_1539 : memref<1x64xf32, #tpu.memory_space<vmem>>)
    %dma_wait3A_1542 = arith.constant 29 : i32
    %dma_wait3A_1543 = arith.constant 0 : i32
    %dma_wait3A_1544 = tpu.memref_slice %arg3[%dma_wait3A_1542, %dma_wait3A_1543] : memref<200x64xf32, #tpu.memory_space<vmem>> -> memref<1x64xf32, #tpu.memory_space<vmem>>
    %dma_wait3A_1545 = arith.constant 0 : i32
    %dma_wait3A_1546 = tpu.memref_slice %arg2[%get3A_202, %dma_wait3A_1545] : memref<1000001x64xf32, #tpu.memory_space<any>> -> memref<1x64xf32, #tpu.memory_space<any>>
    tpu.wait_dma2 semaphore(%arg4 : memref<!tpu.dma_semaphore, #tpu.memory_space<semaphore_mem>>) src(%dma_wait3A_1546 : memref<1x64xf32, #tpu.memory_space<any>>) dst(%dma_wait3A_1544 : memref<1x64xf32, #tpu.memory_space<vmem>>)
    %dma_wait3A_1547 = arith.constant 30 : i32
    %dma_wait3A_1548 = arith.constant 0 : i32
    %dma_wait3A_1549 = tpu.memref_slice %arg3[%dma_wait3A_1547, %dma_wait3A_1548] : memref<200x64xf32, #tpu.memory_space<vmem>> -> memref<1x64xf32, #tpu.memory_space<vmem>>
    %dma_wait3A_1550 = arith.constant 0 : i32
    %dma_wait3A_1551 = tpu.memref_slice %arg2[%get3A_209, %dma_wait3A_1550] : memref<1000001x64xf32, #tpu.memory_space<any>> -> memref<1x64xf32, #tpu.memory_space<any>>
    tpu.wait_dma2 semaphore(%arg4 : memref<!tpu.dma_semaphore, #tpu.memory_space<semaphore_mem>>) src(%dma_wait3A_1551 : memref<1x64xf32, #tpu.memory_space<any>>) dst(%dma_wait3A_1549 : memref<1x64xf32, #tpu.memory_space<vmem>>)
    %dma_wait3A_1552 = arith.constant 31 : i32
    %dma_wait3A_1553 = arith.constant 0 : i32
    %dma_wait3A_1554 = tpu.memref_slice %arg3[%dma_wait3A_1552, %dma_wait3A_1553] : memref<200x64xf32, #tpu.memory_space<vmem>> -> memref<1x64xf32, #tpu.memory_space<vmem>>
    %dma_wait3A_1555 = arith.constant 0 : i32
    %dma_wait3A_1556 = tpu.memref_slice %arg2[%get3A_216, %dma_wait3A_1555] : memref<1000001x64xf32, #tpu.memory_space<any>> -> memref<1x64xf32, #tpu.memory_space<any>>
    tpu.wait_dma2 semaphore(%arg4 : memref<!tpu.dma_semaphore, #tpu.memory_space<semaphore_mem>>) src(%dma_wait3A_1556 : memref<1x64xf32, #tpu.memory_space<any>>) dst(%dma_wait3A_1554 : memref<1x64xf32, #tpu.memory_space<vmem>>)
    %dma_wait3A_1557 = arith.constant 32 : i32
    %dma_wait3A_1558 = arith.constant 0 : i32
    %dma_wait3A_1559 = tpu.memref_slice %arg3[%dma_wait3A_1557, %dma_wait3A_1558] : memref<200x64xf32, #tpu.memory_space<vmem>> -> memref<1x64xf32, #tpu.memory_space<vmem>>
    %dma_wait3A_1560 = arith.constant 0 : i32
    %dma_wait3A_1561 = tpu.memref_slice %arg2[%get3A_223, %dma_wait3A_1560] : memref<1000001x64xf32, #tpu.memory_space<any>> -> memref<1x64xf32, #tpu.memory_space<any>>
    tpu.wait_dma2 semaphore(%arg4 : memref<!tpu.dma_semaphore, #tpu.memory_space<semaphore_mem>>) src(%dma_wait3A_1561 : memref<1x64xf32, #tpu.memory_space<any>>) dst(%dma_wait3A_1559 : memref<1x64xf32, #tpu.memory_space<vmem>>)
    %dma_wait3A_1562 = arith.constant 33 : i32
    %dma_wait3A_1563 = arith.constant 0 : i32
    %dma_wait3A_1564 = tpu.memref_slice %arg3[%dma_wait3A_1562, %dma_wait3A_1563] : memref<200x64xf32, #tpu.memory_space<vmem>> -> memref<1x64xf32, #tpu.memory_space<vmem>>
    %dma_wait3A_1565 = arith.constant 0 : i32
    %dma_wait3A_1566 = tpu.memref_slice %arg2[%get3A_230, %dma_wait3A_1565] : memref<1000001x64xf32, #tpu.memory_space<any>> -> memref<1x64xf32, #tpu.memory_space<any>>
    tpu.wait_dma2 semaphore(%arg4 : memref<!tpu.dma_semaphore, #tpu.memory_space<semaphore_mem>>) src(%dma_wait3A_1566 : memref<1x64xf32, #tpu.memory_space<any>>) dst(%dma_wait3A_1564 : memref<1x64xf32, #tpu.memory_space<vmem>>)
    %dma_wait3A_1567 = arith.constant 34 : i32
    %dma_wait3A_1568 = arith.constant 0 : i32
    %dma_wait3A_1569 = tpu.memref_slice %arg3[%dma_wait3A_1567, %dma_wait3A_1568] : memref<200x64xf32, #tpu.memory_space<vmem>> -> memref<1x64xf32, #tpu.memory_space<vmem>>
    %dma_wait3A_1570 = arith.constant 0 : i32
    %dma_wait3A_1571 = tpu.memref_slice %arg2[%get3A_237, %dma_wait3A_1570] : memref<1000001x64xf32, #tpu.memory_space<any>> -> memref<1x64xf32, #tpu.memory_space<any>>
    tpu.wait_dma2 semaphore(%arg4 : memref<!tpu.dma_semaphore, #tpu.memory_space<semaphore_mem>>) src(%dma_wait3A_1571 : memref<1x64xf32, #tpu.memory_space<any>>) dst(%dma_wait3A_1569 : memref<1x64xf32, #tpu.memory_space<vmem>>)
    %dma_wait3A_1572 = arith.constant 35 : i32
    %dma_wait3A_1573 = arith.constant 0 : i32
    %dma_wait3A_1574 = tpu.memref_slice %arg3[%dma_wait3A_1572, %dma_wait3A_1573] : memref<200x64xf32, #tpu.memory_space<vmem>> -> memref<1x64xf32, #tpu.memory_space<vmem>>
    %dma_wait3A_1575 = arith.constant 0 : i32
    %dma_wait3A_1576 = tpu.memref_slice %arg2[%get3A_244, %dma_wait3A_1575] : memref<1000001x64xf32, #tpu.memory_space<any>> -> memref<1x64xf32, #tpu.memory_space<any>>
    tpu.wait_dma2 semaphore(%arg4 : memref<!tpu.dma_semaphore, #tpu.memory_space<semaphore_mem>>) src(%dma_wait3A_1576 : memref<1x64xf32, #tpu.memory_space<any>>) dst(%dma_wait3A_1574 : memref<1x64xf32, #tpu.memory_space<vmem>>)
    %dma_wait3A_1577 = arith.constant 36 : i32
    %dma_wait3A_1578 = arith.constant 0 : i32
    %dma_wait3A_1579 = tpu.memref_slice %arg3[%dma_wait3A_1577, %dma_wait3A_1578] : memref<200x64xf32, #tpu.memory_space<vmem>> -> memref<1x64xf32, #tpu.memory_space<vmem>>
    %dma_wait3A_1580 = arith.constant 0 : i32
    %dma_wait3A_1581 = tpu.memref_slice %arg2[%get3A_251, %dma_wait3A_1580] : memref<1000001x64xf32, #tpu.memory_space<any>> -> memref<1x64xf32, #tpu.memory_space<any>>
    tpu.wait_dma2 semaphore(%arg4 : memref<!tpu.dma_semaphore, #tpu.memory_space<semaphore_mem>>) src(%dma_wait3A_1581 : memref<1x64xf32, #tpu.memory_space<any>>) dst(%dma_wait3A_1579 : memref<1x64xf32, #tpu.memory_space<vmem>>)
    %dma_wait3A_1582 = arith.constant 37 : i32
    %dma_wait3A_1583 = arith.constant 0 : i32
    %dma_wait3A_1584 = tpu.memref_slice %arg3[%dma_wait3A_1582, %dma_wait3A_1583] : memref<200x64xf32, #tpu.memory_space<vmem>> -> memref<1x64xf32, #tpu.memory_space<vmem>>
    %dma_wait3A_1585 = arith.constant 0 : i32
    %dma_wait3A_1586 = tpu.memref_slice %arg2[%get3A_258, %dma_wait3A_1585] : memref<1000001x64xf32, #tpu.memory_space<any>> -> memref<1x64xf32, #tpu.memory_space<any>>
    tpu.wait_dma2 semaphore(%arg4 : memref<!tpu.dma_semaphore, #tpu.memory_space<semaphore_mem>>) src(%dma_wait3A_1586 : memref<1x64xf32, #tpu.memory_space<any>>) dst(%dma_wait3A_1584 : memref<1x64xf32, #tpu.memory_space<vmem>>)
    %dma_wait3A_1587 = arith.constant 38 : i32
    %dma_wait3A_1588 = arith.constant 0 : i32
    %dma_wait3A_1589 = tpu.memref_slice %arg3[%dma_wait3A_1587, %dma_wait3A_1588] : memref<200x64xf32, #tpu.memory_space<vmem>> -> memref<1x64xf32, #tpu.memory_space<vmem>>
    %dma_wait3A_1590 = arith.constant 0 : i32
    %dma_wait3A_1591 = tpu.memref_slice %arg2[%get3A_265, %dma_wait3A_1590] : memref<1000001x64xf32, #tpu.memory_space<any>> -> memref<1x64xf32, #tpu.memory_space<any>>
    tpu.wait_dma2 semaphore(%arg4 : memref<!tpu.dma_semaphore, #tpu.memory_space<semaphore_mem>>) src(%dma_wait3A_1591 : memref<1x64xf32, #tpu.memory_space<any>>) dst(%dma_wait3A_1589 : memref<1x64xf32, #tpu.memory_space<vmem>>)
    %dma_wait3A_1592 = arith.constant 39 : i32
    %dma_wait3A_1593 = arith.constant 0 : i32
    %dma_wait3A_1594 = tpu.memref_slice %arg3[%dma_wait3A_1592, %dma_wait3A_1593] : memref<200x64xf32, #tpu.memory_space<vmem>> -> memref<1x64xf32, #tpu.memory_space<vmem>>
    %dma_wait3A_1595 = arith.constant 0 : i32
    %dma_wait3A_1596 = tpu.memref_slice %arg2[%get3A_272, %dma_wait3A_1595] : memref<1000001x64xf32, #tpu.memory_space<any>> -> memref<1x64xf32, #tpu.memory_space<any>>
    tpu.wait_dma2 semaphore(%arg4 : memref<!tpu.dma_semaphore, #tpu.memory_space<semaphore_mem>>) src(%dma_wait3A_1596 : memref<1x64xf32, #tpu.memory_space<any>>) dst(%dma_wait3A_1594 : memref<1x64xf32, #tpu.memory_space<vmem>>)
    %dma_wait3A_1597 = arith.constant 40 : i32
    %dma_wait3A_1598 = arith.constant 0 : i32
    %dma_wait3A_1599 = tpu.memref_slice %arg3[%dma_wait3A_1597, %dma_wait3A_1598] : memref<200x64xf32, #tpu.memory_space<vmem>> -> memref<1x64xf32, #tpu.memory_space<vmem>>
    %dma_wait3A_1600 = arith.constant 0 : i32
    %dma_wait3A_1601 = tpu.memref_slice %arg2[%get3A_279, %dma_wait3A_1600] : memref<1000001x64xf32, #tpu.memory_space<any>> -> memref<1x64xf32, #tpu.memory_space<any>>
    tpu.wait_dma2 semaphore(%arg4 : memref<!tpu.dma_semaphore, #tpu.memory_space<semaphore_mem>>) src(%dma_wait3A_1601 : memref<1x64xf32, #tpu.memory_space<any>>) dst(%dma_wait3A_1599 : memref<1x64xf32, #tpu.memory_space<vmem>>)
    %dma_wait3A_1602 = arith.constant 41 : i32
    %dma_wait3A_1603 = arith.constant 0 : i32
    %dma_wait3A_1604 = tpu.memref_slice %arg3[%dma_wait3A_1602, %dma_wait3A_1603] : memref<200x64xf32, #tpu.memory_space<vmem>> -> memref<1x64xf32, #tpu.memory_space<vmem>>
    %dma_wait3A_1605 = arith.constant 0 : i32
    %dma_wait3A_1606 = tpu.memref_slice %arg2[%get3A_286, %dma_wait3A_1605] : memref<1000001x64xf32, #tpu.memory_space<any>> -> memref<1x64xf32, #tpu.memory_space<any>>
    tpu.wait_dma2 semaphore(%arg4 : memref<!tpu.dma_semaphore, #tpu.memory_space<semaphore_mem>>) src(%dma_wait3A_1606 : memref<1x64xf32, #tpu.memory_space<any>>) dst(%dma_wait3A_1604 : memref<1x64xf32, #tpu.memory_space<vmem>>)
    %dma_wait3A_1607 = arith.constant 42 : i32
    %dma_wait3A_1608 = arith.constant 0 : i32
    %dma_wait3A_1609 = tpu.memref_slice %arg3[%dma_wait3A_1607, %dma_wait3A_1608] : memref<200x64xf32, #tpu.memory_space<vmem>> -> memref<1x64xf32, #tpu.memory_space<vmem>>
    %dma_wait3A_1610 = arith.constant 0 : i32
    %dma_wait3A_1611 = tpu.memref_slice %arg2[%get3A_293, %dma_wait3A_1610] : memref<1000001x64xf32, #tpu.memory_space<any>> -> memref<1x64xf32, #tpu.memory_space<any>>
    tpu.wait_dma2 semaphore(%arg4 : memref<!tpu.dma_semaphore, #tpu.memory_space<semaphore_mem>>) src(%dma_wait3A_1611 : memref<1x64xf32, #tpu.memory_space<any>>) dst(%dma_wait3A_1609 : memref<1x64xf32, #tpu.memory_space<vmem>>)
    %dma_wait3A_1612 = arith.constant 43 : i32
    %dma_wait3A_1613 = arith.constant 0 : i32
    %dma_wait3A_1614 = tpu.memref_slice %arg3[%dma_wait3A_1612, %dma_wait3A_1613] : memref<200x64xf32, #tpu.memory_space<vmem>> -> memref<1x64xf32, #tpu.memory_space<vmem>>
    %dma_wait3A_1615 = arith.constant 0 : i32
    %dma_wait3A_1616 = tpu.memref_slice %arg2[%get3A_300, %dma_wait3A_1615] : memref<1000001x64xf32, #tpu.memory_space<any>> -> memref<1x64xf32, #tpu.memory_space<any>>
    tpu.wait_dma2 semaphore(%arg4 : memref<!tpu.dma_semaphore, #tpu.memory_space<semaphore_mem>>) src(%dma_wait3A_1616 : memref<1x64xf32, #tpu.memory_space<any>>) dst(%dma_wait3A_1614 : memref<1x64xf32, #tpu.memory_space<vmem>>)
    %dma_wait3A_1617 = arith.constant 44 : i32
    %dma_wait3A_1618 = arith.constant 0 : i32
    %dma_wait3A_1619 = tpu.memref_slice %arg3[%dma_wait3A_1617, %dma_wait3A_1618] : memref<200x64xf32, #tpu.memory_space<vmem>> -> memref<1x64xf32, #tpu.memory_space<vmem>>
    %dma_wait3A_1620 = arith.constant 0 : i32
    %dma_wait3A_1621 = tpu.memref_slice %arg2[%get3A_307, %dma_wait3A_1620] : memref<1000001x64xf32, #tpu.memory_space<any>> -> memref<1x64xf32, #tpu.memory_space<any>>
    tpu.wait_dma2 semaphore(%arg4 : memref<!tpu.dma_semaphore, #tpu.memory_space<semaphore_mem>>) src(%dma_wait3A_1621 : memref<1x64xf32, #tpu.memory_space<any>>) dst(%dma_wait3A_1619 : memref<1x64xf32, #tpu.memory_space<vmem>>)
    %dma_wait3A_1622 = arith.constant 45 : i32
    %dma_wait3A_1623 = arith.constant 0 : i32
    %dma_wait3A_1624 = tpu.memref_slice %arg3[%dma_wait3A_1622, %dma_wait3A_1623] : memref<200x64xf32, #tpu.memory_space<vmem>> -> memref<1x64xf32, #tpu.memory_space<vmem>>
    %dma_wait3A_1625 = arith.constant 0 : i32
    %dma_wait3A_1626 = tpu.memref_slice %arg2[%get3A_314, %dma_wait3A_1625] : memref<1000001x64xf32, #tpu.memory_space<any>> -> memref<1x64xf32, #tpu.memory_space<any>>
    tpu.wait_dma2 semaphore(%arg4 : memref<!tpu.dma_semaphore, #tpu.memory_space<semaphore_mem>>) src(%dma_wait3A_1626 : memref<1x64xf32, #tpu.memory_space<any>>) dst(%dma_wait3A_1624 : memref<1x64xf32, #tpu.memory_space<vmem>>)
    %dma_wait3A_1627 = arith.constant 46 : i32
    %dma_wait3A_1628 = arith.constant 0 : i32
    %dma_wait3A_1629 = tpu.memref_slice %arg3[%dma_wait3A_1627, %dma_wait3A_1628] : memref<200x64xf32, #tpu.memory_space<vmem>> -> memref<1x64xf32, #tpu.memory_space<vmem>>
    %dma_wait3A_1630 = arith.constant 0 : i32
    %dma_wait3A_1631 = tpu.memref_slice %arg2[%get3A_321, %dma_wait3A_1630] : memref<1000001x64xf32, #tpu.memory_space<any>> -> memref<1x64xf32, #tpu.memory_space<any>>
    tpu.wait_dma2 semaphore(%arg4 : memref<!tpu.dma_semaphore, #tpu.memory_space<semaphore_mem>>) src(%dma_wait3A_1631 : memref<1x64xf32, #tpu.memory_space<any>>) dst(%dma_wait3A_1629 : memref<1x64xf32, #tpu.memory_space<vmem>>)
    %dma_wait3A_1632 = arith.constant 47 : i32
    %dma_wait3A_1633 = arith.constant 0 : i32
    %dma_wait3A_1634 = tpu.memref_slice %arg3[%dma_wait3A_1632, %dma_wait3A_1633] : memref<200x64xf32, #tpu.memory_space<vmem>> -> memref<1x64xf32, #tpu.memory_space<vmem>>
    %dma_wait3A_1635 = arith.constant 0 : i32
    %dma_wait3A_1636 = tpu.memref_slice %arg2[%get3A_328, %dma_wait3A_1635] : memref<1000001x64xf32, #tpu.memory_space<any>> -> memref<1x64xf32, #tpu.memory_space<any>>
    tpu.wait_dma2 semaphore(%arg4 : memref<!tpu.dma_semaphore, #tpu.memory_space<semaphore_mem>>) src(%dma_wait3A_1636 : memref<1x64xf32, #tpu.memory_space<any>>) dst(%dma_wait3A_1634 : memref<1x64xf32, #tpu.memory_space<vmem>>)
    %dma_wait3A_1637 = arith.constant 48 : i32
    %dma_wait3A_1638 = arith.constant 0 : i32
    %dma_wait3A_1639 = tpu.memref_slice %arg3[%dma_wait3A_1637, %dma_wait3A_1638] : memref<200x64xf32, #tpu.memory_space<vmem>> -> memref<1x64xf32, #tpu.memory_space<vmem>>
    %dma_wait3A_1640 = arith.constant 0 : i32
    %dma_wait3A_1641 = tpu.memref_slice %arg2[%get3A_335, %dma_wait3A_1640] : memref<1000001x64xf32, #tpu.memory_space<any>> -> memref<1x64xf32, #tpu.memory_space<any>>
    tpu.wait_dma2 semaphore(%arg4 : memref<!tpu.dma_semaphore, #tpu.memory_space<semaphore_mem>>) src(%dma_wait3A_1641 : memref<1x64xf32, #tpu.memory_space<any>>) dst(%dma_wait3A_1639 : memref<1x64xf32, #tpu.memory_space<vmem>>)
    %dma_wait3A_1642 = arith.constant 49 : i32
    %dma_wait3A_1643 = arith.constant 0 : i32
    %dma_wait3A_1644 = tpu.memref_slice %arg3[%dma_wait3A_1642, %dma_wait3A_1643] : memref<200x64xf32, #tpu.memory_space<vmem>> -> memref<1x64xf32, #tpu.memory_space<vmem>>
    %dma_wait3A_1645 = arith.constant 0 : i32
    %dma_wait3A_1646 = tpu.memref_slice %arg2[%get3A_342, %dma_wait3A_1645] : memref<1000001x64xf32, #tpu.memory_space<any>> -> memref<1x64xf32, #tpu.memory_space<any>>
    tpu.wait_dma2 semaphore(%arg4 : memref<!tpu.dma_semaphore, #tpu.memory_space<semaphore_mem>>) src(%dma_wait3A_1646 : memref<1x64xf32, #tpu.memory_space<any>>) dst(%dma_wait3A_1644 : memref<1x64xf32, #tpu.memory_space<vmem>>)
    %dma_wait3A_1647 = arith.constant 50 : i32
    %dma_wait3A_1648 = arith.constant 0 : i32
    %dma_wait3A_1649 = tpu.memref_slice %arg3[%dma_wait3A_1647, %dma_wait3A_1648] : memref<200x64xf32, #tpu.memory_space<vmem>> -> memref<1x64xf32, #tpu.memory_space<vmem>>
    %dma_wait3A_1650 = arith.constant 0 : i32
    %dma_wait3A_1651 = tpu.memref_slice %arg2[%get3A_349, %dma_wait3A_1650] : memref<1000001x64xf32, #tpu.memory_space<any>> -> memref<1x64xf32, #tpu.memory_space<any>>
    tpu.wait_dma2 semaphore(%arg4 : memref<!tpu.dma_semaphore, #tpu.memory_space<semaphore_mem>>) src(%dma_wait3A_1651 : memref<1x64xf32, #tpu.memory_space<any>>) dst(%dma_wait3A_1649 : memref<1x64xf32, #tpu.memory_space<vmem>>)
    %dma_wait3A_1652 = arith.constant 51 : i32
    %dma_wait3A_1653 = arith.constant 0 : i32
    %dma_wait3A_1654 = tpu.memref_slice %arg3[%dma_wait3A_1652, %dma_wait3A_1653] : memref<200x64xf32, #tpu.memory_space<vmem>> -> memref<1x64xf32, #tpu.memory_space<vmem>>
    %dma_wait3A_1655 = arith.constant 0 : i32
    %dma_wait3A_1656 = tpu.memref_slice %arg2[%get3A_356, %dma_wait3A_1655] : memref<1000001x64xf32, #tpu.memory_space<any>> -> memref<1x64xf32, #tpu.memory_space<any>>
    tpu.wait_dma2 semaphore(%arg4 : memref<!tpu.dma_semaphore, #tpu.memory_space<semaphore_mem>>) src(%dma_wait3A_1656 : memref<1x64xf32, #tpu.memory_space<any>>) dst(%dma_wait3A_1654 : memref<1x64xf32, #tpu.memory_space<vmem>>)
    %dma_wait3A_1657 = arith.constant 52 : i32
    %dma_wait3A_1658 = arith.constant 0 : i32
    %dma_wait3A_1659 = tpu.memref_slice %arg3[%dma_wait3A_1657, %dma_wait3A_1658] : memref<200x64xf32, #tpu.memory_space<vmem>> -> memref<1x64xf32, #tpu.memory_space<vmem>>
    %dma_wait3A_1660 = arith.constant 0 : i32
    %dma_wait3A_1661 = tpu.memref_slice %arg2[%get3A_363, %dma_wait3A_1660] : memref<1000001x64xf32, #tpu.memory_space<any>> -> memref<1x64xf32, #tpu.memory_space<any>>
    tpu.wait_dma2 semaphore(%arg4 : memref<!tpu.dma_semaphore, #tpu.memory_space<semaphore_mem>>) src(%dma_wait3A_1661 : memref<1x64xf32, #tpu.memory_space<any>>) dst(%dma_wait3A_1659 : memref<1x64xf32, #tpu.memory_space<vmem>>)
    %dma_wait3A_1662 = arith.constant 53 : i32
    %dma_wait3A_1663 = arith.constant 0 : i32
    %dma_wait3A_1664 = tpu.memref_slice %arg3[%dma_wait3A_1662, %dma_wait3A_1663] : memref<200x64xf32, #tpu.memory_space<vmem>> -> memref<1x64xf32, #tpu.memory_space<vmem>>
    %dma_wait3A_1665 = arith.constant 0 : i32
    %dma_wait3A_1666 = tpu.memref_slice %arg2[%get3A_370, %dma_wait3A_1665] : memref<1000001x64xf32, #tpu.memory_space<any>> -> memref<1x64xf32, #tpu.memory_space<any>>
    tpu.wait_dma2 semaphore(%arg4 : memref<!tpu.dma_semaphore, #tpu.memory_space<semaphore_mem>>) src(%dma_wait3A_1666 : memref<1x64xf32, #tpu.memory_space<any>>) dst(%dma_wait3A_1664 : memref<1x64xf32, #tpu.memory_space<vmem>>)
    %dma_wait3A_1667 = arith.constant 54 : i32
    %dma_wait3A_1668 = arith.constant 0 : i32
    %dma_wait3A_1669 = tpu.memref_slice %arg3[%dma_wait3A_1667, %dma_wait3A_1668] : memref<200x64xf32, #tpu.memory_space<vmem>> -> memref<1x64xf32, #tpu.memory_space<vmem>>
    %dma_wait3A_1670 = arith.constant 0 : i32
    %dma_wait3A_1671 = tpu.memref_slice %arg2[%get3A_377, %dma_wait3A_1670] : memref<1000001x64xf32, #tpu.memory_space<any>> -> memref<1x64xf32, #tpu.memory_space<any>>
    tpu.wait_dma2 semaphore(%arg4 : memref<!tpu.dma_semaphore, #tpu.memory_space<semaphore_mem>>) src(%dma_wait3A_1671 : memref<1x64xf32, #tpu.memory_space<any>>) dst(%dma_wait3A_1669 : memref<1x64xf32, #tpu.memory_space<vmem>>)
    %dma_wait3A_1672 = arith.constant 55 : i32
    %dma_wait3A_1673 = arith.constant 0 : i32
    %dma_wait3A_1674 = tpu.memref_slice %arg3[%dma_wait3A_1672, %dma_wait3A_1673] : memref<200x64xf32, #tpu.memory_space<vmem>> -> memref<1x64xf32, #tpu.memory_space<vmem>>
    %dma_wait3A_1675 = arith.constant 0 : i32
    %dma_wait3A_1676 = tpu.memref_slice %arg2[%get3A_384, %dma_wait3A_1675] : memref<1000001x64xf32, #tpu.memory_space<any>> -> memref<1x64xf32, #tpu.memory_space<any>>
    tpu.wait_dma2 semaphore(%arg4 : memref<!tpu.dma_semaphore, #tpu.memory_space<semaphore_mem>>) src(%dma_wait3A_1676 : memref<1x64xf32, #tpu.memory_space<any>>) dst(%dma_wait3A_1674 : memref<1x64xf32, #tpu.memory_space<vmem>>)
    %dma_wait3A_1677 = arith.constant 56 : i32
    %dma_wait3A_1678 = arith.constant 0 : i32
    %dma_wait3A_1679 = tpu.memref_slice %arg3[%dma_wait3A_1677, %dma_wait3A_1678] : memref<200x64xf32, #tpu.memory_space<vmem>> -> memref<1x64xf32, #tpu.memory_space<vmem>>
    %dma_wait3A_1680 = arith.constant 0 : i32
    %dma_wait3A_1681 = tpu.memref_slice %arg2[%get3A_391, %dma_wait3A_1680] : memref<1000001x64xf32, #tpu.memory_space<any>> -> memref<1x64xf32, #tpu.memory_space<any>>
    tpu.wait_dma2 semaphore(%arg4 : memref<!tpu.dma_semaphore, #tpu.memory_space<semaphore_mem>>) src(%dma_wait3A_1681 : memref<1x64xf32, #tpu.memory_space<any>>) dst(%dma_wait3A_1679 : memref<1x64xf32, #tpu.memory_space<vmem>>)
    %dma_wait3A_1682 = arith.constant 57 : i32
    %dma_wait3A_1683 = arith.constant 0 : i32
    %dma_wait3A_1684 = tpu.memref_slice %arg3[%dma_wait3A_1682, %dma_wait3A_1683] : memref<200x64xf32, #tpu.memory_space<vmem>> -> memref<1x64xf32, #tpu.memory_space<vmem>>
    %dma_wait3A_1685 = arith.constant 0 : i32
    %dma_wait3A_1686 = tpu.memref_slice %arg2[%get3A_398, %dma_wait3A_1685] : memref<1000001x64xf32, #tpu.memory_space<any>> -> memref<1x64xf32, #tpu.memory_space<any>>
    tpu.wait_dma2 semaphore(%arg4 : memref<!tpu.dma_semaphore, #tpu.memory_space<semaphore_mem>>) src(%dma_wait3A_1686 : memref<1x64xf32, #tpu.memory_space<any>>) dst(%dma_wait3A_1684 : memref<1x64xf32, #tpu.memory_space<vmem>>)
    %dma_wait3A_1687 = arith.constant 58 : i32
    %dma_wait3A_1688 = arith.constant 0 : i32
    %dma_wait3A_1689 = tpu.memref_slice %arg3[%dma_wait3A_1687, %dma_wait3A_1688] : memref<200x64xf32, #tpu.memory_space<vmem>> -> memref<1x64xf32, #tpu.memory_space<vmem>>
    %dma_wait3A_1690 = arith.constant 0 : i32
    %dma_wait3A_1691 = tpu.memref_slice %arg2[%get3A_405, %dma_wait3A_1690] : memref<1000001x64xf32, #tpu.memory_space<any>> -> memref<1x64xf32, #tpu.memory_space<any>>
    tpu.wait_dma2 semaphore(%arg4 : memref<!tpu.dma_semaphore, #tpu.memory_space<semaphore_mem>>) src(%dma_wait3A_1691 : memref<1x64xf32, #tpu.memory_space<any>>) dst(%dma_wait3A_1689 : memref<1x64xf32, #tpu.memory_space<vmem>>)
    %dma_wait3A_1692 = arith.constant 59 : i32
    %dma_wait3A_1693 = arith.constant 0 : i32
    %dma_wait3A_1694 = tpu.memref_slice %arg3[%dma_wait3A_1692, %dma_wait3A_1693] : memref<200x64xf32, #tpu.memory_space<vmem>> -> memref<1x64xf32, #tpu.memory_space<vmem>>
    %dma_wait3A_1695 = arith.constant 0 : i32
    %dma_wait3A_1696 = tpu.memref_slice %arg2[%get3A_412, %dma_wait3A_1695] : memref<1000001x64xf32, #tpu.memory_space<any>> -> memref<1x64xf32, #tpu.memory_space<any>>
    tpu.wait_dma2 semaphore(%arg4 : memref<!tpu.dma_semaphore, #tpu.memory_space<semaphore_mem>>) src(%dma_wait3A_1696 : memref<1x64xf32, #tpu.memory_space<any>>) dst(%dma_wait3A_1694 : memref<1x64xf32, #tpu.memory_space<vmem>>)
    %dma_wait3A_1697 = arith.constant 60 : i32
    %dma_wait3A_1698 = arith.constant 0 : i32
    %dma_wait3A_1699 = tpu.memref_slice %arg3[%dma_wait3A_1697, %dma_wait3A_1698] : memref<200x64xf32, #tpu.memory_space<vmem>> -> memref<1x64xf32, #tpu.memory_space<vmem>>
    %dma_wait3A_1700 = arith.constant 0 : i32
    %dma_wait3A_1701 = tpu.memref_slice %arg2[%get3A_419, %dma_wait3A_1700] : memref<1000001x64xf32, #tpu.memory_space<any>> -> memref<1x64xf32, #tpu.memory_space<any>>
    tpu.wait_dma2 semaphore(%arg4 : memref<!tpu.dma_semaphore, #tpu.memory_space<semaphore_mem>>) src(%dma_wait3A_1701 : memref<1x64xf32, #tpu.memory_space<any>>) dst(%dma_wait3A_1699 : memref<1x64xf32, #tpu.memory_space<vmem>>)
    %dma_wait3A_1702 = arith.constant 61 : i32
    %dma_wait3A_1703 = arith.constant 0 : i32
    %dma_wait3A_1704 = tpu.memref_slice %arg3[%dma_wait3A_1702, %dma_wait3A_1703] : memref<200x64xf32, #tpu.memory_space<vmem>> -> memref<1x64xf32, #tpu.memory_space<vmem>>
    %dma_wait3A_1705 = arith.constant 0 : i32
    %dma_wait3A_1706 = tpu.memref_slice %arg2[%get3A_426, %dma_wait3A_1705] : memref<1000001x64xf32, #tpu.memory_space<any>> -> memref<1x64xf32, #tpu.memory_space<any>>
    tpu.wait_dma2 semaphore(%arg4 : memref<!tpu.dma_semaphore, #tpu.memory_space<semaphore_mem>>) src(%dma_wait3A_1706 : memref<1x64xf32, #tpu.memory_space<any>>) dst(%dma_wait3A_1704 : memref<1x64xf32, #tpu.memory_space<vmem>>)
    %dma_wait3A_1707 = arith.constant 62 : i32
    %dma_wait3A_1708 = arith.constant 0 : i32
    %dma_wait3A_1709 = tpu.memref_slice %arg3[%dma_wait3A_1707, %dma_wait3A_1708] : memref<200x64xf32, #tpu.memory_space<vmem>> -> memref<1x64xf32, #tpu.memory_space<vmem>>
    %dma_wait3A_1710 = arith.constant 0 : i32
    %dma_wait3A_1711 = tpu.memref_slice %arg2[%get3A_433, %dma_wait3A_1710] : memref<1000001x64xf32, #tpu.memory_space<any>> -> memref<1x64xf32, #tpu.memory_space<any>>
    tpu.wait_dma2 semaphore(%arg4 : memref<!tpu.dma_semaphore, #tpu.memory_space<semaphore_mem>>) src(%dma_wait3A_1711 : memref<1x64xf32, #tpu.memory_space<any>>) dst(%dma_wait3A_1709 : memref<1x64xf32, #tpu.memory_space<vmem>>)
    %dma_wait3A_1712 = arith.constant 63 : i32
    %dma_wait3A_1713 = arith.constant 0 : i32
    %dma_wait3A_1714 = tpu.memref_slice %arg3[%dma_wait3A_1712, %dma_wait3A_1713] : memref<200x64xf32, #tpu.memory_space<vmem>> -> memref<1x64xf32, #tpu.memory_space<vmem>>
    %dma_wait3A_1715 = arith.constant 0 : i32
    %dma_wait3A_1716 = tpu.memref_slice %arg2[%get3A_440, %dma_wait3A_1715] : memref<1000001x64xf32, #tpu.memory_space<any>> -> memref<1x64xf32, #tpu.memory_space<any>>
    tpu.wait_dma2 semaphore(%arg4 : memref<!tpu.dma_semaphore, #tpu.memory_space<semaphore_mem>>) src(%dma_wait3A_1716 : memref<1x64xf32, #tpu.memory_space<any>>) dst(%dma_wait3A_1714 : memref<1x64xf32, #tpu.memory_space<vmem>>)
    %dma_wait3A_1717 = arith.constant 64 : i32
    %dma_wait3A_1718 = arith.constant 0 : i32
    %dma_wait3A_1719 = tpu.memref_slice %arg3[%dma_wait3A_1717, %dma_wait3A_1718] : memref<200x64xf32, #tpu.memory_space<vmem>> -> memref<1x64xf32, #tpu.memory_space<vmem>>
    %dma_wait3A_1720 = arith.constant 0 : i32
    %dma_wait3A_1721 = tpu.memref_slice %arg2[%get3A_447, %dma_wait3A_1720] : memref<1000001x64xf32, #tpu.memory_space<any>> -> memref<1x64xf32, #tpu.memory_space<any>>
    tpu.wait_dma2 semaphore(%arg4 : memref<!tpu.dma_semaphore, #tpu.memory_space<semaphore_mem>>) src(%dma_wait3A_1721 : memref<1x64xf32, #tpu.memory_space<any>>) dst(%dma_wait3A_1719 : memref<1x64xf32, #tpu.memory_space<vmem>>)
    %dma_wait3A_1722 = arith.constant 65 : i32
    %dma_wait3A_1723 = arith.constant 0 : i32
    %dma_wait3A_1724 = tpu.memref_slice %arg3[%dma_wait3A_1722, %dma_wait3A_1723] : memref<200x64xf32, #tpu.memory_space<vmem>> -> memref<1x64xf32, #tpu.memory_space<vmem>>
    %dma_wait3A_1725 = arith.constant 0 : i32
    %dma_wait3A_1726 = tpu.memref_slice %arg2[%get3A_454, %dma_wait3A_1725] : memref<1000001x64xf32, #tpu.memory_space<any>> -> memref<1x64xf32, #tpu.memory_space<any>>
    tpu.wait_dma2 semaphore(%arg4 : memref<!tpu.dma_semaphore, #tpu.memory_space<semaphore_mem>>) src(%dma_wait3A_1726 : memref<1x64xf32, #tpu.memory_space<any>>) dst(%dma_wait3A_1724 : memref<1x64xf32, #tpu.memory_space<vmem>>)
    %dma_wait3A_1727 = arith.constant 66 : i32
    %dma_wait3A_1728 = arith.constant 0 : i32
    %dma_wait3A_1729 = tpu.memref_slice %arg3[%dma_wait3A_1727, %dma_wait3A_1728] : memref<200x64xf32, #tpu.memory_space<vmem>> -> memref<1x64xf32, #tpu.memory_space<vmem>>
    %dma_wait3A_1730 = arith.constant 0 : i32
    %dma_wait3A_1731 = tpu.memref_slice %arg2[%get3A_461, %dma_wait3A_1730] : memref<1000001x64xf32, #tpu.memory_space<any>> -> memref<1x64xf32, #tpu.memory_space<any>>
    tpu.wait_dma2 semaphore(%arg4 : memref<!tpu.dma_semaphore, #tpu.memory_space<semaphore_mem>>) src(%dma_wait3A_1731 : memref<1x64xf32, #tpu.memory_space<any>>) dst(%dma_wait3A_1729 : memref<1x64xf32, #tpu.memory_space<vmem>>)
    %dma_wait3A_1732 = arith.constant 67 : i32
    %dma_wait3A_1733 = arith.constant 0 : i32
    %dma_wait3A_1734 = tpu.memref_slice %arg3[%dma_wait3A_1732, %dma_wait3A_1733] : memref<200x64xf32, #tpu.memory_space<vmem>> -> memref<1x64xf32, #tpu.memory_space<vmem>>
    %dma_wait3A_1735 = arith.constant 0 : i32
    %dma_wait3A_1736 = tpu.memref_slice %arg2[%get3A_468, %dma_wait3A_1735] : memref<1000001x64xf32, #tpu.memory_space<any>> -> memref<1x64xf32, #tpu.memory_space<any>>
    tpu.wait_dma2 semaphore(%arg4 : memref<!tpu.dma_semaphore, #tpu.memory_space<semaphore_mem>>) src(%dma_wait3A_1736 : memref<1x64xf32, #tpu.memory_space<any>>) dst(%dma_wait3A_1734 : memref<1x64xf32, #tpu.memory_space<vmem>>)
    %dma_wait3A_1737 = arith.constant 68 : i32
    %dma_wait3A_1738 = arith.constant 0 : i32
    %dma_wait3A_1739 = tpu.memref_slice %arg3[%dma_wait3A_1737, %dma_wait3A_1738] : memref<200x64xf32, #tpu.memory_space<vmem>> -> memref<1x64xf32, #tpu.memory_space<vmem>>
    %dma_wait3A_1740 = arith.constant 0 : i32
    %dma_wait3A_1741 = tpu.memref_slice %arg2[%get3A_475, %dma_wait3A_1740] : memref<1000001x64xf32, #tpu.memory_space<any>> -> memref<1x64xf32, #tpu.memory_space<any>>
    tpu.wait_dma2 semaphore(%arg4 : memref<!tpu.dma_semaphore, #tpu.memory_space<semaphore_mem>>) src(%dma_wait3A_1741 : memref<1x64xf32, #tpu.memory_space<any>>) dst(%dma_wait3A_1739 : memref<1x64xf32, #tpu.memory_space<vmem>>)
    %dma_wait3A_1742 = arith.constant 69 : i32
    %dma_wait3A_1743 = arith.constant 0 : i32
    %dma_wait3A_1744 = tpu.memref_slice %arg3[%dma_wait3A_1742, %dma_wait3A_1743] : memref<200x64xf32, #tpu.memory_space<vmem>> -> memref<1x64xf32, #tpu.memory_space<vmem>>
    %dma_wait3A_1745 = arith.constant 0 : i32
    %dma_wait3A_1746 = tpu.memref_slice %arg2[%get3A_482, %dma_wait3A_1745] : memref<1000001x64xf32, #tpu.memory_space<any>> -> memref<1x64xf32, #tpu.memory_space<any>>
    tpu.wait_dma2 semaphore(%arg4 : memref<!tpu.dma_semaphore, #tpu.memory_space<semaphore_mem>>) src(%dma_wait3A_1746 : memref<1x64xf32, #tpu.memory_space<any>>) dst(%dma_wait3A_1744 : memref<1x64xf32, #tpu.memory_space<vmem>>)
    %dma_wait3A_1747 = arith.constant 70 : i32
    %dma_wait3A_1748 = arith.constant 0 : i32
    %dma_wait3A_1749 = tpu.memref_slice %arg3[%dma_wait3A_1747, %dma_wait3A_1748] : memref<200x64xf32, #tpu.memory_space<vmem>> -> memref<1x64xf32, #tpu.memory_space<vmem>>
    %dma_wait3A_1750 = arith.constant 0 : i32
    %dma_wait3A_1751 = tpu.memref_slice %arg2[%get3A_489, %dma_wait3A_1750] : memref<1000001x64xf32, #tpu.memory_space<any>> -> memref<1x64xf32, #tpu.memory_space<any>>
    tpu.wait_dma2 semaphore(%arg4 : memref<!tpu.dma_semaphore, #tpu.memory_space<semaphore_mem>>) src(%dma_wait3A_1751 : memref<1x64xf32, #tpu.memory_space<any>>) dst(%dma_wait3A_1749 : memref<1x64xf32, #tpu.memory_space<vmem>>)
    %dma_wait3A_1752 = arith.constant 71 : i32
    %dma_wait3A_1753 = arith.constant 0 : i32
    %dma_wait3A_1754 = tpu.memref_slice %arg3[%dma_wait3A_1752, %dma_wait3A_1753] : memref<200x64xf32, #tpu.memory_space<vmem>> -> memref<1x64xf32, #tpu.memory_space<vmem>>
    %dma_wait3A_1755 = arith.constant 0 : i32
    %dma_wait3A_1756 = tpu.memref_slice %arg2[%get3A_496, %dma_wait3A_1755] : memref<1000001x64xf32, #tpu.memory_space<any>> -> memref<1x64xf32, #tpu.memory_space<any>>
    tpu.wait_dma2 semaphore(%arg4 : memref<!tpu.dma_semaphore, #tpu.memory_space<semaphore_mem>>) src(%dma_wait3A_1756 : memref<1x64xf32, #tpu.memory_space<any>>) dst(%dma_wait3A_1754 : memref<1x64xf32, #tpu.memory_space<vmem>>)
    %dma_wait3A_1757 = arith.constant 72 : i32
    %dma_wait3A_1758 = arith.constant 0 : i32
    %dma_wait3A_1759 = tpu.memref_slice %arg3[%dma_wait3A_1757, %dma_wait3A_1758] : memref<200x64xf32, #tpu.memory_space<vmem>> -> memref<1x64xf32, #tpu.memory_space<vmem>>
    %dma_wait3A_1760 = arith.constant 0 : i32
    %dma_wait3A_1761 = tpu.memref_slice %arg2[%get3A_503, %dma_wait3A_1760] : memref<1000001x64xf32, #tpu.memory_space<any>> -> memref<1x64xf32, #tpu.memory_space<any>>
    tpu.wait_dma2 semaphore(%arg4 : memref<!tpu.dma_semaphore, #tpu.memory_space<semaphore_mem>>) src(%dma_wait3A_1761 : memref<1x64xf32, #tpu.memory_space<any>>) dst(%dma_wait3A_1759 : memref<1x64xf32, #tpu.memory_space<vmem>>)
    %dma_wait3A_1762 = arith.constant 73 : i32
    %dma_wait3A_1763 = arith.constant 0 : i32
    %dma_wait3A_1764 = tpu.memref_slice %arg3[%dma_wait3A_1762, %dma_wait3A_1763] : memref<200x64xf32, #tpu.memory_space<vmem>> -> memref<1x64xf32, #tpu.memory_space<vmem>>
    %dma_wait3A_1765 = arith.constant 0 : i32
    %dma_wait3A_1766 = tpu.memref_slice %arg2[%get3A_510, %dma_wait3A_1765] : memref<1000001x64xf32, #tpu.memory_space<any>> -> memref<1x64xf32, #tpu.memory_space<any>>
    tpu.wait_dma2 semaphore(%arg4 : memref<!tpu.dma_semaphore, #tpu.memory_space<semaphore_mem>>) src(%dma_wait3A_1766 : memref<1x64xf32, #tpu.memory_space<any>>) dst(%dma_wait3A_1764 : memref<1x64xf32, #tpu.memory_space<vmem>>)
    %dma_wait3A_1767 = arith.constant 74 : i32
    %dma_wait3A_1768 = arith.constant 0 : i32
    %dma_wait3A_1769 = tpu.memref_slice %arg3[%dma_wait3A_1767, %dma_wait3A_1768] : memref<200x64xf32, #tpu.memory_space<vmem>> -> memref<1x64xf32, #tpu.memory_space<vmem>>
    %dma_wait3A_1770 = arith.constant 0 : i32
    %dma_wait3A_1771 = tpu.memref_slice %arg2[%get3A_517, %dma_wait3A_1770] : memref<1000001x64xf32, #tpu.memory_space<any>> -> memref<1x64xf32, #tpu.memory_space<any>>
    tpu.wait_dma2 semaphore(%arg4 : memref<!tpu.dma_semaphore, #tpu.memory_space<semaphore_mem>>) src(%dma_wait3A_1771 : memref<1x64xf32, #tpu.memory_space<any>>) dst(%dma_wait3A_1769 : memref<1x64xf32, #tpu.memory_space<vmem>>)
    %dma_wait3A_1772 = arith.constant 75 : i32
    %dma_wait3A_1773 = arith.constant 0 : i32
    %dma_wait3A_1774 = tpu.memref_slice %arg3[%dma_wait3A_1772, %dma_wait3A_1773] : memref<200x64xf32, #tpu.memory_space<vmem>> -> memref<1x64xf32, #tpu.memory_space<vmem>>
    %dma_wait3A_1775 = arith.constant 0 : i32
    %dma_wait3A_1776 = tpu.memref_slice %arg2[%get3A_524, %dma_wait3A_1775] : memref<1000001x64xf32, #tpu.memory_space<any>> -> memref<1x64xf32, #tpu.memory_space<any>>
    tpu.wait_dma2 semaphore(%arg4 : memref<!tpu.dma_semaphore, #tpu.memory_space<semaphore_mem>>) src(%dma_wait3A_1776 : memref<1x64xf32, #tpu.memory_space<any>>) dst(%dma_wait3A_1774 : memref<1x64xf32, #tpu.memory_space<vmem>>)
    %dma_wait3A_1777 = arith.constant 76 : i32
    %dma_wait3A_1778 = arith.constant 0 : i32
    %dma_wait3A_1779 = tpu.memref_slice %arg3[%dma_wait3A_1777, %dma_wait3A_1778] : memref<200x64xf32, #tpu.memory_space<vmem>> -> memref<1x64xf32, #tpu.memory_space<vmem>>
    %dma_wait3A_1780 = arith.constant 0 : i32
    %dma_wait3A_1781 = tpu.memref_slice %arg2[%get3A_531, %dma_wait3A_1780] : memref<1000001x64xf32, #tpu.memory_space<any>> -> memref<1x64xf32, #tpu.memory_space<any>>
    tpu.wait_dma2 semaphore(%arg4 : memref<!tpu.dma_semaphore, #tpu.memory_space<semaphore_mem>>) src(%dma_wait3A_1781 : memref<1x64xf32, #tpu.memory_space<any>>) dst(%dma_wait3A_1779 : memref<1x64xf32, #tpu.memory_space<vmem>>)
    %dma_wait3A_1782 = arith.constant 77 : i32
    %dma_wait3A_1783 = arith.constant 0 : i32
    %dma_wait3A_1784 = tpu.memref_slice %arg3[%dma_wait3A_1782, %dma_wait3A_1783] : memref<200x64xf32, #tpu.memory_space<vmem>> -> memref<1x64xf32, #tpu.memory_space<vmem>>
    %dma_wait3A_1785 = arith.constant 0 : i32
    %dma_wait3A_1786 = tpu.memref_slice %arg2[%get3A_538, %dma_wait3A_1785] : memref<1000001x64xf32, #tpu.memory_space<any>> -> memref<1x64xf32, #tpu.memory_space<any>>
    tpu.wait_dma2 semaphore(%arg4 : memref<!tpu.dma_semaphore, #tpu.memory_space<semaphore_mem>>) src(%dma_wait3A_1786 : memref<1x64xf32, #tpu.memory_space<any>>) dst(%dma_wait3A_1784 : memref<1x64xf32, #tpu.memory_space<vmem>>)
    %dma_wait3A_1787 = arith.constant 78 : i32
    %dma_wait3A_1788 = arith.constant 0 : i32
    %dma_wait3A_1789 = tpu.memref_slice %arg3[%dma_wait3A_1787, %dma_wait3A_1788] : memref<200x64xf32, #tpu.memory_space<vmem>> -> memref<1x64xf32, #tpu.memory_space<vmem>>
    %dma_wait3A_1790 = arith.constant 0 : i32
    %dma_wait3A_1791 = tpu.memref_slice %arg2[%get3A_545, %dma_wait3A_1790] : memref<1000001x64xf32, #tpu.memory_space<any>> -> memref<1x64xf32, #tpu.memory_space<any>>
    tpu.wait_dma2 semaphore(%arg4 : memref<!tpu.dma_semaphore, #tpu.memory_space<semaphore_mem>>) src(%dma_wait3A_1791 : memref<1x64xf32, #tpu.memory_space<any>>) dst(%dma_wait3A_1789 : memref<1x64xf32, #tpu.memory_space<vmem>>)
    %dma_wait3A_1792 = arith.constant 79 : i32
    %dma_wait3A_1793 = arith.constant 0 : i32
    %dma_wait3A_1794 = tpu.memref_slice %arg3[%dma_wait3A_1792, %dma_wait3A_1793] : memref<200x64xf32, #tpu.memory_space<vmem>> -> memref<1x64xf32, #tpu.memory_space<vmem>>
    %dma_wait3A_1795 = arith.constant 0 : i32
    %dma_wait3A_1796 = tpu.memref_slice %arg2[%get3A_552, %dma_wait3A_1795] : memref<1000001x64xf32, #tpu.memory_space<any>> -> memref<1x64xf32, #tpu.memory_space<any>>
    tpu.wait_dma2 semaphore(%arg4 : memref<!tpu.dma_semaphore, #tpu.memory_space<semaphore_mem>>) src(%dma_wait3A_1796 : memref<1x64xf32, #tpu.memory_space<any>>) dst(%dma_wait3A_1794 : memref<1x64xf32, #tpu.memory_space<vmem>>)
    %dma_wait3A_1797 = arith.constant 80 : i32
    %dma_wait3A_1798 = arith.constant 0 : i32
    %dma_wait3A_1799 = tpu.memref_slice %arg3[%dma_wait3A_1797, %dma_wait3A_1798] : memref<200x64xf32, #tpu.memory_space<vmem>> -> memref<1x64xf32, #tpu.memory_space<vmem>>
    %dma_wait3A_1800 = arith.constant 0 : i32
    %dma_wait3A_1801 = tpu.memref_slice %arg2[%get3A_559, %dma_wait3A_1800] : memref<1000001x64xf32, #tpu.memory_space<any>> -> memref<1x64xf32, #tpu.memory_space<any>>
    tpu.wait_dma2 semaphore(%arg4 : memref<!tpu.dma_semaphore, #tpu.memory_space<semaphore_mem>>) src(%dma_wait3A_1801 : memref<1x64xf32, #tpu.memory_space<any>>) dst(%dma_wait3A_1799 : memref<1x64xf32, #tpu.memory_space<vmem>>)
    %dma_wait3A_1802 = arith.constant 81 : i32
    %dma_wait3A_1803 = arith.constant 0 : i32
    %dma_wait3A_1804 = tpu.memref_slice %arg3[%dma_wait3A_1802, %dma_wait3A_1803] : memref<200x64xf32, #tpu.memory_space<vmem>> -> memref<1x64xf32, #tpu.memory_space<vmem>>
    %dma_wait3A_1805 = arith.constant 0 : i32
    %dma_wait3A_1806 = tpu.memref_slice %arg2[%get3A_566, %dma_wait3A_1805] : memref<1000001x64xf32, #tpu.memory_space<any>> -> memref<1x64xf32, #tpu.memory_space<any>>
    tpu.wait_dma2 semaphore(%arg4 : memref<!tpu.dma_semaphore, #tpu.memory_space<semaphore_mem>>) src(%dma_wait3A_1806 : memref<1x64xf32, #tpu.memory_space<any>>) dst(%dma_wait3A_1804 : memref<1x64xf32, #tpu.memory_space<vmem>>)
    %dma_wait3A_1807 = arith.constant 82 : i32
    %dma_wait3A_1808 = arith.constant 0 : i32
    %dma_wait3A_1809 = tpu.memref_slice %arg3[%dma_wait3A_1807, %dma_wait3A_1808] : memref<200x64xf32, #tpu.memory_space<vmem>> -> memref<1x64xf32, #tpu.memory_space<vmem>>
    %dma_wait3A_1810 = arith.constant 0 : i32
    %dma_wait3A_1811 = tpu.memref_slice %arg2[%get3A_573, %dma_wait3A_1810] : memref<1000001x64xf32, #tpu.memory_space<any>> -> memref<1x64xf32, #tpu.memory_space<any>>
    tpu.wait_dma2 semaphore(%arg4 : memref<!tpu.dma_semaphore, #tpu.memory_space<semaphore_mem>>) src(%dma_wait3A_1811 : memref<1x64xf32, #tpu.memory_space<any>>) dst(%dma_wait3A_1809 : memref<1x64xf32, #tpu.memory_space<vmem>>)
    %dma_wait3A_1812 = arith.constant 83 : i32
    %dma_wait3A_1813 = arith.constant 0 : i32
    %dma_wait3A_1814 = tpu.memref_slice %arg3[%dma_wait3A_1812, %dma_wait3A_1813] : memref<200x64xf32, #tpu.memory_space<vmem>> -> memref<1x64xf32, #tpu.memory_space<vmem>>
    %dma_wait3A_1815 = arith.constant 0 : i32
    %dma_wait3A_1816 = tpu.memref_slice %arg2[%get3A_580, %dma_wait3A_1815] : memref<1000001x64xf32, #tpu.memory_space<any>> -> memref<1x64xf32, #tpu.memory_space<any>>
    tpu.wait_dma2 semaphore(%arg4 : memref<!tpu.dma_semaphore, #tpu.memory_space<semaphore_mem>>) src(%dma_wait3A_1816 : memref<1x64xf32, #tpu.memory_space<any>>) dst(%dma_wait3A_1814 : memref<1x64xf32, #tpu.memory_space<vmem>>)
    %dma_wait3A_1817 = arith.constant 84 : i32
    %dma_wait3A_1818 = arith.constant 0 : i32
    %dma_wait3A_1819 = tpu.memref_slice %arg3[%dma_wait3A_1817, %dma_wait3A_1818] : memref<200x64xf32, #tpu.memory_space<vmem>> -> memref<1x64xf32, #tpu.memory_space<vmem>>
    %dma_wait3A_1820 = arith.constant 0 : i32
    %dma_wait3A_1821 = tpu.memref_slice %arg2[%get3A_587, %dma_wait3A_1820] : memref<1000001x64xf32, #tpu.memory_space<any>> -> memref<1x64xf32, #tpu.memory_space<any>>
    tpu.wait_dma2 semaphore(%arg4 : memref<!tpu.dma_semaphore, #tpu.memory_space<semaphore_mem>>) src(%dma_wait3A_1821 : memref<1x64xf32, #tpu.memory_space<any>>) dst(%dma_wait3A_1819 : memref<1x64xf32, #tpu.memory_space<vmem>>)
    %dma_wait3A_1822 = arith.constant 85 : i32
    %dma_wait3A_1823 = arith.constant 0 : i32
    %dma_wait3A_1824 = tpu.memref_slice %arg3[%dma_wait3A_1822, %dma_wait3A_1823] : memref<200x64xf32, #tpu.memory_space<vmem>> -> memref<1x64xf32, #tpu.memory_space<vmem>>
    %dma_wait3A_1825 = arith.constant 0 : i32
    %dma_wait3A_1826 = tpu.memref_slice %arg2[%get3A_594, %dma_wait3A_1825] : memref<1000001x64xf32, #tpu.memory_space<any>> -> memref<1x64xf32, #tpu.memory_space<any>>
    tpu.wait_dma2 semaphore(%arg4 : memref<!tpu.dma_semaphore, #tpu.memory_space<semaphore_mem>>) src(%dma_wait3A_1826 : memref<1x64xf32, #tpu.memory_space<any>>) dst(%dma_wait3A_1824 : memref<1x64xf32, #tpu.memory_space<vmem>>)
    %dma_wait3A_1827 = arith.constant 86 : i32
    %dma_wait3A_1828 = arith.constant 0 : i32
    %dma_wait3A_1829 = tpu.memref_slice %arg3[%dma_wait3A_1827, %dma_wait3A_1828] : memref<200x64xf32, #tpu.memory_space<vmem>> -> memref<1x64xf32, #tpu.memory_space<vmem>>
    %dma_wait3A_1830 = arith.constant 0 : i32
    %dma_wait3A_1831 = tpu.memref_slice %arg2[%get3A_601, %dma_wait3A_1830] : memref<1000001x64xf32, #tpu.memory_space<any>> -> memref<1x64xf32, #tpu.memory_space<any>>
    tpu.wait_dma2 semaphore(%arg4 : memref<!tpu.dma_semaphore, #tpu.memory_space<semaphore_mem>>) src(%dma_wait3A_1831 : memref<1x64xf32, #tpu.memory_space<any>>) dst(%dma_wait3A_1829 : memref<1x64xf32, #tpu.memory_space<vmem>>)
    %dma_wait3A_1832 = arith.constant 87 : i32
    %dma_wait3A_1833 = arith.constant 0 : i32
    %dma_wait3A_1834 = tpu.memref_slice %arg3[%dma_wait3A_1832, %dma_wait3A_1833] : memref<200x64xf32, #tpu.memory_space<vmem>> -> memref<1x64xf32, #tpu.memory_space<vmem>>
    %dma_wait3A_1835 = arith.constant 0 : i32
    %dma_wait3A_1836 = tpu.memref_slice %arg2[%get3A_608, %dma_wait3A_1835] : memref<1000001x64xf32, #tpu.memory_space<any>> -> memref<1x64xf32, #tpu.memory_space<any>>
    tpu.wait_dma2 semaphore(%arg4 : memref<!tpu.dma_semaphore, #tpu.memory_space<semaphore_mem>>) src(%dma_wait3A_1836 : memref<1x64xf32, #tpu.memory_space<any>>) dst(%dma_wait3A_1834 : memref<1x64xf32, #tpu.memory_space<vmem>>)
    %dma_wait3A_1837 = arith.constant 88 : i32
    %dma_wait3A_1838 = arith.constant 0 : i32
    %dma_wait3A_1839 = tpu.memref_slice %arg3[%dma_wait3A_1837, %dma_wait3A_1838] : memref<200x64xf32, #tpu.memory_space<vmem>> -> memref<1x64xf32, #tpu.memory_space<vmem>>
    %dma_wait3A_1840 = arith.constant 0 : i32
    %dma_wait3A_1841 = tpu.memref_slice %arg2[%get3A_615, %dma_wait3A_1840] : memref<1000001x64xf32, #tpu.memory_space<any>> -> memref<1x64xf32, #tpu.memory_space<any>>
    tpu.wait_dma2 semaphore(%arg4 : memref<!tpu.dma_semaphore, #tpu.memory_space<semaphore_mem>>) src(%dma_wait3A_1841 : memref<1x64xf32, #tpu.memory_space<any>>) dst(%dma_wait3A_1839 : memref<1x64xf32, #tpu.memory_space<vmem>>)
    %dma_wait3A_1842 = arith.constant 89 : i32
    %dma_wait3A_1843 = arith.constant 0 : i32
    %dma_wait3A_1844 = tpu.memref_slice %arg3[%dma_wait3A_1842, %dma_wait3A_1843] : memref<200x64xf32, #tpu.memory_space<vmem>> -> memref<1x64xf32, #tpu.memory_space<vmem>>
    %dma_wait3A_1845 = arith.constant 0 : i32
    %dma_wait3A_1846 = tpu.memref_slice %arg2[%get3A_622, %dma_wait3A_1845] : memref<1000001x64xf32, #tpu.memory_space<any>> -> memref<1x64xf32, #tpu.memory_space<any>>
    tpu.wait_dma2 semaphore(%arg4 : memref<!tpu.dma_semaphore, #tpu.memory_space<semaphore_mem>>) src(%dma_wait3A_1846 : memref<1x64xf32, #tpu.memory_space<any>>) dst(%dma_wait3A_1844 : memref<1x64xf32, #tpu.memory_space<vmem>>)
    %dma_wait3A_1847 = arith.constant 90 : i32
    %dma_wait3A_1848 = arith.constant 0 : i32
    %dma_wait3A_1849 = tpu.memref_slice %arg3[%dma_wait3A_1847, %dma_wait3A_1848] : memref<200x64xf32, #tpu.memory_space<vmem>> -> memref<1x64xf32, #tpu.memory_space<vmem>>
    %dma_wait3A_1850 = arith.constant 0 : i32
    %dma_wait3A_1851 = tpu.memref_slice %arg2[%get3A_629, %dma_wait3A_1850] : memref<1000001x64xf32, #tpu.memory_space<any>> -> memref<1x64xf32, #tpu.memory_space<any>>
    tpu.wait_dma2 semaphore(%arg4 : memref<!tpu.dma_semaphore, #tpu.memory_space<semaphore_mem>>) src(%dma_wait3A_1851 : memref<1x64xf32, #tpu.memory_space<any>>) dst(%dma_wait3A_1849 : memref<1x64xf32, #tpu.memory_space<vmem>>)
    %dma_wait3A_1852 = arith.constant 91 : i32
    %dma_wait3A_1853 = arith.constant 0 : i32
    %dma_wait3A_1854 = tpu.memref_slice %arg3[%dma_wait3A_1852, %dma_wait3A_1853] : memref<200x64xf32, #tpu.memory_space<vmem>> -> memref<1x64xf32, #tpu.memory_space<vmem>>
    %dma_wait3A_1855 = arith.constant 0 : i32
    %dma_wait3A_1856 = tpu.memref_slice %arg2[%get3A_636, %dma_wait3A_1855] : memref<1000001x64xf32, #tpu.memory_space<any>> -> memref<1x64xf32, #tpu.memory_space<any>>
    tpu.wait_dma2 semaphore(%arg4 : memref<!tpu.dma_semaphore, #tpu.memory_space<semaphore_mem>>) src(%dma_wait3A_1856 : memref<1x64xf32, #tpu.memory_space<any>>) dst(%dma_wait3A_1854 : memref<1x64xf32, #tpu.memory_space<vmem>>)
    %dma_wait3A_1857 = arith.constant 92 : i32
    %dma_wait3A_1858 = arith.constant 0 : i32
    %dma_wait3A_1859 = tpu.memref_slice %arg3[%dma_wait3A_1857, %dma_wait3A_1858] : memref<200x64xf32, #tpu.memory_space<vmem>> -> memref<1x64xf32, #tpu.memory_space<vmem>>
    %dma_wait3A_1860 = arith.constant 0 : i32
    %dma_wait3A_1861 = tpu.memref_slice %arg2[%get3A_643, %dma_wait3A_1860] : memref<1000001x64xf32, #tpu.memory_space<any>> -> memref<1x64xf32, #tpu.memory_space<any>>
    tpu.wait_dma2 semaphore(%arg4 : memref<!tpu.dma_semaphore, #tpu.memory_space<semaphore_mem>>) src(%dma_wait3A_1861 : memref<1x64xf32, #tpu.memory_space<any>>) dst(%dma_wait3A_1859 : memref<1x64xf32, #tpu.memory_space<vmem>>)
    %dma_wait3A_1862 = arith.constant 93 : i32
    %dma_wait3A_1863 = arith.constant 0 : i32
    %dma_wait3A_1864 = tpu.memref_slice %arg3[%dma_wait3A_1862, %dma_wait3A_1863] : memref<200x64xf32, #tpu.memory_space<vmem>> -> memref<1x64xf32, #tpu.memory_space<vmem>>
    %dma_wait3A_1865 = arith.constant 0 : i32
    %dma_wait3A_1866 = tpu.memref_slice %arg2[%get3A_650, %dma_wait3A_1865] : memref<1000001x64xf32, #tpu.memory_space<any>> -> memref<1x64xf32, #tpu.memory_space<any>>
    tpu.wait_dma2 semaphore(%arg4 : memref<!tpu.dma_semaphore, #tpu.memory_space<semaphore_mem>>) src(%dma_wait3A_1866 : memref<1x64xf32, #tpu.memory_space<any>>) dst(%dma_wait3A_1864 : memref<1x64xf32, #tpu.memory_space<vmem>>)
    %dma_wait3A_1867 = arith.constant 94 : i32
    %dma_wait3A_1868 = arith.constant 0 : i32
    %dma_wait3A_1869 = tpu.memref_slice %arg3[%dma_wait3A_1867, %dma_wait3A_1868] : memref<200x64xf32, #tpu.memory_space<vmem>> -> memref<1x64xf32, #tpu.memory_space<vmem>>
    %dma_wait3A_1870 = arith.constant 0 : i32
    %dma_wait3A_1871 = tpu.memref_slice %arg2[%get3A_657, %dma_wait3A_1870] : memref<1000001x64xf32, #tpu.memory_space<any>> -> memref<1x64xf32, #tpu.memory_space<any>>
    tpu.wait_dma2 semaphore(%arg4 : memref<!tpu.dma_semaphore, #tpu.memory_space<semaphore_mem>>) src(%dma_wait3A_1871 : memref<1x64xf32, #tpu.memory_space<any>>) dst(%dma_wait3A_1869 : memref<1x64xf32, #tpu.memory_space<vmem>>)
    %dma_wait3A_1872 = arith.constant 95 : i32
    %dma_wait3A_1873 = arith.constant 0 : i32
    %dma_wait3A_1874 = tpu.memref_slice %arg3[%dma_wait3A_1872, %dma_wait3A_1873] : memref<200x64xf32, #tpu.memory_space<vmem>> -> memref<1x64xf32, #tpu.memory_space<vmem>>
    %dma_wait3A_1875 = arith.constant 0 : i32
    %dma_wait3A_1876 = tpu.memref_slice %arg2[%get3A_664, %dma_wait3A_1875] : memref<1000001x64xf32, #tpu.memory_space<any>> -> memref<1x64xf32, #tpu.memory_space<any>>
    tpu.wait_dma2 semaphore(%arg4 : memref<!tpu.dma_semaphore, #tpu.memory_space<semaphore_mem>>) src(%dma_wait3A_1876 : memref<1x64xf32, #tpu.memory_space<any>>) dst(%dma_wait3A_1874 : memref<1x64xf32, #tpu.memory_space<vmem>>)
    %dma_wait3A_1877 = arith.constant 96 : i32
    %dma_wait3A_1878 = arith.constant 0 : i32
    %dma_wait3A_1879 = tpu.memref_slice %arg3[%dma_wait3A_1877, %dma_wait3A_1878] : memref<200x64xf32, #tpu.memory_space<vmem>> -> memref<1x64xf32, #tpu.memory_space<vmem>>
    %dma_wait3A_1880 = arith.constant 0 : i32
    %dma_wait3A_1881 = tpu.memref_slice %arg2[%get3A_671, %dma_wait3A_1880] : memref<1000001x64xf32, #tpu.memory_space<any>> -> memref<1x64xf32, #tpu.memory_space<any>>
    tpu.wait_dma2 semaphore(%arg4 : memref<!tpu.dma_semaphore, #tpu.memory_space<semaphore_mem>>) src(%dma_wait3A_1881 : memref<1x64xf32, #tpu.memory_space<any>>) dst(%dma_wait3A_1879 : memref<1x64xf32, #tpu.memory_space<vmem>>)
    %dma_wait3A_1882 = arith.constant 97 : i32
    %dma_wait3A_1883 = arith.constant 0 : i32
    %dma_wait3A_1884 = tpu.memref_slice %arg3[%dma_wait3A_1882, %dma_wait3A_1883] : memref<200x64xf32, #tpu.memory_space<vmem>> -> memref<1x64xf32, #tpu.memory_space<vmem>>
    %dma_wait3A_1885 = arith.constant 0 : i32
    %dma_wait3A_1886 = tpu.memref_slice %arg2[%get3A_678, %dma_wait3A_1885] : memref<1000001x64xf32, #tpu.memory_space<any>> -> memref<1x64xf32, #tpu.memory_space<any>>
    tpu.wait_dma2 semaphore(%arg4 : memref<!tpu.dma_semaphore, #tpu.memory_space<semaphore_mem>>) src(%dma_wait3A_1886 : memref<1x64xf32, #tpu.memory_space<any>>) dst(%dma_wait3A_1884 : memref<1x64xf32, #tpu.memory_space<vmem>>)
    %dma_wait3A_1887 = arith.constant 98 : i32
    %dma_wait3A_1888 = arith.constant 0 : i32
    %dma_wait3A_1889 = tpu.memref_slice %arg3[%dma_wait3A_1887, %dma_wait3A_1888] : memref<200x64xf32, #tpu.memory_space<vmem>> -> memref<1x64xf32, #tpu.memory_space<vmem>>
    %dma_wait3A_1890 = arith.constant 0 : i32
    %dma_wait3A_1891 = tpu.memref_slice %arg2[%get3A_685, %dma_wait3A_1890] : memref<1000001x64xf32, #tpu.memory_space<any>> -> memref<1x64xf32, #tpu.memory_space<any>>
    tpu.wait_dma2 semaphore(%arg4 : memref<!tpu.dma_semaphore, #tpu.memory_space<semaphore_mem>>) src(%dma_wait3A_1891 : memref<1x64xf32, #tpu.memory_space<any>>) dst(%dma_wait3A_1889 : memref<1x64xf32, #tpu.memory_space<vmem>>)
    %dma_wait3A_1892 = arith.constant 99 : i32
    %dma_wait3A_1893 = arith.constant 0 : i32
    %dma_wait3A_1894 = tpu.memref_slice %arg3[%dma_wait3A_1892, %dma_wait3A_1893] : memref<200x64xf32, #tpu.memory_space<vmem>> -> memref<1x64xf32, #tpu.memory_space<vmem>>
    %dma_wait3A_1895 = arith.constant 0 : i32
    %dma_wait3A_1896 = tpu.memref_slice %arg2[%get3A_692, %dma_wait3A_1895] : memref<1000001x64xf32, #tpu.memory_space<any>> -> memref<1x64xf32, #tpu.memory_space<any>>
    tpu.wait_dma2 semaphore(%arg4 : memref<!tpu.dma_semaphore, #tpu.memory_space<semaphore_mem>>) src(%dma_wait3A_1896 : memref<1x64xf32, #tpu.memory_space<any>>) dst(%dma_wait3A_1894 : memref<1x64xf32, #tpu.memory_space<vmem>>)
    %dma_wait3A_1897 = arith.constant 100 : i32
    %dma_wait3A_1898 = arith.constant 0 : i32
    %dma_wait3A_1899 = tpu.memref_slice %arg3[%dma_wait3A_1897, %dma_wait3A_1898] : memref<200x64xf32, #tpu.memory_space<vmem>> -> memref<1x64xf32, #tpu.memory_space<vmem>>
    %dma_wait3A_1900 = arith.constant 0 : i32
    %dma_wait3A_1901 = tpu.memref_slice %arg2[%get3A_699, %dma_wait3A_1900] : memref<1000001x64xf32, #tpu.memory_space<any>> -> memref<1x64xf32, #tpu.memory_space<any>>
    tpu.wait_dma2 semaphore(%arg4 : memref<!tpu.dma_semaphore, #tpu.memory_space<semaphore_mem>>) src(%dma_wait3A_1901 : memref<1x64xf32, #tpu.memory_space<any>>) dst(%dma_wait3A_1899 : memref<1x64xf32, #tpu.memory_space<vmem>>)
    %dma_wait3A_1902 = arith.constant 101 : i32
    %dma_wait3A_1903 = arith.constant 0 : i32
    %dma_wait3A_1904 = tpu.memref_slice %arg3[%dma_wait3A_1902, %dma_wait3A_1903] : memref<200x64xf32, #tpu.memory_space<vmem>> -> memref<1x64xf32, #tpu.memory_space<vmem>>
    %dma_wait3A_1905 = arith.constant 0 : i32
    %dma_wait3A_1906 = tpu.memref_slice %arg2[%get3A_706, %dma_wait3A_1905] : memref<1000001x64xf32, #tpu.memory_space<any>> -> memref<1x64xf32, #tpu.memory_space<any>>
    tpu.wait_dma2 semaphore(%arg4 : memref<!tpu.dma_semaphore, #tpu.memory_space<semaphore_mem>>) src(%dma_wait3A_1906 : memref<1x64xf32, #tpu.memory_space<any>>) dst(%dma_wait3A_1904 : memref<1x64xf32, #tpu.memory_space<vmem>>)
    %dma_wait3A_1907 = arith.constant 102 : i32
    %dma_wait3A_1908 = arith.constant 0 : i32
    %dma_wait3A_1909 = tpu.memref_slice %arg3[%dma_wait3A_1907, %dma_wait3A_1908] : memref<200x64xf32, #tpu.memory_space<vmem>> -> memref<1x64xf32, #tpu.memory_space<vmem>>
    %dma_wait3A_1910 = arith.constant 0 : i32
    %dma_wait3A_1911 = tpu.memref_slice %arg2[%get3A_713, %dma_wait3A_1910] : memref<1000001x64xf32, #tpu.memory_space<any>> -> memref<1x64xf32, #tpu.memory_space<any>>
    tpu.wait_dma2 semaphore(%arg4 : memref<!tpu.dma_semaphore, #tpu.memory_space<semaphore_mem>>) src(%dma_wait3A_1911 : memref<1x64xf32, #tpu.memory_space<any>>) dst(%dma_wait3A_1909 : memref<1x64xf32, #tpu.memory_space<vmem>>)
    %dma_wait3A_1912 = arith.constant 103 : i32
    %dma_wait3A_1913 = arith.constant 0 : i32
    %dma_wait3A_1914 = tpu.memref_slice %arg3[%dma_wait3A_1912, %dma_wait3A_1913] : memref<200x64xf32, #tpu.memory_space<vmem>> -> memref<1x64xf32, #tpu.memory_space<vmem>>
    %dma_wait3A_1915 = arith.constant 0 : i32
    %dma_wait3A_1916 = tpu.memref_slice %arg2[%get3A_720, %dma_wait3A_1915] : memref<1000001x64xf32, #tpu.memory_space<any>> -> memref<1x64xf32, #tpu.memory_space<any>>
    tpu.wait_dma2 semaphore(%arg4 : memref<!tpu.dma_semaphore, #tpu.memory_space<semaphore_mem>>) src(%dma_wait3A_1916 : memref<1x64xf32, #tpu.memory_space<any>>) dst(%dma_wait3A_1914 : memref<1x64xf32, #tpu.memory_space<vmem>>)
    %dma_wait3A_1917 = arith.constant 104 : i32
    %dma_wait3A_1918 = arith.constant 0 : i32
    %dma_wait3A_1919 = tpu.memref_slice %arg3[%dma_wait3A_1917, %dma_wait3A_1918] : memref<200x64xf32, #tpu.memory_space<vmem>> -> memref<1x64xf32, #tpu.memory_space<vmem>>
    %dma_wait3A_1920 = arith.constant 0 : i32
    %dma_wait3A_1921 = tpu.memref_slice %arg2[%get3A_727, %dma_wait3A_1920] : memref<1000001x64xf32, #tpu.memory_space<any>> -> memref<1x64xf32, #tpu.memory_space<any>>
    tpu.wait_dma2 semaphore(%arg4 : memref<!tpu.dma_semaphore, #tpu.memory_space<semaphore_mem>>) src(%dma_wait3A_1921 : memref<1x64xf32, #tpu.memory_space<any>>) dst(%dma_wait3A_1919 : memref<1x64xf32, #tpu.memory_space<vmem>>)
    %dma_wait3A_1922 = arith.constant 105 : i32
    %dma_wait3A_1923 = arith.constant 0 : i32
    %dma_wait3A_1924 = tpu.memref_slice %arg3[%dma_wait3A_1922, %dma_wait3A_1923] : memref<200x64xf32, #tpu.memory_space<vmem>> -> memref<1x64xf32, #tpu.memory_space<vmem>>
    %dma_wait3A_1925 = arith.constant 0 : i32
    %dma_wait3A_1926 = tpu.memref_slice %arg2[%get3A_734, %dma_wait3A_1925] : memref<1000001x64xf32, #tpu.memory_space<any>> -> memref<1x64xf32, #tpu.memory_space<any>>
    tpu.wait_dma2 semaphore(%arg4 : memref<!tpu.dma_semaphore, #tpu.memory_space<semaphore_mem>>) src(%dma_wait3A_1926 : memref<1x64xf32, #tpu.memory_space<any>>) dst(%dma_wait3A_1924 : memref<1x64xf32, #tpu.memory_space<vmem>>)
    %dma_wait3A_1927 = arith.constant 106 : i32
    %dma_wait3A_1928 = arith.constant 0 : i32
    %dma_wait3A_1929 = tpu.memref_slice %arg3[%dma_wait3A_1927, %dma_wait3A_1928] : memref<200x64xf32, #tpu.memory_space<vmem>> -> memref<1x64xf32, #tpu.memory_space<vmem>>
    %dma_wait3A_1930 = arith.constant 0 : i32
    %dma_wait3A_1931 = tpu.memref_slice %arg2[%get3A_741, %dma_wait3A_1930] : memref<1000001x64xf32, #tpu.memory_space<any>> -> memref<1x64xf32, #tpu.memory_space<any>>
    tpu.wait_dma2 semaphore(%arg4 : memref<!tpu.dma_semaphore, #tpu.memory_space<semaphore_mem>>) src(%dma_wait3A_1931 : memref<1x64xf32, #tpu.memory_space<any>>) dst(%dma_wait3A_1929 : memref<1x64xf32, #tpu.memory_space<vmem>>)
    %dma_wait3A_1932 = arith.constant 107 : i32
    %dma_wait3A_1933 = arith.constant 0 : i32
    %dma_wait3A_1934 = tpu.memref_slice %arg3[%dma_wait3A_1932, %dma_wait3A_1933] : memref<200x64xf32, #tpu.memory_space<vmem>> -> memref<1x64xf32, #tpu.memory_space<vmem>>
    %dma_wait3A_1935 = arith.constant 0 : i32
    %dma_wait3A_1936 = tpu.memref_slice %arg2[%get3A_748, %dma_wait3A_1935] : memref<1000001x64xf32, #tpu.memory_space<any>> -> memref<1x64xf32, #tpu.memory_space<any>>
    tpu.wait_dma2 semaphore(%arg4 : memref<!tpu.dma_semaphore, #tpu.memory_space<semaphore_mem>>) src(%dma_wait3A_1936 : memref<1x64xf32, #tpu.memory_space<any>>) dst(%dma_wait3A_1934 : memref<1x64xf32, #tpu.memory_space<vmem>>)
    %dma_wait3A_1937 = arith.constant 108 : i32
    %dma_wait3A_1938 = arith.constant 0 : i32
    %dma_wait3A_1939 = tpu.memref_slice %arg3[%dma_wait3A_1937, %dma_wait3A_1938] : memref<200x64xf32, #tpu.memory_space<vmem>> -> memref<1x64xf32, #tpu.memory_space<vmem>>
    %dma_wait3A_1940 = arith.constant 0 : i32
    %dma_wait3A_1941 = tpu.memref_slice %arg2[%get3A_755, %dma_wait3A_1940] : memref<1000001x64xf32, #tpu.memory_space<any>> -> memref<1x64xf32, #tpu.memory_space<any>>
    tpu.wait_dma2 semaphore(%arg4 : memref<!tpu.dma_semaphore, #tpu.memory_space<semaphore_mem>>) src(%dma_wait3A_1941 : memref<1x64xf32, #tpu.memory_space<any>>) dst(%dma_wait3A_1939 : memref<1x64xf32, #tpu.memory_space<vmem>>)
    %dma_wait3A_1942 = arith.constant 109 : i32
    %dma_wait3A_1943 = arith.constant 0 : i32
    %dma_wait3A_1944 = tpu.memref_slice %arg3[%dma_wait3A_1942, %dma_wait3A_1943] : memref<200x64xf32, #tpu.memory_space<vmem>> -> memref<1x64xf32, #tpu.memory_space<vmem>>
    %dma_wait3A_1945 = arith.constant 0 : i32
    %dma_wait3A_1946 = tpu.memref_slice %arg2[%get3A_762, %dma_wait3A_1945] : memref<1000001x64xf32, #tpu.memory_space<any>> -> memref<1x64xf32, #tpu.memory_space<any>>
    tpu.wait_dma2 semaphore(%arg4 : memref<!tpu.dma_semaphore, #tpu.memory_space<semaphore_mem>>) src(%dma_wait3A_1946 : memref<1x64xf32, #tpu.memory_space<any>>) dst(%dma_wait3A_1944 : memref<1x64xf32, #tpu.memory_space<vmem>>)
    %dma_wait3A_1947 = arith.constant 110 : i32
    %dma_wait3A_1948 = arith.constant 0 : i32
    %dma_wait3A_1949 = tpu.memref_slice %arg3[%dma_wait3A_1947, %dma_wait3A_1948] : memref<200x64xf32, #tpu.memory_space<vmem>> -> memref<1x64xf32, #tpu.memory_space<vmem>>
    %dma_wait3A_1950 = arith.constant 0 : i32
    %dma_wait3A_1951 = tpu.memref_slice %arg2[%get3A_769, %dma_wait3A_1950] : memref<1000001x64xf32, #tpu.memory_space<any>> -> memref<1x64xf32, #tpu.memory_space<any>>
    tpu.wait_dma2 semaphore(%arg4 : memref<!tpu.dma_semaphore, #tpu.memory_space<semaphore_mem>>) src(%dma_wait3A_1951 : memref<1x64xf32, #tpu.memory_space<any>>) dst(%dma_wait3A_1949 : memref<1x64xf32, #tpu.memory_space<vmem>>)
    %dma_wait3A_1952 = arith.constant 111 : i32
    %dma_wait3A_1953 = arith.constant 0 : i32
    %dma_wait3A_1954 = tpu.memref_slice %arg3[%dma_wait3A_1952, %dma_wait3A_1953] : memref<200x64xf32, #tpu.memory_space<vmem>> -> memref<1x64xf32, #tpu.memory_space<vmem>>
    %dma_wait3A_1955 = arith.constant 0 : i32
    %dma_wait3A_1956 = tpu.memref_slice %arg2[%get3A_776, %dma_wait3A_1955] : memref<1000001x64xf32, #tpu.memory_space<any>> -> memref<1x64xf32, #tpu.memory_space<any>>
    tpu.wait_dma2 semaphore(%arg4 : memref<!tpu.dma_semaphore, #tpu.memory_space<semaphore_mem>>) src(%dma_wait3A_1956 : memref<1x64xf32, #tpu.memory_space<any>>) dst(%dma_wait3A_1954 : memref<1x64xf32, #tpu.memory_space<vmem>>)
    %dma_wait3A_1957 = arith.constant 112 : i32
    %dma_wait3A_1958 = arith.constant 0 : i32
    %dma_wait3A_1959 = tpu.memref_slice %arg3[%dma_wait3A_1957, %dma_wait3A_1958] : memref<200x64xf32, #tpu.memory_space<vmem>> -> memref<1x64xf32, #tpu.memory_space<vmem>>
    %dma_wait3A_1960 = arith.constant 0 : i32
    %dma_wait3A_1961 = tpu.memref_slice %arg2[%get3A_783, %dma_wait3A_1960] : memref<1000001x64xf32, #tpu.memory_space<any>> -> memref<1x64xf32, #tpu.memory_space<any>>
    tpu.wait_dma2 semaphore(%arg4 : memref<!tpu.dma_semaphore, #tpu.memory_space<semaphore_mem>>) src(%dma_wait3A_1961 : memref<1x64xf32, #tpu.memory_space<any>>) dst(%dma_wait3A_1959 : memref<1x64xf32, #tpu.memory_space<vmem>>)
    %dma_wait3A_1962 = arith.constant 113 : i32
    %dma_wait3A_1963 = arith.constant 0 : i32
    %dma_wait3A_1964 = tpu.memref_slice %arg3[%dma_wait3A_1962, %dma_wait3A_1963] : memref<200x64xf32, #tpu.memory_space<vmem>> -> memref<1x64xf32, #tpu.memory_space<vmem>>
    %dma_wait3A_1965 = arith.constant 0 : i32
    %dma_wait3A_1966 = tpu.memref_slice %arg2[%get3A_790, %dma_wait3A_1965] : memref<1000001x64xf32, #tpu.memory_space<any>> -> memref<1x64xf32, #tpu.memory_space<any>>
    tpu.wait_dma2 semaphore(%arg4 : memref<!tpu.dma_semaphore, #tpu.memory_space<semaphore_mem>>) src(%dma_wait3A_1966 : memref<1x64xf32, #tpu.memory_space<any>>) dst(%dma_wait3A_1964 : memref<1x64xf32, #tpu.memory_space<vmem>>)
    %dma_wait3A_1967 = arith.constant 114 : i32
    %dma_wait3A_1968 = arith.constant 0 : i32
    %dma_wait3A_1969 = tpu.memref_slice %arg3[%dma_wait3A_1967, %dma_wait3A_1968] : memref<200x64xf32, #tpu.memory_space<vmem>> -> memref<1x64xf32, #tpu.memory_space<vmem>>
    %dma_wait3A_1970 = arith.constant 0 : i32
    %dma_wait3A_1971 = tpu.memref_slice %arg2[%get3A_797, %dma_wait3A_1970] : memref<1000001x64xf32, #tpu.memory_space<any>> -> memref<1x64xf32, #tpu.memory_space<any>>
    tpu.wait_dma2 semaphore(%arg4 : memref<!tpu.dma_semaphore, #tpu.memory_space<semaphore_mem>>) src(%dma_wait3A_1971 : memref<1x64xf32, #tpu.memory_space<any>>) dst(%dma_wait3A_1969 : memref<1x64xf32, #tpu.memory_space<vmem>>)
    %dma_wait3A_1972 = arith.constant 115 : i32
    %dma_wait3A_1973 = arith.constant 0 : i32
    %dma_wait3A_1974 = tpu.memref_slice %arg3[%dma_wait3A_1972, %dma_wait3A_1973] : memref<200x64xf32, #tpu.memory_space<vmem>> -> memref<1x64xf32, #tpu.memory_space<vmem>>
    %dma_wait3A_1975 = arith.constant 0 : i32
    %dma_wait3A_1976 = tpu.memref_slice %arg2[%get3A_804, %dma_wait3A_1975] : memref<1000001x64xf32, #tpu.memory_space<any>> -> memref<1x64xf32, #tpu.memory_space<any>>
    tpu.wait_dma2 semaphore(%arg4 : memref<!tpu.dma_semaphore, #tpu.memory_space<semaphore_mem>>) src(%dma_wait3A_1976 : memref<1x64xf32, #tpu.memory_space<any>>) dst(%dma_wait3A_1974 : memref<1x64xf32, #tpu.memory_space<vmem>>)
    %dma_wait3A_1977 = arith.constant 116 : i32
    %dma_wait3A_1978 = arith.constant 0 : i32
    %dma_wait3A_1979 = tpu.memref_slice %arg3[%dma_wait3A_1977, %dma_wait3A_1978] : memref<200x64xf32, #tpu.memory_space<vmem>> -> memref<1x64xf32, #tpu.memory_space<vmem>>
    %dma_wait3A_1980 = arith.constant 0 : i32
    %dma_wait3A_1981 = tpu.memref_slice %arg2[%get3A_811, %dma_wait3A_1980] : memref<1000001x64xf32, #tpu.memory_space<any>> -> memref<1x64xf32, #tpu.memory_space<any>>
    tpu.wait_dma2 semaphore(%arg4 : memref<!tpu.dma_semaphore, #tpu.memory_space<semaphore_mem>>) src(%dma_wait3A_1981 : memref<1x64xf32, #tpu.memory_space<any>>) dst(%dma_wait3A_1979 : memref<1x64xf32, #tpu.memory_space<vmem>>)
    %dma_wait3A_1982 = arith.constant 117 : i32
    %dma_wait3A_1983 = arith.constant 0 : i32
    %dma_wait3A_1984 = tpu.memref_slice %arg3[%dma_wait3A_1982, %dma_wait3A_1983] : memref<200x64xf32, #tpu.memory_space<vmem>> -> memref<1x64xf32, #tpu.memory_space<vmem>>
    %dma_wait3A_1985 = arith.constant 0 : i32
    %dma_wait3A_1986 = tpu.memref_slice %arg2[%get3A_818, %dma_wait3A_1985] : memref<1000001x64xf32, #tpu.memory_space<any>> -> memref<1x64xf32, #tpu.memory_space<any>>
    tpu.wait_dma2 semaphore(%arg4 : memref<!tpu.dma_semaphore, #tpu.memory_space<semaphore_mem>>) src(%dma_wait3A_1986 : memref<1x64xf32, #tpu.memory_space<any>>) dst(%dma_wait3A_1984 : memref<1x64xf32, #tpu.memory_space<vmem>>)
    %dma_wait3A_1987 = arith.constant 118 : i32
    %dma_wait3A_1988 = arith.constant 0 : i32
    %dma_wait3A_1989 = tpu.memref_slice %arg3[%dma_wait3A_1987, %dma_wait3A_1988] : memref<200x64xf32, #tpu.memory_space<vmem>> -> memref<1x64xf32, #tpu.memory_space<vmem>>
    %dma_wait3A_1990 = arith.constant 0 : i32
    %dma_wait3A_1991 = tpu.memref_slice %arg2[%get3A_825, %dma_wait3A_1990] : memref<1000001x64xf32, #tpu.memory_space<any>> -> memref<1x64xf32, #tpu.memory_space<any>>
    tpu.wait_dma2 semaphore(%arg4 : memref<!tpu.dma_semaphore, #tpu.memory_space<semaphore_mem>>) src(%dma_wait3A_1991 : memref<1x64xf32, #tpu.memory_space<any>>) dst(%dma_wait3A_1989 : memref<1x64xf32, #tpu.memory_space<vmem>>)
    %dma_wait3A_1992 = arith.constant 119 : i32
    %dma_wait3A_1993 = arith.constant 0 : i32
    %dma_wait3A_1994 = tpu.memref_slice %arg3[%dma_wait3A_1992, %dma_wait3A_1993] : memref<200x64xf32, #tpu.memory_space<vmem>> -> memref<1x64xf32, #tpu.memory_space<vmem>>
    %dma_wait3A_1995 = arith.constant 0 : i32
    %dma_wait3A_1996 = tpu.memref_slice %arg2[%get3A_832, %dma_wait3A_1995] : memref<1000001x64xf32, #tpu.memory_space<any>> -> memref<1x64xf32, #tpu.memory_space<any>>
    tpu.wait_dma2 semaphore(%arg4 : memref<!tpu.dma_semaphore, #tpu.memory_space<semaphore_mem>>) src(%dma_wait3A_1996 : memref<1x64xf32, #tpu.memory_space<any>>) dst(%dma_wait3A_1994 : memref<1x64xf32, #tpu.memory_space<vmem>>)
    %dma_wait3A_1997 = arith.constant 120 : i32
    %dma_wait3A_1998 = arith.constant 0 : i32
    %dma_wait3A_1999 = tpu.memref_slice %arg3[%dma_wait3A_1997, %dma_wait3A_1998] : memref<200x64xf32, #tpu.memory_space<vmem>> -> memref<1x64xf32, #tpu.memory_space<vmem>>
    %dma_wait3A_2000 = arith.constant 0 : i32
    %dma_wait3A_2001 = tpu.memref_slice %arg2[%get3A_839, %dma_wait3A_2000] : memref<1000001x64xf32, #tpu.memory_space<any>> -> memref<1x64xf32, #tpu.memory_space<any>>
    tpu.wait_dma2 semaphore(%arg4 : memref<!tpu.dma_semaphore, #tpu.memory_space<semaphore_mem>>) src(%dma_wait3A_2001 : memref<1x64xf32, #tpu.memory_space<any>>) dst(%dma_wait3A_1999 : memref<1x64xf32, #tpu.memory_space<vmem>>)
    %dma_wait3A_2002 = arith.constant 121 : i32
    %dma_wait3A_2003 = arith.constant 0 : i32
    %dma_wait3A_2004 = tpu.memref_slice %arg3[%dma_wait3A_2002, %dma_wait3A_2003] : memref<200x64xf32, #tpu.memory_space<vmem>> -> memref<1x64xf32, #tpu.memory_space<vmem>>
    %dma_wait3A_2005 = arith.constant 0 : i32
    %dma_wait3A_2006 = tpu.memref_slice %arg2[%get3A_846, %dma_wait3A_2005] : memref<1000001x64xf32, #tpu.memory_space<any>> -> memref<1x64xf32, #tpu.memory_space<any>>
    tpu.wait_dma2 semaphore(%arg4 : memref<!tpu.dma_semaphore, #tpu.memory_space<semaphore_mem>>) src(%dma_wait3A_2006 : memref<1x64xf32, #tpu.memory_space<any>>) dst(%dma_wait3A_2004 : memref<1x64xf32, #tpu.memory_space<vmem>>)
    %dma_wait3A_2007 = arith.constant 122 : i32
    %dma_wait3A_2008 = arith.constant 0 : i32
    %dma_wait3A_2009 = tpu.memref_slice %arg3[%dma_wait3A_2007, %dma_wait3A_2008] : memref<200x64xf32, #tpu.memory_space<vmem>> -> memref<1x64xf32, #tpu.memory_space<vmem>>
    %dma_wait3A_2010 = arith.constant 0 : i32
    %dma_wait3A_2011 = tpu.memref_slice %arg2[%get3A_853, %dma_wait3A_2010] : memref<1000001x64xf32, #tpu.memory_space<any>> -> memref<1x64xf32, #tpu.memory_space<any>>
    tpu.wait_dma2 semaphore(%arg4 : memref<!tpu.dma_semaphore, #tpu.memory_space<semaphore_mem>>) src(%dma_wait3A_2011 : memref<1x64xf32, #tpu.memory_space<any>>) dst(%dma_wait3A_2009 : memref<1x64xf32, #tpu.memory_space<vmem>>)
    %dma_wait3A_2012 = arith.constant 123 : i32
    %dma_wait3A_2013 = arith.constant 0 : i32
    %dma_wait3A_2014 = tpu.memref_slice %arg3[%dma_wait3A_2012, %dma_wait3A_2013] : memref<200x64xf32, #tpu.memory_space<vmem>> -> memref<1x64xf32, #tpu.memory_space<vmem>>
    %dma_wait3A_2015 = arith.constant 0 : i32
    %dma_wait3A_2016 = tpu.memref_slice %arg2[%get3A_860, %dma_wait3A_2015] : memref<1000001x64xf32, #tpu.memory_space<any>> -> memref<1x64xf32, #tpu.memory_space<any>>
    tpu.wait_dma2 semaphore(%arg4 : memref<!tpu.dma_semaphore, #tpu.memory_space<semaphore_mem>>) src(%dma_wait3A_2016 : memref<1x64xf32, #tpu.memory_space<any>>) dst(%dma_wait3A_2014 : memref<1x64xf32, #tpu.memory_space<vmem>>)
    %dma_wait3A_2017 = arith.constant 124 : i32
    %dma_wait3A_2018 = arith.constant 0 : i32
    %dma_wait3A_2019 = tpu.memref_slice %arg3[%dma_wait3A_2017, %dma_wait3A_2018] : memref<200x64xf32, #tpu.memory_space<vmem>> -> memref<1x64xf32, #tpu.memory_space<vmem>>
    %dma_wait3A_2020 = arith.constant 0 : i32
    %dma_wait3A_2021 = tpu.memref_slice %arg2[%get3A_867, %dma_wait3A_2020] : memref<1000001x64xf32, #tpu.memory_space<any>> -> memref<1x64xf32, #tpu.memory_space<any>>
    tpu.wait_dma2 semaphore(%arg4 : memref<!tpu.dma_semaphore, #tpu.memory_space<semaphore_mem>>) src(%dma_wait3A_2021 : memref<1x64xf32, #tpu.memory_space<any>>) dst(%dma_wait3A_2019 : memref<1x64xf32, #tpu.memory_space<vmem>>)
    %dma_wait3A_2022 = arith.constant 125 : i32
    %dma_wait3A_2023 = arith.constant 0 : i32
    %dma_wait3A_2024 = tpu.memref_slice %arg3[%dma_wait3A_2022, %dma_wait3A_2023] : memref<200x64xf32, #tpu.memory_space<vmem>> -> memref<1x64xf32, #tpu.memory_space<vmem>>
    %dma_wait3A_2025 = arith.constant 0 : i32
    %dma_wait3A_2026 = tpu.memref_slice %arg2[%get3A_874, %dma_wait3A_2025] : memref<1000001x64xf32, #tpu.memory_space<any>> -> memref<1x64xf32, #tpu.memory_space<any>>
    tpu.wait_dma2 semaphore(%arg4 : memref<!tpu.dma_semaphore, #tpu.memory_space<semaphore_mem>>) src(%dma_wait3A_2026 : memref<1x64xf32, #tpu.memory_space<any>>) dst(%dma_wait3A_2024 : memref<1x64xf32, #tpu.memory_space<vmem>>)
    %dma_wait3A_2027 = arith.constant 126 : i32
    %dma_wait3A_2028 = arith.constant 0 : i32
    %dma_wait3A_2029 = tpu.memref_slice %arg3[%dma_wait3A_2027, %dma_wait3A_2028] : memref<200x64xf32, #tpu.memory_space<vmem>> -> memref<1x64xf32, #tpu.memory_space<vmem>>
    %dma_wait3A_2030 = arith.constant 0 : i32
    %dma_wait3A_2031 = tpu.memref_slice %arg2[%get3A_881, %dma_wait3A_2030] : memref<1000001x64xf32, #tpu.memory_space<any>> -> memref<1x64xf32, #tpu.memory_space<any>>
    tpu.wait_dma2 semaphore(%arg4 : memref<!tpu.dma_semaphore, #tpu.memory_space<semaphore_mem>>) src(%dma_wait3A_2031 : memref<1x64xf32, #tpu.memory_space<any>>) dst(%dma_wait3A_2029 : memref<1x64xf32, #tpu.memory_space<vmem>>)
    %dma_wait3A_2032 = arith.constant 127 : i32
    %dma_wait3A_2033 = arith.constant 0 : i32
    %dma_wait3A_2034 = tpu.memref_slice %arg3[%dma_wait3A_2032, %dma_wait3A_2033] : memref<200x64xf32, #tpu.memory_space<vmem>> -> memref<1x64xf32, #tpu.memory_space<vmem>>
    %dma_wait3A_2035 = arith.constant 0 : i32
    %dma_wait3A_2036 = tpu.memref_slice %arg2[%get3A_888, %dma_wait3A_2035] : memref<1000001x64xf32, #tpu.memory_space<any>> -> memref<1x64xf32, #tpu.memory_space<any>>
    tpu.wait_dma2 semaphore(%arg4 : memref<!tpu.dma_semaphore, #tpu.memory_space<semaphore_mem>>) src(%dma_wait3A_2036 : memref<1x64xf32, #tpu.memory_space<any>>) dst(%dma_wait3A_2034 : memref<1x64xf32, #tpu.memory_space<vmem>>)
    %dma_wait3A_2037 = arith.constant 128 : i32
    %dma_wait3A_2038 = arith.constant 0 : i32
    %dma_wait3A_2039 = tpu.memref_slice %arg3[%dma_wait3A_2037, %dma_wait3A_2038] : memref<200x64xf32, #tpu.memory_space<vmem>> -> memref<1x64xf32, #tpu.memory_space<vmem>>
    %dma_wait3A_2040 = arith.constant 0 : i32
    %dma_wait3A_2041 = tpu.memref_slice %arg2[%get3A_895, %dma_wait3A_2040] : memref<1000001x64xf32, #tpu.memory_space<any>> -> memref<1x64xf32, #tpu.memory_space<any>>
    tpu.wait_dma2 semaphore(%arg4 : memref<!tpu.dma_semaphore, #tpu.memory_space<semaphore_mem>>) src(%dma_wait3A_2041 : memref<1x64xf32, #tpu.memory_space<any>>) dst(%dma_wait3A_2039 : memref<1x64xf32, #tpu.memory_space<vmem>>)
    %dma_wait3A_2042 = arith.constant 129 : i32
    %dma_wait3A_2043 = arith.constant 0 : i32
    %dma_wait3A_2044 = tpu.memref_slice %arg3[%dma_wait3A_2042, %dma_wait3A_2043] : memref<200x64xf32, #tpu.memory_space<vmem>> -> memref<1x64xf32, #tpu.memory_space<vmem>>
    %dma_wait3A_2045 = arith.constant 0 : i32
    %dma_wait3A_2046 = tpu.memref_slice %arg2[%get3A_902, %dma_wait3A_2045] : memref<1000001x64xf32, #tpu.memory_space<any>> -> memref<1x64xf32, #tpu.memory_space<any>>
    tpu.wait_dma2 semaphore(%arg4 : memref<!tpu.dma_semaphore, #tpu.memory_space<semaphore_mem>>) src(%dma_wait3A_2046 : memref<1x64xf32, #tpu.memory_space<any>>) dst(%dma_wait3A_2044 : memref<1x64xf32, #tpu.memory_space<vmem>>)
    %dma_wait3A_2047 = arith.constant 130 : i32
    %dma_wait3A_2048 = arith.constant 0 : i32
    %dma_wait3A_2049 = tpu.memref_slice %arg3[%dma_wait3A_2047, %dma_wait3A_2048] : memref<200x64xf32, #tpu.memory_space<vmem>> -> memref<1x64xf32, #tpu.memory_space<vmem>>
    %dma_wait3A_2050 = arith.constant 0 : i32
    %dma_wait3A_2051 = tpu.memref_slice %arg2[%get3A_909, %dma_wait3A_2050] : memref<1000001x64xf32, #tpu.memory_space<any>> -> memref<1x64xf32, #tpu.memory_space<any>>
    tpu.wait_dma2 semaphore(%arg4 : memref<!tpu.dma_semaphore, #tpu.memory_space<semaphore_mem>>) src(%dma_wait3A_2051 : memref<1x64xf32, #tpu.memory_space<any>>) dst(%dma_wait3A_2049 : memref<1x64xf32, #tpu.memory_space<vmem>>)
    %dma_wait3A_2052 = arith.constant 131 : i32
    %dma_wait3A_2053 = arith.constant 0 : i32
    %dma_wait3A_2054 = tpu.memref_slice %arg3[%dma_wait3A_2052, %dma_wait3A_2053] : memref<200x64xf32, #tpu.memory_space<vmem>> -> memref<1x64xf32, #tpu.memory_space<vmem>>
    %dma_wait3A_2055 = arith.constant 0 : i32
    %dma_wait3A_2056 = tpu.memref_slice %arg2[%get3A_916, %dma_wait3A_2055] : memref<1000001x64xf32, #tpu.memory_space<any>> -> memref<1x64xf32, #tpu.memory_space<any>>
    tpu.wait_dma2 semaphore(%arg4 : memref<!tpu.dma_semaphore, #tpu.memory_space<semaphore_mem>>) src(%dma_wait3A_2056 : memref<1x64xf32, #tpu.memory_space<any>>) dst(%dma_wait3A_2054 : memref<1x64xf32, #tpu.memory_space<vmem>>)
    %dma_wait3A_2057 = arith.constant 132 : i32
    %dma_wait3A_2058 = arith.constant 0 : i32
    %dma_wait3A_2059 = tpu.memref_slice %arg3[%dma_wait3A_2057, %dma_wait3A_2058] : memref<200x64xf32, #tpu.memory_space<vmem>> -> memref<1x64xf32, #tpu.memory_space<vmem>>
    %dma_wait3A_2060 = arith.constant 0 : i32
    %dma_wait3A_2061 = tpu.memref_slice %arg2[%get3A_923, %dma_wait3A_2060] : memref<1000001x64xf32, #tpu.memory_space<any>> -> memref<1x64xf32, #tpu.memory_space<any>>
    tpu.wait_dma2 semaphore(%arg4 : memref<!tpu.dma_semaphore, #tpu.memory_space<semaphore_mem>>) src(%dma_wait3A_2061 : memref<1x64xf32, #tpu.memory_space<any>>) dst(%dma_wait3A_2059 : memref<1x64xf32, #tpu.memory_space<vmem>>)
    %dma_wait3A_2062 = arith.constant 133 : i32
    %dma_wait3A_2063 = arith.constant 0 : i32
    %dma_wait3A_2064 = tpu.memref_slice %arg3[%dma_wait3A_2062, %dma_wait3A_2063] : memref<200x64xf32, #tpu.memory_space<vmem>> -> memref<1x64xf32, #tpu.memory_space<vmem>>
    %dma_wait3A_2065 = arith.constant 0 : i32
    %dma_wait3A_2066 = tpu.memref_slice %arg2[%get3A_930, %dma_wait3A_2065] : memref<1000001x64xf32, #tpu.memory_space<any>> -> memref<1x64xf32, #tpu.memory_space<any>>
    tpu.wait_dma2 semaphore(%arg4 : memref<!tpu.dma_semaphore, #tpu.memory_space<semaphore_mem>>) src(%dma_wait3A_2066 : memref<1x64xf32, #tpu.memory_space<any>>) dst(%dma_wait3A_2064 : memref<1x64xf32, #tpu.memory_space<vmem>>)
    %dma_wait3A_2067 = arith.constant 134 : i32
    %dma_wait3A_2068 = arith.constant 0 : i32
    %dma_wait3A_2069 = tpu.memref_slice %arg3[%dma_wait3A_2067, %dma_wait3A_2068] : memref<200x64xf32, #tpu.memory_space<vmem>> -> memref<1x64xf32, #tpu.memory_space<vmem>>
    %dma_wait3A_2070 = arith.constant 0 : i32
    %dma_wait3A_2071 = tpu.memref_slice %arg2[%get3A_937, %dma_wait3A_2070] : memref<1000001x64xf32, #tpu.memory_space<any>> -> memref<1x64xf32, #tpu.memory_space<any>>
    tpu.wait_dma2 semaphore(%arg4 : memref<!tpu.dma_semaphore, #tpu.memory_space<semaphore_mem>>) src(%dma_wait3A_2071 : memref<1x64xf32, #tpu.memory_space<any>>) dst(%dma_wait3A_2069 : memref<1x64xf32, #tpu.memory_space<vmem>>)
    %dma_wait3A_2072 = arith.constant 135 : i32
    %dma_wait3A_2073 = arith.constant 0 : i32
    %dma_wait3A_2074 = tpu.memref_slice %arg3[%dma_wait3A_2072, %dma_wait3A_2073] : memref<200x64xf32, #tpu.memory_space<vmem>> -> memref<1x64xf32, #tpu.memory_space<vmem>>
    %dma_wait3A_2075 = arith.constant 0 : i32
    %dma_wait3A_2076 = tpu.memref_slice %arg2[%get3A_944, %dma_wait3A_2075] : memref<1000001x64xf32, #tpu.memory_space<any>> -> memref<1x64xf32, #tpu.memory_space<any>>
    tpu.wait_dma2 semaphore(%arg4 : memref<!tpu.dma_semaphore, #tpu.memory_space<semaphore_mem>>) src(%dma_wait3A_2076 : memref<1x64xf32, #tpu.memory_space<any>>) dst(%dma_wait3A_2074 : memref<1x64xf32, #tpu.memory_space<vmem>>)
    %dma_wait3A_2077 = arith.constant 136 : i32
    %dma_wait3A_2078 = arith.constant 0 : i32
    %dma_wait3A_2079 = tpu.memref_slice %arg3[%dma_wait3A_2077, %dma_wait3A_2078] : memref<200x64xf32, #tpu.memory_space<vmem>> -> memref<1x64xf32, #tpu.memory_space<vmem>>
    %dma_wait3A_2080 = arith.constant 0 : i32
    %dma_wait3A_2081 = tpu.memref_slice %arg2[%get3A_951, %dma_wait3A_2080] : memref<1000001x64xf32, #tpu.memory_space<any>> -> memref<1x64xf32, #tpu.memory_space<any>>
    tpu.wait_dma2 semaphore(%arg4 : memref<!tpu.dma_semaphore, #tpu.memory_space<semaphore_mem>>) src(%dma_wait3A_2081 : memref<1x64xf32, #tpu.memory_space<any>>) dst(%dma_wait3A_2079 : memref<1x64xf32, #tpu.memory_space<vmem>>)
    %dma_wait3A_2082 = arith.constant 137 : i32
    %dma_wait3A_2083 = arith.constant 0 : i32
    %dma_wait3A_2084 = tpu.memref_slice %arg3[%dma_wait3A_2082, %dma_wait3A_2083] : memref<200x64xf32, #tpu.memory_space<vmem>> -> memref<1x64xf32, #tpu.memory_space<vmem>>
    %dma_wait3A_2085 = arith.constant 0 : i32
    %dma_wait3A_2086 = tpu.memref_slice %arg2[%get3A_958, %dma_wait3A_2085] : memref<1000001x64xf32, #tpu.memory_space<any>> -> memref<1x64xf32, #tpu.memory_space<any>>
    tpu.wait_dma2 semaphore(%arg4 : memref<!tpu.dma_semaphore, #tpu.memory_space<semaphore_mem>>) src(%dma_wait3A_2086 : memref<1x64xf32, #tpu.memory_space<any>>) dst(%dma_wait3A_2084 : memref<1x64xf32, #tpu.memory_space<vmem>>)
    %dma_wait3A_2087 = arith.constant 138 : i32
    %dma_wait3A_2088 = arith.constant 0 : i32
    %dma_wait3A_2089 = tpu.memref_slice %arg3[%dma_wait3A_2087, %dma_wait3A_2088] : memref<200x64xf32, #tpu.memory_space<vmem>> -> memref<1x64xf32, #tpu.memory_space<vmem>>
    %dma_wait3A_2090 = arith.constant 0 : i32
    %dma_wait3A_2091 = tpu.memref_slice %arg2[%get3A_965, %dma_wait3A_2090] : memref<1000001x64xf32, #tpu.memory_space<any>> -> memref<1x64xf32, #tpu.memory_space<any>>
    tpu.wait_dma2 semaphore(%arg4 : memref<!tpu.dma_semaphore, #tpu.memory_space<semaphore_mem>>) src(%dma_wait3A_2091 : memref<1x64xf32, #tpu.memory_space<any>>) dst(%dma_wait3A_2089 : memref<1x64xf32, #tpu.memory_space<vmem>>)
    %dma_wait3A_2092 = arith.constant 139 : i32
    %dma_wait3A_2093 = arith.constant 0 : i32
    %dma_wait3A_2094 = tpu.memref_slice %arg3[%dma_wait3A_2092, %dma_wait3A_2093] : memref<200x64xf32, #tpu.memory_space<vmem>> -> memref<1x64xf32, #tpu.memory_space<vmem>>
    %dma_wait3A_2095 = arith.constant 0 : i32
    %dma_wait3A_2096 = tpu.memref_slice %arg2[%get3A_972, %dma_wait3A_2095] : memref<1000001x64xf32, #tpu.memory_space<any>> -> memref<1x64xf32, #tpu.memory_space<any>>
    tpu.wait_dma2 semaphore(%arg4 : memref<!tpu.dma_semaphore, #tpu.memory_space<semaphore_mem>>) src(%dma_wait3A_2096 : memref<1x64xf32, #tpu.memory_space<any>>) dst(%dma_wait3A_2094 : memref<1x64xf32, #tpu.memory_space<vmem>>)
    %dma_wait3A_2097 = arith.constant 140 : i32
    %dma_wait3A_2098 = arith.constant 0 : i32
    %dma_wait3A_2099 = tpu.memref_slice %arg3[%dma_wait3A_2097, %dma_wait3A_2098] : memref<200x64xf32, #tpu.memory_space<vmem>> -> memref<1x64xf32, #tpu.memory_space<vmem>>
    %dma_wait3A_2100 = arith.constant 0 : i32
    %dma_wait3A_2101 = tpu.memref_slice %arg2[%get3A_979, %dma_wait3A_2100] : memref<1000001x64xf32, #tpu.memory_space<any>> -> memref<1x64xf32, #tpu.memory_space<any>>
    tpu.wait_dma2 semaphore(%arg4 : memref<!tpu.dma_semaphore, #tpu.memory_space<semaphore_mem>>) src(%dma_wait3A_2101 : memref<1x64xf32, #tpu.memory_space<any>>) dst(%dma_wait3A_2099 : memref<1x64xf32, #tpu.memory_space<vmem>>)
    %dma_wait3A_2102 = arith.constant 141 : i32
    %dma_wait3A_2103 = arith.constant 0 : i32
    %dma_wait3A_2104 = tpu.memref_slice %arg3[%dma_wait3A_2102, %dma_wait3A_2103] : memref<200x64xf32, #tpu.memory_space<vmem>> -> memref<1x64xf32, #tpu.memory_space<vmem>>
    %dma_wait3A_2105 = arith.constant 0 : i32
    %dma_wait3A_2106 = tpu.memref_slice %arg2[%get3A_986, %dma_wait3A_2105] : memref<1000001x64xf32, #tpu.memory_space<any>> -> memref<1x64xf32, #tpu.memory_space<any>>
    tpu.wait_dma2 semaphore(%arg4 : memref<!tpu.dma_semaphore, #tpu.memory_space<semaphore_mem>>) src(%dma_wait3A_2106 : memref<1x64xf32, #tpu.memory_space<any>>) dst(%dma_wait3A_2104 : memref<1x64xf32, #tpu.memory_space<vmem>>)
    %dma_wait3A_2107 = arith.constant 142 : i32
    %dma_wait3A_2108 = arith.constant 0 : i32
    %dma_wait3A_2109 = tpu.memref_slice %arg3[%dma_wait3A_2107, %dma_wait3A_2108] : memref<200x64xf32, #tpu.memory_space<vmem>> -> memref<1x64xf32, #tpu.memory_space<vmem>>
    %dma_wait3A_2110 = arith.constant 0 : i32
    %dma_wait3A_2111 = tpu.memref_slice %arg2[%get3A_993, %dma_wait3A_2110] : memref<1000001x64xf32, #tpu.memory_space<any>> -> memref<1x64xf32, #tpu.memory_space<any>>
    tpu.wait_dma2 semaphore(%arg4 : memref<!tpu.dma_semaphore, #tpu.memory_space<semaphore_mem>>) src(%dma_wait3A_2111 : memref<1x64xf32, #tpu.memory_space<any>>) dst(%dma_wait3A_2109 : memref<1x64xf32, #tpu.memory_space<vmem>>)
    %dma_wait3A_2112 = arith.constant 143 : i32
    %dma_wait3A_2113 = arith.constant 0 : i32
    %dma_wait3A_2114 = tpu.memref_slice %arg3[%dma_wait3A_2112, %dma_wait3A_2113] : memref<200x64xf32, #tpu.memory_space<vmem>> -> memref<1x64xf32, #tpu.memory_space<vmem>>
    %dma_wait3A_2115 = arith.constant 0 : i32
    %dma_wait3A_2116 = tpu.memref_slice %arg2[%get3A_1000, %dma_wait3A_2115] : memref<1000001x64xf32, #tpu.memory_space<any>> -> memref<1x64xf32, #tpu.memory_space<any>>
    tpu.wait_dma2 semaphore(%arg4 : memref<!tpu.dma_semaphore, #tpu.memory_space<semaphore_mem>>) src(%dma_wait3A_2116 : memref<1x64xf32, #tpu.memory_space<any>>) dst(%dma_wait3A_2114 : memref<1x64xf32, #tpu.memory_space<vmem>>)
    %dma_wait3A_2117 = arith.constant 144 : i32
    %dma_wait3A_2118 = arith.constant 0 : i32
    %dma_wait3A_2119 = tpu.memref_slice %arg3[%dma_wait3A_2117, %dma_wait3A_2118] : memref<200x64xf32, #tpu.memory_space<vmem>> -> memref<1x64xf32, #tpu.memory_space<vmem>>
    %dma_wait3A_2120 = arith.constant 0 : i32
    %dma_wait3A_2121 = tpu.memref_slice %arg2[%get3A_1007, %dma_wait3A_2120] : memref<1000001x64xf32, #tpu.memory_space<any>> -> memref<1x64xf32, #tpu.memory_space<any>>
    tpu.wait_dma2 semaphore(%arg4 : memref<!tpu.dma_semaphore, #tpu.memory_space<semaphore_mem>>) src(%dma_wait3A_2121 : memref<1x64xf32, #tpu.memory_space<any>>) dst(%dma_wait3A_2119 : memref<1x64xf32, #tpu.memory_space<vmem>>)
    %dma_wait3A_2122 = arith.constant 145 : i32
    %dma_wait3A_2123 = arith.constant 0 : i32
    %dma_wait3A_2124 = tpu.memref_slice %arg3[%dma_wait3A_2122, %dma_wait3A_2123] : memref<200x64xf32, #tpu.memory_space<vmem>> -> memref<1x64xf32, #tpu.memory_space<vmem>>
    %dma_wait3A_2125 = arith.constant 0 : i32
    %dma_wait3A_2126 = tpu.memref_slice %arg2[%get3A_1014, %dma_wait3A_2125] : memref<1000001x64xf32, #tpu.memory_space<any>> -> memref<1x64xf32, #tpu.memory_space<any>>
    tpu.wait_dma2 semaphore(%arg4 : memref<!tpu.dma_semaphore, #tpu.memory_space<semaphore_mem>>) src(%dma_wait3A_2126 : memref<1x64xf32, #tpu.memory_space<any>>) dst(%dma_wait3A_2124 : memref<1x64xf32, #tpu.memory_space<vmem>>)
    %dma_wait3A_2127 = arith.constant 146 : i32
    %dma_wait3A_2128 = arith.constant 0 : i32
    %dma_wait3A_2129 = tpu.memref_slice %arg3[%dma_wait3A_2127, %dma_wait3A_2128] : memref<200x64xf32, #tpu.memory_space<vmem>> -> memref<1x64xf32, #tpu.memory_space<vmem>>
    %dma_wait3A_2130 = arith.constant 0 : i32
    %dma_wait3A_2131 = tpu.memref_slice %arg2[%get3A_1021, %dma_wait3A_2130] : memref<1000001x64xf32, #tpu.memory_space<any>> -> memref<1x64xf32, #tpu.memory_space<any>>
    tpu.wait_dma2 semaphore(%arg4 : memref<!tpu.dma_semaphore, #tpu.memory_space<semaphore_mem>>) src(%dma_wait3A_2131 : memref<1x64xf32, #tpu.memory_space<any>>) dst(%dma_wait3A_2129 : memref<1x64xf32, #tpu.memory_space<vmem>>)
    %dma_wait3A_2132 = arith.constant 147 : i32
    %dma_wait3A_2133 = arith.constant 0 : i32
    %dma_wait3A_2134 = tpu.memref_slice %arg3[%dma_wait3A_2132, %dma_wait3A_2133] : memref<200x64xf32, #tpu.memory_space<vmem>> -> memref<1x64xf32, #tpu.memory_space<vmem>>
    %dma_wait3A_2135 = arith.constant 0 : i32
    %dma_wait3A_2136 = tpu.memref_slice %arg2[%get3A_1028, %dma_wait3A_2135] : memref<1000001x64xf32, #tpu.memory_space<any>> -> memref<1x64xf32, #tpu.memory_space<any>>
    tpu.wait_dma2 semaphore(%arg4 : memref<!tpu.dma_semaphore, #tpu.memory_space<semaphore_mem>>) src(%dma_wait3A_2136 : memref<1x64xf32, #tpu.memory_space<any>>) dst(%dma_wait3A_2134 : memref<1x64xf32, #tpu.memory_space<vmem>>)
    %dma_wait3A_2137 = arith.constant 148 : i32
    %dma_wait3A_2138 = arith.constant 0 : i32
    %dma_wait3A_2139 = tpu.memref_slice %arg3[%dma_wait3A_2137, %dma_wait3A_2138] : memref<200x64xf32, #tpu.memory_space<vmem>> -> memref<1x64xf32, #tpu.memory_space<vmem>>
    %dma_wait3A_2140 = arith.constant 0 : i32
    %dma_wait3A_2141 = tpu.memref_slice %arg2[%get3A_1035, %dma_wait3A_2140] : memref<1000001x64xf32, #tpu.memory_space<any>> -> memref<1x64xf32, #tpu.memory_space<any>>
    tpu.wait_dma2 semaphore(%arg4 : memref<!tpu.dma_semaphore, #tpu.memory_space<semaphore_mem>>) src(%dma_wait3A_2141 : memref<1x64xf32, #tpu.memory_space<any>>) dst(%dma_wait3A_2139 : memref<1x64xf32, #tpu.memory_space<vmem>>)
    %dma_wait3A_2142 = arith.constant 149 : i32
    %dma_wait3A_2143 = arith.constant 0 : i32
    %dma_wait3A_2144 = tpu.memref_slice %arg3[%dma_wait3A_2142, %dma_wait3A_2143] : memref<200x64xf32, #tpu.memory_space<vmem>> -> memref<1x64xf32, #tpu.memory_space<vmem>>
    %dma_wait3A_2145 = arith.constant 0 : i32
    %dma_wait3A_2146 = tpu.memref_slice %arg2[%get3A_1042, %dma_wait3A_2145] : memref<1000001x64xf32, #tpu.memory_space<any>> -> memref<1x64xf32, #tpu.memory_space<any>>
    tpu.wait_dma2 semaphore(%arg4 : memref<!tpu.dma_semaphore, #tpu.memory_space<semaphore_mem>>) src(%dma_wait3A_2146 : memref<1x64xf32, #tpu.memory_space<any>>) dst(%dma_wait3A_2144 : memref<1x64xf32, #tpu.memory_space<vmem>>)
    %dma_wait3A_2147 = arith.constant 150 : i32
    %dma_wait3A_2148 = arith.constant 0 : i32
    %dma_wait3A_2149 = tpu.memref_slice %arg3[%dma_wait3A_2147, %dma_wait3A_2148] : memref<200x64xf32, #tpu.memory_space<vmem>> -> memref<1x64xf32, #tpu.memory_space<vmem>>
    %dma_wait3A_2150 = arith.constant 0 : i32
    %dma_wait3A_2151 = tpu.memref_slice %arg2[%get3A_1049, %dma_wait3A_2150] : memref<1000001x64xf32, #tpu.memory_space<any>> -> memref<1x64xf32, #tpu.memory_space<any>>
    tpu.wait_dma2 semaphore(%arg4 : memref<!tpu.dma_semaphore, #tpu.memory_space<semaphore_mem>>) src(%dma_wait3A_2151 : memref<1x64xf32, #tpu.memory_space<any>>) dst(%dma_wait3A_2149 : memref<1x64xf32, #tpu.memory_space<vmem>>)
    %dma_wait3A_2152 = arith.constant 151 : i32
    %dma_wait3A_2153 = arith.constant 0 : i32
    %dma_wait3A_2154 = tpu.memref_slice %arg3[%dma_wait3A_2152, %dma_wait3A_2153] : memref<200x64xf32, #tpu.memory_space<vmem>> -> memref<1x64xf32, #tpu.memory_space<vmem>>
    %dma_wait3A_2155 = arith.constant 0 : i32
    %dma_wait3A_2156 = tpu.memref_slice %arg2[%get3A_1056, %dma_wait3A_2155] : memref<1000001x64xf32, #tpu.memory_space<any>> -> memref<1x64xf32, #tpu.memory_space<any>>
    tpu.wait_dma2 semaphore(%arg4 : memref<!tpu.dma_semaphore, #tpu.memory_space<semaphore_mem>>) src(%dma_wait3A_2156 : memref<1x64xf32, #tpu.memory_space<any>>) dst(%dma_wait3A_2154 : memref<1x64xf32, #tpu.memory_space<vmem>>)
    %dma_wait3A_2157 = arith.constant 152 : i32
    %dma_wait3A_2158 = arith.constant 0 : i32
    %dma_wait3A_2159 = tpu.memref_slice %arg3[%dma_wait3A_2157, %dma_wait3A_2158] : memref<200x64xf32, #tpu.memory_space<vmem>> -> memref<1x64xf32, #tpu.memory_space<vmem>>
    %dma_wait3A_2160 = arith.constant 0 : i32
    %dma_wait3A_2161 = tpu.memref_slice %arg2[%get3A_1063, %dma_wait3A_2160] : memref<1000001x64xf32, #tpu.memory_space<any>> -> memref<1x64xf32, #tpu.memory_space<any>>
    tpu.wait_dma2 semaphore(%arg4 : memref<!tpu.dma_semaphore, #tpu.memory_space<semaphore_mem>>) src(%dma_wait3A_2161 : memref<1x64xf32, #tpu.memory_space<any>>) dst(%dma_wait3A_2159 : memref<1x64xf32, #tpu.memory_space<vmem>>)
    %dma_wait3A_2162 = arith.constant 153 : i32
    %dma_wait3A_2163 = arith.constant 0 : i32
    %dma_wait3A_2164 = tpu.memref_slice %arg3[%dma_wait3A_2162, %dma_wait3A_2163] : memref<200x64xf32, #tpu.memory_space<vmem>> -> memref<1x64xf32, #tpu.memory_space<vmem>>
    %dma_wait3A_2165 = arith.constant 0 : i32
    %dma_wait3A_2166 = tpu.memref_slice %arg2[%get3A_1070, %dma_wait3A_2165] : memref<1000001x64xf32, #tpu.memory_space<any>> -> memref<1x64xf32, #tpu.memory_space<any>>
    tpu.wait_dma2 semaphore(%arg4 : memref<!tpu.dma_semaphore, #tpu.memory_space<semaphore_mem>>) src(%dma_wait3A_2166 : memref<1x64xf32, #tpu.memory_space<any>>) dst(%dma_wait3A_2164 : memref<1x64xf32, #tpu.memory_space<vmem>>)
    %dma_wait3A_2167 = arith.constant 154 : i32
    %dma_wait3A_2168 = arith.constant 0 : i32
    %dma_wait3A_2169 = tpu.memref_slice %arg3[%dma_wait3A_2167, %dma_wait3A_2168] : memref<200x64xf32, #tpu.memory_space<vmem>> -> memref<1x64xf32, #tpu.memory_space<vmem>>
    %dma_wait3A_2170 = arith.constant 0 : i32
    %dma_wait3A_2171 = tpu.memref_slice %arg2[%get3A_1077, %dma_wait3A_2170] : memref<1000001x64xf32, #tpu.memory_space<any>> -> memref<1x64xf32, #tpu.memory_space<any>>
    tpu.wait_dma2 semaphore(%arg4 : memref<!tpu.dma_semaphore, #tpu.memory_space<semaphore_mem>>) src(%dma_wait3A_2171 : memref<1x64xf32, #tpu.memory_space<any>>) dst(%dma_wait3A_2169 : memref<1x64xf32, #tpu.memory_space<vmem>>)
    %dma_wait3A_2172 = arith.constant 155 : i32
    %dma_wait3A_2173 = arith.constant 0 : i32
    %dma_wait3A_2174 = tpu.memref_slice %arg3[%dma_wait3A_2172, %dma_wait3A_2173] : memref<200x64xf32, #tpu.memory_space<vmem>> -> memref<1x64xf32, #tpu.memory_space<vmem>>
    %dma_wait3A_2175 = arith.constant 0 : i32
    %dma_wait3A_2176 = tpu.memref_slice %arg2[%get3A_1084, %dma_wait3A_2175] : memref<1000001x64xf32, #tpu.memory_space<any>> -> memref<1x64xf32, #tpu.memory_space<any>>
    tpu.wait_dma2 semaphore(%arg4 : memref<!tpu.dma_semaphore, #tpu.memory_space<semaphore_mem>>) src(%dma_wait3A_2176 : memref<1x64xf32, #tpu.memory_space<any>>) dst(%dma_wait3A_2174 : memref<1x64xf32, #tpu.memory_space<vmem>>)
    %dma_wait3A_2177 = arith.constant 156 : i32
    %dma_wait3A_2178 = arith.constant 0 : i32
    %dma_wait3A_2179 = tpu.memref_slice %arg3[%dma_wait3A_2177, %dma_wait3A_2178] : memref<200x64xf32, #tpu.memory_space<vmem>> -> memref<1x64xf32, #tpu.memory_space<vmem>>
    %dma_wait3A_2180 = arith.constant 0 : i32
    %dma_wait3A_2181 = tpu.memref_slice %arg2[%get3A_1091, %dma_wait3A_2180] : memref<1000001x64xf32, #tpu.memory_space<any>> -> memref<1x64xf32, #tpu.memory_space<any>>
    tpu.wait_dma2 semaphore(%arg4 : memref<!tpu.dma_semaphore, #tpu.memory_space<semaphore_mem>>) src(%dma_wait3A_2181 : memref<1x64xf32, #tpu.memory_space<any>>) dst(%dma_wait3A_2179 : memref<1x64xf32, #tpu.memory_space<vmem>>)
    %dma_wait3A_2182 = arith.constant 157 : i32
    %dma_wait3A_2183 = arith.constant 0 : i32
    %dma_wait3A_2184 = tpu.memref_slice %arg3[%dma_wait3A_2182, %dma_wait3A_2183] : memref<200x64xf32, #tpu.memory_space<vmem>> -> memref<1x64xf32, #tpu.memory_space<vmem>>
    %dma_wait3A_2185 = arith.constant 0 : i32
    %dma_wait3A_2186 = tpu.memref_slice %arg2[%get3A_1098, %dma_wait3A_2185] : memref<1000001x64xf32, #tpu.memory_space<any>> -> memref<1x64xf32, #tpu.memory_space<any>>
    tpu.wait_dma2 semaphore(%arg4 : memref<!tpu.dma_semaphore, #tpu.memory_space<semaphore_mem>>) src(%dma_wait3A_2186 : memref<1x64xf32, #tpu.memory_space<any>>) dst(%dma_wait3A_2184 : memref<1x64xf32, #tpu.memory_space<vmem>>)
    %dma_wait3A_2187 = arith.constant 158 : i32
    %dma_wait3A_2188 = arith.constant 0 : i32
    %dma_wait3A_2189 = tpu.memref_slice %arg3[%dma_wait3A_2187, %dma_wait3A_2188] : memref<200x64xf32, #tpu.memory_space<vmem>> -> memref<1x64xf32, #tpu.memory_space<vmem>>
    %dma_wait3A_2190 = arith.constant 0 : i32
    %dma_wait3A_2191 = tpu.memref_slice %arg2[%get3A_1105, %dma_wait3A_2190] : memref<1000001x64xf32, #tpu.memory_space<any>> -> memref<1x64xf32, #tpu.memory_space<any>>
    tpu.wait_dma2 semaphore(%arg4 : memref<!tpu.dma_semaphore, #tpu.memory_space<semaphore_mem>>) src(%dma_wait3A_2191 : memref<1x64xf32, #tpu.memory_space<any>>) dst(%dma_wait3A_2189 : memref<1x64xf32, #tpu.memory_space<vmem>>)
    %dma_wait3A_2192 = arith.constant 159 : i32
    %dma_wait3A_2193 = arith.constant 0 : i32
    %dma_wait3A_2194 = tpu.memref_slice %arg3[%dma_wait3A_2192, %dma_wait3A_2193] : memref<200x64xf32, #tpu.memory_space<vmem>> -> memref<1x64xf32, #tpu.memory_space<vmem>>
    %dma_wait3A_2195 = arith.constant 0 : i32
    %dma_wait3A_2196 = tpu.memref_slice %arg2[%get3A_1112, %dma_wait3A_2195] : memref<1000001x64xf32, #tpu.memory_space<any>> -> memref<1x64xf32, #tpu.memory_space<any>>
    tpu.wait_dma2 semaphore(%arg4 : memref<!tpu.dma_semaphore, #tpu.memory_space<semaphore_mem>>) src(%dma_wait3A_2196 : memref<1x64xf32, #tpu.memory_space<any>>) dst(%dma_wait3A_2194 : memref<1x64xf32, #tpu.memory_space<vmem>>)
    %dma_wait3A_2197 = arith.constant 160 : i32
    %dma_wait3A_2198 = arith.constant 0 : i32
    %dma_wait3A_2199 = tpu.memref_slice %arg3[%dma_wait3A_2197, %dma_wait3A_2198] : memref<200x64xf32, #tpu.memory_space<vmem>> -> memref<1x64xf32, #tpu.memory_space<vmem>>
    %dma_wait3A_2200 = arith.constant 0 : i32
    %dma_wait3A_2201 = tpu.memref_slice %arg2[%get3A_1119, %dma_wait3A_2200] : memref<1000001x64xf32, #tpu.memory_space<any>> -> memref<1x64xf32, #tpu.memory_space<any>>
    tpu.wait_dma2 semaphore(%arg4 : memref<!tpu.dma_semaphore, #tpu.memory_space<semaphore_mem>>) src(%dma_wait3A_2201 : memref<1x64xf32, #tpu.memory_space<any>>) dst(%dma_wait3A_2199 : memref<1x64xf32, #tpu.memory_space<vmem>>)
    %dma_wait3A_2202 = arith.constant 161 : i32
    %dma_wait3A_2203 = arith.constant 0 : i32
    %dma_wait3A_2204 = tpu.memref_slice %arg3[%dma_wait3A_2202, %dma_wait3A_2203] : memref<200x64xf32, #tpu.memory_space<vmem>> -> memref<1x64xf32, #tpu.memory_space<vmem>>
    %dma_wait3A_2205 = arith.constant 0 : i32
    %dma_wait3A_2206 = tpu.memref_slice %arg2[%get3A_1126, %dma_wait3A_2205] : memref<1000001x64xf32, #tpu.memory_space<any>> -> memref<1x64xf32, #tpu.memory_space<any>>
    tpu.wait_dma2 semaphore(%arg4 : memref<!tpu.dma_semaphore, #tpu.memory_space<semaphore_mem>>) src(%dma_wait3A_2206 : memref<1x64xf32, #tpu.memory_space<any>>) dst(%dma_wait3A_2204 : memref<1x64xf32, #tpu.memory_space<vmem>>)
    %dma_wait3A_2207 = arith.constant 162 : i32
    %dma_wait3A_2208 = arith.constant 0 : i32
    %dma_wait3A_2209 = tpu.memref_slice %arg3[%dma_wait3A_2207, %dma_wait3A_2208] : memref<200x64xf32, #tpu.memory_space<vmem>> -> memref<1x64xf32, #tpu.memory_space<vmem>>
    %dma_wait3A_2210 = arith.constant 0 : i32
    %dma_wait3A_2211 = tpu.memref_slice %arg2[%get3A_1133, %dma_wait3A_2210] : memref<1000001x64xf32, #tpu.memory_space<any>> -> memref<1x64xf32, #tpu.memory_space<any>>
    tpu.wait_dma2 semaphore(%arg4 : memref<!tpu.dma_semaphore, #tpu.memory_space<semaphore_mem>>) src(%dma_wait3A_2211 : memref<1x64xf32, #tpu.memory_space<any>>) dst(%dma_wait3A_2209 : memref<1x64xf32, #tpu.memory_space<vmem>>)
    %dma_wait3A_2212 = arith.constant 163 : i32
    %dma_wait3A_2213 = arith.constant 0 : i32
    %dma_wait3A_2214 = tpu.memref_slice %arg3[%dma_wait3A_2212, %dma_wait3A_2213] : memref<200x64xf32, #tpu.memory_space<vmem>> -> memref<1x64xf32, #tpu.memory_space<vmem>>
    %dma_wait3A_2215 = arith.constant 0 : i32
    %dma_wait3A_2216 = tpu.memref_slice %arg2[%get3A_1140, %dma_wait3A_2215] : memref<1000001x64xf32, #tpu.memory_space<any>> -> memref<1x64xf32, #tpu.memory_space<any>>
    tpu.wait_dma2 semaphore(%arg4 : memref<!tpu.dma_semaphore, #tpu.memory_space<semaphore_mem>>) src(%dma_wait3A_2216 : memref<1x64xf32, #tpu.memory_space<any>>) dst(%dma_wait3A_2214 : memref<1x64xf32, #tpu.memory_space<vmem>>)
    %dma_wait3A_2217 = arith.constant 164 : i32
    %dma_wait3A_2218 = arith.constant 0 : i32
    %dma_wait3A_2219 = tpu.memref_slice %arg3[%dma_wait3A_2217, %dma_wait3A_2218] : memref<200x64xf32, #tpu.memory_space<vmem>> -> memref<1x64xf32, #tpu.memory_space<vmem>>
    %dma_wait3A_2220 = arith.constant 0 : i32
    %dma_wait3A_2221 = tpu.memref_slice %arg2[%get3A_1147, %dma_wait3A_2220] : memref<1000001x64xf32, #tpu.memory_space<any>> -> memref<1x64xf32, #tpu.memory_space<any>>
    tpu.wait_dma2 semaphore(%arg4 : memref<!tpu.dma_semaphore, #tpu.memory_space<semaphore_mem>>) src(%dma_wait3A_2221 : memref<1x64xf32, #tpu.memory_space<any>>) dst(%dma_wait3A_2219 : memref<1x64xf32, #tpu.memory_space<vmem>>)
    %dma_wait3A_2222 = arith.constant 165 : i32
    %dma_wait3A_2223 = arith.constant 0 : i32
    %dma_wait3A_2224 = tpu.memref_slice %arg3[%dma_wait3A_2222, %dma_wait3A_2223] : memref<200x64xf32, #tpu.memory_space<vmem>> -> memref<1x64xf32, #tpu.memory_space<vmem>>
    %dma_wait3A_2225 = arith.constant 0 : i32
    %dma_wait3A_2226 = tpu.memref_slice %arg2[%get3A_1154, %dma_wait3A_2225] : memref<1000001x64xf32, #tpu.memory_space<any>> -> memref<1x64xf32, #tpu.memory_space<any>>
    tpu.wait_dma2 semaphore(%arg4 : memref<!tpu.dma_semaphore, #tpu.memory_space<semaphore_mem>>) src(%dma_wait3A_2226 : memref<1x64xf32, #tpu.memory_space<any>>) dst(%dma_wait3A_2224 : memref<1x64xf32, #tpu.memory_space<vmem>>)
    %dma_wait3A_2227 = arith.constant 166 : i32
    %dma_wait3A_2228 = arith.constant 0 : i32
    %dma_wait3A_2229 = tpu.memref_slice %arg3[%dma_wait3A_2227, %dma_wait3A_2228] : memref<200x64xf32, #tpu.memory_space<vmem>> -> memref<1x64xf32, #tpu.memory_space<vmem>>
    %dma_wait3A_2230 = arith.constant 0 : i32
    %dma_wait3A_2231 = tpu.memref_slice %arg2[%get3A_1161, %dma_wait3A_2230] : memref<1000001x64xf32, #tpu.memory_space<any>> -> memref<1x64xf32, #tpu.memory_space<any>>
    tpu.wait_dma2 semaphore(%arg4 : memref<!tpu.dma_semaphore, #tpu.memory_space<semaphore_mem>>) src(%dma_wait3A_2231 : memref<1x64xf32, #tpu.memory_space<any>>) dst(%dma_wait3A_2229 : memref<1x64xf32, #tpu.memory_space<vmem>>)
    %dma_wait3A_2232 = arith.constant 167 : i32
    %dma_wait3A_2233 = arith.constant 0 : i32
    %dma_wait3A_2234 = tpu.memref_slice %arg3[%dma_wait3A_2232, %dma_wait3A_2233] : memref<200x64xf32, #tpu.memory_space<vmem>> -> memref<1x64xf32, #tpu.memory_space<vmem>>
    %dma_wait3A_2235 = arith.constant 0 : i32
    %dma_wait3A_2236 = tpu.memref_slice %arg2[%get3A_1168, %dma_wait3A_2235] : memref<1000001x64xf32, #tpu.memory_space<any>> -> memref<1x64xf32, #tpu.memory_space<any>>
    tpu.wait_dma2 semaphore(%arg4 : memref<!tpu.dma_semaphore, #tpu.memory_space<semaphore_mem>>) src(%dma_wait3A_2236 : memref<1x64xf32, #tpu.memory_space<any>>) dst(%dma_wait3A_2234 : memref<1x64xf32, #tpu.memory_space<vmem>>)
    %dma_wait3A_2237 = arith.constant 168 : i32
    %dma_wait3A_2238 = arith.constant 0 : i32
    %dma_wait3A_2239 = tpu.memref_slice %arg3[%dma_wait3A_2237, %dma_wait3A_2238] : memref<200x64xf32, #tpu.memory_space<vmem>> -> memref<1x64xf32, #tpu.memory_space<vmem>>
    %dma_wait3A_2240 = arith.constant 0 : i32
    %dma_wait3A_2241 = tpu.memref_slice %arg2[%get3A_1175, %dma_wait3A_2240] : memref<1000001x64xf32, #tpu.memory_space<any>> -> memref<1x64xf32, #tpu.memory_space<any>>
    tpu.wait_dma2 semaphore(%arg4 : memref<!tpu.dma_semaphore, #tpu.memory_space<semaphore_mem>>) src(%dma_wait3A_2241 : memref<1x64xf32, #tpu.memory_space<any>>) dst(%dma_wait3A_2239 : memref<1x64xf32, #tpu.memory_space<vmem>>)
    %dma_wait3A_2242 = arith.constant 169 : i32
    %dma_wait3A_2243 = arith.constant 0 : i32
    %dma_wait3A_2244 = tpu.memref_slice %arg3[%dma_wait3A_2242, %dma_wait3A_2243] : memref<200x64xf32, #tpu.memory_space<vmem>> -> memref<1x64xf32, #tpu.memory_space<vmem>>
    %dma_wait3A_2245 = arith.constant 0 : i32
    %dma_wait3A_2246 = tpu.memref_slice %arg2[%get3A_1182, %dma_wait3A_2245] : memref<1000001x64xf32, #tpu.memory_space<any>> -> memref<1x64xf32, #tpu.memory_space<any>>
    tpu.wait_dma2 semaphore(%arg4 : memref<!tpu.dma_semaphore, #tpu.memory_space<semaphore_mem>>) src(%dma_wait3A_2246 : memref<1x64xf32, #tpu.memory_space<any>>) dst(%dma_wait3A_2244 : memref<1x64xf32, #tpu.memory_space<vmem>>)
    %dma_wait3A_2247 = arith.constant 170 : i32
    %dma_wait3A_2248 = arith.constant 0 : i32
    %dma_wait3A_2249 = tpu.memref_slice %arg3[%dma_wait3A_2247, %dma_wait3A_2248] : memref<200x64xf32, #tpu.memory_space<vmem>> -> memref<1x64xf32, #tpu.memory_space<vmem>>
    %dma_wait3A_2250 = arith.constant 0 : i32
    %dma_wait3A_2251 = tpu.memref_slice %arg2[%get3A_1189, %dma_wait3A_2250] : memref<1000001x64xf32, #tpu.memory_space<any>> -> memref<1x64xf32, #tpu.memory_space<any>>
    tpu.wait_dma2 semaphore(%arg4 : memref<!tpu.dma_semaphore, #tpu.memory_space<semaphore_mem>>) src(%dma_wait3A_2251 : memref<1x64xf32, #tpu.memory_space<any>>) dst(%dma_wait3A_2249 : memref<1x64xf32, #tpu.memory_space<vmem>>)
    %dma_wait3A_2252 = arith.constant 171 : i32
    %dma_wait3A_2253 = arith.constant 0 : i32
    %dma_wait3A_2254 = tpu.memref_slice %arg3[%dma_wait3A_2252, %dma_wait3A_2253] : memref<200x64xf32, #tpu.memory_space<vmem>> -> memref<1x64xf32, #tpu.memory_space<vmem>>
    %dma_wait3A_2255 = arith.constant 0 : i32
    %dma_wait3A_2256 = tpu.memref_slice %arg2[%get3A_1196, %dma_wait3A_2255] : memref<1000001x64xf32, #tpu.memory_space<any>> -> memref<1x64xf32, #tpu.memory_space<any>>
    tpu.wait_dma2 semaphore(%arg4 : memref<!tpu.dma_semaphore, #tpu.memory_space<semaphore_mem>>) src(%dma_wait3A_2256 : memref<1x64xf32, #tpu.memory_space<any>>) dst(%dma_wait3A_2254 : memref<1x64xf32, #tpu.memory_space<vmem>>)
    %dma_wait3A_2257 = arith.constant 172 : i32
    %dma_wait3A_2258 = arith.constant 0 : i32
    %dma_wait3A_2259 = tpu.memref_slice %arg3[%dma_wait3A_2257, %dma_wait3A_2258] : memref<200x64xf32, #tpu.memory_space<vmem>> -> memref<1x64xf32, #tpu.memory_space<vmem>>
    %dma_wait3A_2260 = arith.constant 0 : i32
    %dma_wait3A_2261 = tpu.memref_slice %arg2[%get3A_1203, %dma_wait3A_2260] : memref<1000001x64xf32, #tpu.memory_space<any>> -> memref<1x64xf32, #tpu.memory_space<any>>
    tpu.wait_dma2 semaphore(%arg4 : memref<!tpu.dma_semaphore, #tpu.memory_space<semaphore_mem>>) src(%dma_wait3A_2261 : memref<1x64xf32, #tpu.memory_space<any>>) dst(%dma_wait3A_2259 : memref<1x64xf32, #tpu.memory_space<vmem>>)
    %dma_wait3A_2262 = arith.constant 173 : i32
    %dma_wait3A_2263 = arith.constant 0 : i32
    %dma_wait3A_2264 = tpu.memref_slice %arg3[%dma_wait3A_2262, %dma_wait3A_2263] : memref<200x64xf32, #tpu.memory_space<vmem>> -> memref<1x64xf32, #tpu.memory_space<vmem>>
    %dma_wait3A_2265 = arith.constant 0 : i32
    %dma_wait3A_2266 = tpu.memref_slice %arg2[%get3A_1210, %dma_wait3A_2265] : memref<1000001x64xf32, #tpu.memory_space<any>> -> memref<1x64xf32, #tpu.memory_space<any>>
    tpu.wait_dma2 semaphore(%arg4 : memref<!tpu.dma_semaphore, #tpu.memory_space<semaphore_mem>>) src(%dma_wait3A_2266 : memref<1x64xf32, #tpu.memory_space<any>>) dst(%dma_wait3A_2264 : memref<1x64xf32, #tpu.memory_space<vmem>>)
    %dma_wait3A_2267 = arith.constant 174 : i32
    %dma_wait3A_2268 = arith.constant 0 : i32
    %dma_wait3A_2269 = tpu.memref_slice %arg3[%dma_wait3A_2267, %dma_wait3A_2268] : memref<200x64xf32, #tpu.memory_space<vmem>> -> memref<1x64xf32, #tpu.memory_space<vmem>>
    %dma_wait3A_2270 = arith.constant 0 : i32
    %dma_wait3A_2271 = tpu.memref_slice %arg2[%get3A_1217, %dma_wait3A_2270] : memref<1000001x64xf32, #tpu.memory_space<any>> -> memref<1x64xf32, #tpu.memory_space<any>>
    tpu.wait_dma2 semaphore(%arg4 : memref<!tpu.dma_semaphore, #tpu.memory_space<semaphore_mem>>) src(%dma_wait3A_2271 : memref<1x64xf32, #tpu.memory_space<any>>) dst(%dma_wait3A_2269 : memref<1x64xf32, #tpu.memory_space<vmem>>)
    %dma_wait3A_2272 = arith.constant 175 : i32
    %dma_wait3A_2273 = arith.constant 0 : i32
    %dma_wait3A_2274 = tpu.memref_slice %arg3[%dma_wait3A_2272, %dma_wait3A_2273] : memref<200x64xf32, #tpu.memory_space<vmem>> -> memref<1x64xf32, #tpu.memory_space<vmem>>
    %dma_wait3A_2275 = arith.constant 0 : i32
    %dma_wait3A_2276 = tpu.memref_slice %arg2[%get3A_1224, %dma_wait3A_2275] : memref<1000001x64xf32, #tpu.memory_space<any>> -> memref<1x64xf32, #tpu.memory_space<any>>
    tpu.wait_dma2 semaphore(%arg4 : memref<!tpu.dma_semaphore, #tpu.memory_space<semaphore_mem>>) src(%dma_wait3A_2276 : memref<1x64xf32, #tpu.memory_space<any>>) dst(%dma_wait3A_2274 : memref<1x64xf32, #tpu.memory_space<vmem>>)
    %dma_wait3A_2277 = arith.constant 176 : i32
    %dma_wait3A_2278 = arith.constant 0 : i32
    %dma_wait3A_2279 = tpu.memref_slice %arg3[%dma_wait3A_2277, %dma_wait3A_2278] : memref<200x64xf32, #tpu.memory_space<vmem>> -> memref<1x64xf32, #tpu.memory_space<vmem>>
    %dma_wait3A_2280 = arith.constant 0 : i32
    %dma_wait3A_2281 = tpu.memref_slice %arg2[%get3A_1231, %dma_wait3A_2280] : memref<1000001x64xf32, #tpu.memory_space<any>> -> memref<1x64xf32, #tpu.memory_space<any>>
    tpu.wait_dma2 semaphore(%arg4 : memref<!tpu.dma_semaphore, #tpu.memory_space<semaphore_mem>>) src(%dma_wait3A_2281 : memref<1x64xf32, #tpu.memory_space<any>>) dst(%dma_wait3A_2279 : memref<1x64xf32, #tpu.memory_space<vmem>>)
    %dma_wait3A_2282 = arith.constant 177 : i32
    %dma_wait3A_2283 = arith.constant 0 : i32
    %dma_wait3A_2284 = tpu.memref_slice %arg3[%dma_wait3A_2282, %dma_wait3A_2283] : memref<200x64xf32, #tpu.memory_space<vmem>> -> memref<1x64xf32, #tpu.memory_space<vmem>>
    %dma_wait3A_2285 = arith.constant 0 : i32
    %dma_wait3A_2286 = tpu.memref_slice %arg2[%get3A_1238, %dma_wait3A_2285] : memref<1000001x64xf32, #tpu.memory_space<any>> -> memref<1x64xf32, #tpu.memory_space<any>>
    tpu.wait_dma2 semaphore(%arg4 : memref<!tpu.dma_semaphore, #tpu.memory_space<semaphore_mem>>) src(%dma_wait3A_2286 : memref<1x64xf32, #tpu.memory_space<any>>) dst(%dma_wait3A_2284 : memref<1x64xf32, #tpu.memory_space<vmem>>)
    %dma_wait3A_2287 = arith.constant 178 : i32
    %dma_wait3A_2288 = arith.constant 0 : i32
    %dma_wait3A_2289 = tpu.memref_slice %arg3[%dma_wait3A_2287, %dma_wait3A_2288] : memref<200x64xf32, #tpu.memory_space<vmem>> -> memref<1x64xf32, #tpu.memory_space<vmem>>
    %dma_wait3A_2290 = arith.constant 0 : i32
    %dma_wait3A_2291 = tpu.memref_slice %arg2[%get3A_1245, %dma_wait3A_2290] : memref<1000001x64xf32, #tpu.memory_space<any>> -> memref<1x64xf32, #tpu.memory_space<any>>
    tpu.wait_dma2 semaphore(%arg4 : memref<!tpu.dma_semaphore, #tpu.memory_space<semaphore_mem>>) src(%dma_wait3A_2291 : memref<1x64xf32, #tpu.memory_space<any>>) dst(%dma_wait3A_2289 : memref<1x64xf32, #tpu.memory_space<vmem>>)
    %dma_wait3A_2292 = arith.constant 179 : i32
    %dma_wait3A_2293 = arith.constant 0 : i32
    %dma_wait3A_2294 = tpu.memref_slice %arg3[%dma_wait3A_2292, %dma_wait3A_2293] : memref<200x64xf32, #tpu.memory_space<vmem>> -> memref<1x64xf32, #tpu.memory_space<vmem>>
    %dma_wait3A_2295 = arith.constant 0 : i32
    %dma_wait3A_2296 = tpu.memref_slice %arg2[%get3A_1252, %dma_wait3A_2295] : memref<1000001x64xf32, #tpu.memory_space<any>> -> memref<1x64xf32, #tpu.memory_space<any>>
    tpu.wait_dma2 semaphore(%arg4 : memref<!tpu.dma_semaphore, #tpu.memory_space<semaphore_mem>>) src(%dma_wait3A_2296 : memref<1x64xf32, #tpu.memory_space<any>>) dst(%dma_wait3A_2294 : memref<1x64xf32, #tpu.memory_space<vmem>>)
    %dma_wait3A_2297 = arith.constant 180 : i32
    %dma_wait3A_2298 = arith.constant 0 : i32
    %dma_wait3A_2299 = tpu.memref_slice %arg3[%dma_wait3A_2297, %dma_wait3A_2298] : memref<200x64xf32, #tpu.memory_space<vmem>> -> memref<1x64xf32, #tpu.memory_space<vmem>>
    %dma_wait3A_2300 = arith.constant 0 : i32
    %dma_wait3A_2301 = tpu.memref_slice %arg2[%get3A_1259, %dma_wait3A_2300] : memref<1000001x64xf32, #tpu.memory_space<any>> -> memref<1x64xf32, #tpu.memory_space<any>>
    tpu.wait_dma2 semaphore(%arg4 : memref<!tpu.dma_semaphore, #tpu.memory_space<semaphore_mem>>) src(%dma_wait3A_2301 : memref<1x64xf32, #tpu.memory_space<any>>) dst(%dma_wait3A_2299 : memref<1x64xf32, #tpu.memory_space<vmem>>)
    %dma_wait3A_2302 = arith.constant 181 : i32
    %dma_wait3A_2303 = arith.constant 0 : i32
    %dma_wait3A_2304 = tpu.memref_slice %arg3[%dma_wait3A_2302, %dma_wait3A_2303] : memref<200x64xf32, #tpu.memory_space<vmem>> -> memref<1x64xf32, #tpu.memory_space<vmem>>
    %dma_wait3A_2305 = arith.constant 0 : i32
    %dma_wait3A_2306 = tpu.memref_slice %arg2[%get3A_1266, %dma_wait3A_2305] : memref<1000001x64xf32, #tpu.memory_space<any>> -> memref<1x64xf32, #tpu.memory_space<any>>
    tpu.wait_dma2 semaphore(%arg4 : memref<!tpu.dma_semaphore, #tpu.memory_space<semaphore_mem>>) src(%dma_wait3A_2306 : memref<1x64xf32, #tpu.memory_space<any>>) dst(%dma_wait3A_2304 : memref<1x64xf32, #tpu.memory_space<vmem>>)
    %dma_wait3A_2307 = arith.constant 182 : i32
    %dma_wait3A_2308 = arith.constant 0 : i32
    %dma_wait3A_2309 = tpu.memref_slice %arg3[%dma_wait3A_2307, %dma_wait3A_2308] : memref<200x64xf32, #tpu.memory_space<vmem>> -> memref<1x64xf32, #tpu.memory_space<vmem>>
    %dma_wait3A_2310 = arith.constant 0 : i32
    %dma_wait3A_2311 = tpu.memref_slice %arg2[%get3A_1273, %dma_wait3A_2310] : memref<1000001x64xf32, #tpu.memory_space<any>> -> memref<1x64xf32, #tpu.memory_space<any>>
    tpu.wait_dma2 semaphore(%arg4 : memref<!tpu.dma_semaphore, #tpu.memory_space<semaphore_mem>>) src(%dma_wait3A_2311 : memref<1x64xf32, #tpu.memory_space<any>>) dst(%dma_wait3A_2309 : memref<1x64xf32, #tpu.memory_space<vmem>>)
    %dma_wait3A_2312 = arith.constant 183 : i32
    %dma_wait3A_2313 = arith.constant 0 : i32
    %dma_wait3A_2314 = tpu.memref_slice %arg3[%dma_wait3A_2312, %dma_wait3A_2313] : memref<200x64xf32, #tpu.memory_space<vmem>> -> memref<1x64xf32, #tpu.memory_space<vmem>>
    %dma_wait3A_2315 = arith.constant 0 : i32
    %dma_wait3A_2316 = tpu.memref_slice %arg2[%get3A_1280, %dma_wait3A_2315] : memref<1000001x64xf32, #tpu.memory_space<any>> -> memref<1x64xf32, #tpu.memory_space<any>>
    tpu.wait_dma2 semaphore(%arg4 : memref<!tpu.dma_semaphore, #tpu.memory_space<semaphore_mem>>) src(%dma_wait3A_2316 : memref<1x64xf32, #tpu.memory_space<any>>) dst(%dma_wait3A_2314 : memref<1x64xf32, #tpu.memory_space<vmem>>)
    %dma_wait3A_2317 = arith.constant 184 : i32
    %dma_wait3A_2318 = arith.constant 0 : i32
    %dma_wait3A_2319 = tpu.memref_slice %arg3[%dma_wait3A_2317, %dma_wait3A_2318] : memref<200x64xf32, #tpu.memory_space<vmem>> -> memref<1x64xf32, #tpu.memory_space<vmem>>
    %dma_wait3A_2320 = arith.constant 0 : i32
    %dma_wait3A_2321 = tpu.memref_slice %arg2[%get3A_1287, %dma_wait3A_2320] : memref<1000001x64xf32, #tpu.memory_space<any>> -> memref<1x64xf32, #tpu.memory_space<any>>
    tpu.wait_dma2 semaphore(%arg4 : memref<!tpu.dma_semaphore, #tpu.memory_space<semaphore_mem>>) src(%dma_wait3A_2321 : memref<1x64xf32, #tpu.memory_space<any>>) dst(%dma_wait3A_2319 : memref<1x64xf32, #tpu.memory_space<vmem>>)
    %dma_wait3A_2322 = arith.constant 185 : i32
    %dma_wait3A_2323 = arith.constant 0 : i32
    %dma_wait3A_2324 = tpu.memref_slice %arg3[%dma_wait3A_2322, %dma_wait3A_2323] : memref<200x64xf32, #tpu.memory_space<vmem>> -> memref<1x64xf32, #tpu.memory_space<vmem>>
    %dma_wait3A_2325 = arith.constant 0 : i32
    %dma_wait3A_2326 = tpu.memref_slice %arg2[%get3A_1294, %dma_wait3A_2325] : memref<1000001x64xf32, #tpu.memory_space<any>> -> memref<1x64xf32, #tpu.memory_space<any>>
    tpu.wait_dma2 semaphore(%arg4 : memref<!tpu.dma_semaphore, #tpu.memory_space<semaphore_mem>>) src(%dma_wait3A_2326 : memref<1x64xf32, #tpu.memory_space<any>>) dst(%dma_wait3A_2324 : memref<1x64xf32, #tpu.memory_space<vmem>>)
    %dma_wait3A_2327 = arith.constant 186 : i32
    %dma_wait3A_2328 = arith.constant 0 : i32
    %dma_wait3A_2329 = tpu.memref_slice %arg3[%dma_wait3A_2327, %dma_wait3A_2328] : memref<200x64xf32, #tpu.memory_space<vmem>> -> memref<1x64xf32, #tpu.memory_space<vmem>>
    %dma_wait3A_2330 = arith.constant 0 : i32
    %dma_wait3A_2331 = tpu.memref_slice %arg2[%get3A_1301, %dma_wait3A_2330] : memref<1000001x64xf32, #tpu.memory_space<any>> -> memref<1x64xf32, #tpu.memory_space<any>>
    tpu.wait_dma2 semaphore(%arg4 : memref<!tpu.dma_semaphore, #tpu.memory_space<semaphore_mem>>) src(%dma_wait3A_2331 : memref<1x64xf32, #tpu.memory_space<any>>) dst(%dma_wait3A_2329 : memref<1x64xf32, #tpu.memory_space<vmem>>)
    %dma_wait3A_2332 = arith.constant 187 : i32
    %dma_wait3A_2333 = arith.constant 0 : i32
    %dma_wait3A_2334 = tpu.memref_slice %arg3[%dma_wait3A_2332, %dma_wait3A_2333] : memref<200x64xf32, #tpu.memory_space<vmem>> -> memref<1x64xf32, #tpu.memory_space<vmem>>
    %dma_wait3A_2335 = arith.constant 0 : i32
    %dma_wait3A_2336 = tpu.memref_slice %arg2[%get3A_1308, %dma_wait3A_2335] : memref<1000001x64xf32, #tpu.memory_space<any>> -> memref<1x64xf32, #tpu.memory_space<any>>
    tpu.wait_dma2 semaphore(%arg4 : memref<!tpu.dma_semaphore, #tpu.memory_space<semaphore_mem>>) src(%dma_wait3A_2336 : memref<1x64xf32, #tpu.memory_space<any>>) dst(%dma_wait3A_2334 : memref<1x64xf32, #tpu.memory_space<vmem>>)
    %dma_wait3A_2337 = arith.constant 188 : i32
    %dma_wait3A_2338 = arith.constant 0 : i32
    %dma_wait3A_2339 = tpu.memref_slice %arg3[%dma_wait3A_2337, %dma_wait3A_2338] : memref<200x64xf32, #tpu.memory_space<vmem>> -> memref<1x64xf32, #tpu.memory_space<vmem>>
    %dma_wait3A_2340 = arith.constant 0 : i32
    %dma_wait3A_2341 = tpu.memref_slice %arg2[%get3A_1315, %dma_wait3A_2340] : memref<1000001x64xf32, #tpu.memory_space<any>> -> memref<1x64xf32, #tpu.memory_space<any>>
    tpu.wait_dma2 semaphore(%arg4 : memref<!tpu.dma_semaphore, #tpu.memory_space<semaphore_mem>>) src(%dma_wait3A_2341 : memref<1x64xf32, #tpu.memory_space<any>>) dst(%dma_wait3A_2339 : memref<1x64xf32, #tpu.memory_space<vmem>>)
    %dma_wait3A_2342 = arith.constant 189 : i32
    %dma_wait3A_2343 = arith.constant 0 : i32
    %dma_wait3A_2344 = tpu.memref_slice %arg3[%dma_wait3A_2342, %dma_wait3A_2343] : memref<200x64xf32, #tpu.memory_space<vmem>> -> memref<1x64xf32, #tpu.memory_space<vmem>>
    %dma_wait3A_2345 = arith.constant 0 : i32
    %dma_wait3A_2346 = tpu.memref_slice %arg2[%get3A_1322, %dma_wait3A_2345] : memref<1000001x64xf32, #tpu.memory_space<any>> -> memref<1x64xf32, #tpu.memory_space<any>>
    tpu.wait_dma2 semaphore(%arg4 : memref<!tpu.dma_semaphore, #tpu.memory_space<semaphore_mem>>) src(%dma_wait3A_2346 : memref<1x64xf32, #tpu.memory_space<any>>) dst(%dma_wait3A_2344 : memref<1x64xf32, #tpu.memory_space<vmem>>)
    %dma_wait3A_2347 = arith.constant 190 : i32
    %dma_wait3A_2348 = arith.constant 0 : i32
    %dma_wait3A_2349 = tpu.memref_slice %arg3[%dma_wait3A_2347, %dma_wait3A_2348] : memref<200x64xf32, #tpu.memory_space<vmem>> -> memref<1x64xf32, #tpu.memory_space<vmem>>
    %dma_wait3A_2350 = arith.constant 0 : i32
    %dma_wait3A_2351 = tpu.memref_slice %arg2[%get3A_1329, %dma_wait3A_2350] : memref<1000001x64xf32, #tpu.memory_space<any>> -> memref<1x64xf32, #tpu.memory_space<any>>
    tpu.wait_dma2 semaphore(%arg4 : memref<!tpu.dma_semaphore, #tpu.memory_space<semaphore_mem>>) src(%dma_wait3A_2351 : memref<1x64xf32, #tpu.memory_space<any>>) dst(%dma_wait3A_2349 : memref<1x64xf32, #tpu.memory_space<vmem>>)
    %dma_wait3A_2352 = arith.constant 191 : i32
    %dma_wait3A_2353 = arith.constant 0 : i32
    %dma_wait3A_2354 = tpu.memref_slice %arg3[%dma_wait3A_2352, %dma_wait3A_2353] : memref<200x64xf32, #tpu.memory_space<vmem>> -> memref<1x64xf32, #tpu.memory_space<vmem>>
    %dma_wait3A_2355 = arith.constant 0 : i32
    %dma_wait3A_2356 = tpu.memref_slice %arg2[%get3A_1336, %dma_wait3A_2355] : memref<1000001x64xf32, #tpu.memory_space<any>> -> memref<1x64xf32, #tpu.memory_space<any>>
    tpu.wait_dma2 semaphore(%arg4 : memref<!tpu.dma_semaphore, #tpu.memory_space<semaphore_mem>>) src(%dma_wait3A_2356 : memref<1x64xf32, #tpu.memory_space<any>>) dst(%dma_wait3A_2354 : memref<1x64xf32, #tpu.memory_space<vmem>>)
    %dma_wait3A_2357 = arith.constant 192 : i32
    %dma_wait3A_2358 = arith.constant 0 : i32
    %dma_wait3A_2359 = tpu.memref_slice %arg3[%dma_wait3A_2357, %dma_wait3A_2358] : memref<200x64xf32, #tpu.memory_space<vmem>> -> memref<1x64xf32, #tpu.memory_space<vmem>>
    %dma_wait3A_2360 = arith.constant 0 : i32
    %dma_wait3A_2361 = tpu.memref_slice %arg2[%get3A_1343, %dma_wait3A_2360] : memref<1000001x64xf32, #tpu.memory_space<any>> -> memref<1x64xf32, #tpu.memory_space<any>>
    tpu.wait_dma2 semaphore(%arg4 : memref<!tpu.dma_semaphore, #tpu.memory_space<semaphore_mem>>) src(%dma_wait3A_2361 : memref<1x64xf32, #tpu.memory_space<any>>) dst(%dma_wait3A_2359 : memref<1x64xf32, #tpu.memory_space<vmem>>)
    %dma_wait3A_2362 = arith.constant 193 : i32
    %dma_wait3A_2363 = arith.constant 0 : i32
    %dma_wait3A_2364 = tpu.memref_slice %arg3[%dma_wait3A_2362, %dma_wait3A_2363] : memref<200x64xf32, #tpu.memory_space<vmem>> -> memref<1x64xf32, #tpu.memory_space<vmem>>
    %dma_wait3A_2365 = arith.constant 0 : i32
    %dma_wait3A_2366 = tpu.memref_slice %arg2[%get3A_1350, %dma_wait3A_2365] : memref<1000001x64xf32, #tpu.memory_space<any>> -> memref<1x64xf32, #tpu.memory_space<any>>
    tpu.wait_dma2 semaphore(%arg4 : memref<!tpu.dma_semaphore, #tpu.memory_space<semaphore_mem>>) src(%dma_wait3A_2366 : memref<1x64xf32, #tpu.memory_space<any>>) dst(%dma_wait3A_2364 : memref<1x64xf32, #tpu.memory_space<vmem>>)
    %dma_wait3A_2367 = arith.constant 194 : i32
    %dma_wait3A_2368 = arith.constant 0 : i32
    %dma_wait3A_2369 = tpu.memref_slice %arg3[%dma_wait3A_2367, %dma_wait3A_2368] : memref<200x64xf32, #tpu.memory_space<vmem>> -> memref<1x64xf32, #tpu.memory_space<vmem>>
    %dma_wait3A_2370 = arith.constant 0 : i32
    %dma_wait3A_2371 = tpu.memref_slice %arg2[%get3A_1357, %dma_wait3A_2370] : memref<1000001x64xf32, #tpu.memory_space<any>> -> memref<1x64xf32, #tpu.memory_space<any>>
    tpu.wait_dma2 semaphore(%arg4 : memref<!tpu.dma_semaphore, #tpu.memory_space<semaphore_mem>>) src(%dma_wait3A_2371 : memref<1x64xf32, #tpu.memory_space<any>>) dst(%dma_wait3A_2369 : memref<1x64xf32, #tpu.memory_space<vmem>>)
    %dma_wait3A_2372 = arith.constant 195 : i32
    %dma_wait3A_2373 = arith.constant 0 : i32
    %dma_wait3A_2374 = tpu.memref_slice %arg3[%dma_wait3A_2372, %dma_wait3A_2373] : memref<200x64xf32, #tpu.memory_space<vmem>> -> memref<1x64xf32, #tpu.memory_space<vmem>>
    %dma_wait3A_2375 = arith.constant 0 : i32
    %dma_wait3A_2376 = tpu.memref_slice %arg2[%get3A_1364, %dma_wait3A_2375] : memref<1000001x64xf32, #tpu.memory_space<any>> -> memref<1x64xf32, #tpu.memory_space<any>>
    tpu.wait_dma2 semaphore(%arg4 : memref<!tpu.dma_semaphore, #tpu.memory_space<semaphore_mem>>) src(%dma_wait3A_2376 : memref<1x64xf32, #tpu.memory_space<any>>) dst(%dma_wait3A_2374 : memref<1x64xf32, #tpu.memory_space<vmem>>)
    %dma_wait3A_2377 = arith.constant 196 : i32
    %dma_wait3A_2378 = arith.constant 0 : i32
    %dma_wait3A_2379 = tpu.memref_slice %arg3[%dma_wait3A_2377, %dma_wait3A_2378] : memref<200x64xf32, #tpu.memory_space<vmem>> -> memref<1x64xf32, #tpu.memory_space<vmem>>
    %dma_wait3A_2380 = arith.constant 0 : i32
    %dma_wait3A_2381 = tpu.memref_slice %arg2[%get3A_1371, %dma_wait3A_2380] : memref<1000001x64xf32, #tpu.memory_space<any>> -> memref<1x64xf32, #tpu.memory_space<any>>
    tpu.wait_dma2 semaphore(%arg4 : memref<!tpu.dma_semaphore, #tpu.memory_space<semaphore_mem>>) src(%dma_wait3A_2381 : memref<1x64xf32, #tpu.memory_space<any>>) dst(%dma_wait3A_2379 : memref<1x64xf32, #tpu.memory_space<vmem>>)
    %dma_wait3A_2382 = arith.constant 197 : i32
    %dma_wait3A_2383 = arith.constant 0 : i32
    %dma_wait3A_2384 = tpu.memref_slice %arg3[%dma_wait3A_2382, %dma_wait3A_2383] : memref<200x64xf32, #tpu.memory_space<vmem>> -> memref<1x64xf32, #tpu.memory_space<vmem>>
    %dma_wait3A_2385 = arith.constant 0 : i32
    %dma_wait3A_2386 = tpu.memref_slice %arg2[%get3A_1378, %dma_wait3A_2385] : memref<1000001x64xf32, #tpu.memory_space<any>> -> memref<1x64xf32, #tpu.memory_space<any>>
    tpu.wait_dma2 semaphore(%arg4 : memref<!tpu.dma_semaphore, #tpu.memory_space<semaphore_mem>>) src(%dma_wait3A_2386 : memref<1x64xf32, #tpu.memory_space<any>>) dst(%dma_wait3A_2384 : memref<1x64xf32, #tpu.memory_space<vmem>>)
    %dma_wait3A_2387 = arith.constant 198 : i32
    %dma_wait3A_2388 = arith.constant 0 : i32
    %dma_wait3A_2389 = tpu.memref_slice %arg3[%dma_wait3A_2387, %dma_wait3A_2388] : memref<200x64xf32, #tpu.memory_space<vmem>> -> memref<1x64xf32, #tpu.memory_space<vmem>>
    %dma_wait3A_2390 = arith.constant 0 : i32
    %dma_wait3A_2391 = tpu.memref_slice %arg2[%get3A_1385, %dma_wait3A_2390] : memref<1000001x64xf32, #tpu.memory_space<any>> -> memref<1x64xf32, #tpu.memory_space<any>>
    tpu.wait_dma2 semaphore(%arg4 : memref<!tpu.dma_semaphore, #tpu.memory_space<semaphore_mem>>) src(%dma_wait3A_2391 : memref<1x64xf32, #tpu.memory_space<any>>) dst(%dma_wait3A_2389 : memref<1x64xf32, #tpu.memory_space<vmem>>)
    %dma_wait3A_2392 = arith.constant 199 : i32
    %dma_wait3A_2393 = arith.constant 0 : i32
    %dma_wait3A_2394 = tpu.memref_slice %arg3[%dma_wait3A_2392, %dma_wait3A_2393] : memref<200x64xf32, #tpu.memory_space<vmem>> -> memref<1x64xf32, #tpu.memory_space<vmem>>
    %dma_wait3A_2395 = arith.constant 0 : i32
    %dma_wait3A_2396 = tpu.memref_slice %arg2[%get3A_1392, %dma_wait3A_2395] : memref<1000001x64xf32, #tpu.memory_space<any>> -> memref<1x64xf32, #tpu.memory_space<any>>
    tpu.wait_dma2 semaphore(%arg4 : memref<!tpu.dma_semaphore, #tpu.memory_space<semaphore_mem>>) src(%dma_wait3A_2396 : memref<1x64xf32, #tpu.memory_space<any>>) dst(%dma_wait3A_2394 : memref<1x64xf32, #tpu.memory_space<vmem>>)
    return
  }
  func.func @transform_1(%arg0: i32, %arg1: memref<200xi32, #tpu.memory_space<smem>>) -> (i32, i32) {
    %c0_i32 = arith.constant 0 : i32
    %c0_i32_0 = arith.constant 0 : i32
    %c0_i32_1 = arith.constant 0 : i32
    return %c0_i32, %c0_i32_0 : i32, i32
  }
}

</mosaic_0001>

<sc_bundles>
// kernel: _run.4.cloned.1.call-start
scs
__scs_entry_jumppad:
0x0: {  	(pc) =	sbr.rel $0x88, $3  }
0x1: {  	(tag) =	ssettag $0x0;
	lr =	simm.s32 $0x1  }
0x2: {  	[smem:$0x3F9D] =	sst lr;
	_ =	strace $0xD0000000  }
0x3: {  	_ = 	snop  }
0x4: {  	_ = 	snop  }
0x5: {  	_ = 	snop  }
0x6: {  	_ = 	snop  }
0x7: {  	_ = 	snop  }
__scs_overlays_trampoline_lowered:
0x8: {  	[smem:$0x3FAC] =	sst s0  }
0x9: {  	[smem:$0x3FAD] =	sst s1  }
0xa: {  	[smem:$0x3FAE] =	sst s2  }
0xb: {  	[smem:$0x3FAF] =	sst s3  }
0xc: {  	[smem:$0x3FB0] =	sst s4  }
0xd: {  	[smem:$0x3FB1] =	sst s5  }
0xe: {  	[smem:$0x3FB2] =	sst s6  }
0xf: {  	[smem:$0x3FB3] =	sst s7  }
0x10: {  	[smem:$0x3FB4] =	sst s8  }
0x11: {  	[smem:$0x3FB5] =	sst s9;
	s0 =	simm.s32 @!p0 $0x0  }
0x12: {  	s1 =	sld [smem:$0x3F9B];
	s0 =	simm.s32 @p0 $0x1  }
0x13: {  	[smem:$0x3FB6] =	sst s0;
	s0 =	simm.s32 @!p1 $0x0  }
0x14: {  	s2 =	sld [smem:$0x3F9A];
	s0 =	simm.s32 @p1 $0x1  }
0x15: {  	[smem:$0x3FB7] =	sst s0;
	s0 =	simm.s32 @!p2 $0x0  }
0x16: {  	s3 =	sld [smem:$0x3FDB];
	s0 =	simm.s32 @p2 $0x1  }
0x17: {  	s4 =	simm.s32 $0x1BF5;
	[smem:$0x3FB9] =	sst s0  }
0x18: {  	s0 =	sld [smem:$0x3F9C];
	_ =	swait.ge [sflag:s4], $0x0  }
0x19: {  	s7 =	sld [smem:$0x3F9D]  }
0x1a: {  	s8 =	sadd.s32 $0xFFFFE003, lr  }
0x1b: {  	s9 =	sadd.s32 $0xFFFFFEF7, lr;
	s5 =	simm.s32 $0xFFFFFFFF;
	p2 =	slt.u32 s8, $0xFFFFF086  }
0x1c: {  	p1 =	slt.u32 s9, $0xF7A;
	s5 =	simm.s32 @!p2 $0x0  }
0x1d: {  	s5 =	simm.s32 @p1 $0x1;
	p0 =	seq.s32 s7, s2  }
0x1e: {  	s7 =	smul.u32 @!p0 $0xF7A, s2;
	p2 =	seq.s32 @!p0 s5, $0x0  }
0x1f: {  	s9 =	smul.u32 $0xF7A, s1;
	s8 =	simm.s32 @!p0 $0x1BF5;
	p2 =	por !p2, p0  }
0x20: {  	[sflag:s8] =	ssyncset.s32 @!p0 $0xFFFFF086;
	s6 =	sadd.s32 @!p0 s3, s7;
	s7 =	simm.s32 @!p0 $0x108  }
0x21: {  	s3 =	sadd.s32 s3, s9;
	s6 =	sadd.s32 @!p0 $0x88, s6;
	s7 =	simm.s32 @p2 $0x1082  }
0x22: {  	[simem:s7], [sflag:s8] =	dma.local @!p0 [hbm:s6], $0xF7A  }
0x23: {  	s9 =	sor.u32 $0xD0000000, s2;
	s6 =	simm.s32 $0x108;
	_ =	swait.ge @!p0 [sflag:s8], $0x0  }
0x24: {  	s3 =	sadd.s32 $0x88, s3;
	s6 =	simm.s32 @!p1 $0x1082;
	[sflag:s4] =	ssyncset.s32 $0xFFFFF086  }
0x25: {  	[simem:s6], [sflag:s4] =	dma.local [hbm:s3], $0xF7A  }
0x26: {  	[smem:$0x3F9D] =	sst s1;
	(tag) =	ssettag s2;
	_ =	strace s9  }
0x27: {  	s1 =	sld [smem:$0x3FAD]  }
0x28: {  	s2 =	sld [smem:$0x3FAE]  }
0x29: {  	s4 =	sld [smem:$0x3FB0]  }
0x2a: {  	p0 =	seq.s32 s5, $0x0;
	s5 =	sld [smem:$0x3FB1]  }
0x2b: {  	s6 =	sld [smem:$0x3FB2]  }
0x2c: {  	s7 =	sld [smem:$0x3FB3]  }
0x2d: {  	s3 =	simm.s32 $0x108;
	s8 =	sld [smem:$0x3FB4]  }
0x2e: {  	s3 =	simm.s32 @!p0 $0x1082;
	s9 =	sld [smem:$0x3FB5]  }
0x2f: {  	lr =	sadd.s32 s0, s3;
	s0 =	sld [smem:$0x3FAC]  }
0x30: {  	s3 =	sld [smem:$0x3FAF]  }
0x31: {  	[smem:$0x3FB8] =	sst s10  }
0x32: {  	s10 =	sld [smem:$0x3FB6];
	_ =	sdelay $0x3  }
0x33: {  	p0 =	seq.s32 s10, $0x1;
	s10 =	sld [smem:$0x3FB8];
	_ =	sdelay $0x3  }
0x34: {  	[smem:$0x3FB8] =	sst s10  }
0x35: {  	s10 =	sld [smem:$0x3FB7];
	_ =	sdelay $0x3  }
0x36: {  	p1 =	seq.s32 s10, $0x1;
	s10 =	sld [smem:$0x3FB8];
	_ =	sdelay $0x3  }
0x37: {  	[smem:$0x3FB8] =	sst s10  }
0x38: {  	s10 =	sld [smem:$0x3FB9]  }
0x39: {  	_ = 	snop;
	(pc) =	sbr.ind lr, $3  }
0x3a: {  	_ = 	snop  }
0x3b: {  	_ = 	snop  }
0x3c: {  	p2 =	seq.s32 s10, $0x1;
	s10 =	sld [smem:$0x3FB8]  }
0x3d: {  	_ =	shalt  }
0x3e: {  	_ =	shalt  }
0x3f: {  	_ =	shalt  }
0x40: {  	_ =	shalt  }
0x41: {  	_ =	shalt  }
0x42: {  	_ =	shalt  }
0x43: {  	_ =	shalt  }
0x44: {  	_ =	shalt  }
0x45: {  	_ =	shalt  }
0x46: {  	_ =	shalt  }
0x47: {  	_ =	shalt  }
0x48: {  	_ =	shalt  }
0x49: {  	_ =	shalt  }
0x4a: {  	_ =	shalt  }
0x4b: {  	_ =	shalt  }
0x4c: {  	_ =	shalt  }
0x4d: {  	_ =	shalt  }
0x4e: {  	_ =	shalt  }
0x4f: {  	_ =	shalt  }
0x50: {  	_ =	shalt  }
0x51: {  	_ =	shalt  }
0x52: {  	_ =	shalt  }
0x53: {  	_ =	shalt  }
0x54: {  	_ =	shalt  }
0x55: {  	_ =	shalt  }
0x56: {  	_ =	shalt  }
0x57: {  	_ =	shalt  }
0x58: {  	_ =	shalt  }
0x59: {  	_ =	shalt  }
0x5a: {  	_ =	shalt  }
0x5b: {  	_ =	shalt  }
0x5c: {  	_ =	shalt  }
0x5d: {  	_ =	shalt  }
0x5e: {  	_ =	shalt  }
0x5f: {  	_ =	shalt  }
0x60: {  	_ =	shalt  }
0x61: {  	_ =	shalt  }
0x62: {  	_ =	shalt  }
0x63: {  	_ =	shalt  }
0x64: {  	_ =	shalt  }
0x65: {  	_ =	shalt  }
0x66: {  	_ =	shalt  }
0x67: {  	_ =	shalt  }
0x68: {  	_ =	shalt  }
0x69: {  	_ =	shalt  }
0x6a: {  	_ =	shalt  }
0x6b: {  	_ =	shalt  }
0x6c: {  	_ =	shalt  }
0x6d: {  	_ =	shalt  }
0x6e: {  	_ =	shalt  }
0x6f: {  	_ =	shalt  }
0x70: {  	_ =	shalt  }
0x71: {  	_ =	shalt  }
0x72: {  	_ =	shalt  }
0x73: {  	_ =	shalt  }
0x74: {  	_ =	shalt  }
0x75: {  	_ =	shalt  }
0x76: {  	_ =	shalt  }
0x77: {  	_ =	shalt  }
0x78: {  	_ =	shalt  }
0x79: {  	_ =	shalt  }
0x7a: {  	_ =	shalt  }
0x7b: {  	_ =	shalt  }
0x7c: {  	_ =	shalt  }
0x7d: {  	_ =	shalt  }
0x7e: {  	_ =	shalt  }
0x7f: {  	_ =	shalt  }
0x80: {  	_ =	shalt  }
0x81: {  	_ =	shalt  }
0x82: {  	_ =	shalt  }
0x83: {  	_ =	shalt  }
0x84: {  	_ =	shalt  }
0x85: {  	_ =	shalt  }
0x86: {  	_ =	shalt  }
0x87: {  	_ =	shalt  }
.Lfunc_end0:
.L_simem_size_0:
called_computation_lowered:
.L_overlay_start_0:
0x88: {  	s2 =	sld [smem:$0x3FD9]  }
0x89: {  	s3 =	sld [smem:$0x3FFE];
	_ =	sdelay $0x1  }
0x8a: {  	s1 =	srdreg.scid  }
0x8b: {  	s0 =	sand.u32 $0x1, s1  }
0x8c: {  	s14 =	sshll.u32 s0, $0xA;
	s2 =	sadd.s32 s3, s2  }
0x8d: {  	s2 =	sadd.s32 s2, s14  }
0x8e: {  	[smem:$0x3FC4] =	sst s2  }
0x8f: {  	_ = 	snop  }
0x90: {  	s2 =	sld [smem:$0x3FD0];
	_ =	sdelay $0x2  }
0x91: {  	s4 =	simm.s32 $0xA;
	s5 =	simm.s32 $0x10;
	s15 =	sld [smem:$0x3FC9]  }
0x92: {  	[smem:s5], [sflag:s4] =	dma.local [hbm:s2], $0x1  }
0x93: {  	_ =	swait.eq [sflag:s4], $0x1  }
0x94: {  	[sflag:s4] =	ssyncset.done $0x0  }
0x95: {  	[sflag:s4] =	ssyncadd.s32 $0xFFFFFFFF  }
0x96: {  	s16 =	sld [smem:$0x10];
	(tm) =	ssettm $0x1  }
0x97: {  	s17 =	sld [smem:$0x3FFB];
	_ =	sdelay $0x3  }
0x98: {  	_ =	strace s17  }
0x99: {  	s4 =	sld [smem:$0x3FFC];
	_ =	sdelay $0x3  }
0x9a: {  	_ =	strace s4  }
0x9b: {  	s4 =	sld [smem:$0x3FFD];
	_ =	sdelay $0x3  }
0x9c: {  	_ =	strace s4  }
0x9d: {  	_ =	strace $0x8FFFFFFF  }
0x9e: {  	s18 =	sld [smem:$0x3FDB];
	_ =	sdelay $0x1  }
0x9f: {  	s19 =	simm.s32 $_scs_section_size  }
0xa0: {  	s6 =	simm.s32 $_size__tile_overlayer_lowered;
	s7 =	simm.s32 $_tile_overlayer_lowered  }
0xa1: {  	s22 =	simm.s32 $0x1BFF;
	s21 =	sshll.u32 s7, $0x1;
	s4 =	sadd.s32 s19, s18  }
0xa2: {  	s8 =	simm.s32 $0x0;
	s20 =	sshll.u32 s6, $0x1;
	s6 =	sadd.s32 s21, s4  }
0xa3: {  	[timem:s8], [sflag:s22] =	dma.local [hbm:s6], s20  }
0xa4: {  	_ =	swait.ge [sflag:s22], s20  }
0xa5: {  	s5 =	ssub.s32 $0x0, s20;
	[sflag:s22] =	ssyncset.done $0x0  }
0xa6: {  	[sflag:s22] =	ssyncadd.s32 s5;
	_ =	sdelay $0x1  }
0xa7: {  	s23 =	simm.s32 $0x1B8B  }
0xa8: {  	_ =	swait.ge [sflag:s23], $0x1  }
0xa9: {  	[sflag:s23] =	ssyncset.done $0x0  }
0xaa: {  	s25 =	simm.s32 $0x1B8E;
	s24 =	sld [smem:$0x3FFE];
	[sflag:s23] =	ssyncadd.s32 $0xFFFFFFFF  }
0xab: {  	s26 =	simm.s32 $execute0_lowered;
	[smem:$0x3FD2] =	sst s25  }
0xac: {  	s6 =	sshll.u32 s26, $0x1;
	_ =	strace $0x80000046;
	[dreg:$0x1] =	wrdreg $0xFFFFFFFF  }
0xad: {  	s28 =	simm.s32 $_size_execute0_lowered;
	s4 =	sadd.s32 s4, s6;
	[dreg:$0x0] =	wrdreg $0x0  }
0xae: {  	s6 =	sshll.u32 s28, $0x1;
	[dreg:$0x2] =	wrdreg s4  }
0xaf: {  	[dreg:$0x3] =	wrdreg s6  }
0xb0: {  	[dreg:$0x4] =	wrdreg $0xC0  }
0xb1: {  	_ =	task [dreg:s8], $0x5FFFF  }
0xb2: {  	[dreg:$0x1] =	wrdreg $0xFFFFFFFF  }
0xb3: {  	[dreg:$0x0] =	wrdreg $0x60  }
0xb4: {  	[dreg:$0x2] =	wrdreg s15  }
0xb5: {  	[dreg:$0x3] =	wrdreg s24  }
0xb6: {  	[dreg:$0x4] =	wrdreg s16  }
0xb7: {  	[dreg:$0x5] =	wrdreg $0x9  }
0xb8: {  	_ =	task.clear_ibuf [dreg:s8], $0x6FFFF;
	_ =	strace $0x90000046  }
0xb9: {  	s29 =	simm.s32 $0x9;
	_ =	strace $0x80000048  }
0xba: {  	_ =	swait.ge [sflag:s29], $0x1  }
0xbb: {  	[sflag:s29] =	ssyncadd.s32 $0xFFFFFFFF  }
0xbc: {  	_ =	strace $0x90000048  }
0xbd: {  	_ =	sfence  }
0xbe: {  	s30 =	sld [smem:$0x0];
	_ =	sdelay $0x2  }
0xbf: {  	s31 =	sshll.u32 s1, $0xD;
	s1 =	sshrl.u32 s1, $0x2  }
0xc0: {  	s3 =	sand.u32 $0x4000, s31;
	s1 =	sadd.s32 s1, s30  }
0xc1: {  	s0 =	sor.u32 s3, s0;
	s1 =	sshll.u32 s1, $0x11  }
0xc2: {  	s0 =	sor.u32 s1, s0  }
0xc3: {  	s0 =	sadd.s32 $0x8F2B, s0  }
0xc4: {  	[sflag:s0] =	ssyncadd.remote.s32 $0x1  }
0xc5: {  	_ =	sfence.sel $0xFFFF  }
0xc6: {  	[dreg:$0x0] =	wrdreg $0xFFFFFFFF;
	(pc) =	sbr.abs _section_cstart, $3  }
0xc7: {  	[dreg:$0x1] =	wrdreg $0xFFFFFFFF  }
0xc8: {  	_ =	task.clear_ibuf [dreg:s8], $0x2FFFF;
	_ =	strace $0x9FFFFFFF  }
0xc9: {  	(tm) =	ssettm $0x7FFFFFFF  }
tec
execute0_lowered:
.L_overlay_start_1:
0x0: {  	(tag) =	ssettag $0x1  }
0x1: {  	s0 =	srdreg.scid  }
0x2: {  	s5 =	sand.u32 $0x1, s0;
	s0 =	stileid.u32  }
0x3: {  	s6 =	sshll.u32 s0, $0x1;
	s7 =	ssub.s32 $0x0, s5  }
0x4: {  	p0 =	sne.s32 s6, s7  }
.Ltmp0:
0x5: {  	_ = 	snop;
	(pc) =	sbr.rel @p0 .LBB2_3-.Ltmp0, $4  }
0x6: {  	s1 =	rddreg [dreg:$0x0]  }
0x7: {  	s4 =	rddreg [dreg:$0x1]  }
0x8: {  	s3 =	rddreg [dreg:$0x2]  }
0x9: {  	s2 =	rddreg [dreg:$0x3];
	_ =	strace $0x80000047  }
0xa: {  	s5 =	ssub.s32 $0x2, s5  }
0xb: {  	s4 =	sadd.s32 $0x187200, s4;
	s7 =	simm.s32 $0x2;
	s6 =	sshrl.u32 s5, $0x1  }
0xc: {  	s8 =	simm.s32 $0x38;
	s9 =	simm.s32 $0x1;
	s5 =	ssub.s32 s5, s6  }
0xd: {  	s10 =	simm.s32 $0xE38;
	s6 =	simm.s32 $0x0;
	s5 =	smax.u32 s5, $0x1  }
.LBB2_2:
0xe: {  	[tilespmem:s6], [sflag:$0x2] =	stream.linear.gather [hbm4b:s1+s6], $0x38, $0x38;
	[tilespmem:$0xE78] =	vst v63  }
0xf: {  	_ =	swait.ge [sflag:s7], $0x38  }
0x10: {  	[sflag:s7] =	ssyncset.done $0x0  }
0x11: {  	[sflag:s7] =	ssyncadd.s32 $0xFFFFFFC8  }
0x12: {  	[tilespmem:s8], [sflag:$0x1] =	stream.indirect.gather [hbm4b:s4+s8], $0x40, s6, s8, $0xb8;
	[tilespmem:$0xE78] =	vst v63  }
0x13: {  	_ =	swait.ge [sflag:s9], $0xE00  }
0x14: {  	[sflag:s9] =	ssyncset.done $0x0  }
0x15: {  	[sflag:s9] =	ssyncadd.s32 $0xFFFFF200  }
0x16: {  	v0 =	vld [tilespmem:$0x3E8];
	_ =	sdelay $0x4  }
0x17: {  	[tilespmem:$0x1FD60] =	vst v0;
	v0 =	vld [tilespmem:$0x448];
	_ =	sdelay $0x4  }
0x18: {  	[tilespmem:$0x1FD80] =	vst v0;
	v0 =	vld [tilespmem:$0x458];
	_ =	sdelay $0x4  }
0x19: {  	[tilespmem:$0x1FD90] =	vst v0;
	v0 =	vld [tilespmem:$0x468];
	_ =	sdelay $0x4  }
0x1a: {  	[tilespmem:$0x1FDB0] =	vst v0;
	v0 =	vld [tilespmem:$0x478];
	_ =	sdelay $0x4  }
0x1b: {  	[tilespmem:$0x1FDA0] =	vst v0;
	v0 =	vld [tilespmem:$0x488];
	_ =	sdelay $0x4  }
0x1c: {  	[tilespmem:$0x1FDC0] =	vst v0;
	v0 =	vld [tilespmem:$0x498];
	_ =	sdelay $0x4  }
0x1d: {  	[tilespmem:$0x1FDD0] =	vst v0;
	v0 =	vld [tilespmem:$0x4A8];
	_ =	sdelay $0x4  }
0x1e: {  	[tilespmem:$0x1FDF0] =	vst v0;
	v0 =	vld [tilespmem:$0x4B8];
	_ =	sdelay $0x4  }
0x1f: {  	[tilespmem:$0x1FDE0] =	vst v0;
	v0 =	vld [tilespmem:$0x4C8];
	_ =	sdelay $0x4  }
0x20: {  	[tilespmem:$0x1FE00] =	vst v0;
	v0 =	vld [tilespmem:$0x4D8];
	_ =	sdelay $0x4  }
0x21: {  	[tilespmem:$0x1FE10] =	vst v0;
	v0 =	vld [tilespmem:$0x4E8];
	_ =	sdelay $0x4  }
0x22: {  	[tilespmem:$0x1FE30] =	vst v0;
	v0 =	vld [tilespmem:$0x4F8];
	_ =	sdelay $0x4  }
0x23: {  	[tilespmem:$0x1FE20] =	vst v0;
	v0 =	vld [tilespmem:$0x508];
	_ =	sdelay $0x4  }
0x24: {  	[tilespmem:$0x1FE40] =	vst v0;
	v0 =	vld [tilespmem:$0x518];
	_ =	sdelay $0x4  }
0x25: {  	[tilespmem:$0x1FE50] =	vst v0;
	v0 =	vld [tilespmem:$0x528];
	_ =	sdelay $0x4  }
0x26: {  	[tilespmem:$0x1FE70] =	vst v0;
	v0 =	vld [tilespmem:$0x538];
	_ =	sdelay $0x4  }
0x27: {  	[tilespmem:$0x1FE60] =	vst v0;
	v0 =	vld [tilespmem:$0x548];
	_ =	sdelay $0x4  }
0x28: {  	[tilespmem:$0x1FE80] =	vst v0;
	v0 =	vld [tilespmem:$0x558];
	_ =	sdelay $0x1  }
0x29: {  	v8 =	vld [tilespmem:$0x38]  }
0x2a: {  	v9 =	vld [tilespmem:$0x48]  }
0x2b: {  	v12 =	vld [tilespmem:$0x58]  }
0x2c: {  	[tilespmem:$0x1FE90] =	vst v0;
	v0 =	vld [tilespmem:$0x568]  }
0x2d: {  	v13 =	vld [tilespmem:$0x68]  }
0x2e: {  	v24 =	vld [tilespmem:$0x78]  }
0x2f: {  	v25 =	vld [tilespmem:$0x88]  }
0x30: {  	v28 =	vld [tilespmem:$0x98]  }
0x31: {  	[tilespmem:$0x1FEB0] =	vst v0;
	v0 =	vld [tilespmem:$0x578]  }
0x32: {  	v29 =	vld [tilespmem:$0xA8]  }
0x33: {  	v40 =	vld [tilespmem:$0xB8]  }
0x34: {  	v41 =	vld [tilespmem:$0xC8]  }
0x35: {  	v44 =	vld [tilespmem:$0xD8]  }
0x36: {  	[tilespmem:$0x1FEA0] =	vst v0;
	v0 =	vld [tilespmem:$0x588]  }
0x37: {  	v45 =	vld [tilespmem:$0xE8]  }
0x38: {  	v56 =	vld [tilespmem:$0xF8]  }
0x39: {  	v57 =	vld [tilespmem:$0x108]  }
0x3a: {  	v60 =	vld [tilespmem:$0x118]  }
0x3b: {  	[tilespmem:$0x1FEC0] =	vst v0;
	v0 =	vld [tilespmem:$0x598]  }
0x3c: {  	v61 =	vld [tilespmem:$0x128]  }
0x3d: {  	v1 =	vld [tilespmem:$0x138]  }
0x3e: {  	v3 =	vld [tilespmem:$0x148]  }
0x3f: {  	v4 =	vld [tilespmem:$0x158]  }
0x40: {  	[tilespmem:$0x1FED0] =	vst v0;
	v0 =	vld [tilespmem:$0x5A8]  }
0x41: {  	v7 =	vld [tilespmem:$0x168]  }
0x42: {  	v2 =	vld [tilespmem:$0x178]  }
0x43: {  	v6 =	vld [tilespmem:$0x188]  }
0x44: {  	v10 =	vld [tilespmem:$0x198]  }
0x45: {  	[tilespmem:$0x1FEF0] =	vst v0;
	v0 =	vld [tilespmem:$0x5B8]  }
0x46: {  	v15 =	vld [tilespmem:$0x1A8]  }
0x47: {  	v5 =	vld [tilespmem:$0x1B8]  }
0x48: {  	v14 =	vld [tilespmem:$0x1C8]  }
0x49: {  	v16 =	vld [tilespmem:$0x1D8]  }
0x4a: {  	[tilespmem:$0x1FEE0] =	vst v0;
	v0 =	vld [tilespmem:$0x5C8]  }
0x4b: {  	v19 =	vld [tilespmem:$0x1E8]  }
0x4c: {  	v11 =	vld [tilespmem:$0x1F8]  }
0x4d: {  	v18 =	vld [tilespmem:$0x208]  }
0x4e: {  	v20 =	vld [tilespmem:$0x218]  }
0x4f: {  	[tilespmem:$0x1FF00] =	vst v0;
	v0 =	vld [tilespmem:$0x5D8]  }
0x50: {  	v23 =	vld [tilespmem:$0x228]  }
0x51: {  	v17 =	vld [tilespmem:$0x238]  }
0x52: {  	v22 =	vld [tilespmem:$0x248]  }
0x53: {  	v26 =	vld [tilespmem:$0x258]  }
0x54: {  	[tilespmem:$0x1FF10] =	vst v0;
	v0 =	vld [tilespmem:$0x5E8]  }
0x55: {  	v31 =	vld [tilespmem:$0x268]  }
0x56: {  	v21 =	vld [tilespmem:$0x278]  }
0x57: {  	v30 =	vld [tilespmem:$0x288]  }
0x58: {  	v32 =	vld [tilespmem:$0x298]  }
0x59: {  	[tilespmem:$0x1FF30] =	vst v0;
	v0 =	vld [tilespmem:$0x5F8]  }
0x5a: {  	v35 =	vld [tilespmem:$0x2A8]  }
0x5b: {  	v27 =	vld [tilespmem:$0x2B8]  }
0x5c: {  	v34 =	vld [tilespmem:$0x2C8]  }
0x5d: {  	v36 =	vld [tilespmem:$0x2D8]  }
0x5e: {  	[tilespmem:$0x1FF20] =	vst v0;
	v0 =	vld [tilespmem:$0x608]  }
0x5f: {  	v39 =	vld [tilespmem:$0x2E8]  }
0x60: {  	v33 =	vld [tilespmem:$0x2F8]  }
0x61: {  	v38 =	vld [tilespmem:$0x308]  }
0x62: {  	v42 =	vld [tilespmem:$0x318]  }
0x63: {  	[tilespmem:$0x1FF40] =	vst v0;
	v0 =	vld [tilespmem:$0x618]  }
0x64: {  	v48 =	vld [tilespmem:$0x328]  }
0x65: {  	v37 =	vld [tilespmem:$0x338];
	v9 =	vadd.f32 $0.0e+00, v9  }
0x66: {  	v46 =	vld [tilespmem:$0x348]  }
0x67: {  	v47 =	vld [tilespmem:$0x358];
	v9 =	vadd.f32 v25, v9  }
0x68: {  	[tilespmem:$0x1FF50] =	vst v0;
	v0 =	vld [tilespmem:$0x628]  }
0x69: {  	v52 =	vld [tilespmem:$0x368];
	v9 =	vadd.f32 v41, v9  }
0x6a: {  	v43 =	vld [tilespmem:$0x378]  }
0x6b: {  	v50 =	vld [tilespmem:$0x388];
	v9 =	vadd.f32 v57, v9  }
0x6c: {  	v51 =	vld [tilespmem:$0x398]  }
0x6d: {  	v3 =	vadd.f32 v3, v9;
	[tilespmem:$0x1FF70] =	vst v0;
	v0 =	vld [tilespmem:$0x638]  }
0x6e: {  	v58 =	vld [tilespmem:$0x3A8]  }
0x6f: {  	v49 =	vld [tilespmem:$0x3B8];
	v3 =	vadd.f32 v6, v3  }
0x70: {  	v62 =	vld [tilespmem:$0x3C8]  }
0x71: {  	v59 =	vld [tilespmem:$0x3D8];
	v3 =	vadd.f32 v14, v3  }
0x72: {  	[tilespmem:$0x1FF60] =	vst v0;
	v0 =	vld [tilespmem:$0x648]  }
0x73: {  	v55 =	vld [tilespmem:$0x428];
	v3 =	vadd.f32 v18, v3  }
0x74: {  	v63 =	vld [tilespmem:$0x3F8]  }
0x75: {  	v54 =	vld [tilespmem:$0x408];
	v3 =	vadd.f32 v22, v3  }
0x76: {  	v53 =	vld [tilespmem:$0x418]  }
0x77: {  	v3 =	vadd.f32 v30, v3;
	[tilespmem:$0x1FF80] =	vst v0;
	v0 =	vld [tilespmem:$0x658]  }
0x78: {  	[tilespmem:$0x1FD70] =	vst v55;
	v55 =	vld [tilespmem:$0x438];
	v25 =	vadd.f32 $0.0e+00, v13  }
0x79: {  	v13 =	vld [tilespmem:$0x6E8];
	v3 =	vadd.f32 v34, v3  }
0x7a: {  	v29 =	vadd.f32 v29, v25;
	v25 =	vld [tilespmem:$0x708]  }
0x7b: {  	v41 =	vld [tilespmem:$0x748];
	v3 =	vadd.f32 v38, v3  }
0x7c: {  	[tilespmem:$0x1FF90] =	vst v0;
	v0 =	vld [tilespmem:$0x668]  }
0x7d: {  	v57 =	vld [tilespmem:$0x788];
	v3 =	vadd.f32 v46, v3  }
0x7e: {  	v6 =	vld [tilespmem:$0x7D8]  }
0x7f: {  	v14 =	vld [tilespmem:$0x828];
	v3 =	vadd.f32 v50, v3  }
0x80: {  	v30 =	vld [tilespmem:$0x1FD80]  }
0x81: {  	v3 =	vadd.f32 v62, v3;
	[tilespmem:$0x1FFB0] =	vst v0;
	v0 =	vld [tilespmem:$0x678]  }
0x82: {  	v18 =	vld [tilespmem:$0x868]  }
0x83: {  	v34 =	vld [tilespmem:$0x1FDC0];
	v3 =	vadd.f32 v54, v3  }
0x84: {  	v22 =	vld [tilespmem:$0x8A8]  }
0x85: {  	v3 =	vadd.f32 v30, v3;
	v30 =	vld [tilespmem:$0x8E8]  }
0x86: {  	[tilespmem:$0x1FFA0] =	vst v0;
	v0 =	vld [tilespmem:$0x688]  }
0x87: {  	v38 =	vld [tilespmem:$0x1FE00]  }
0x88: {  	v3 =	vadd.f32 v34, v3;
	v34 =	vld [tilespmem:$0x928]  }
0x89: {  	v46 =	vld [tilespmem:$0x1FE40]  }
0x8a: {  	v50 =	vld [tilespmem:$0x1FE80]  }
0x8b: {  	[tilespmem:$0x1FFC0] =	vst v0;
	v0 =	vld [tilespmem:$0x698]  }
0x8c: {  	v3 =	vadd.f32 v38, v3;
	v38 =	vld [tilespmem:$0x968]  }
0x8d: {  	v54 =	vld [tilespmem:$0x1FEC0]  }
0x8e: {  	v3 =	vadd.f32 v46, v3;
	v62 =	vld [tilespmem:$0x1FF00]  }
0x8f: {  	v46 =	vld [tilespmem:$0x1FF20]  }
0x90: {  	v3 =	vadd.f32 v50, v3;
	v50 =	vld [tilespmem:$0x1FF60];
	[tilespmem:$0x1FFD0] =	vst v0;
	v0 =	vadd.f32 $0.0e+00, v8  }
0x91: {  	v8 =	vld [tilespmem:$0x6A8]  }
0x92: {  	v3 =	vadd.f32 v54, v3;
	v54 =	vld [tilespmem:$0x1FFA0];
	v24 =	vadd.f32 v24, v0  }
0x93: {  	v0 =	vadd.f32 $0.0e+00, v12;
	v12 =	vld [tilespmem:$0x6C8]  }
0x94: {  	v40 =	vadd.f32 v40, v24;
	v24 =	vld [tilespmem:$0x6F8]  }
0x95: {  	v0 =	vadd.f32 v28, v0;
	v28 =	vld [tilespmem:$0x718]  }
0x96: {  	[tilespmem:$0x1FFE0] =	vst v8;
	v8 =	vld [tilespmem:$0x6B8]  }
0x97: {  	v40 =	vadd.f32 v56, v40;
	v56 =	vadd.f32 v45, v29;
	v29 =	vld [tilespmem:$0x728]  }
0x98: {  	v0 =	vadd.f32 v44, v0;
	v44 =	vld [tilespmem:$0x758]  }
0x99: {  	v45 =	vld [tilespmem:$0x768]  }
0x9a: {  	v3 =	vadd.f32 v62, v3;
	v62 =	vld [tilespmem:$0x1FFE0]  }
0x9b: {  	[tilespmem:$0x1FFF0] =	vst v12;
	v12 =	vld [tilespmem:$0x6D8]  }
0x9c: {  	v1 =	vadd.f32 v1, v40;
	v40 =	vld [tilespmem:$0x738]  }
0x9d: {  	v61 =	vadd.f32 v61, v56;
	v56 =	vld [tilespmem:$0x778]  }
0x9e: {  	v0 =	vadd.f32 v60, v0;
	v60 =	vld [tilespmem:$0x798]  }
0x9f: {  	v9 =	vadd.f32 v7, v61;
	v61 =	vld [tilespmem:$0x7A8]  }
0xa0: {  	v0 =	vadd.f32 v4, v0;
	v1 =	vadd.f32 v2, v1;
	v4 =	vld [tilespmem:$0x7B8]  }
0xa1: {  	v7 =	vld [tilespmem:$0x7E8]  }
0xa2: {  	v1 =	vadd.f32 v5, v1;
	v5 =	vld [tilespmem:$0x7C8]  }
0xa3: {  	v2 =	vadd.f32 v15, v9;
	v9 =	vld [tilespmem:$0x7F8]  }
0xa4: {  	v0 =	vadd.f32 v10, v0;
	v10 =	vld [tilespmem:$0x808]  }
0xa5: {  	v15 =	vld [tilespmem:$0x838]  }
0xa6: {  	v1 =	vadd.f32 v11, v1;
	v11 =	vld [tilespmem:$0x818]  }
0xa7: {  	v0 =	vadd.f32 v16, v0;
	v16 =	vld [tilespmem:$0x848]  }
0xa8: {  	v2 =	vadd.f32 v19, v2;
	v19 =	vld [tilespmem:$0x878]  }
0xa9: {  	v1 =	vadd.f32 v17, v1;
	v17 =	vld [tilespmem:$0x858]  }
0xaa: {  	v0 =	vadd.f32 v20, v0;
	v20 =	vld [tilespmem:$0x888]  }
0xab: {  	v2 =	vadd.f32 v23, v2;
	v23 =	vld [tilespmem:$0x8B8]  }
0xac: {  	v0 =	vadd.f32 v26, v0;
	v26 =	vld [tilespmem:$0x1FD60]  }
0xad: {  	v1 =	vadd.f32 v21, v1;
	v21 =	vld [tilespmem:$0x898]  }
0xae: {  	v2 =	vadd.f32 v31, v2;
	v31 =	vld [tilespmem:$0x1FD90]  }
0xaf: {  	v1 =	vadd.f32 v27, v1;
	v27 =	vld [tilespmem:$0x1FD70]  }
0xb0: {  	v0 =	vadd.f32 v32, v0;
	v32 =	vld [tilespmem:$0x1FDA0]  }
0xb1: {  	v2 =	vadd.f32 v35, v2;
	v35 =	vld [tilespmem:$0x1FDD0]  }
0xb2: {  	v1 =	vadd.f32 v33, v1;
	v33 =	vld [tilespmem:$0x1FDB0]  }
0xb3: {  	v0 =	vadd.f32 v36, v0;
	v36 =	vld [tilespmem:$0x1FDE0]  }
0xb4: {  	v2 =	vadd.f32 v39, v2;
	v39 =	vld [tilespmem:$0x1FE10]  }
0xb5: {  	v1 =	vadd.f32 v37, v1;
	v37 =	vld [tilespmem:$0x1FDF0]  }
0xb6: {  	v0 =	vadd.f32 v42, v0;
	v42 =	vld [tilespmem:$0x1FE20]  }
0xb7: {  	v2 =	vadd.f32 v48, v2;
	v48 =	vld [tilespmem:$0x1FE60]  }
0xb8: {  	v1 =	vadd.f32 v43, v1;
	v43 =	vld [tilespmem:$0x1FE30]  }
0xb9: {  	v0 =	vadd.f32 v47, v0;
	v47 =	vld [tilespmem:$0x1FE50]  }
0xba: {  	v2 =	vadd.f32 v52, v2;
	v52 =	vld [tilespmem:$0x1FEA0]  }
0xbb: {  	v1 =	vadd.f32 v49, v1;
	v49 =	vld [tilespmem:$0x1FE70]  }
0xbc: {  	v0 =	vadd.f32 v51, v0;
	v2 =	vadd.f32 v58, v2;
	v51 =	vld [tilespmem:$0x1FE90]  }
0xbd: {  	v58 =	vld [tilespmem:$0x1FEE0]  }
0xbe: {  	v2 =	vadd.f32 v26, v2;
	v26 =	vld [tilespmem:$0x8C8]  }
0xbf: {  	v0 =	vadd.f32 v59, v0;
	v59 =	vld [tilespmem:$0x1FEF0]  }
0xc0: {  	v1 =	vadd.f32 v63, v1;
	v63 =	vld [tilespmem:$0x1FF10]  }
0xc1: {  	v2 =	vadd.f32 v27, v2;
	v27 =	vld [tilespmem:$0x8D8]  }
0xc2: {  	v0 =	vadd.f32 v53, v0;
	v53 =	vld [tilespmem:$0x1FEB0]  }
0xc3: {  	v1 =	vadd.f32 v55, v1;
	v55 =	vld [tilespmem:$0x1FED0]  }
0xc4: {  	v0 =	vadd.f32 v31, v0;
	v31 =	vld [tilespmem:$0x8F8]  }
0xc5: {  	v1 =	vadd.f32 v32, v1;
	v32 =	vld [tilespmem:$0x908]  }
0xc6: {  	v2 =	vadd.f32 v33, v2;
	v33 =	vld [tilespmem:$0x918]  }
0xc7: {  	v0 =	vadd.f32 v35, v0;
	v35 =	vld [tilespmem:$0x938]  }
0xc8: {  	v1 =	vadd.f32 v36, v1;
	v36 =	vld [tilespmem:$0x948]  }
0xc9: {  	v2 =	vadd.f32 v37, v2;
	v37 =	vld [tilespmem:$0x958]  }
0xca: {  	v0 =	vadd.f32 v39, v0;
	v39 =	vld [tilespmem:$0x978]  }
0xcb: {  	v1 =	vadd.f32 v42, v1;
	v42 =	vld [tilespmem:$0x988]  }
0xcc: {  	v2 =	vadd.f32 v43, v2;
	v43 =	vld [tilespmem:$0x998]  }
0xcd: {  	v0 =	vadd.f32 v47, v0;
	v47 =	vld [tilespmem:$0x1FF30]  }
0xce: {  	v1 =	vadd.f32 v48, v1;
	v48 =	vld [tilespmem:$0x1FF40]  }
0xcf: {  	v2 =	vadd.f32 v49, v2;
	v49 =	vld [tilespmem:$0x1FF50]  }
0xd0: {  	v0 =	vadd.f32 v51, v0;
	v51 =	vld [tilespmem:$0x1FF70]  }
0xd1: {  	v1 =	vadd.f32 v52, v1;
	v52 =	vld [tilespmem:$0x1FF80]  }
0xd2: {  	v2 =	vadd.f32 v53, v2;
	v53 =	vld [tilespmem:$0x1FF90]  }
0xd3: {  	v0 =	vadd.f32 v55, v0;
	v55 =	vld [tilespmem:$0x1FFB0]  }
0xd4: {  	v1 =	vadd.f32 v58, v1;
	v2 =	vadd.f32 v59, v2;
	v58 =	vld [tilespmem:$0x1FFC0]  }
0xd5: {  	v59 =	vld [tilespmem:$0x1FFD0];
	v3 =	vadd.f32 v48, v3;
	v0 =	vadd.f32 v63, v0  }
0xd6: {  	v1 =	vadd.f32 v46, v1;
	v2 =	vadd.f32 v47, v2;
	v63 =	vld [tilespmem:$0x1FFF0]  }
0xd7: {  	v48 =	vld [tilespmem:$0x9C8];
	v3 =	vadd.f32 v52, v3;
	v0 =	vadd.f32 v49, v0  }
0xd8: {  	v46 =	vld [tilespmem:$0x9A8];
	v1 =	vadd.f32 v50, v1;
	v2 =	vadd.f32 v51, v2  }
0xd9: {  	v47 =	vld [tilespmem:$0x9B8];
	v3 =	vadd.f32 v58, v3;
	v0 =	vadd.f32 v53, v0  }
0xda: {  	v52 =	vld [tilespmem:$0xA48];
	v1 =	vadd.f32 v54, v1;
	v2 =	vadd.f32 v55, v2  }
0xdb: {  	v49 =	vld [tilespmem:$0x9D8];
	v3 =	vadd.f32 v63, v3;
	v0 =	vadd.f32 v59, v0  }
0xdc: {  	v50 =	vld [tilespmem:$0x9F8];
	v1 =	vadd.f32 v8, v1;
	v2 =	vadd.f32 v62, v2  }
0xdd: {  	v51 =	vld [tilespmem:$0xA38];
	v3 =	vadd.f32 v25, v3;
	v0 =	vadd.f32 v12, v0  }
0xde: {  	v58 =	vld [tilespmem:$0xAA8];
	v1 =	vadd.f32 v24, v1;
	v2 =	vadd.f32 v13, v2  }
0xdf: {  	v53 =	vld [tilespmem:$0xA58];
	v3 =	vadd.f32 v41, v3;
	v0 =	vadd.f32 v28, v0  }
0xe0: {  	v54 =	vld [tilespmem:$0xA68];
	v1 =	vadd.f32 v40, v1;
	v2 =	vadd.f32 v29, v2  }
0xe1: {  	v55 =	vld [tilespmem:$0xA78];
	v3 =	vadd.f32 v57, v3;
	v0 =	vadd.f32 v44, v0  }
0xe2: {  	v63 =	vld [tilespmem:$0xAF8];
	v1 =	vadd.f32 v56, v1;
	v2 =	vadd.f32 v45, v2  }
0xe3: {  	v8 =	vld [tilespmem:$0x9E8];
	v3 =	vadd.f32 v5, v3;
	v0 =	vadd.f32 v60, v0  }
0xe4: {  	v59 =	vld [tilespmem:$0xAB8];
	v1 =	vadd.f32 v4, v1;
	v2 =	vadd.f32 v61, v2  }
0xe5: {  	v62 =	vld [tilespmem:$0xAE8];
	v3 =	vadd.f32 v10, v3;
	v0 =	vadd.f32 v6, v0  }
0xe6: {  	v12 =	vld [tilespmem:$0xA08];
	v1 =	vadd.f32 v9, v1;
	v2 =	vadd.f32 v7, v2  }
0xe7: {  	v13 =	vld [tilespmem:$0xA18];
	v3 =	vadd.f32 v16, v3;
	v0 =	vadd.f32 v11, v0  }
0xe8: {  	v24 =	vld [tilespmem:$0xA28];
	v1 =	vadd.f32 v15, v1;
	v2 =	vadd.f32 v14, v2  }
0xe9: {  	v41 =	vld [tilespmem:$0xB58];
	v3 =	vadd.f32 v20, v3;
	v0 =	vadd.f32 v17, v0  }
0xea: {  	v40 =	vld [tilespmem:$0xB48];
	v1 =	vadd.f32 v19, v1;
	v2 =	vadd.f32 v18, v2  }
0xeb: {  	v57 =	vld [tilespmem:$0xA98];
	v3 =	vadd.f32 v26, v3;
	v0 =	vadd.f32 v21, v0  }
0xec: {  	v56 =	vld [tilespmem:$0xA88];
	v1 =	vadd.f32 v23, v1;
	v2 =	vadd.f32 v22, v2  }
0xed: {  	v44 =	vld [tilespmem:$0xB88];
	v3 =	vadd.f32 v32, v3;
	v0 =	vadd.f32 v27, v0  }
0xee: {  	v45 =	vld [tilespmem:$0xB98];
	v1 =	vadd.f32 v31, v1;
	v2 =	vadd.f32 v30, v2  }
0xef: {  	v60 =	vld [tilespmem:$0xAC8];
	v3 =	vadd.f32 v36, v3;
	v0 =	vadd.f32 v33, v0  }
0xf0: {  	v61 =	vld [tilespmem:$0xAD8];
	v1 =	vadd.f32 v35, v1;
	v2 =	vadd.f32 v34, v2  }
0xf1: {  	v32 =	vld [tilespmem:$0xB18];
	v3 =	vadd.f32 v42, v3;
	v0 =	vadd.f32 v37, v0  }
0xf2: {  	v31 =	vld [tilespmem:$0xB08];
	v1 =	vadd.f32 v39, v1;
	v2 =	vadd.f32 v38, v2  }
0xf3: {  	v36 =	vld [tilespmem:$0xB38];
	v3 =	vadd.f32 v48, v3;
	v0 =	vadd.f32 v43, v0  }
0xf4: {  	v35 =	vld [tilespmem:$0xB28];
	v1 =	vadd.f32 v47, v1;
	v2 =	vadd.f32 v46, v2  }
0xf5: {  	v42 =	vld [tilespmem:$0xB68];
	v3 =	vadd.f32 v12, v3;
	v0 =	vadd.f32 v49, v0  }
0xf6: {  	v48 =	vld [tilespmem:$0xBC8];
	v1 =	vadd.f32 v50, v1;
	v2 =	vadd.f32 v8, v2  }
0xf7: {  	v43 =	vld [tilespmem:$0xB78];
	v3 =	vadd.f32 v52, v3;
	v0 =	vadd.f32 v13, v0  }
0xf8: {  	v46 =	vld [tilespmem:$0xBA8];
	v1 =	vadd.f32 v51, v1;
	v2 =	vadd.f32 v24, v2  }
0xf9: {  	v47 =	vld [tilespmem:$0xBB8];
	v3 =	vadd.f32 v56, v3;
	v0 =	vadd.f32 v53, v0  }
0xfa: {  	v49 =	vld [tilespmem:$0xBD8];
	v1 =	vadd.f32 v55, v1;
	v2 =	vadd.f32 v54, v2  }
0xfb: {  	v50 =	vld [tilespmem:$0xBE8];
	v3 =	vadd.f32 v60, v3;
	v0 =	vadd.f32 v57, v0  }
0xfc: {  	v52 =	vld [tilespmem:$0xC08];
	v1 =	vadd.f32 v59, v1;
	v2 =	vadd.f32 v58, v2  }
0xfd: {  	v51 =	vld [tilespmem:$0xBF8];
	v3 =	vadd.f32 v31, v3;
	v0 =	vadd.f32 v61, v0  }
0xfe: {  	v56 =	vld [tilespmem:$0xC48];
	v1 =	vadd.f32 v63, v1;
	v2 =	vadd.f32 v62, v2  }
0xff: {  	v53 =	vld [tilespmem:$0xC18];
	v3 =	vadd.f32 v40, v3;
	v0 =	vadd.f32 v32, v0  }
0x100: {  	v54 =	vld [tilespmem:$0xC28];
	v1 =	vadd.f32 v36, v1;
	v2 =	vadd.f32 v35, v2  }
0x101: {  	v55 =	vld [tilespmem:$0xC38];
	v3 =	vadd.f32 v44, v3;
	v0 =	vadd.f32 v41, v0  }
0x102: {  	v60 =	vld [tilespmem:$0xC88];
	v1 =	vadd.f32 v43, v1;
	v2 =	vadd.f32 v42, v2  }
0x103: {  	v57 =	vld [tilespmem:$0xC58];
	v3 =	vadd.f32 v48, v3;
	v0 =	vadd.f32 v45, v0  }
0x104: {  	v58 =	vld [tilespmem:$0xC68];
	v1 =	vadd.f32 v47, v1;
	v2 =	vadd.f32 v46, v2  }
0x105: {  	v59 =	vld [tilespmem:$0xC78];
	v3 =	vadd.f32 v52, v3;
	v0 =	vadd.f32 v49, v0  }
0x106: {  	v61 =	vld [tilespmem:$0xC98];
	v1 =	vadd.f32 v51, v1;
	v2 =	vadd.f32 v50, v2  }
0x107: {  	v62 =	vld [tilespmem:$0xCA8];
	v3 =	vadd.f32 v56, v3;
	v0 =	vadd.f32 v53, v0  }
0x108: {  	v1 =	vadd.f32 v55, v1;
	v2 =	vadd.f32 v54, v2  }
0x109: {  	v3 =	vadd.f32 v60, v3;
	v0 =	vadd.f32 v57, v0  }
0x10a: {  	v1 =	vadd.f32 v59, v1;
	v2 =	vadd.f32 v58, v2  }
0x10b: {  	[tilespmem:$0xE48] =	vst v3;
	v0 =	vadd.f32 v61, v0  }
0x10c: {  	[tilespmem:$0xE38] =	vst v1;
	v63 =	vadd.f32 v62, v2  }
0x10d: {  	p0 =	sne.s32 s5, $0x1;
	[tilespmem:$0xE58] =	vst v0  }
.Ltmp1:
0x10e: {  	[tilespmem:$0xE68] =	vst v63;
	(pc) =	sbr.rel @p0 .LBB2_2-.Ltmp1, $4  }
0x10f: {  	[hbm4b:s3+s6] =	stream.linear.scatter [tilespmem:s10], [sflag:$0x2], $0x40, $0x38;
	[tilespmem:$0xE78] =	vst v63  }
0x110: {  	_ =	swait.ge [sflag:s7], $0x40  }
0x111: {  	[sflag:s7] =	ssyncset.done $0x0  }
0x112: {  	s5 =	sadd.s32 $0xFFFFFFFF, s5;
	[sflag:s7] =	ssyncadd.s32 $0xFFFFFFC0  }
.LBB2_3:
0x113: {  	_ =	sfence.sel $0x180000  }
0x114: {  	[bflag:$0x0] =	sbarrier.arrive $0xFFFF  }
0x115: {  	p0 =	sne.s32 s0, $0x0;
	_ =	strace $0x90000047  }
0x116: {  	s0 =	sadd.s32 @!p0 $0x100000, s2;
	[bflag:$0x2] =	sbarrier.arrive $0xFFFF  }
0x117: {  	[sflag:s0] =	ssyncadd.tile.s32 @!p0 $0x1;
	_ =	shalt  }
.Lfunc_end2:
_tile_overlayer_lowered:
.L_overlay_start_2:
0x118: {  	(tag) =	ssettag $0x2  }
0x119: {  	s0 =	rddreg [dreg:$0x0];
	s2 =	stileid.u32  }
0x11a: {  	s1 =	rddreg [dreg:$0x1];
	p0 =	sne.s32 s2, $0x0  }
0x11b: {  	s3 =	rddreg [dreg:$0x2];
	[bflag:$0x3] =	sbarrier.arrive $0xFFFF;
	s2 =	simm.s32 @!p0 $0x1C02  }
0x11c: {  	[timem:s3], [sflag:s2] =	dma.local @!p0 [hbm:s0], s1  }
0x11d: {  	s0 =	simm.s32 @!p0 $0x2  }
0x11e: {  	_ =	swait.ge @!p0 [sflag:s0], s1  }
0x11f: {  	s1 =	ssub.s32 @!p0 $0x0, s1;
	[sflag:s0] =	ssyncset.done @!p0 $0x0  }
0x120: {  	[sflag:s0] =	ssyncadd.s32 @!p0 s1  }
0x121: {  	[bflag:$0x3] =	sbarrier.arrive $0xFFFF  }
0x122: {  	_ =	shalt  }

</sc_bundles>
